<compile_context>
chip_gen: v7x
topology: tpu7x:2x2x1
jax: 0.10.2.dev20260603
libtpu: 0.0.44.dev20260713+nightly
codegen_flags: <defaults>
</compile_context>

<pallas_src>
import functools

import jax
import jax.numpy as jnp
from jax import lax
from jax.experimental import pallas as pl
from jax.experimental.pallas import tpu as pltpu
from jax.experimental.pallas import tpu_sc as plsc

_NC = 2
_NS = 16
_L = 16
_K = 88
_NBUF = 4
_G = 64
_PAD_ROWS = 16

_BN_EPS = 1e-5


@functools.cache
def _make_sc_agg(n, d, e):
  nw = _NC * _NS
  epw = e // nw
  nchunk = epw // _K
  nacc = n + _PAD_ROWS
  rows_ps = (n // _NS) // 8 * 8
  tail = n - rows_ps * _NS
  zr = 24
  assert rows_ps % zr == 0 and tail <= zr

  mesh = plsc.VectorSubcoreMesh(
      core_axis_name="c", subcore_axis_name="s",
      num_cores=_NC, num_subcores=_NS)

  @functools.partial(
      pl.kernel,
      out_type=jax.ShapeDtypeStruct((_NC, n, d), jnp.float32),
      mesh=mesh,
      scratch_types=(
          [pltpu.VMEM((_K,), jnp.int32)] * _NBUF +
          [pltpu.VMEM((_K,), jnp.int32)] * _NBUF +
          [pltpu.VMEM((_K, d), jnp.float32)] * _NBUF +
          [pltpu.VMEM((zr, d), jnp.float32)] +
          [pltpu.VMEM_SHARED((nacc, d), jnp.float32)] +
          [pltpu.SemaphoreType.DMA] * (3 * _NBUF)
      ),
  )
  def agg_kernel(h_hbm, src_hbm, dst_hbm, out_hbm, *refs):
    srcb = refs[:_NBUF]
    dstb = refs[_NBUF:2 * _NBUF]
    rows = refs[2 * _NBUF:3 * _NBUF]
    zero_v = refs[3 * _NBUF]
    acc_sh = refs[3 * _NBUF + 1]
    gsems = refs[3 * _NBUF + 2:4 * _NBUF + 2]
    ssems = refs[4 * _NBUF + 2:5 * _NBUF + 2]
    dsems = refs[5 * _NBUF + 2:]
    c = lax.axis_index("c")
    s = lax.axis_index("s")
    wid = s * _NC + c

    def isload(t, b):
      pltpu.async_copy(src_hbm.at[wid, t], srcb[b], ssems[b])

    def iswait(b):
      pltpu.make_async_copy(src_hbm.at[wid, 0], srcb[b], ssems[b]).wait()

    def idload(t, b):
      pltpu.async_copy(dst_hbm.at[wid, t], dstb[b], dsems[b])

    def idwait(b):
      pltpu.make_async_copy(dst_hbm.at[wid, 0], dstb[b], dsems[b]).wait()

    def gather(b):
      pltpu.async_copy(h_hbm.at[srcb[b]], rows[b], gsems[b])

    def gwait(b):
      pltpu.make_async_copy(h_hbm.at[srcb[b]], rows[b], gsems[b]).wait()

    for b in range(_NBUF):
      isload(b, b)
      idload(b, b)
    for b in range(_NBUF):
      iswait(b)
      gather(b)

    zeros16 = jnp.zeros((_L,), jnp.float32)

    def zero_body(i, _):
      r = i // (d // _L)
      col = (i % (d // _L)) * _L
      zero_v[r, pl.ds(col, _L)] = zeros16
      return 0

    lax.fori_loop(0, zr * (d // _L), zero_body, 0)
    for j in range(rows_ps // zr):
      pltpu.sync_copy(zero_v, acc_sh.at[pl.ds(s * rows_ps + j * zr, zr)])

    @pl.when(s == 0)
    def _():
      pltpu.sync_copy(zero_v.at[pl.ds(0, tail)],
                      acc_sh.at[pl.ds(_NS * rows_ps, tail)])

    plsc.subcore_barrier()

    def edge_body(i, _):
      t0 = i * _NBUF
      for b in range(_NBUF):
        t = t0 + b
        gwait(b)

        @pl.when(t + _NBUF < nchunk)
        def _():
          isload(t + _NBUF, b)

        idwait(b)
        pltpu.sync_copy(rows[b], acc_sh.at[dstb[b]], add=True)

        @pl.when(t + _NBUF < nchunk)
        def _():
          idload(t + _NBUF, b)
          iswait(b)
          gather(b)

      return 0

    assert nchunk % _NBUF == 0
    lax.fori_loop(0, nchunk // _NBUF, edge_body, 0)
    plsc.subcore_barrier()

    pltpu.sync_copy(acc_sh.at[pl.ds(s * rows_ps, rows_ps)],
                    out_hbm.at[c, pl.ds(s * rows_ps, rows_ps)])

    @pl.when(s == 0)
    def _():
      pltpu.sync_copy(acc_sh.at[pl.ds(_NS * rows_ps, tail)],
                      out_hbm.at[c, pl.ds(_NS * rows_ps, tail)])

  return agg_kernel


_BLK = 2000


def _mask(b_ref, blk):
  bvals = b_ref[0, 0:1, :]
  gids = lax.broadcasted_iota(jnp.int32, (_G, blk), 0)
  return jnp.where(gids == jnp.broadcast_to(bvals, (_G, blk)), 1.0, 0.0)


def _mlp_core(h_ref, a0_ref, a1_ref, w1_ref, s1_ref, t1_ref,
              w2_ref, s2_ref, t2_ref, so_ref, to_ref):
  z = h_ref[...] + a0_ref[...] + a1_ref[...]
  z1 = jnp.dot(z, w1_ref[...], preferred_element_type=jnp.float32)
  z1 = jnp.maximum(z1 * s1_ref[0:1, :] + t1_ref[0:1, :], 0.0)
  z2 = jnp.dot(z1, w2_ref[...], preferred_element_type=jnp.float32)
  z3 = jnp.maximum(z2 * s2_ref[0:1, :] + t2_ref[0:1, :], 0.0)
  return jnp.maximum(z3 * so_ref[0:1, :] + to_ref[0:1, :], 0.0)


def _mlp_specs(n, d, hdim, blk):
  row = lambda i: (i, 0)
  fixed = lambda i: (0, 0)
  vec = pl.BlockSpec((8, hdim), fixed)
  return [
      pl.BlockSpec((blk, d), row),
      pl.BlockSpec((blk, d), row),
      pl.BlockSpec((blk, d), row),
      pl.BlockSpec((d, hdim), fixed), vec, vec,
      pl.BlockSpec((hdim, hdim), fixed), vec, vec,
      vec, vec,
      pl.BlockSpec((1, 8, blk), lambda i: (i, 0, 0)),
  ]


def _mlp1(h, a0, a1, w1, s1, t1, w2, s2, t2, so, to, batch8):
  n, d = h.shape
  hdim = w2.shape[1]
  blk = _BLK
  grid = n // blk

  def body(h_ref, a0_ref, a1_ref, w1_ref, s1_ref, t1_ref,
           w2_ref, s2_ref, t2_ref, so_ref, to_ref, b_ref,
           o_ref, pool0_ref):
    i = pl.program_id(0)
    o_ref[...] = _mlp_core(h_ref, a0_ref, a1_ref, w1_ref, s1_ref, t1_ref,
                           w2_ref, s2_ref, t2_ref, so_ref, to_ref)
    c0 = jnp.dot(_mask(b_ref, blk), h_ref[...],
                 preferred_element_type=jnp.float32)

    @pl.when(i == 0)
    def _():
      pool0_ref[...] = c0

    @pl.when(i > 0)
    def _():
      pool0_ref[...] += c0

  row = lambda i: (i, 0)
  fixed = lambda i: (0, 0)
  return pl.pallas_call(
      body,
      grid=(grid,),
      in_specs=_mlp_specs(n, d, hdim, blk),
      out_specs=[
          pl.BlockSpec((blk, hdim), row),
          pl.BlockSpec((_G, d), fixed),
      ],
      out_shape=[
          jax.ShapeDtypeStruct((n, hdim), jnp.float32),
          jax.ShapeDtypeStruct((_G, d), jnp.float32),
      ],
  )(h, a0, a1, w1, s1, t1, w2, s2, t2, so, to, batch8)


def _mlp2(h, a0, a1, w1, s1, t1, w2, s2, t2, so, to, batch8,
          pool0, p0, p1, p2, bsum):
  n, d = h.shape
  hdim = w2.shape[1]
  o = p0.shape[1]
  blk = _BLK
  grid = n // blk

  def body(h_ref, a0_ref, a1_ref, w1_ref, s1_ref, t1_ref,
           w2_ref, s2_ref, t2_ref, so_ref, to_ref, b_ref,
           pool0_ref, p0_ref, p1_ref, p2_ref, bs_ref,
           o_ref, score_ref, pl1_ref, pl2_ref):
    i = pl.program_id(0)
    h2_blk = _mlp_core(h_ref, a0_ref, a1_ref, w1_ref, s1_ref, t1_ref,
                       w2_ref, s2_ref, t2_ref, so_ref, to_ref)
    o_ref[...] = h2_blk
    m = _mask(b_ref, blk)
    c1 = jnp.dot(m, h_ref[...], preferred_element_type=jnp.float32)
    c2 = jnp.dot(m, h2_blk, preferred_element_type=jnp.float32)

    @pl.when(i == 0)
    def _():
      pl1_ref[...] = c1
      pl2_ref[...] = c2

    @pl.when(i > 0)
    def _():
      pl1_ref[...] += c1
      pl2_ref[...] += c2

    @pl.when(i == grid - 1)
    def _():
      score_ref[...] = (
          jnp.dot(pool0_ref[...], p0_ref[...],
                  preferred_element_type=jnp.float32)
          + jnp.dot(pl1_ref[...], p1_ref[...],
                    preferred_element_type=jnp.float32)
          + jnp.dot(pl2_ref[...], p2_ref[...],
                    preferred_element_type=jnp.float32)
          + bs_ref[0:1, :])

  row = lambda i: (i, 0)
  fixed = lambda i: (0, 0)
  return pl.pallas_call(
      body,
      grid=(grid,),
      in_specs=_mlp_specs(n, d, hdim, blk) + [
          pl.BlockSpec((_G, d), fixed),
          pl.BlockSpec((d, o), fixed),
          pl.BlockSpec((d, o), fixed),
          pl.BlockSpec((d, o), fixed),
          pl.BlockSpec((8, o), fixed),
      ],
      out_specs=[
          pl.BlockSpec((blk, hdim), row),
          pl.BlockSpec((_G, o), fixed),
          pl.BlockSpec((_G, d), fixed),
          pl.BlockSpec((_G, d), fixed),
      ],
      out_shape=[
          jax.ShapeDtypeStruct((n, hdim), jnp.float32),
          jax.ShapeDtypeStruct((_G, o), jnp.float32),
          jax.ShapeDtypeStruct((_G, d), jnp.float32),
          jax.ShapeDtypeStruct((_G, d), jnp.float32),
      ],
  )(h, a0, a1, w1, s1, t1, w2, s2, t2, so, to, batch8,
    pool0, p0, p1, p2, bsum)


def _rep8(v):
  return jnp.broadcast_to(v[None, :], (8, v.shape[0]))


def kernel(n_feat, edge_index, batch, params):
  n, d = n_feat.shape
  e = edge_index.shape[1]
  nw = _NC * _NS
  unit = nw * _K * _NBUF
  e_pad = -(-e // unit) * unit
  npad = e_pad - e
  pad_src = jnp.arange(npad, dtype=jnp.int32) % n
  pad_dst = n + jnp.arange(npad, dtype=jnp.int32) % _PAD_ROWS
  nchunk = e_pad // nw // _K
  src = jnp.concatenate([edge_index[0], pad_src]).reshape(nw, nchunk, _K)
  dst = jnp.concatenate([edge_index[1], pad_dst]).reshape(nw, nchunk, _K)
  batch8 = jnp.broadcast_to(batch.reshape(5, 1, n // 5)[:, :, :], (5, 8, n // 5))
  c = 1.0 / jnp.sqrt(jnp.float32(1.0 + _BN_EPS))

  agg_fn = _make_sc_agg(n, d, e_pad)

  def fold(p):
    s1 = p['bn1_g'] * c
    t1 = p['b1'] * s1 + p['bn1_b']
    s2 = p['bn_apply_g'] * c
    t2 = p['b2'] * s2 + p['bn_apply_b']
    so = p['bn_out_g'] * c
    to = p['bn_out_b']
    return (p['W1'], _rep8(s1), _rep8(t1), p['W2'], _rep8(s2), _rep8(t2),
            _rep8(so), _rep8(to))

  bsum = (params['pred0']['b'] + params['pred1']['b'] + params['pred2']['b'])

  parts = agg_fn(n_feat, src, dst)
  h1, pool0 = _mlp1(n_feat, parts[0], parts[1], *fold(params['gin0']),
                    batch8)
  parts = agg_fn(h1, src, dst)
  _, score, pooled1, pooled2 = _mlp2(
      h1, parts[0], parts[1], *fold(params['gin1']), batch8,
      pool0, params['pred0']['W'], params['pred1']['W'], params['pred2']['W'],
      _rep8(bsum))
  return (score, pooled1, pooled2)

# --- scband reference (transcript-rebuilt; emitter-appended) ---
"""Pipeline reference for scband-ginmodel-77395310674454 (READ-ONLY COPY).

The authoritative reference and input builder live on the scoring server;
editing this copy changes nothing except your own understanding.
"""

import jax, jax.numpy as jnp
import numpy as np

N = 10000
E = 320000
D = 128
H = 128
O = 128
G = 64
NUM_LAYERS = 3
EPS = 0.0
BN_EPS = 1e-5

def _glorot(key, shape):
    lim = float(np.sqrt(6.0 / (shape[0] + shape[1])))
    return jax.random.uniform(key, shape, minval=-lim, maxval=lim, dtype=jnp.float32)

def setup_inputs(seed: int = 0):
    key = jax.random.key(seed)
    ks = jax.random.split(key, 20)
    n_feat = jax.random.normal(ks[0], (N, D), dtype=jnp.float32)
    edge_index = jax.random.randint(ks[1], (2, E), 0, N, dtype=jnp.int32)
    batch = jnp.sort(jax.random.randint(ks[2], (N,), 0, G, dtype=jnp.int32))
    params = {}
    kidx = 3
    for i in range(NUM_LAYERS - 1):
        din = D if i == 0 else H
        params['gin%d' % i] = {
            'W1': _glorot(ks[kidx], (din, H)),
            'b1': jnp.zeros((H,), jnp.float32),
            'bn1_g': jnp.ones((H,), jnp.float32),
            'bn1_b': jnp.zeros((H,), jnp.float32),
            'W2': _glorot(ks[kidx + 1], (H, H)),
            'b2': jnp.zeros((H,), jnp.float32),
            'bn_apply_g': jnp.ones((H,), jnp.float32),
            'bn_apply_b': jnp.zeros((H,), jnp.float32),
            'bn_out_g': jnp.ones((H,), jnp.float32),
            'bn_out_b': jnp.zeros((H,), jnp.float32),
        }
        kidx += 2
    for i in range(NUM_LAYERS):
        din = D if i == 0 else H
        params['pred%d' % i] = {
            'W': _glorot(ks[kidx], (din, O)),
            'b': jnp.zeros((O,), jnp.float32),
        }
        kidx += 1
    return {'n_feat': n_feat, 'edge_index': edge_index, 'batch': batch, 'params': params}

def _bn(x, g, b):
    # eval-mode BatchNorm1d with running_mean=0, running_var=1
    return g * (x / jnp.sqrt(1.0 + BN_EPS)) + b

def _forward(n_feat, params, edge_index, batch):
    src = edge_index[0]
    dst = edge_index[1]
    h = n_feat
    layer_rep = [h]
    for i in range(NUM_LAYERS - 1):
        p = params['gin%d' % i]
        # GIN aggregation: sum of neighbor features (scatter-add over dst)
        agg = jax.ops.segment_sum(h[src], dst, num_segments=N)
        z = (1.0 + EPS) * h + agg
        # MLP (2 layers, batchnorm + relu between)
        z = jax.nn.relu(_bn(z @ p['W1'] + p['b1'], p['bn1_g'], p['bn1_b']))
        z = z @ p['W2'] + p['b2']
        # ApplyNodeFunc: BN + ReLU
        z = jax.nn.relu(_bn(z, p['bn_apply_g'], p['bn_apply_b']))
        # outer per-layer batch_norm + ReLU
        h = jax.nn.relu(_bn(z, p['bn_out_g'], p['bn_out_b']))
        layer_rep.append(h)
    score = jnp.zeros((G, O), jnp.float32)
    pooled_hidden = []
    for i in range(NUM_LAYERS):
        hh = layer_rep[i]
        pooled = jax.ops.segment_sum(hh, batch, num_segments=G)
        if i > 0:
            pooled_hidden.append(pooled)
        pw = params['pred%d' % i]
        # dropout layers are identity in eval mode
        score = score + pooled @ pw['W'] + pw['b']
    return (score, *pooled_hidden)

def reference(n_feat, edge_index, batch, params):
    return _forward(n_feat, params, edge_index, batch)

if __name__ == "__main__":
    import jax
    _d = setup_inputs()
    print(jax.jit(kernel)(*tuple(_d.values())))

</pallas_src>

<mosaic_0001>
#map = affine_map<(d0, d1) -> (0, 0)>
#map1 = affine_map<(d0, d1) -> (0, 0, 0)>
module attributes {stable_mosaic.version = 14 : i64} {
  func.func @agg_kernel(%arg0: i32, %arg1: i32, %arg2: memref<10000x128xf32, #tpu.memory_space<hbm>>, %arg3: memref<32x116x88xi32, #tpu.memory_space<hbm>>, %arg4: memref<32x116x88xi32, #tpu.memory_space<hbm>>, %arg5: memref<2x10000x128xf32, #tpu.memory_space<hbm>>, %arg6: memref<88xi32, #tpu.memory_space<vmem>>, %arg7: memref<88xi32, #tpu.memory_space<vmem>>, %arg8: memref<88xi32, #tpu.memory_space<vmem>>, %arg9: memref<88xi32, #tpu.memory_space<vmem>>, %arg10: memref<88xi32, #tpu.memory_space<vmem>>, %arg11: memref<88xi32, #tpu.memory_space<vmem>>, %arg12: memref<88xi32, #tpu.memory_space<vmem>>, %arg13: memref<88xi32, #tpu.memory_space<vmem>>, %arg14: memref<88x128xf32, #tpu.memory_space<vmem>>, %arg15: memref<88x128xf32, #tpu.memory_space<vmem>>, %arg16: memref<88x128xf32, #tpu.memory_space<vmem>>, %arg17: memref<88x128xf32, #tpu.memory_space<vmem>>, %arg18: memref<24x128xf32, #tpu.memory_space<vmem>>, %arg19: memref<10016x128xf32, #tpu.memory_space<vmem_shared>>, %arg20: memref<!tpu.dma_semaphore, #tpu.memory_space<semaphore_mem>>, %arg21: memref<!tpu.dma_semaphore, #tpu.memory_space<semaphore_mem>>, %arg22: memref<!tpu.dma_semaphore, #tpu.memory_space<semaphore_mem>>, %arg23: memref<!tpu.dma_semaphore, #tpu.memory_space<semaphore_mem>>, %arg24: memref<!tpu.dma_semaphore, #tpu.memory_space<semaphore_mem>>, %arg25: memref<!tpu.dma_semaphore, #tpu.memory_space<semaphore_mem>>, %arg26: memref<!tpu.dma_semaphore, #tpu.memory_space<semaphore_mem>>, %arg27: memref<!tpu.dma_semaphore, #tpu.memory_space<semaphore_mem>>, %arg28: memref<!tpu.dma_semaphore, #tpu.memory_space<semaphore_mem>>, %arg29: memref<!tpu.dma_semaphore, #tpu.memory_space<semaphore_mem>>, %arg30: memref<!tpu.dma_semaphore, #tpu.memory_space<semaphore_mem>>, %arg31: memref<!tpu.dma_semaphore, #tpu.memory_space<semaphore_mem>>) attributes {dimension_semantics = [#tpu.dimension_semantics<core_parallel>, #tpu.dimension_semantics<subcore_parallel>], iteration_bounds = array<i64: 2, 16>, scalar_prefetch = 0 : i64, scratch_operands = 26 : i64, tpu.core_type = #tpu.core_type<sc_vector_subcore>, window_params = [{transform_indices = #map}, {transform_indices = #map1}, {transform_indices = #map1}, {transform_indices = #map1}]} {
    %mul3A = arith.constant 2 : i32
    %mul3A_0 = arith.muli %arg1, %mul3A : i32
    %add3A = arith.addi %mul3A_0, %arg0 : i32
    %dma_start3A = arith.constant 0 : i32
    %dma_start3A_1 = arith.constant 0 : i32
    %dma_start3A_2 = tpu.memref_slice %arg3[%add3A, %dma_start3A, %dma_start3A_1] : memref<32x116x88xi32, #tpu.memory_space<hbm>> -> memref<1x1x88xi32, #tpu.memory_space<hbm>>
    %dma_start3A_3 = tpu.memref_squeeze %dma_start3A_2 : memref<1x1x88xi32, #tpu.memory_space<hbm>> -> memref<88xi32, #tpu.memory_space<hbm>>
    %dma_start3A_4 = arith.constant 0 : i32
    %dma_start3A_5 = tpu.memref_slice %arg3[%add3A, %dma_start3A, %dma_start3A_4] : memref<32x116x88xi32, #tpu.memory_space<hbm>> -> memref<1x1x88xi32, #tpu.memory_space<hbm>>
    %dma_start3A_6 = tpu.memref_squeeze %dma_start3A_5 : memref<1x1x88xi32, #tpu.memory_space<hbm>> -> memref<88xi32, #tpu.memory_space<hbm>>
    tpu.enqueue_dma source(%dma_start3A_6 : memref<88xi32, #tpu.memory_space<hbm>>) target(%arg6 : memref<88xi32, #tpu.memory_space<vmem>>) target_semaphore(%arg24 : memref<!tpu.dma_semaphore, #tpu.memory_space<semaphore_mem>>)
    %dma_start3A_7 = arith.constant 0 : i32
    %dma_start3A_8 = arith.constant 0 : i32
    %dma_start3A_9 = tpu.memref_slice %arg4[%add3A, %dma_start3A_7, %dma_start3A_8] : memref<32x116x88xi32, #tpu.memory_space<hbm>> -> memref<1x1x88xi32, #tpu.memory_space<hbm>>
    %dma_start3A_10 = tpu.memref_squeeze %dma_start3A_9 : memref<1x1x88xi32, #tpu.memory_space<hbm>> -> memref<88xi32, #tpu.memory_space<hbm>>
    %dma_start3A_11 = arith.constant 0 : i32
    %dma_start3A_12 = tpu.memref_slice %arg4[%add3A, %dma_start3A_7, %dma_start3A_11] : memref<32x116x88xi32, #tpu.memory_space<hbm>> -> memref<1x1x88xi32, #tpu.memory_space<hbm>>
    %dma_start3A_13 = tpu.memref_squeeze %dma_start3A_12 : memref<1x1x88xi32, #tpu.memory_space<hbm>> -> memref<88xi32, #tpu.memory_space<hbm>>
    tpu.enqueue_dma source(%dma_start3A_13 : memref<88xi32, #tpu.memory_space<hbm>>) target(%arg10 : memref<88xi32, #tpu.memory_space<vmem>>) target_semaphore(%arg28 : memref<!tpu.dma_semaphore, #tpu.memory_space<semaphore_mem>>)
    %dma_start3A_14 = arith.constant 1 : i32
    %dma_start3A_15 = arith.constant 0 : i32
    %dma_start3A_16 = tpu.memref_slice %arg3[%add3A, %dma_start3A_14, %dma_start3A_15] : memref<32x116x88xi32, #tpu.memory_space<hbm>> -> memref<1x1x88xi32, #tpu.memory_space<hbm>>
    %dma_start3A_17 = tpu.memref_squeeze %dma_start3A_16 : memref<1x1x88xi32, #tpu.memory_space<hbm>> -> memref<88xi32, #tpu.memory_space<hbm>>
    %dma_start3A_18 = arith.constant 0 : i32
    %dma_start3A_19 = tpu.memref_slice %arg3[%add3A, %dma_start3A_14, %dma_start3A_18] : memref<32x116x88xi32, #tpu.memory_space<hbm>> -> memref<1x1x88xi32, #tpu.memory_space<hbm>>
    %dma_start3A_20 = tpu.memref_squeeze %dma_start3A_19 : memref<1x1x88xi32, #tpu.memory_space<hbm>> -> memref<88xi32, #tpu.memory_space<hbm>>
    tpu.enqueue_dma source(%dma_start3A_20 : memref<88xi32, #tpu.memory_space<hbm>>) target(%arg7 : memref<88xi32, #tpu.memory_space<vmem>>) target_semaphore(%arg25 : memref<!tpu.dma_semaphore, #tpu.memory_space<semaphore_mem>>)
    %dma_start3A_21 = arith.constant 1 : i32
    %dma_start3A_22 = arith.constant 0 : i32
    %dma_start3A_23 = tpu.memref_slice %arg4[%add3A, %dma_start3A_21, %dma_start3A_22] : memref<32x116x88xi32, #tpu.memory_space<hbm>> -> memref<1x1x88xi32, #tpu.memory_space<hbm>>
    %dma_start3A_24 = tpu.memref_squeeze %dma_start3A_23 : memref<1x1x88xi32, #tpu.memory_space<hbm>> -> memref<88xi32, #tpu.memory_space<hbm>>
    %dma_start3A_25 = arith.constant 0 : i32
    %dma_start3A_26 = tpu.memref_slice %arg4[%add3A, %dma_start3A_21, %dma_start3A_25] : memref<32x116x88xi32, #tpu.memory_space<hbm>> -> memref<1x1x88xi32, #tpu.memory_space<hbm>>
    %dma_start3A_27 = tpu.memref_squeeze %dma_start3A_26 : memref<1x1x88xi32, #tpu.memory_space<hbm>> -> memref<88xi32, #tpu.memory_space<hbm>>
    tpu.enqueue_dma source(%dma_start3A_27 : memref<88xi32, #tpu.memory_space<hbm>>) target(%arg11 : memref<88xi32, #tpu.memory_space<vmem>>) target_semaphore(%arg29 : memref<!tpu.dma_semaphore, #tpu.memory_space<semaphore_mem>>)
    %dma_start3A_28 = arith.constant 2 : i32
    %dma_start3A_29 = arith.constant 0 : i32
    %dma_start3A_30 = tpu.memref_slice %arg3[%add3A, %dma_start3A_28, %dma_start3A_29] : memref<32x116x88xi32, #tpu.memory_space<hbm>> -> memref<1x1x88xi32, #tpu.memory_space<hbm>>
    %dma_start3A_31 = tpu.memref_squeeze %dma_start3A_30 : memref<1x1x88xi32, #tpu.memory_space<hbm>> -> memref<88xi32, #tpu.memory_space<hbm>>
    %dma_start3A_32 = arith.constant 0 : i32
    %dma_start3A_33 = tpu.memref_slice %arg3[%add3A, %dma_start3A_28, %dma_start3A_32] : memref<32x116x88xi32, #tpu.memory_space<hbm>> -> memref<1x1x88xi32, #tpu.memory_space<hbm>>
    %dma_start3A_34 = tpu.memref_squeeze %dma_start3A_33 : memref<1x1x88xi32, #tpu.memory_space<hbm>> -> memref<88xi32, #tpu.memory_space<hbm>>
    tpu.enqueue_dma source(%dma_start3A_34 : memref<88xi32, #tpu.memory_space<hbm>>) target(%arg8 : memref<88xi32, #tpu.memory_space<vmem>>) target_semaphore(%arg26 : memref<!tpu.dma_semaphore, #tpu.memory_space<semaphore_mem>>)
    %dma_start3A_35 = arith.constant 2 : i32
    %dma_start3A_36 = arith.constant 0 : i32
    %dma_start3A_37 = tpu.memref_slice %arg4[%add3A, %dma_start3A_35, %dma_start3A_36] : memref<32x116x88xi32, #tpu.memory_space<hbm>> -> memref<1x1x88xi32, #tpu.memory_space<hbm>>
    %dma_start3A_38 = tpu.memref_squeeze %dma_start3A_37 : memref<1x1x88xi32, #tpu.memory_space<hbm>> -> memref<88xi32, #tpu.memory_space<hbm>>
    %dma_start3A_39 = arith.constant 0 : i32
    %dma_start3A_40 = tpu.memref_slice %arg4[%add3A, %dma_start3A_35, %dma_start3A_39] : memref<32x116x88xi32, #tpu.memory_space<hbm>> -> memref<1x1x88xi32, #tpu.memory_space<hbm>>
    %dma_start3A_41 = tpu.memref_squeeze %dma_start3A_40 : memref<1x1x88xi32, #tpu.memory_space<hbm>> -> memref<88xi32, #tpu.memory_space<hbm>>
    tpu.enqueue_dma source(%dma_start3A_41 : memref<88xi32, #tpu.memory_space<hbm>>) target(%arg12 : memref<88xi32, #tpu.memory_space<vmem>>) target_semaphore(%arg30 : memref<!tpu.dma_semaphore, #tpu.memory_space<semaphore_mem>>)
    %dma_start3A_42 = arith.constant 3 : i32
    %dma_start3A_43 = arith.constant 0 : i32
    %dma_start3A_44 = tpu.memref_slice %arg3[%add3A, %dma_start3A_42, %dma_start3A_43] : memref<32x116x88xi32, #tpu.memory_space<hbm>> -> memref<1x1x88xi32, #tpu.memory_space<hbm>>
    %dma_start3A_45 = tpu.memref_squeeze %dma_start3A_44 : memref<1x1x88xi32, #tpu.memory_space<hbm>> -> memref<88xi32, #tpu.memory_space<hbm>>
    %dma_start3A_46 = arith.constant 0 : i32
    %dma_start3A_47 = tpu.memref_slice %arg3[%add3A, %dma_start3A_42, %dma_start3A_46] : memref<32x116x88xi32, #tpu.memory_space<hbm>> -> memref<1x1x88xi32, #tpu.memory_space<hbm>>
    %dma_start3A_48 = tpu.memref_squeeze %dma_start3A_47 : memref<1x1x88xi32, #tpu.memory_space<hbm>> -> memref<88xi32, #tpu.memory_space<hbm>>
    tpu.enqueue_dma source(%dma_start3A_48 : memref<88xi32, #tpu.memory_space<hbm>>) target(%arg9 : memref<88xi32, #tpu.memory_space<vmem>>) target_semaphore(%arg27 : memref<!tpu.dma_semaphore, #tpu.memory_space<semaphore_mem>>)
    %dma_start3A_49 = arith.constant 3 : i32
    %dma_start3A_50 = arith.constant 0 : i32
    %dma_start3A_51 = tpu.memref_slice %arg4[%add3A, %dma_start3A_49, %dma_start3A_50] : memref<32x116x88xi32, #tpu.memory_space<hbm>> -> memref<1x1x88xi32, #tpu.memory_space<hbm>>
    %dma_start3A_52 = tpu.memref_squeeze %dma_start3A_51 : memref<1x1x88xi32, #tpu.memory_space<hbm>> -> memref<88xi32, #tpu.memory_space<hbm>>
    %dma_start3A_53 = arith.constant 0 : i32
    %dma_start3A_54 = tpu.memref_slice %arg4[%add3A, %dma_start3A_49, %dma_start3A_53] : memref<32x116x88xi32, #tpu.memory_space<hbm>> -> memref<1x1x88xi32, #tpu.memory_space<hbm>>
    %dma_start3A_55 = tpu.memref_squeeze %dma_start3A_54 : memref<1x1x88xi32, #tpu.memory_space<hbm>> -> memref<88xi32, #tpu.memory_space<hbm>>
    tpu.enqueue_dma source(%dma_start3A_55 : memref<88xi32, #tpu.memory_space<hbm>>) target(%arg13 : memref<88xi32, #tpu.memory_space<vmem>>) target_semaphore(%arg31 : memref<!tpu.dma_semaphore, #tpu.memory_space<semaphore_mem>>)
    %dma_wait3A = arith.constant 0 : i32
    %dma_wait3A_56 = arith.constant 0 : i32
    %dma_wait3A_57 = tpu.memref_slice %arg3[%add3A, %dma_wait3A, %dma_wait3A_56] : memref<32x116x88xi32, #tpu.memory_space<hbm>> -> memref<1x1x88xi32, #tpu.memory_space<hbm>>
    %dma_wait3A_58 = tpu.memref_squeeze %dma_wait3A_57 : memref<1x1x88xi32, #tpu.memory_space<hbm>> -> memref<88xi32, #tpu.memory_space<hbm>>
    %dma_wait3A_59 = arith.constant 0 : i32
    %dma_wait3A_60 = tpu.memref_slice %arg3[%add3A, %dma_wait3A, %dma_wait3A_59] : memref<32x116x88xi32, #tpu.memory_space<hbm>> -> memref<1x1x88xi32, #tpu.memory_space<hbm>>
    %dma_wait3A_61 = tpu.memref_squeeze %dma_wait3A_60 : memref<1x1x88xi32, #tpu.memory_space<hbm>> -> memref<88xi32, #tpu.memory_space<hbm>>
    tpu.wait_dma2 semaphore(%arg24 : memref<!tpu.dma_semaphore, #tpu.memory_space<semaphore_mem>>) src(%dma_wait3A_61 : memref<88xi32, #tpu.memory_space<hbm>>) dst(%arg6 : memref<88xi32, #tpu.memory_space<vmem>>)
    %dma_start3A_62 = arith.constant 0 : i32
    %dma_start3A_63 = arith.constant 0 : i32
    %dma_start3A_64 = tpu.memref_slice %arg2[%dma_start3A_62, %dma_start3A_63] : memref<10000x128xf32, #tpu.memory_space<hbm>> -> memref<10000x128xf32, #tpu.memory_space<hbm>>
    tpu.enqueue_indirect_dma source(%dma_start3A_64 : memref<10000x128xf32, #tpu.memory_space<hbm>>) target(%arg14 : memref<88x128xf32, #tpu.memory_space<vmem>>) offsets(%arg6 : memref<88xi32, #tpu.memory_space<vmem>>) semaphore(%arg20 : memref<!tpu.dma_semaphore, #tpu.memory_space<semaphore_mem>>)
    %dma_wait3A_65 = arith.constant 0 : i32
    %dma_wait3A_66 = arith.constant 0 : i32
    %dma_wait3A_67 = tpu.memref_slice %arg3[%add3A, %dma_wait3A_65, %dma_wait3A_66] : memref<32x116x88xi32, #tpu.memory_space<hbm>> -> memref<1x1x88xi32, #tpu.memory_space<hbm>>
    %dma_wait3A_68 = tpu.memref_squeeze %dma_wait3A_67 : memref<1x1x88xi32, #tpu.memory_space<hbm>> -> memref<88xi32, #tpu.memory_space<hbm>>
    %dma_wait3A_69 = arith.constant 0 : i32
    %dma_wait3A_70 = tpu.memref_slice %arg3[%add3A, %dma_wait3A_65, %dma_wait3A_69] : memref<32x116x88xi32, #tpu.memory_space<hbm>> -> memref<1x1x88xi32, #tpu.memory_space<hbm>>
    %dma_wait3A_71 = tpu.memref_squeeze %dma_wait3A_70 : memref<1x1x88xi32, #tpu.memory_space<hbm>> -> memref<88xi32, #tpu.memory_space<hbm>>
    tpu.wait_dma2 semaphore(%arg25 : memref<!tpu.dma_semaphore, #tpu.memory_space<semaphore_mem>>) src(%dma_wait3A_71 : memref<88xi32, #tpu.memory_space<hbm>>) dst(%arg7 : memref<88xi32, #tpu.memory_space<vmem>>)
    %dma_start3A_72 = arith.constant 0 : i32
    %dma_start3A_73 = arith.constant 0 : i32
    %dma_start3A_74 = tpu.memref_slice %arg2[%dma_start3A_72, %dma_start3A_73] : memref<10000x128xf32, #tpu.memory_space<hbm>> -> memref<10000x128xf32, #tpu.memory_space<hbm>>
    tpu.enqueue_indirect_dma source(%dma_start3A_74 : memref<10000x128xf32, #tpu.memory_space<hbm>>) target(%arg15 : memref<88x128xf32, #tpu.memory_space<vmem>>) offsets(%arg7 : memref<88xi32, #tpu.memory_space<vmem>>) semaphore(%arg21 : memref<!tpu.dma_semaphore, #tpu.memory_space<semaphore_mem>>)
    %dma_wait3A_75 = arith.constant 0 : i32
    %dma_wait3A_76 = arith.constant 0 : i32
    %dma_wait3A_77 = tpu.memref_slice %arg3[%add3A, %dma_wait3A_75, %dma_wait3A_76] : memref<32x116x88xi32, #tpu.memory_space<hbm>> -> memref<1x1x88xi32, #tpu.memory_space<hbm>>
    %dma_wait3A_78 = tpu.memref_squeeze %dma_wait3A_77 : memref<1x1x88xi32, #tpu.memory_space<hbm>> -> memref<88xi32, #tpu.memory_space<hbm>>
    %dma_wait3A_79 = arith.constant 0 : i32
    %dma_wait3A_80 = tpu.memref_slice %arg3[%add3A, %dma_wait3A_75, %dma_wait3A_79] : memref<32x116x88xi32, #tpu.memory_space<hbm>> -> memref<1x1x88xi32, #tpu.memory_space<hbm>>
    %dma_wait3A_81 = tpu.memref_squeeze %dma_wait3A_80 : memref<1x1x88xi32, #tpu.memory_space<hbm>> -> memref<88xi32, #tpu.memory_space<hbm>>
    tpu.wait_dma2 semaphore(%arg26 : memref<!tpu.dma_semaphore, #tpu.memory_space<semaphore_mem>>) src(%dma_wait3A_81 : memref<88xi32, #tpu.memory_space<hbm>>) dst(%arg8 : memref<88xi32, #tpu.memory_space<vmem>>)
    %dma_start3A_82 = arith.constant 0 : i32
    %dma_start3A_83 = arith.constant 0 : i32
    %dma_start3A_84 = tpu.memref_slice %arg2[%dma_start3A_82, %dma_start3A_83] : memref<10000x128xf32, #tpu.memory_space<hbm>> -> memref<10000x128xf32, #tpu.memory_space<hbm>>
    tpu.enqueue_indirect_dma source(%dma_start3A_84 : memref<10000x128xf32, #tpu.memory_space<hbm>>) target(%arg16 : memref<88x128xf32, #tpu.memory_space<vmem>>) offsets(%arg8 : memref<88xi32, #tpu.memory_space<vmem>>) semaphore(%arg22 : memref<!tpu.dma_semaphore, #tpu.memory_space<semaphore_mem>>)
    %dma_wait3A_85 = arith.constant 0 : i32
    %dma_wait3A_86 = arith.constant 0 : i32
    %dma_wait3A_87 = tpu.memref_slice %arg3[%add3A, %dma_wait3A_85, %dma_wait3A_86] : memref<32x116x88xi32, #tpu.memory_space<hbm>> -> memref<1x1x88xi32, #tpu.memory_space<hbm>>
    %dma_wait3A_88 = tpu.memref_squeeze %dma_wait3A_87 : memref<1x1x88xi32, #tpu.memory_space<hbm>> -> memref<88xi32, #tpu.memory_space<hbm>>
    %dma_wait3A_89 = arith.constant 0 : i32
    %dma_wait3A_90 = tpu.memref_slice %arg3[%add3A, %dma_wait3A_85, %dma_wait3A_89] : memref<32x116x88xi32, #tpu.memory_space<hbm>> -> memref<1x1x88xi32, #tpu.memory_space<hbm>>
    %dma_wait3A_91 = tpu.memref_squeeze %dma_wait3A_90 : memref<1x1x88xi32, #tpu.memory_space<hbm>> -> memref<88xi32, #tpu.memory_space<hbm>>
    tpu.wait_dma2 semaphore(%arg27 : memref<!tpu.dma_semaphore, #tpu.memory_space<semaphore_mem>>) src(%dma_wait3A_91 : memref<88xi32, #tpu.memory_space<hbm>>) dst(%arg9 : memref<88xi32, #tpu.memory_space<vmem>>)
    %dma_start3A_92 = arith.constant 0 : i32
    %dma_start3A_93 = arith.constant 0 : i32
    %dma_start3A_94 = tpu.memref_slice %arg2[%dma_start3A_92, %dma_start3A_93] : memref<10000x128xf32, #tpu.memory_space<hbm>> -> memref<10000x128xf32, #tpu.memory_space<hbm>>
    tpu.enqueue_indirect_dma source(%dma_start3A_94 : memref<10000x128xf32, #tpu.memory_space<hbm>>) target(%arg17 : memref<88x128xf32, #tpu.memory_space<vmem>>) offsets(%arg9 : memref<88xi32, #tpu.memory_space<vmem>>) semaphore(%arg23 : memref<!tpu.dma_semaphore, #tpu.memory_space<semaphore_mem>>)
    %broadcast_in_dim3A = arith.constant 0.000000e+00 : f32
    %broadcast_in_dim3A_95 = vector.broadcast %broadcast_in_dim3A : f32 to vector<16xf32>
    %scan3A = arith.constant 0 : i32
    %scan3A_96 = arith.constant 0 : i32
    %scan3A_97 = arith.constant 192 : i32
    %scan3A_98 = arith.addi %scan3A_96, %scan3A_97 : i32
    %scan3A_99 = arith.constant 1 : i32
    %scan3A_100 = scf.for %scan3A_225 = %scan3A_96 to %scan3A_98 step %scan3A_99 iter_args(%scan3A_226 = %scan3A) -> (i32)  : i32 {
      %jit3A = arith.constant 8 : i32
      %div3A = arith.divsi %scan3A_225, %jit3A : i32
      %sign3A = arith.constant 0 : i32
      %sign3A_227 = arith.cmpi sgt, %scan3A_225, %sign3A : i32
      %sign3A_228 = arith.extui %sign3A_227 : i1 to i32
      %sign3A_229 = arith.constant 0 : i32
      %sign3A_230 = arith.cmpi slt, %scan3A_225, %sign3A_229 : i32
      %sign3A_231 = arith.extui %sign3A_230 : i1 to i32
      %sign3A_232 = arith.subi %sign3A_228, %sign3A_231 : i32
      %sign3A_233 = arith.constant 0 : i32
      %sign3A_234 = arith.cmpi sgt, %jit3A, %sign3A_233 : i32
      %sign3A_235 = arith.extui %sign3A_234 : i1 to i32
      %sign3A_236 = arith.constant 0 : i32
      %sign3A_237 = arith.cmpi slt, %jit3A, %sign3A_236 : i32
      %sign3A_238 = arith.extui %sign3A_237 : i1 to i32
      %sign3A_239 = arith.subi %sign3A_235, %sign3A_238 : i32
      %ne3A = arith.cmpi ne, %sign3A_232, %sign3A_239 : i32
      %rem3A = arith.remsi %scan3A_225, %jit3A : i32
      %ne3A_240 = arith.constant 0 : i32
      %ne3A_241 = arith.cmpi ne, %rem3A, %ne3A_240 : i32
      %and3A = arith.andi %ne3A, %ne3A_241 : i1
      %sub3A = arith.constant 1 : i32
      %sub3A_242 = arith.subi %div3A, %sub3A : i32
      %select_n3A = arith.select %and3A, %sub3A_242, %div3A : i32
      %jit3A_243 = arith.constant 8 : i32
      %eq3A_244 = arith.constant 0 : i32
      %eq3A_245 = arith.cmpi eq, %jit3A_243, %eq3A_244 : i32
      %jit3A_246 = arith.constant 1 : i32
      %select_n3A_247 = arith.select %eq3A_245, %jit3A_246, %jit3A_243 : i32
      %rem3A_248 = arith.remsi %scan3A_225, %select_n3A_247 : i32
      %ne3A_249 = arith.constant 0 : i32
      %ne3A_250 = arith.cmpi ne, %rem3A_248, %ne3A_249 : i32
      %lt3A = arith.constant 0 : i32
      %lt3A_251 = arith.cmpi slt, %rem3A_248, %lt3A : i32
      %lt3A_252 = arith.constant 0 : i32
      %lt3A_253 = arith.cmpi slt, %select_n3A_247, %lt3A_252 : i32
      %ne3A_254 = arith.xori %lt3A_251, %lt3A_253 : i1
      %and3A_255 = arith.andi %ne3A_254, %ne3A_250 : i1
      %add3A_256 = arith.addi %rem3A_248, %select_n3A_247 : i32
      %select_n3A_257 = arith.select %and3A_255, %add3A_256, %rem3A_248 : i32
      %mul3A_258 = arith.constant 16 : i32
      %mul3A_259 = arith.muli %select_n3A_257, %mul3A_258 : i32
      %swap3A = arith.index_cast %select_n3A : i32 to index
      %swap3A_260 = arith.index_cast %mul3A_259 : i32 to index
      %swap3A_261 = tpu.vector_load %arg18[%swap3A, %swap3A_260] {strides = array<i32>} : memref<24x128xf32, #tpu.memory_space<vmem>>, vector<1x16xf32>,
      %swap3A_262 = vector.shape_cast %swap3A_261 : vector<1x16xf32> to vector<16xf32>
      %swap3A_263 = vector.shape_cast %broadcast_in_dim3A_95 : vector<16xf32> to vector<1x16xf32>
      tpu.vector_store %arg18[%swap3A, %swap3A_260], %swap3A_263 {strides = array<i32>} : memref<24x128xf32, #tpu.memory_space<vmem>>, vector<1x16xf32>,
      %scan3A_264 = arith.constant 0 : i32
      scf.yield %scan3A_264 : i32
    }
    %scan3A_101 = arith.constant 192 : i32
    %mul3A_102 = arith.constant 624 : i32
    %mul3A_103 = arith.muli %arg1, %mul3A_102 : i32
    %add3A_104 = arith.constant 0 : i32
    %add3A_105 = arith.addi %mul3A_103, %add3A_104 : i32
    "tpu.region"() ({
      %run_scoped3A = tpu.sem_alloc : memref<!tpu.dma_semaphore, #tpu.memory_space<semaphore_mem>>
      %dma_start3A_225 = arith.constant 0 : i32
      %dma_start3A_226 = tpu.memref_slice %arg19[%add3A_105, %dma_start3A_225] : memref<10016x128xf32, #tpu.memory_space<vmem_shared>> -> memref<24x128xf32, #tpu.memory_space<vmem_shared>>
      %dma_start3A_227 = arith.constant 0 : i32
      %dma_start3A_228 = tpu.memref_slice %arg19[%add3A_105, %dma_start3A_227] : memref<10016x128xf32, #tpu.memory_space<vmem_shared>> -> memref<24x128xf32, #tpu.memory_space<vmem_shared>>
      tpu.enqueue_dma source(%arg18 : memref<24x128xf32, #tpu.memory_space<vmem>>) target(%dma_start3A_228 : memref<24x128xf32, #tpu.memory_space<vmem_shared>>) target_semaphore(%run_scoped3A : memref<!tpu.dma_semaphore, #tpu.memory_space<semaphore_mem>>)
      %dma_wait3A_229 = arith.constant 0 : i32
      %dma_wait3A_230 = tpu.memref_slice %arg19[%add3A_105, %dma_wait3A_229] : memref<10016x128xf32, #tpu.memory_space<vmem_shared>> -> memref<24x128xf32, #tpu.memory_space<vmem_shared>>
      %dma_wait3A_231 = arith.constant 0 : i32
      %dma_wait3A_232 = tpu.memref_slice %arg19[%add3A_105, %dma_wait3A_231] : memref<10016x128xf32, #tpu.memory_space<vmem_shared>> -> memref<24x128xf32, #tpu.memory_space<vmem_shared>>
      tpu.wait_dma2 semaphore(%run_scoped3A : memref<!tpu.dma_semaphore, #tpu.memory_space<semaphore_mem>>) src(%arg18 : memref<24x128xf32, #tpu.memory_space<vmem>>) dst(%dma_wait3A_232 : memref<24x128xf32, #tpu.memory_space<vmem_shared>>)
      tpu.yield
    }) : () -> ()
    %mul3A_106 = arith.constant 624 : i32
    %mul3A_107 = arith.muli %arg1, %mul3A_106 : i32
    %add3A_108 = arith.constant 24 : i32
    %add3A_109 = arith.addi %mul3A_107, %add3A_108 : i32
    "tpu.region"() ({
      %run_scoped3A = tpu.sem_alloc : memref<!tpu.dma_semaphore, #tpu.memory_space<semaphore_mem>>
      %dma_start3A_225 = arith.constant 0 : i32
      %dma_start3A_226 = tpu.memref_slice %arg19[%add3A_109, %dma_start3A_225] : memref<10016x128xf32, #tpu.memory_space<vmem_shared>> -> memref<24x128xf32, #tpu.memory_space<vmem_shared>>
      %dma_start3A_227 = arith.constant 0 : i32
      %dma_start3A_228 = tpu.memref_slice %arg19[%add3A_109, %dma_start3A_227] : memref<10016x128xf32, #tpu.memory_space<vmem_shared>> -> memref<24x128xf32, #tpu.memory_space<vmem_shared>>
      tpu.enqueue_dma source(%arg18 : memref<24x128xf32, #tpu.memory_space<vmem>>) target(%dma_start3A_228 : memref<24x128xf32, #tpu.memory_space<vmem_shared>>) target_semaphore(%run_scoped3A : memref<!tpu.dma_semaphore, #tpu.memory_space<semaphore_mem>>)
      %dma_wait3A_229 = arith.constant 0 : i32
      %dma_wait3A_230 = tpu.memref_slice %arg19[%add3A_109, %dma_wait3A_229] : memref<10016x128xf32, #tpu.memory_space<vmem_shared>> -> memref<24x128xf32, #tpu.memory_space<vmem_shared>>
      %dma_wait3A_231 = arith.constant 0 : i32
      %dma_wait3A_232 = tpu.memref_slice %arg19[%add3A_109, %dma_wait3A_231] : memref<10016x128xf32, #tpu.memory_space<vmem_shared>> -> memref<24x128xf32, #tpu.memory_space<vmem_shared>>
      tpu.wait_dma2 semaphore(%run_scoped3A : memref<!tpu.dma_semaphore, #tpu.memory_space<semaphore_mem>>) src(%arg18 : memref<24x128xf32, #tpu.memory_space<vmem>>) dst(%dma_wait3A_232 : memref<24x128xf32, #tpu.memory_space<vmem_shared>>)
      tpu.yield
    }) : () -> ()
    %mul3A_110 = arith.constant 624 : i32
    %mul3A_111 = arith.muli %arg1, %mul3A_110 : i32
    %add3A_112 = arith.constant 48 : i32
    %add3A_113 = arith.addi %mul3A_111, %add3A_112 : i32
    "tpu.region"() ({
      %run_scoped3A = tpu.sem_alloc : memref<!tpu.dma_semaphore, #tpu.memory_space<semaphore_mem>>
      %dma_start3A_225 = arith.constant 0 : i32
      %dma_start3A_226 = tpu.memref_slice %arg19[%add3A_113, %dma_start3A_225] : memref<10016x128xf32, #tpu.memory_space<vmem_shared>> -> memref<24x128xf32, #tpu.memory_space<vmem_shared>>
      %dma_start3A_227 = arith.constant 0 : i32
      %dma_start3A_228 = tpu.memref_slice %arg19[%add3A_113, %dma_start3A_227] : memref<10016x128xf32, #tpu.memory_space<vmem_shared>> -> memref<24x128xf32, #tpu.memory_space<vmem_shared>>
      tpu.enqueue_dma source(%arg18 : memref<24x128xf32, #tpu.memory_space<vmem>>) target(%dma_start3A_228 : memref<24x128xf32, #tpu.memory_space<vmem_shared>>) target_semaphore(%run_scoped3A : memref<!tpu.dma_semaphore, #tpu.memory_space<semaphore_mem>>)
      %dma_wait3A_229 = arith.constant 0 : i32
      %dma_wait3A_230 = tpu.memref_slice %arg19[%add3A_113, %dma_wait3A_229] : memref<10016x128xf32, #tpu.memory_space<vmem_shared>> -> memref<24x128xf32, #tpu.memory_space<vmem_shared>>
      %dma_wait3A_231 = arith.constant 0 : i32
      %dma_wait3A_232 = tpu.memref_slice %arg19[%add3A_113, %dma_wait3A_231] : memref<10016x128xf32, #tpu.memory_space<vmem_shared>> -> memref<24x128xf32, #tpu.memory_space<vmem_shared>>
      tpu.wait_dma2 semaphore(%run_scoped3A : memref<!tpu.dma_semaphore, #tpu.memory_space<semaphore_mem>>) src(%arg18 : memref<24x128xf32, #tpu.memory_space<vmem>>) dst(%dma_wait3A_232 : memref<24x128xf32, #tpu.memory_space<vmem_shared>>)
      tpu.yield
    }) : () -> ()
    %mul3A_114 = arith.constant 624 : i32
    %mul3A_115 = arith.muli %arg1, %mul3A_114 : i32
    %add3A_116 = arith.constant 72 : i32
    %add3A_117 = arith.addi %mul3A_115, %add3A_116 : i32
    "tpu.region"() ({
      %run_scoped3A = tpu.sem_alloc : memref<!tpu.dma_semaphore, #tpu.memory_space<semaphore_mem>>
      %dma_start3A_225 = arith.constant 0 : i32
      %dma_start3A_226 = tpu.memref_slice %arg19[%add3A_117, %dma_start3A_225] : memref<10016x128xf32, #tpu.memory_space<vmem_shared>> -> memref<24x128xf32, #tpu.memory_space<vmem_shared>>
      %dma_start3A_227 = arith.constant 0 : i32
      %dma_start3A_228 = tpu.memref_slice %arg19[%add3A_117, %dma_start3A_227] : memref<10016x128xf32, #tpu.memory_space<vmem_shared>> -> memref<24x128xf32, #tpu.memory_space<vmem_shared>>
      tpu.enqueue_dma source(%arg18 : memref<24x128xf32, #tpu.memory_space<vmem>>) target(%dma_start3A_228 : memref<24x128xf32, #tpu.memory_space<vmem_shared>>) target_semaphore(%run_scoped3A : memref<!tpu.dma_semaphore, #tpu.memory_space<semaphore_mem>>)
      %dma_wait3A_229 = arith.constant 0 : i32
      %dma_wait3A_230 = tpu.memref_slice %arg19[%add3A_117, %dma_wait3A_229] : memref<10016x128xf32, #tpu.memory_space<vmem_shared>> -> memref<24x128xf32, #tpu.memory_space<vmem_shared>>
      %dma_wait3A_231 = arith.constant 0 : i32
      %dma_wait3A_232 = tpu.memref_slice %arg19[%add3A_117, %dma_wait3A_231] : memref<10016x128xf32, #tpu.memory_space<vmem_shared>> -> memref<24x128xf32, #tpu.memory_space<vmem_shared>>
      tpu.wait_dma2 semaphore(%run_scoped3A : memref<!tpu.dma_semaphore, #tpu.memory_space<semaphore_mem>>) src(%arg18 : memref<24x128xf32, #tpu.memory_space<vmem>>) dst(%dma_wait3A_232 : memref<24x128xf32, #tpu.memory_space<vmem_shared>>)
      tpu.yield
    }) : () -> ()
    %mul3A_118 = arith.constant 624 : i32
    %mul3A_119 = arith.muli %arg1, %mul3A_118 : i32
    %add3A_120 = arith.constant 96 : i32
    %add3A_121 = arith.addi %mul3A_119, %add3A_120 : i32
    "tpu.region"() ({
      %run_scoped3A = tpu.sem_alloc : memref<!tpu.dma_semaphore, #tpu.memory_space<semaphore_mem>>
      %dma_start3A_225 = arith.constant 0 : i32
      %dma_start3A_226 = tpu.memref_slice %arg19[%add3A_121, %dma_start3A_225] : memref<10016x128xf32, #tpu.memory_space<vmem_shared>> -> memref<24x128xf32, #tpu.memory_space<vmem_shared>>
      %dma_start3A_227 = arith.constant 0 : i32
      %dma_start3A_228 = tpu.memref_slice %arg19[%add3A_121, %dma_start3A_227] : memref<10016x128xf32, #tpu.memory_space<vmem_shared>> -> memref<24x128xf32, #tpu.memory_space<vmem_shared>>
      tpu.enqueue_dma source(%arg18 : memref<24x128xf32, #tpu.memory_space<vmem>>) target(%dma_start3A_228 : memref<24x128xf32, #tpu.memory_space<vmem_shared>>) target_semaphore(%run_scoped3A : memref<!tpu.dma_semaphore, #tpu.memory_space<semaphore_mem>>)
      %dma_wait3A_229 = arith.constant 0 : i32
      %dma_wait3A_230 = tpu.memref_slice %arg19[%add3A_121, %dma_wait3A_229] : memref<10016x128xf32, #tpu.memory_space<vmem_shared>> -> memref<24x128xf32, #tpu.memory_space<vmem_shared>>
      %dma_wait3A_231 = arith.constant 0 : i32
      %dma_wait3A_232 = tpu.memref_slice %arg19[%add3A_121, %dma_wait3A_231] : memref<10016x128xf32, #tpu.memory_space<vmem_shared>> -> memref<24x128xf32, #tpu.memory_space<vmem_shared>>
      tpu.wait_dma2 semaphore(%run_scoped3A : memref<!tpu.dma_semaphore, #tpu.memory_space<semaphore_mem>>) src(%arg18 : memref<24x128xf32, #tpu.memory_space<vmem>>) dst(%dma_wait3A_232 : memref<24x128xf32, #tpu.memory_space<vmem_shared>>)
      tpu.yield
    }) : () -> ()
    %mul3A_122 = arith.constant 624 : i32
    %mul3A_123 = arith.muli %arg1, %mul3A_122 : i32
    %add3A_124 = arith.constant 120 : i32
    %add3A_125 = arith.addi %mul3A_123, %add3A_124 : i32
    "tpu.region"() ({
      %run_scoped3A = tpu.sem_alloc : memref<!tpu.dma_semaphore, #tpu.memory_space<semaphore_mem>>
      %dma_start3A_225 = arith.constant 0 : i32
      %dma_start3A_226 = tpu.memref_slice %arg19[%add3A_125, %dma_start3A_225] : memref<10016x128xf32, #tpu.memory_space<vmem_shared>> -> memref<24x128xf32, #tpu.memory_space<vmem_shared>>
      %dma_start3A_227 = arith.constant 0 : i32
      %dma_start3A_228 = tpu.memref_slice %arg19[%add3A_125, %dma_start3A_227] : memref<10016x128xf32, #tpu.memory_space<vmem_shared>> -> memref<24x128xf32, #tpu.memory_space<vmem_shared>>
      tpu.enqueue_dma source(%arg18 : memref<24x128xf32, #tpu.memory_space<vmem>>) target(%dma_start3A_228 : memref<24x128xf32, #tpu.memory_space<vmem_shared>>) target_semaphore(%run_scoped3A : memref<!tpu.dma_semaphore, #tpu.memory_space<semaphore_mem>>)
      %dma_wait3A_229 = arith.constant 0 : i32
      %dma_wait3A_230 = tpu.memref_slice %arg19[%add3A_125, %dma_wait3A_229] : memref<10016x128xf32, #tpu.memory_space<vmem_shared>> -> memref<24x128xf32, #tpu.memory_space<vmem_shared>>
      %dma_wait3A_231 = arith.constant 0 : i32
      %dma_wait3A_232 = tpu.memref_slice %arg19[%add3A_125, %dma_wait3A_231] : memref<10016x128xf32, #tpu.memory_space<vmem_shared>> -> memref<24x128xf32, #tpu.memory_space<vmem_shared>>
      tpu.wait_dma2 semaphore(%run_scoped3A : memref<!tpu.dma_semaphore, #tpu.memory_space<semaphore_mem>>) src(%arg18 : memref<24x128xf32, #tpu.memory_space<vmem>>) dst(%dma_wait3A_232 : memref<24x128xf32, #tpu.memory_space<vmem_shared>>)
      tpu.yield
    }) : () -> ()
    %mul3A_126 = arith.constant 624 : i32
    %mul3A_127 = arith.muli %arg1, %mul3A_126 : i32
    %add3A_128 = arith.constant 144 : i32
    %add3A_129 = arith.addi %mul3A_127, %add3A_128 : i32
    "tpu.region"() ({
      %run_scoped3A = tpu.sem_alloc : memref<!tpu.dma_semaphore, #tpu.memory_space<semaphore_mem>>
      %dma_start3A_225 = arith.constant 0 : i32
      %dma_start3A_226 = tpu.memref_slice %arg19[%add3A_129, %dma_start3A_225] : memref<10016x128xf32, #tpu.memory_space<vmem_shared>> -> memref<24x128xf32, #tpu.memory_space<vmem_shared>>
      %dma_start3A_227 = arith.constant 0 : i32
      %dma_start3A_228 = tpu.memref_slice %arg19[%add3A_129, %dma_start3A_227] : memref<10016x128xf32, #tpu.memory_space<vmem_shared>> -> memref<24x128xf32, #tpu.memory_space<vmem_shared>>
      tpu.enqueue_dma source(%arg18 : memref<24x128xf32, #tpu.memory_space<vmem>>) target(%dma_start3A_228 : memref<24x128xf32, #tpu.memory_space<vmem_shared>>) target_semaphore(%run_scoped3A : memref<!tpu.dma_semaphore, #tpu.memory_space<semaphore_mem>>)
      %dma_wait3A_229 = arith.constant 0 : i32
      %dma_wait3A_230 = tpu.memref_slice %arg19[%add3A_129, %dma_wait3A_229] : memref<10016x128xf32, #tpu.memory_space<vmem_shared>> -> memref<24x128xf32, #tpu.memory_space<vmem_shared>>
      %dma_wait3A_231 = arith.constant 0 : i32
      %dma_wait3A_232 = tpu.memref_slice %arg19[%add3A_129, %dma_wait3A_231] : memref<10016x128xf32, #tpu.memory_space<vmem_shared>> -> memref<24x128xf32, #tpu.memory_space<vmem_shared>>
      tpu.wait_dma2 semaphore(%run_scoped3A : memref<!tpu.dma_semaphore, #tpu.memory_space<semaphore_mem>>) src(%arg18 : memref<24x128xf32, #tpu.memory_space<vmem>>) dst(%dma_wait3A_232 : memref<24x128xf32, #tpu.memory_space<vmem_shared>>)
      tpu.yield
    }) : () -> ()
    %mul3A_130 = arith.constant 624 : i32
    %mul3A_131 = arith.muli %arg1, %mul3A_130 : i32
    %add3A_132 = arith.constant 168 : i32
    %add3A_133 = arith.addi %mul3A_131, %add3A_132 : i32
    "tpu.region"() ({
      %run_scoped3A = tpu.sem_alloc : memref<!tpu.dma_semaphore, #tpu.memory_space<semaphore_mem>>
      %dma_start3A_225 = arith.constant 0 : i32
      %dma_start3A_226 = tpu.memref_slice %arg19[%add3A_133, %dma_start3A_225] : memref<10016x128xf32, #tpu.memory_space<vmem_shared>> -> memref<24x128xf32, #tpu.memory_space<vmem_shared>>
      %dma_start3A_227 = arith.constant 0 : i32
      %dma_start3A_228 = tpu.memref_slice %arg19[%add3A_133, %dma_start3A_227] : memref<10016x128xf32, #tpu.memory_space<vmem_shared>> -> memref<24x128xf32, #tpu.memory_space<vmem_shared>>
      tpu.enqueue_dma source(%arg18 : memref<24x128xf32, #tpu.memory_space<vmem>>) target(%dma_start3A_228 : memref<24x128xf32, #tpu.memory_space<vmem_shared>>) target_semaphore(%run_scoped3A : memref<!tpu.dma_semaphore, #tpu.memory_space<semaphore_mem>>)
      %dma_wait3A_229 = arith.constant 0 : i32
      %dma_wait3A_230 = tpu.memref_slice %arg19[%add3A_133, %dma_wait3A_229] : memref<10016x128xf32, #tpu.memory_space<vmem_shared>> -> memref<24x128xf32, #tpu.memory_space<vmem_shared>>
      %dma_wait3A_231 = arith.constant 0 : i32
      %dma_wait3A_232 = tpu.memref_slice %arg19[%add3A_133, %dma_wait3A_231] : memref<10016x128xf32, #tpu.memory_space<vmem_shared>> -> memref<24x128xf32, #tpu.memory_space<vmem_shared>>
      tpu.wait_dma2 semaphore(%run_scoped3A : memref<!tpu.dma_semaphore, #tpu.memory_space<semaphore_mem>>) src(%arg18 : memref<24x128xf32, #tpu.memory_space<vmem>>) dst(%dma_wait3A_232 : memref<24x128xf32, #tpu.memory_space<vmem_shared>>)
      tpu.yield
    }) : () -> ()
    %mul3A_134 = arith.constant 624 : i32
    %mul3A_135 = arith.muli %arg1, %mul3A_134 : i32
    %add3A_136 = arith.constant 192 : i32
    %add3A_137 = arith.addi %mul3A_135, %add3A_136 : i32
    "tpu.region"() ({
      %run_scoped3A = tpu.sem_alloc : memref<!tpu.dma_semaphore, #tpu.memory_space<semaphore_mem>>
      %dma_start3A_225 = arith.constant 0 : i32
      %dma_start3A_226 = tpu.memref_slice %arg19[%add3A_137, %dma_start3A_225] : memref<10016x128xf32, #tpu.memory_space<vmem_shared>> -> memref<24x128xf32, #tpu.memory_space<vmem_shared>>
      %dma_start3A_227 = arith.constant 0 : i32
      %dma_start3A_228 = tpu.memref_slice %arg19[%add3A_137, %dma_start3A_227] : memref<10016x128xf32, #tpu.memory_space<vmem_shared>> -> memref<24x128xf32, #tpu.memory_space<vmem_shared>>
      tpu.enqueue_dma source(%arg18 : memref<24x128xf32, #tpu.memory_space<vmem>>) target(%dma_start3A_228 : memref<24x128xf32, #tpu.memory_space<vmem_shared>>) target_semaphore(%run_scoped3A : memref<!tpu.dma_semaphore, #tpu.memory_space<semaphore_mem>>)
      %dma_wait3A_229 = arith.constant 0 : i32
      %dma_wait3A_230 = tpu.memref_slice %arg19[%add3A_137, %dma_wait3A_229] : memref<10016x128xf32, #tpu.memory_space<vmem_shared>> -> memref<24x128xf32, #tpu.memory_space<vmem_shared>>
      %dma_wait3A_231 = arith.constant 0 : i32
      %dma_wait3A_232 = tpu.memref_slice %arg19[%add3A_137, %dma_wait3A_231] : memref<10016x128xf32, #tpu.memory_space<vmem_shared>> -> memref<24x128xf32, #tpu.memory_space<vmem_shared>>
      tpu.wait_dma2 semaphore(%run_scoped3A : memref<!tpu.dma_semaphore, #tpu.memory_space<semaphore_mem>>) src(%arg18 : memref<24x128xf32, #tpu.memory_space<vmem>>) dst(%dma_wait3A_232 : memref<24x128xf32, #tpu.memory_space<vmem_shared>>)
      tpu.yield
    }) : () -> ()
    %mul3A_138 = arith.constant 624 : i32
    %mul3A_139 = arith.muli %arg1, %mul3A_138 : i32
    %add3A_140 = arith.constant 216 : i32
    %add3A_141 = arith.addi %mul3A_139, %add3A_140 : i32
    "tpu.region"() ({
      %run_scoped3A = tpu.sem_alloc : memref<!tpu.dma_semaphore, #tpu.memory_space<semaphore_mem>>
      %dma_start3A_225 = arith.constant 0 : i32
      %dma_start3A_226 = tpu.memref_slice %arg19[%add3A_141, %dma_start3A_225] : memref<10016x128xf32, #tpu.memory_space<vmem_shared>> -> memref<24x128xf32, #tpu.memory_space<vmem_shared>>
      %dma_start3A_227 = arith.constant 0 : i32
      %dma_start3A_228 = tpu.memref_slice %arg19[%add3A_141, %dma_start3A_227] : memref<10016x128xf32, #tpu.memory_space<vmem_shared>> -> memref<24x128xf32, #tpu.memory_space<vmem_shared>>
      tpu.enqueue_dma source(%arg18 : memref<24x128xf32, #tpu.memory_space<vmem>>) target(%dma_start3A_228 : memref<24x128xf32, #tpu.memory_space<vmem_shared>>) target_semaphore(%run_scoped3A : memref<!tpu.dma_semaphore, #tpu.memory_space<semaphore_mem>>)
      %dma_wait3A_229 = arith.constant 0 : i32
      %dma_wait3A_230 = tpu.memref_slice %arg19[%add3A_141, %dma_wait3A_229] : memref<10016x128xf32, #tpu.memory_space<vmem_shared>> -> memref<24x128xf32, #tpu.memory_space<vmem_shared>>
      %dma_wait3A_231 = arith.constant 0 : i32
      %dma_wait3A_232 = tpu.memref_slice %arg19[%add3A_141, %dma_wait3A_231] : memref<10016x128xf32, #tpu.memory_space<vmem_shared>> -> memref<24x128xf32, #tpu.memory_space<vmem_shared>>
      tpu.wait_dma2 semaphore(%run_scoped3A : memref<!tpu.dma_semaphore, #tpu.memory_space<semaphore_mem>>) src(%arg18 : memref<24x128xf32, #tpu.memory_space<vmem>>) dst(%dma_wait3A_232 : memref<24x128xf32, #tpu.memory_space<vmem_shared>>)
      tpu.yield
    }) : () -> ()
    %mul3A_142 = arith.constant 624 : i32
    %mul3A_143 = arith.muli %arg1, %mul3A_142 : i32
    %add3A_144 = arith.constant 240 : i32
    %add3A_145 = arith.addi %mul3A_143, %add3A_144 : i32
    "tpu.region"() ({
      %run_scoped3A = tpu.sem_alloc : memref<!tpu.dma_semaphore, #tpu.memory_space<semaphore_mem>>
      %dma_start3A_225 = arith.constant 0 : i32
      %dma_start3A_226 = tpu.memref_slice %arg19[%add3A_145, %dma_start3A_225] : memref<10016x128xf32, #tpu.memory_space<vmem_shared>> -> memref<24x128xf32, #tpu.memory_space<vmem_shared>>
      %dma_start3A_227 = arith.constant 0 : i32
      %dma_start3A_228 = tpu.memref_slice %arg19[%add3A_145, %dma_start3A_227] : memref<10016x128xf32, #tpu.memory_space<vmem_shared>> -> memref<24x128xf32, #tpu.memory_space<vmem_shared>>
      tpu.enqueue_dma source(%arg18 : memref<24x128xf32, #tpu.memory_space<vmem>>) target(%dma_start3A_228 : memref<24x128xf32, #tpu.memory_space<vmem_shared>>) target_semaphore(%run_scoped3A : memref<!tpu.dma_semaphore, #tpu.memory_space<semaphore_mem>>)
      %dma_wait3A_229 = arith.constant 0 : i32
      %dma_wait3A_230 = tpu.memref_slice %arg19[%add3A_145, %dma_wait3A_229] : memref<10016x128xf32, #tpu.memory_space<vmem_shared>> -> memref<24x128xf32, #tpu.memory_space<vmem_shared>>
      %dma_wait3A_231 = arith.constant 0 : i32
      %dma_wait3A_232 = tpu.memref_slice %arg19[%add3A_145, %dma_wait3A_231] : memref<10016x128xf32, #tpu.memory_space<vmem_shared>> -> memref<24x128xf32, #tpu.memory_space<vmem_shared>>
      tpu.wait_dma2 semaphore(%run_scoped3A : memref<!tpu.dma_semaphore, #tpu.memory_space<semaphore_mem>>) src(%arg18 : memref<24x128xf32, #tpu.memory_space<vmem>>) dst(%dma_wait3A_232 : memref<24x128xf32, #tpu.memory_space<vmem_shared>>)
      tpu.yield
    }) : () -> ()
    %mul3A_146 = arith.constant 624 : i32
    %mul3A_147 = arith.muli %arg1, %mul3A_146 : i32
    %add3A_148 = arith.constant 264 : i32
    %add3A_149 = arith.addi %mul3A_147, %add3A_148 : i32
    "tpu.region"() ({
      %run_scoped3A = tpu.sem_alloc : memref<!tpu.dma_semaphore, #tpu.memory_space<semaphore_mem>>
      %dma_start3A_225 = arith.constant 0 : i32
      %dma_start3A_226 = tpu.memref_slice %arg19[%add3A_149, %dma_start3A_225] : memref<10016x128xf32, #tpu.memory_space<vmem_shared>> -> memref<24x128xf32, #tpu.memory_space<vmem_shared>>
      %dma_start3A_227 = arith.constant 0 : i32
      %dma_start3A_228 = tpu.memref_slice %arg19[%add3A_149, %dma_start3A_227] : memref<10016x128xf32, #tpu.memory_space<vmem_shared>> -> memref<24x128xf32, #tpu.memory_space<vmem_shared>>
      tpu.enqueue_dma source(%arg18 : memref<24x128xf32, #tpu.memory_space<vmem>>) target(%dma_start3A_228 : memref<24x128xf32, #tpu.memory_space<vmem_shared>>) target_semaphore(%run_scoped3A : memref<!tpu.dma_semaphore, #tpu.memory_space<semaphore_mem>>)
      %dma_wait3A_229 = arith.constant 0 : i32
      %dma_wait3A_230 = tpu.memref_slice %arg19[%add3A_149, %dma_wait3A_229] : memref<10016x128xf32, #tpu.memory_space<vmem_shared>> -> memref<24x128xf32, #tpu.memory_space<vmem_shared>>
      %dma_wait3A_231 = arith.constant 0 : i32
      %dma_wait3A_232 = tpu.memref_slice %arg19[%add3A_149, %dma_wait3A_231] : memref<10016x128xf32, #tpu.memory_space<vmem_shared>> -> memref<24x128xf32, #tpu.memory_space<vmem_shared>>
      tpu.wait_dma2 semaphore(%run_scoped3A : memref<!tpu.dma_semaphore, #tpu.memory_space<semaphore_mem>>) src(%arg18 : memref<24x128xf32, #tpu.memory_space<vmem>>) dst(%dma_wait3A_232 : memref<24x128xf32, #tpu.memory_space<vmem_shared>>)
      tpu.yield
    }) : () -> ()
    %mul3A_150 = arith.constant 624 : i32
    %mul3A_151 = arith.muli %arg1, %mul3A_150 : i32
    %add3A_152 = arith.constant 288 : i32
    %add3A_153 = arith.addi %mul3A_151, %add3A_152 : i32
    "tpu.region"() ({
      %run_scoped3A = tpu.sem_alloc : memref<!tpu.dma_semaphore, #tpu.memory_space<semaphore_mem>>
      %dma_start3A_225 = arith.constant 0 : i32
      %dma_start3A_226 = tpu.memref_slice %arg19[%add3A_153, %dma_start3A_225] : memref<10016x128xf32, #tpu.memory_space<vmem_shared>> -> memref<24x128xf32, #tpu.memory_space<vmem_shared>>
      %dma_start3A_227 = arith.constant 0 : i32
      %dma_start3A_228 = tpu.memref_slice %arg19[%add3A_153, %dma_start3A_227] : memref<10016x128xf32, #tpu.memory_space<vmem_shared>> -> memref<24x128xf32, #tpu.memory_space<vmem_shared>>
      tpu.enqueue_dma source(%arg18 : memref<24x128xf32, #tpu.memory_space<vmem>>) target(%dma_start3A_228 : memref<24x128xf32, #tpu.memory_space<vmem_shared>>) target_semaphore(%run_scoped3A : memref<!tpu.dma_semaphore, #tpu.memory_space<semaphore_mem>>)
      %dma_wait3A_229 = arith.constant 0 : i32
      %dma_wait3A_230 = tpu.memref_slice %arg19[%add3A_153, %dma_wait3A_229] : memref<10016x128xf32, #tpu.memory_space<vmem_shared>> -> memref<24x128xf32, #tpu.memory_space<vmem_shared>>
      %dma_wait3A_231 = arith.constant 0 : i32
      %dma_wait3A_232 = tpu.memref_slice %arg19[%add3A_153, %dma_wait3A_231] : memref<10016x128xf32, #tpu.memory_space<vmem_shared>> -> memref<24x128xf32, #tpu.memory_space<vmem_shared>>
      tpu.wait_dma2 semaphore(%run_scoped3A : memref<!tpu.dma_semaphore, #tpu.memory_space<semaphore_mem>>) src(%arg18 : memref<24x128xf32, #tpu.memory_space<vmem>>) dst(%dma_wait3A_232 : memref<24x128xf32, #tpu.memory_space<vmem_shared>>)
      tpu.yield
    }) : () -> ()
    %mul3A_154 = arith.constant 624 : i32
    %mul3A_155 = arith.muli %arg1, %mul3A_154 : i32
    %add3A_156 = arith.constant 312 : i32
    %add3A_157 = arith.addi %mul3A_155, %add3A_156 : i32
    "tpu.region"() ({
      %run_scoped3A = tpu.sem_alloc : memref<!tpu.dma_semaphore, #tpu.memory_space<semaphore_mem>>
      %dma_start3A_225 = arith.constant 0 : i32
      %dma_start3A_226 = tpu.memref_slice %arg19[%add3A_157, %dma_start3A_225] : memref<10016x128xf32, #tpu.memory_space<vmem_shared>> -> memref<24x128xf32, #tpu.memory_space<vmem_shared>>
      %dma_start3A_227 = arith.constant 0 : i32
      %dma_start3A_228 = tpu.memref_slice %arg19[%add3A_157, %dma_start3A_227] : memref<10016x128xf32, #tpu.memory_space<vmem_shared>> -> memref<24x128xf32, #tpu.memory_space<vmem_shared>>
      tpu.enqueue_dma source(%arg18 : memref<24x128xf32, #tpu.memory_space<vmem>>) target(%dma_start3A_228 : memref<24x128xf32, #tpu.memory_space<vmem_shared>>) target_semaphore(%run_scoped3A : memref<!tpu.dma_semaphore, #tpu.memory_space<semaphore_mem>>)
      %dma_wait3A_229 = arith.constant 0 : i32
      %dma_wait3A_230 = tpu.memref_slice %arg19[%add3A_157, %dma_wait3A_229] : memref<10016x128xf32, #tpu.memory_space<vmem_shared>> -> memref<24x128xf32, #tpu.memory_space<vmem_shared>>
      %dma_wait3A_231 = arith.constant 0 : i32
      %dma_wait3A_232 = tpu.memref_slice %arg19[%add3A_157, %dma_wait3A_231] : memref<10016x128xf32, #tpu.memory_space<vmem_shared>> -> memref<24x128xf32, #tpu.memory_space<vmem_shared>>
      tpu.wait_dma2 semaphore(%run_scoped3A : memref<!tpu.dma_semaphore, #tpu.memory_space<semaphore_mem>>) src(%arg18 : memref<24x128xf32, #tpu.memory_space<vmem>>) dst(%dma_wait3A_232 : memref<24x128xf32, #tpu.memory_space<vmem_shared>>)
      tpu.yield
    }) : () -> ()
    %mul3A_158 = arith.constant 624 : i32
    %mul3A_159 = arith.muli %arg1, %mul3A_158 : i32
    %add3A_160 = arith.constant 336 : i32
    %add3A_161 = arith.addi %mul3A_159, %add3A_160 : i32
    "tpu.region"() ({
      %run_scoped3A = tpu.sem_alloc : memref<!tpu.dma_semaphore, #tpu.memory_space<semaphore_mem>>
      %dma_start3A_225 = arith.constant 0 : i32
      %dma_start3A_226 = tpu.memref_slice %arg19[%add3A_161, %dma_start3A_225] : memref<10016x128xf32, #tpu.memory_space<vmem_shared>> -> memref<24x128xf32, #tpu.memory_space<vmem_shared>>
      %dma_start3A_227 = arith.constant 0 : i32
      %dma_start3A_228 = tpu.memref_slice %arg19[%add3A_161, %dma_start3A_227] : memref<10016x128xf32, #tpu.memory_space<vmem_shared>> -> memref<24x128xf32, #tpu.memory_space<vmem_shared>>
      tpu.enqueue_dma source(%arg18 : memref<24x128xf32, #tpu.memory_space<vmem>>) target(%dma_start3A_228 : memref<24x128xf32, #tpu.memory_space<vmem_shared>>) target_semaphore(%run_scoped3A : memref<!tpu.dma_semaphore, #tpu.memory_space<semaphore_mem>>)
      %dma_wait3A_229 = arith.constant 0 : i32
      %dma_wait3A_230 = tpu.memref_slice %arg19[%add3A_161, %dma_wait3A_229] : memref<10016x128xf32, #tpu.memory_space<vmem_shared>> -> memref<24x128xf32, #tpu.memory_space<vmem_shared>>
      %dma_wait3A_231 = arith.constant 0 : i32
      %dma_wait3A_232 = tpu.memref_slice %arg19[%add3A_161, %dma_wait3A_231] : memref<10016x128xf32, #tpu.memory_space<vmem_shared>> -> memref<24x128xf32, #tpu.memory_space<vmem_shared>>
      tpu.wait_dma2 semaphore(%run_scoped3A : memref<!tpu.dma_semaphore, #tpu.memory_space<semaphore_mem>>) src(%arg18 : memref<24x128xf32, #tpu.memory_space<vmem>>) dst(%dma_wait3A_232 : memref<24x128xf32, #tpu.memory_space<vmem_shared>>)
      tpu.yield
    }) : () -> ()
    %mul3A_162 = arith.constant 624 : i32
    %mul3A_163 = arith.muli %arg1, %mul3A_162 : i32
    %add3A_164 = arith.constant 360 : i32
    %add3A_165 = arith.addi %mul3A_163, %add3A_164 : i32
    "tpu.region"() ({
      %run_scoped3A = tpu.sem_alloc : memref<!tpu.dma_semaphore, #tpu.memory_space<semaphore_mem>>
      %dma_start3A_225 = arith.constant 0 : i32
      %dma_start3A_226 = tpu.memref_slice %arg19[%add3A_165, %dma_start3A_225] : memref<10016x128xf32, #tpu.memory_space<vmem_shared>> -> memref<24x128xf32, #tpu.memory_space<vmem_shared>>
      %dma_start3A_227 = arith.constant 0 : i32
      %dma_start3A_228 = tpu.memref_slice %arg19[%add3A_165, %dma_start3A_227] : memref<10016x128xf32, #tpu.memory_space<vmem_shared>> -> memref<24x128xf32, #tpu.memory_space<vmem_shared>>
      tpu.enqueue_dma source(%arg18 : memref<24x128xf32, #tpu.memory_space<vmem>>) target(%dma_start3A_228 : memref<24x128xf32, #tpu.memory_space<vmem_shared>>) target_semaphore(%run_scoped3A : memref<!tpu.dma_semaphore, #tpu.memory_space<semaphore_mem>>)
      %dma_wait3A_229 = arith.constant 0 : i32
      %dma_wait3A_230 = tpu.memref_slice %arg19[%add3A_165, %dma_wait3A_229] : memref<10016x128xf32, #tpu.memory_space<vmem_shared>> -> memref<24x128xf32, #tpu.memory_space<vmem_shared>>
      %dma_wait3A_231 = arith.constant 0 : i32
      %dma_wait3A_232 = tpu.memref_slice %arg19[%add3A_165, %dma_wait3A_231] : memref<10016x128xf32, #tpu.memory_space<vmem_shared>> -> memref<24x128xf32, #tpu.memory_space<vmem_shared>>
      tpu.wait_dma2 semaphore(%run_scoped3A : memref<!tpu.dma_semaphore, #tpu.memory_space<semaphore_mem>>) src(%arg18 : memref<24x128xf32, #tpu.memory_space<vmem>>) dst(%dma_wait3A_232 : memref<24x128xf32, #tpu.memory_space<vmem_shared>>)
      tpu.yield
    }) : () -> ()
    %mul3A_166 = arith.constant 624 : i32
    %mul3A_167 = arith.muli %arg1, %mul3A_166 : i32
    %add3A_168 = arith.constant 384 : i32
    %add3A_169 = arith.addi %mul3A_167, %add3A_168 : i32
    "tpu.region"() ({
      %run_scoped3A = tpu.sem_alloc : memref<!tpu.dma_semaphore, #tpu.memory_space<semaphore_mem>>
      %dma_start3A_225 = arith.constant 0 : i32
      %dma_start3A_226 = tpu.memref_slice %arg19[%add3A_169, %dma_start3A_225] : memref<10016x128xf32, #tpu.memory_space<vmem_shared>> -> memref<24x128xf32, #tpu.memory_space<vmem_shared>>
      %dma_start3A_227 = arith.constant 0 : i32
      %dma_start3A_228 = tpu.memref_slice %arg19[%add3A_169, %dma_start3A_227] : memref<10016x128xf32, #tpu.memory_space<vmem_shared>> -> memref<24x128xf32, #tpu.memory_space<vmem_shared>>
      tpu.enqueue_dma source(%arg18 : memref<24x128xf32, #tpu.memory_space<vmem>>) target(%dma_start3A_228 : memref<24x128xf32, #tpu.memory_space<vmem_shared>>) target_semaphore(%run_scoped3A : memref<!tpu.dma_semaphore, #tpu.memory_space<semaphore_mem>>)
      %dma_wait3A_229 = arith.constant 0 : i32
      %dma_wait3A_230 = tpu.memref_slice %arg19[%add3A_169, %dma_wait3A_229] : memref<10016x128xf32, #tpu.memory_space<vmem_shared>> -> memref<24x128xf32, #tpu.memory_space<vmem_shared>>
      %dma_wait3A_231 = arith.constant 0 : i32
      %dma_wait3A_232 = tpu.memref_slice %arg19[%add3A_169, %dma_wait3A_231] : memref<10016x128xf32, #tpu.memory_space<vmem_shared>> -> memref<24x128xf32, #tpu.memory_space<vmem_shared>>
      tpu.wait_dma2 semaphore(%run_scoped3A : memref<!tpu.dma_semaphore, #tpu.memory_space<semaphore_mem>>) src(%arg18 : memref<24x128xf32, #tpu.memory_space<vmem>>) dst(%dma_wait3A_232 : memref<24x128xf32, #tpu.memory_space<vmem_shared>>)
      tpu.yield
    }) : () -> ()
    %mul3A_170 = arith.constant 624 : i32
    %mul3A_171 = arith.muli %arg1, %mul3A_170 : i32
    %add3A_172 = arith.constant 408 : i32
    %add3A_173 = arith.addi %mul3A_171, %add3A_172 : i32
    "tpu.region"() ({
      %run_scoped3A = tpu.sem_alloc : memref<!tpu.dma_semaphore, #tpu.memory_space<semaphore_mem>>
      %dma_start3A_225 = arith.constant 0 : i32
      %dma_start3A_226 = tpu.memref_slice %arg19[%add3A_173, %dma_start3A_225] : memref<10016x128xf32, #tpu.memory_space<vmem_shared>> -> memref<24x128xf32, #tpu.memory_space<vmem_shared>>
      %dma_start3A_227 = arith.constant 0 : i32
      %dma_start3A_228 = tpu.memref_slice %arg19[%add3A_173, %dma_start3A_227] : memref<10016x128xf32, #tpu.memory_space<vmem_shared>> -> memref<24x128xf32, #tpu.memory_space<vmem_shared>>
      tpu.enqueue_dma source(%arg18 : memref<24x128xf32, #tpu.memory_space<vmem>>) target(%dma_start3A_228 : memref<24x128xf32, #tpu.memory_space<vmem_shared>>) target_semaphore(%run_scoped3A : memref<!tpu.dma_semaphore, #tpu.memory_space<semaphore_mem>>)
      %dma_wait3A_229 = arith.constant 0 : i32
      %dma_wait3A_230 = tpu.memref_slice %arg19[%add3A_173, %dma_wait3A_229] : memref<10016x128xf32, #tpu.memory_space<vmem_shared>> -> memref<24x128xf32, #tpu.memory_space<vmem_shared>>
      %dma_wait3A_231 = arith.constant 0 : i32
      %dma_wait3A_232 = tpu.memref_slice %arg19[%add3A_173, %dma_wait3A_231] : memref<10016x128xf32, #tpu.memory_space<vmem_shared>> -> memref<24x128xf32, #tpu.memory_space<vmem_shared>>
      tpu.wait_dma2 semaphore(%run_scoped3A : memref<!tpu.dma_semaphore, #tpu.memory_space<semaphore_mem>>) src(%arg18 : memref<24x128xf32, #tpu.memory_space<vmem>>) dst(%dma_wait3A_232 : memref<24x128xf32, #tpu.memory_space<vmem_shared>>)
      tpu.yield
    }) : () -> ()
    %mul3A_174 = arith.constant 624 : i32
    %mul3A_175 = arith.muli %arg1, %mul3A_174 : i32
    %add3A_176 = arith.constant 432 : i32
    %add3A_177 = arith.addi %mul3A_175, %add3A_176 : i32
    "tpu.region"() ({
      %run_scoped3A = tpu.sem_alloc : memref<!tpu.dma_semaphore, #tpu.memory_space<semaphore_mem>>
      %dma_start3A_225 = arith.constant 0 : i32
      %dma_start3A_226 = tpu.memref_slice %arg19[%add3A_177, %dma_start3A_225] : memref<10016x128xf32, #tpu.memory_space<vmem_shared>> -> memref<24x128xf32, #tpu.memory_space<vmem_shared>>
      %dma_start3A_227 = arith.constant 0 : i32
      %dma_start3A_228 = tpu.memref_slice %arg19[%add3A_177, %dma_start3A_227] : memref<10016x128xf32, #tpu.memory_space<vmem_shared>> -> memref<24x128xf32, #tpu.memory_space<vmem_shared>>
      tpu.enqueue_dma source(%arg18 : memref<24x128xf32, #tpu.memory_space<vmem>>) target(%dma_start3A_228 : memref<24x128xf32, #tpu.memory_space<vmem_shared>>) target_semaphore(%run_scoped3A : memref<!tpu.dma_semaphore, #tpu.memory_space<semaphore_mem>>)
      %dma_wait3A_229 = arith.constant 0 : i32
      %dma_wait3A_230 = tpu.memref_slice %arg19[%add3A_177, %dma_wait3A_229] : memref<10016x128xf32, #tpu.memory_space<vmem_shared>> -> memref<24x128xf32, #tpu.memory_space<vmem_shared>>
      %dma_wait3A_231 = arith.constant 0 : i32
      %dma_wait3A_232 = tpu.memref_slice %arg19[%add3A_177, %dma_wait3A_231] : memref<10016x128xf32, #tpu.memory_space<vmem_shared>> -> memref<24x128xf32, #tpu.memory_space<vmem_shared>>
      tpu.wait_dma2 semaphore(%run_scoped3A : memref<!tpu.dma_semaphore, #tpu.memory_space<semaphore_mem>>) src(%arg18 : memref<24x128xf32, #tpu.memory_space<vmem>>) dst(%dma_wait3A_232 : memref<24x128xf32, #tpu.memory_space<vmem_shared>>)
      tpu.yield
    }) : () -> ()
    %mul3A_178 = arith.constant 624 : i32
    %mul3A_179 = arith.muli %arg1, %mul3A_178 : i32
    %add3A_180 = arith.constant 456 : i32
    %add3A_181 = arith.addi %mul3A_179, %add3A_180 : i32
    "tpu.region"() ({
      %run_scoped3A = tpu.sem_alloc : memref<!tpu.dma_semaphore, #tpu.memory_space<semaphore_mem>>
      %dma_start3A_225 = arith.constant 0 : i32
      %dma_start3A_226 = tpu.memref_slice %arg19[%add3A_181, %dma_start3A_225] : memref<10016x128xf32, #tpu.memory_space<vmem_shared>> -> memref<24x128xf32, #tpu.memory_space<vmem_shared>>
      %dma_start3A_227 = arith.constant 0 : i32
      %dma_start3A_228 = tpu.memref_slice %arg19[%add3A_181, %dma_start3A_227] : memref<10016x128xf32, #tpu.memory_space<vmem_shared>> -> memref<24x128xf32, #tpu.memory_space<vmem_shared>>
      tpu.enqueue_dma source(%arg18 : memref<24x128xf32, #tpu.memory_space<vmem>>) target(%dma_start3A_228 : memref<24x128xf32, #tpu.memory_space<vmem_shared>>) target_semaphore(%run_scoped3A : memref<!tpu.dma_semaphore, #tpu.memory_space<semaphore_mem>>)
      %dma_wait3A_229 = arith.constant 0 : i32
      %dma_wait3A_230 = tpu.memref_slice %arg19[%add3A_181, %dma_wait3A_229] : memref<10016x128xf32, #tpu.memory_space<vmem_shared>> -> memref<24x128xf32, #tpu.memory_space<vmem_shared>>
      %dma_wait3A_231 = arith.constant 0 : i32
      %dma_wait3A_232 = tpu.memref_slice %arg19[%add3A_181, %dma_wait3A_231] : memref<10016x128xf32, #tpu.memory_space<vmem_shared>> -> memref<24x128xf32, #tpu.memory_space<vmem_shared>>
      tpu.wait_dma2 semaphore(%run_scoped3A : memref<!tpu.dma_semaphore, #tpu.memory_space<semaphore_mem>>) src(%arg18 : memref<24x128xf32, #tpu.memory_space<vmem>>) dst(%dma_wait3A_232 : memref<24x128xf32, #tpu.memory_space<vmem_shared>>)
      tpu.yield
    }) : () -> ()
    %mul3A_182 = arith.constant 624 : i32
    %mul3A_183 = arith.muli %arg1, %mul3A_182 : i32
    %add3A_184 = arith.constant 480 : i32
    %add3A_185 = arith.addi %mul3A_183, %add3A_184 : i32
    "tpu.region"() ({
      %run_scoped3A = tpu.sem_alloc : memref<!tpu.dma_semaphore, #tpu.memory_space<semaphore_mem>>
      %dma_start3A_225 = arith.constant 0 : i32
      %dma_start3A_226 = tpu.memref_slice %arg19[%add3A_185, %dma_start3A_225] : memref<10016x128xf32, #tpu.memory_space<vmem_shared>> -> memref<24x128xf32, #tpu.memory_space<vmem_shared>>
      %dma_start3A_227 = arith.constant 0 : i32
      %dma_start3A_228 = tpu.memref_slice %arg19[%add3A_185, %dma_start3A_227] : memref<10016x128xf32, #tpu.memory_space<vmem_shared>> -> memref<24x128xf32, #tpu.memory_space<vmem_shared>>
      tpu.enqueue_dma source(%arg18 : memref<24x128xf32, #tpu.memory_space<vmem>>) target(%dma_start3A_228 : memref<24x128xf32, #tpu.memory_space<vmem_shared>>) target_semaphore(%run_scoped3A : memref<!tpu.dma_semaphore, #tpu.memory_space<semaphore_mem>>)
      %dma_wait3A_229 = arith.constant 0 : i32
      %dma_wait3A_230 = tpu.memref_slice %arg19[%add3A_185, %dma_wait3A_229] : memref<10016x128xf32, #tpu.memory_space<vmem_shared>> -> memref<24x128xf32, #tpu.memory_space<vmem_shared>>
      %dma_wait3A_231 = arith.constant 0 : i32
      %dma_wait3A_232 = tpu.memref_slice %arg19[%add3A_185, %dma_wait3A_231] : memref<10016x128xf32, #tpu.memory_space<vmem_shared>> -> memref<24x128xf32, #tpu.memory_space<vmem_shared>>
      tpu.wait_dma2 semaphore(%run_scoped3A : memref<!tpu.dma_semaphore, #tpu.memory_space<semaphore_mem>>) src(%arg18 : memref<24x128xf32, #tpu.memory_space<vmem>>) dst(%dma_wait3A_232 : memref<24x128xf32, #tpu.memory_space<vmem_shared>>)
      tpu.yield
    }) : () -> ()
    %mul3A_186 = arith.constant 624 : i32
    %mul3A_187 = arith.muli %arg1, %mul3A_186 : i32
    %add3A_188 = arith.constant 504 : i32
    %add3A_189 = arith.addi %mul3A_187, %add3A_188 : i32
    "tpu.region"() ({
      %run_scoped3A = tpu.sem_alloc : memref<!tpu.dma_semaphore, #tpu.memory_space<semaphore_mem>>
      %dma_start3A_225 = arith.constant 0 : i32
      %dma_start3A_226 = tpu.memref_slice %arg19[%add3A_189, %dma_start3A_225] : memref<10016x128xf32, #tpu.memory_space<vmem_shared>> -> memref<24x128xf32, #tpu.memory_space<vmem_shared>>
      %dma_start3A_227 = arith.constant 0 : i32
      %dma_start3A_228 = tpu.memref_slice %arg19[%add3A_189, %dma_start3A_227] : memref<10016x128xf32, #tpu.memory_space<vmem_shared>> -> memref<24x128xf32, #tpu.memory_space<vmem_shared>>
      tpu.enqueue_dma source(%arg18 : memref<24x128xf32, #tpu.memory_space<vmem>>) target(%dma_start3A_228 : memref<24x128xf32, #tpu.memory_space<vmem_shared>>) target_semaphore(%run_scoped3A : memref<!tpu.dma_semaphore, #tpu.memory_space<semaphore_mem>>)
      %dma_wait3A_229 = arith.constant 0 : i32
      %dma_wait3A_230 = tpu.memref_slice %arg19[%add3A_189, %dma_wait3A_229] : memref<10016x128xf32, #tpu.memory_space<vmem_shared>> -> memref<24x128xf32, #tpu.memory_space<vmem_shared>>
      %dma_wait3A_231 = arith.constant 0 : i32
      %dma_wait3A_232 = tpu.memref_slice %arg19[%add3A_189, %dma_wait3A_231] : memref<10016x128xf32, #tpu.memory_space<vmem_shared>> -> memref<24x128xf32, #tpu.memory_space<vmem_shared>>
      tpu.wait_dma2 semaphore(%run_scoped3A : memref<!tpu.dma_semaphore, #tpu.memory_space<semaphore_mem>>) src(%arg18 : memref<24x128xf32, #tpu.memory_space<vmem>>) dst(%dma_wait3A_232 : memref<24x128xf32, #tpu.memory_space<vmem_shared>>)
      tpu.yield
    }) : () -> ()
    %mul3A_190 = arith.constant 624 : i32
    %mul3A_191 = arith.muli %arg1, %mul3A_190 : i32
    %add3A_192 = arith.constant 528 : i32
    %add3A_193 = arith.addi %mul3A_191, %add3A_192 : i32
    "tpu.region"() ({
      %run_scoped3A = tpu.sem_alloc : memref<!tpu.dma_semaphore, #tpu.memory_space<semaphore_mem>>
      %dma_start3A_225 = arith.constant 0 : i32
      %dma_start3A_226 = tpu.memref_slice %arg19[%add3A_193, %dma_start3A_225] : memref<10016x128xf32, #tpu.memory_space<vmem_shared>> -> memref<24x128xf32, #tpu.memory_space<vmem_shared>>
      %dma_start3A_227 = arith.constant 0 : i32
      %dma_start3A_228 = tpu.memref_slice %arg19[%add3A_193, %dma_start3A_227] : memref<10016x128xf32, #tpu.memory_space<vmem_shared>> -> memref<24x128xf32, #tpu.memory_space<vmem_shared>>
      tpu.enqueue_dma source(%arg18 : memref<24x128xf32, #tpu.memory_space<vmem>>) target(%dma_start3A_228 : memref<24x128xf32, #tpu.memory_space<vmem_shared>>) target_semaphore(%run_scoped3A : memref<!tpu.dma_semaphore, #tpu.memory_space<semaphore_mem>>)
      %dma_wait3A_229 = arith.constant 0 : i32
      %dma_wait3A_230 = tpu.memref_slice %arg19[%add3A_193, %dma_wait3A_229] : memref<10016x128xf32, #tpu.memory_space<vmem_shared>> -> memref<24x128xf32, #tpu.memory_space<vmem_shared>>
      %dma_wait3A_231 = arith.constant 0 : i32
      %dma_wait3A_232 = tpu.memref_slice %arg19[%add3A_193, %dma_wait3A_231] : memref<10016x128xf32, #tpu.memory_space<vmem_shared>> -> memref<24x128xf32, #tpu.memory_space<vmem_shared>>
      tpu.wait_dma2 semaphore(%run_scoped3A : memref<!tpu.dma_semaphore, #tpu.memory_space<semaphore_mem>>) src(%arg18 : memref<24x128xf32, #tpu.memory_space<vmem>>) dst(%dma_wait3A_232 : memref<24x128xf32, #tpu.memory_space<vmem_shared>>)
      tpu.yield
    }) : () -> ()
    %mul3A_194 = arith.constant 624 : i32
    %mul3A_195 = arith.muli %arg1, %mul3A_194 : i32
    %add3A_196 = arith.constant 552 : i32
    %add3A_197 = arith.addi %mul3A_195, %add3A_196 : i32
    "tpu.region"() ({
      %run_scoped3A = tpu.sem_alloc : memref<!tpu.dma_semaphore, #tpu.memory_space<semaphore_mem>>
      %dma_start3A_225 = arith.constant 0 : i32
      %dma_start3A_226 = tpu.memref_slice %arg19[%add3A_197, %dma_start3A_225] : memref<10016x128xf32, #tpu.memory_space<vmem_shared>> -> memref<24x128xf32, #tpu.memory_space<vmem_shared>>
      %dma_start3A_227 = arith.constant 0 : i32
      %dma_start3A_228 = tpu.memref_slice %arg19[%add3A_197, %dma_start3A_227] : memref<10016x128xf32, #tpu.memory_space<vmem_shared>> -> memref<24x128xf32, #tpu.memory_space<vmem_shared>>
      tpu.enqueue_dma source(%arg18 : memref<24x128xf32, #tpu.memory_space<vmem>>) target(%dma_start3A_228 : memref<24x128xf32, #tpu.memory_space<vmem_shared>>) target_semaphore(%run_scoped3A : memref<!tpu.dma_semaphore, #tpu.memory_space<semaphore_mem>>)
      %dma_wait3A_229 = arith.constant 0 : i32
      %dma_wait3A_230 = tpu.memref_slice %arg19[%add3A_197, %dma_wait3A_229] : memref<10016x128xf32, #tpu.memory_space<vmem_shared>> -> memref<24x128xf32, #tpu.memory_space<vmem_shared>>
      %dma_wait3A_231 = arith.constant 0 : i32
      %dma_wait3A_232 = tpu.memref_slice %arg19[%add3A_197, %dma_wait3A_231] : memref<10016x128xf32, #tpu.memory_space<vmem_shared>> -> memref<24x128xf32, #tpu.memory_space<vmem_shared>>
      tpu.wait_dma2 semaphore(%run_scoped3A : memref<!tpu.dma_semaphore, #tpu.memory_space<semaphore_mem>>) src(%arg18 : memref<24x128xf32, #tpu.memory_space<vmem>>) dst(%dma_wait3A_232 : memref<24x128xf32, #tpu.memory_space<vmem_shared>>)
      tpu.yield
    }) : () -> ()
    %mul3A_198 = arith.constant 624 : i32
    %mul3A_199 = arith.muli %arg1, %mul3A_198 : i32
    %add3A_200 = arith.constant 576 : i32
    %add3A_201 = arith.addi %mul3A_199, %add3A_200 : i32
    "tpu.region"() ({
      %run_scoped3A = tpu.sem_alloc : memref<!tpu.dma_semaphore, #tpu.memory_space<semaphore_mem>>
      %dma_start3A_225 = arith.constant 0 : i32
      %dma_start3A_226 = tpu.memref_slice %arg19[%add3A_201, %dma_start3A_225] : memref<10016x128xf32, #tpu.memory_space<vmem_shared>> -> memref<24x128xf32, #tpu.memory_space<vmem_shared>>
      %dma_start3A_227 = arith.constant 0 : i32
      %dma_start3A_228 = tpu.memref_slice %arg19[%add3A_201, %dma_start3A_227] : memref<10016x128xf32, #tpu.memory_space<vmem_shared>> -> memref<24x128xf32, #tpu.memory_space<vmem_shared>>
      tpu.enqueue_dma source(%arg18 : memref<24x128xf32, #tpu.memory_space<vmem>>) target(%dma_start3A_228 : memref<24x128xf32, #tpu.memory_space<vmem_shared>>) target_semaphore(%run_scoped3A : memref<!tpu.dma_semaphore, #tpu.memory_space<semaphore_mem>>)
      %dma_wait3A_229 = arith.constant 0 : i32
      %dma_wait3A_230 = tpu.memref_slice %arg19[%add3A_201, %dma_wait3A_229] : memref<10016x128xf32, #tpu.memory_space<vmem_shared>> -> memref<24x128xf32, #tpu.memory_space<vmem_shared>>
      %dma_wait3A_231 = arith.constant 0 : i32
      %dma_wait3A_232 = tpu.memref_slice %arg19[%add3A_201, %dma_wait3A_231] : memref<10016x128xf32, #tpu.memory_space<vmem_shared>> -> memref<24x128xf32, #tpu.memory_space<vmem_shared>>
      tpu.wait_dma2 semaphore(%run_scoped3A : memref<!tpu.dma_semaphore, #tpu.memory_space<semaphore_mem>>) src(%arg18 : memref<24x128xf32, #tpu.memory_space<vmem>>) dst(%dma_wait3A_232 : memref<24x128xf32, #tpu.memory_space<vmem_shared>>)
      tpu.yield
    }) : () -> ()
    %mul3A_202 = arith.constant 624 : i32
    %mul3A_203 = arith.muli %arg1, %mul3A_202 : i32
    %add3A_204 = arith.constant 600 : i32
    %add3A_205 = arith.addi %mul3A_203, %add3A_204 : i32
    "tpu.region"() ({
      %run_scoped3A = tpu.sem_alloc : memref<!tpu.dma_semaphore, #tpu.memory_space<semaphore_mem>>
      %dma_start3A_225 = arith.constant 0 : i32
      %dma_start3A_226 = tpu.memref_slice %arg19[%add3A_205, %dma_start3A_225] : memref<10016x128xf32, #tpu.memory_space<vmem_shared>> -> memref<24x128xf32, #tpu.memory_space<vmem_shared>>
      %dma_start3A_227 = arith.constant 0 : i32
      %dma_start3A_228 = tpu.memref_slice %arg19[%add3A_205, %dma_start3A_227] : memref<10016x128xf32, #tpu.memory_space<vmem_shared>> -> memref<24x128xf32, #tpu.memory_space<vmem_shared>>
      tpu.enqueue_dma source(%arg18 : memref<24x128xf32, #tpu.memory_space<vmem>>) target(%dma_start3A_228 : memref<24x128xf32, #tpu.memory_space<vmem_shared>>) target_semaphore(%run_scoped3A : memref<!tpu.dma_semaphore, #tpu.memory_space<semaphore_mem>>)
      %dma_wait3A_229 = arith.constant 0 : i32
      %dma_wait3A_230 = tpu.memref_slice %arg19[%add3A_205, %dma_wait3A_229] : memref<10016x128xf32, #tpu.memory_space<vmem_shared>> -> memref<24x128xf32, #tpu.memory_space<vmem_shared>>
      %dma_wait3A_231 = arith.constant 0 : i32
      %dma_wait3A_232 = tpu.memref_slice %arg19[%add3A_205, %dma_wait3A_231] : memref<10016x128xf32, #tpu.memory_space<vmem_shared>> -> memref<24x128xf32, #tpu.memory_space<vmem_shared>>
      tpu.wait_dma2 semaphore(%run_scoped3A : memref<!tpu.dma_semaphore, #tpu.memory_space<semaphore_mem>>) src(%arg18 : memref<24x128xf32, #tpu.memory_space<vmem>>) dst(%dma_wait3A_232 : memref<24x128xf32, #tpu.memory_space<vmem_shared>>)
      tpu.yield
    }) : () -> ()
    %eq3A = arith.constant 0 : i32
    %eq3A_206 = arith.cmpi eq, %arg1, %eq3A : i32
    %convert_element_type3A = arith.extui %eq3A_206 : i1 to i32
    %cond3A = arith.constant 0 : i32
    %cond3A_207 = arith.cmpi ne, %convert_element_type3A, %cond3A : i32
    scf.if %cond3A_207 {
      "tpu.region"() ({
        %run_scoped3A = tpu.sem_alloc : memref<!tpu.dma_semaphore, #tpu.memory_space<semaphore_mem>>
        %dma_start3A_225 = arith.constant 0 : i32
        %dma_start3A_226 = arith.constant 0 : i32
        %dma_start3A_227 = tpu.memref_slice %arg18[%dma_start3A_225, %dma_start3A_226] : memref<24x128xf32, #tpu.memory_space<vmem>> -> memref<16x128xf32, #tpu.memory_space<vmem>>
        %dma_start3A_228 = arith.constant 9984 : i32
        %dma_start3A_229 = arith.constant 0 : i32
        %dma_start3A_230 = tpu.memref_slice %arg19[%dma_start3A_228, %dma_start3A_229] : memref<10016x128xf32, #tpu.memory_space<vmem_shared>> -> memref<16x128xf32, #tpu.memory_space<vmem_shared>>
        %dma_start3A_231 = arith.constant 9984 : i32
        %dma_start3A_232 = arith.constant 0 : i32
        %dma_start3A_233 = tpu.memref_slice %arg19[%dma_start3A_231, %dma_start3A_232] : memref<10016x128xf32, #tpu.memory_space<vmem_shared>> -> memref<16x128xf32, #tpu.memory_space<vmem_shared>>
        %dma_start3A_234 = arith.constant 0 : i32
        %dma_start3A_235 = arith.constant 0 : i32
        %dma_start3A_236 = tpu.memref_slice %arg18[%dma_start3A_234, %dma_start3A_235] : memref<24x128xf32, #tpu.memory_space<vmem>> -> memref<16x128xf32, #tpu.memory_space<vmem>>
        tpu.enqueue_dma source(%dma_start3A_236 : memref<16x128xf32, #tpu.memory_space<vmem>>) target(%dma_start3A_233 : memref<16x128xf32, #tpu.memory_space<vmem_shared>>) target_semaphore(%run_scoped3A : memref<!tpu.dma_semaphore, #tpu.memory_space<semaphore_mem>>)
        %dma_wait3A_237 = arith.constant 0 : i32
        %dma_wait3A_238 = arith.constant 0 : i32
        %dma_wait3A_239 = tpu.memref_slice %arg18[%dma_wait3A_237, %dma_wait3A_238] : memref<24x128xf32, #tpu.memory_space<vmem>> -> memref<16x128xf32, #tpu.memory_space<vmem>>
        %dma_wait3A_240 = arith.constant 9984 : i32
        %dma_wait3A_241 = arith.constant 0 : i32
        %dma_wait3A_242 = tpu.memref_slice %arg19[%dma_wait3A_240, %dma_wait3A_241] : memref<10016x128xf32, #tpu.memory_space<vmem_shared>> -> memref<16x128xf32, #tpu.memory_space<vmem_shared>>
        %dma_wait3A_243 = arith.constant 9984 : i32
        %dma_wait3A_244 = arith.constant 0 : i32
        %dma_wait3A_245 = tpu.memref_slice %arg19[%dma_wait3A_243, %dma_wait3A_244] : memref<10016x128xf32, #tpu.memory_space<vmem_shared>> -> memref<16x128xf32, #tpu.memory_space<vmem_shared>>
        %dma_wait3A_246 = arith.constant 0 : i32
        %dma_wait3A_247 = arith.constant 0 : i32
        %dma_wait3A_248 = tpu.memref_slice %arg18[%dma_wait3A_246, %dma_wait3A_247] : memref<24x128xf32, #tpu.memory_space<vmem>> -> memref<16x128xf32, #tpu.memory_space<vmem>>
        tpu.wait_dma2 semaphore(%run_scoped3A : memref<!tpu.dma_semaphore, #tpu.memory_space<semaphore_mem>>) src(%dma_wait3A_248 : memref<16x128xf32, #tpu.memory_space<vmem>>) dst(%dma_wait3A_245 : memref<16x128xf32, #tpu.memory_space<vmem_shared>>)
        tpu.yield
      }) : () -> ()
    } else {
    }
    %barrier3A = arith.constant 0 : index
    tpu.barrier barrier_id(%barrier3A)
    %scan3A_208 = arith.constant 0 : i32
    %scan3A_209 = arith.constant 0 : i32
    %scan3A_210 = arith.constant 29 : i32
    %scan3A_211 = arith.addi %scan3A_209, %scan3A_210 : i32
    %scan3A_212 = arith.constant 1 : i32
    %scan3A_213 = scf.for %scan3A_225 = %scan3A_209 to %scan3A_211 step %scan3A_212 iter_args(%scan3A_226 = %scan3A_208) -> (i32)  : i32 {
      %mul3A_227 = arith.constant 4 : i32
      %mul3A_228 = arith.muli %scan3A_225, %mul3A_227 : i32
      %add3A_229 = arith.constant 0 : i32
      %add3A_230 = arith.addi %mul3A_228, %add3A_229 : i32
      %dma_wait3A_231 = arith.constant 0 : i32
      %dma_wait3A_232 = arith.constant 0 : i32
      %dma_wait3A_233 = tpu.memref_slice %arg2[%dma_wait3A_231, %dma_wait3A_232] : memref<10000x128xf32, #tpu.memory_space<hbm>> -> memref<10000x128xf32, #tpu.memory_space<hbm>>
      tpu.wait_indirect_dma semaphore(%arg20 : memref<!tpu.dma_semaphore, #tpu.memory_space<semaphore_mem>>) src(%dma_wait3A_233 : memref<10000x128xf32, #tpu.memory_space<hbm>>) dst(%arg14 : memref<88x128xf32, #tpu.memory_space<vmem>>)
      %add3A_234 = arith.constant 4 : i32
      %add3A_235 = arith.addi %add3A_230, %add3A_234 : i32
      %lt3A = arith.constant 116 : i32
      %lt3A_236 = arith.cmpi slt, %add3A_235, %lt3A : i32
      %convert_element_type3A_237 = arith.extui %lt3A_236 : i1 to i32
      %cond3A_238 = arith.constant 0 : i32
      %cond3A_239 = arith.cmpi ne, %convert_element_type3A_237, %cond3A_238 : i32
      scf.if %cond3A_239 {
        %add3A_333 = arith.constant 4 : i32
        %add3A_334 = arith.addi %add3A_230, %add3A_333 : i32
        %dma_start3A_335 = arith.constant 0 : i32
        %dma_start3A_336 = tpu.memref_slice %arg3[%add3A, %add3A_334, %dma_start3A_335] : memref<32x116x88xi32, #tpu.memory_space<hbm>> -> memref<1x1x88xi32, #tpu.memory_space<hbm>>
        %dma_start3A_337 = tpu.memref_squeeze %dma_start3A_336 : memref<1x1x88xi32, #tpu.memory_space<hbm>> -> memref<88xi32, #tpu.memory_space<hbm>>
        %dma_start3A_338 = arith.constant 0 : i32
        %dma_start3A_339 = tpu.memref_slice %arg3[%add3A, %add3A_334, %dma_start3A_338] : memref<32x116x88xi32, #tpu.memory_space<hbm>> -> memref<1x1x88xi32, #tpu.memory_space<hbm>>
        %dma_start3A_340 = tpu.memref_squeeze %dma_start3A_339 : memref<1x1x88xi32, #tpu.memory_space<hbm>> -> memref<88xi32, #tpu.memory_space<hbm>>
        tpu.enqueue_dma source(%dma_start3A_340 : memref<88xi32, #tpu.memory_space<hbm>>) target(%arg6 : memref<88xi32, #tpu.memory_space<vmem>>) target_semaphore(%arg24 : memref<!tpu.dma_semaphore, #tpu.memory_space<semaphore_mem>>)
      } else {
      }
      %dma_wait3A_240 = arith.constant 0 : i32
      %dma_wait3A_241 = arith.constant 0 : i32
      %dma_wait3A_242 = tpu.memref_slice %arg4[%add3A, %dma_wait3A_240, %dma_wait3A_241] : memref<32x116x88xi32, #tpu.memory_space<hbm>> -> memref<1x1x88xi32, #tpu.memory_space<hbm>>
      %dma_wait3A_243 = tpu.memref_squeeze %dma_wait3A_242 : memref<1x1x88xi32, #tpu.memory_space<hbm>> -> memref<88xi32, #tpu.memory_space<hbm>>
      %dma_wait3A_244 = arith.constant 0 : i32
      %dma_wait3A_245 = tpu.memref_slice %arg4[%add3A, %dma_wait3A_240, %dma_wait3A_244] : memref<32x116x88xi32, #tpu.memory_space<hbm>> -> memref<1x1x88xi32, #tpu.memory_space<hbm>>
      %dma_wait3A_246 = tpu.memref_squeeze %dma_wait3A_245 : memref<1x1x88xi32, #tpu.memory_space<hbm>> -> memref<88xi32, #tpu.memory_space<hbm>>
      tpu.wait_dma2 semaphore(%arg28 : memref<!tpu.dma_semaphore, #tpu.memory_space<semaphore_mem>>) src(%dma_wait3A_246 : memref<88xi32, #tpu.memory_space<hbm>>) dst(%arg10 : memref<88xi32, #tpu.memory_space<vmem>>)
      "tpu.region"() ({
        %run_scoped3A = tpu.sem_alloc : memref<!tpu.dma_semaphore, #tpu.memory_space<semaphore_mem>>
        %dma_start3A_333 = arith.constant 0 : i32
        %dma_start3A_334 = arith.constant 0 : i32
        %dma_start3A_335 = tpu.memref_slice %arg19[%dma_start3A_333, %dma_start3A_334] : memref<10016x128xf32, #tpu.memory_space<vmem_shared>> -> memref<10016x128xf32, #tpu.memory_space<vmem_shared>>
        tpu.enqueue_indirect_dma source(%arg14 : memref<88x128xf32, #tpu.memory_space<vmem>>) target(%dma_start3A_335 : memref<10016x128xf32, #tpu.memory_space<vmem_shared>>) offsets(%arg10 : memref<88xi32, #tpu.memory_space<vmem>>) semaphore(%run_scoped3A : memref<!tpu.dma_semaphore, #tpu.memory_space<semaphore_mem>>) {add = true}
        %dma_wait3A_336 = arith.constant 0 : i32
        %dma_wait3A_337 = arith.constant 0 : i32
        %dma_wait3A_338 = tpu.memref_slice %arg19[%dma_wait3A_336, %dma_wait3A_337] : memref<10016x128xf32, #tpu.memory_space<vmem_shared>> -> memref<10016x128xf32, #tpu.memory_space<vmem_shared>>
        tpu.wait_indirect_dma semaphore(%run_scoped3A : memref<!tpu.dma_semaphore, #tpu.memory_space<semaphore_mem>>) src(%arg14 : memref<88x128xf32, #tpu.memory_space<vmem>>) dst(%dma_wait3A_338 : memref<10016x128xf32, #tpu.memory_space<vmem_shared>>)
        tpu.yield
      }) : () -> ()
      %add3A_247 = arith.constant 4 : i32
      %add3A_248 = arith.addi %add3A_230, %add3A_247 : i32
      %lt3A_249 = arith.constant 116 : i32
      %lt3A_250 = arith.cmpi slt, %add3A_248, %lt3A_249 : i32
      %convert_element_type3A_251 = arith.extui %lt3A_250 : i1 to i32
      %cond3A_252 = arith.constant 0 : i32
      %cond3A_253 = arith.cmpi ne, %convert_element_type3A_251, %cond3A_252 : i32
      scf.if %cond3A_253 {
        %add3A_333 = arith.constant 4 : i32
        %add3A_334 = arith.addi %add3A_230, %add3A_333 : i32
        %dma_start3A_335 = arith.constant 0 : i32
        %dma_start3A_336 = tpu.memref_slice %arg4[%add3A, %add3A_334, %dma_start3A_335] : memref<32x116x88xi32, #tpu.memory_space<hbm>> -> memref<1x1x88xi32, #tpu.memory_space<hbm>>
        %dma_start3A_337 = tpu.memref_squeeze %dma_start3A_336 : memref<1x1x88xi32, #tpu.memory_space<hbm>> -> memref<88xi32, #tpu.memory_space<hbm>>
        %dma_start3A_338 = arith.constant 0 : i32
        %dma_start3A_339 = tpu.memref_slice %arg4[%add3A, %add3A_334, %dma_start3A_338] : memref<32x116x88xi32, #tpu.memory_space<hbm>> -> memref<1x1x88xi32, #tpu.memory_space<hbm>>
        %dma_start3A_340 = tpu.memref_squeeze %dma_start3A_339 : memref<1x1x88xi32, #tpu.memory_space<hbm>> -> memref<88xi32, #tpu.memory_space<hbm>>
        tpu.enqueue_dma source(%dma_start3A_340 : memref<88xi32, #tpu.memory_space<hbm>>) target(%arg10 : memref<88xi32, #tpu.memory_space<vmem>>) target_semaphore(%arg28 : memref<!tpu.dma_semaphore, #tpu.memory_space<semaphore_mem>>)
        %dma_wait3A_341 = arith.constant 0 : i32
        %dma_wait3A_342 = arith.constant 0 : i32
        %dma_wait3A_343 = tpu.memref_slice %arg3[%add3A, %dma_wait3A_341, %dma_wait3A_342] : memref<32x116x88xi32, #tpu.memory_space<hbm>> -> memref<1x1x88xi32, #tpu.memory_space<hbm>>
        %dma_wait3A_344 = tpu.memref_squeeze %dma_wait3A_343 : memref<1x1x88xi32, #tpu.memory_space<hbm>> -> memref<88xi32, #tpu.memory_space<hbm>>
        %dma_wait3A_345 = arith.constant 0 : i32
        %dma_wait3A_346 = tpu.memref_slice %arg3[%add3A, %dma_wait3A_341, %dma_wait3A_345] : memref<32x116x88xi32, #tpu.memory_space<hbm>> -> memref<1x1x88xi32, #tpu.memory_space<hbm>>
        %dma_wait3A_347 = tpu.memref_squeeze %dma_wait3A_346 : memref<1x1x88xi32, #tpu.memory_space<hbm>> -> memref<88xi32, #tpu.memory_space<hbm>>
        tpu.wait_dma2 semaphore(%arg24 : memref<!tpu.dma_semaphore, #tpu.memory_space<semaphore_mem>>) src(%dma_wait3A_347 : memref<88xi32, #tpu.memory_space<hbm>>) dst(%arg6 : memref<88xi32, #tpu.memory_space<vmem>>)
        %dma_start3A_348 = arith.constant 0 : i32
        %dma_start3A_349 = arith.constant 0 : i32
        %dma_start3A_350 = tpu.memref_slice %arg2[%dma_start3A_348, %dma_start3A_349] : memref<10000x128xf32, #tpu.memory_space<hbm>> -> memref<10000x128xf32, #tpu.memory_space<hbm>>
        tpu.enqueue_indirect_dma source(%dma_start3A_350 : memref<10000x128xf32, #tpu.memory_space<hbm>>) target(%arg14 : memref<88x128xf32, #tpu.memory_space<vmem>>) offsets(%arg6 : memref<88xi32, #tpu.memory_space<vmem>>) semaphore(%arg20 : memref<!tpu.dma_semaphore, #tpu.memory_space<semaphore_mem>>)
      } else {
      }
      %add3A_254 = arith.constant 1 : i32
      %add3A_255 = arith.addi %mul3A_228, %add3A_254 : i32
      %dma_wait3A_256 = arith.constant 0 : i32
      %dma_wait3A_257 = arith.constant 0 : i32
      %dma_wait3A_258 = tpu.memref_slice %arg2[%dma_wait3A_256, %dma_wait3A_257] : memref<10000x128xf32, #tpu.memory_space<hbm>> -> memref<10000x128xf32, #tpu.memory_space<hbm>>
      tpu.wait_indirect_dma semaphore(%arg21 : memref<!tpu.dma_semaphore, #tpu.memory_space<semaphore_mem>>) src(%dma_wait3A_258 : memref<10000x128xf32, #tpu.memory_space<hbm>>) dst(%arg15 : memref<88x128xf32, #tpu.memory_space<vmem>>)
      %add3A_259 = arith.constant 4 : i32
      %add3A_260 = arith.addi %add3A_255, %add3A_259 : i32
      %lt3A_261 = arith.constant 116 : i32
      %lt3A_262 = arith.cmpi slt, %add3A_260, %lt3A_261 : i32
      %convert_element_type3A_263 = arith.extui %lt3A_262 : i1 to i32
      %cond3A_264 = arith.constant 0 : i32
      %cond3A_265 = arith.cmpi ne, %convert_element_type3A_263, %cond3A_264 : i32
      scf.if %cond3A_265 {
        %add3A_333 = arith.constant 4 : i32
        %add3A_334 = arith.addi %add3A_255, %add3A_333 : i32
        %dma_start3A_335 = arith.constant 0 : i32
        %dma_start3A_336 = tpu.memref_slice %arg3[%add3A, %add3A_334, %dma_start3A_335] : memref<32x116x88xi32, #tpu.memory_space<hbm>> -> memref<1x1x88xi32, #tpu.memory_space<hbm>>
        %dma_start3A_337 = tpu.memref_squeeze %dma_start3A_336 : memref<1x1x88xi32, #tpu.memory_space<hbm>> -> memref<88xi32, #tpu.memory_space<hbm>>
        %dma_start3A_338 = arith.constant 0 : i32
        %dma_start3A_339 = tpu.memref_slice %arg3[%add3A, %add3A_334, %dma_start3A_338] : memref<32x116x88xi32, #tpu.memory_space<hbm>> -> memref<1x1x88xi32, #tpu.memory_space<hbm>>
        %dma_start3A_340 = tpu.memref_squeeze %dma_start3A_339 : memref<1x1x88xi32, #tpu.memory_space<hbm>> -> memref<88xi32, #tpu.memory_space<hbm>>
        tpu.enqueue_dma source(%dma_start3A_340 : memref<88xi32, #tpu.memory_space<hbm>>) target(%arg7 : memref<88xi32, #tpu.memory_space<vmem>>) target_semaphore(%arg25 : memref<!tpu.dma_semaphore, #tpu.memory_space<semaphore_mem>>)
      } else {
      }
      %dma_wait3A_266 = arith.constant 0 : i32
      %dma_wait3A_267 = arith.constant 0 : i32
      %dma_wait3A_268 = tpu.memref_slice %arg4[%add3A, %dma_wait3A_266, %dma_wait3A_267] : memref<32x116x88xi32, #tpu.memory_space<hbm>> -> memref<1x1x88xi32, #tpu.memory_space<hbm>>
      %dma_wait3A_269 = tpu.memref_squeeze %dma_wait3A_268 : memref<1x1x88xi32, #tpu.memory_space<hbm>> -> memref<88xi32, #tpu.memory_space<hbm>>
      %dma_wait3A_270 = arith.constant 0 : i32
      %dma_wait3A_271 = tpu.memref_slice %arg4[%add3A, %dma_wait3A_266, %dma_wait3A_270] : memref<32x116x88xi32, #tpu.memory_space<hbm>> -> memref<1x1x88xi32, #tpu.memory_space<hbm>>
      %dma_wait3A_272 = tpu.memref_squeeze %dma_wait3A_271 : memref<1x1x88xi32, #tpu.memory_space<hbm>> -> memref<88xi32, #tpu.memory_space<hbm>>
      tpu.wait_dma2 semaphore(%arg29 : memref<!tpu.dma_semaphore, #tpu.memory_space<semaphore_mem>>) src(%dma_wait3A_272 : memref<88xi32, #tpu.memory_space<hbm>>) dst(%arg11 : memref<88xi32, #tpu.memory_space<vmem>>)
      "tpu.region"() ({
        %run_scoped3A = tpu.sem_alloc : memref<!tpu.dma_semaphore, #tpu.memory_space<semaphore_mem>>
        %dma_start3A_333 = arith.constant 0 : i32
        %dma_start3A_334 = arith.constant 0 : i32
        %dma_start3A_335 = tpu.memref_slice %arg19[%dma_start3A_333, %dma_start3A_334] : memref<10016x128xf32, #tpu.memory_space<vmem_shared>> -> memref<10016x128xf32, #tpu.memory_space<vmem_shared>>
        tpu.enqueue_indirect_dma source(%arg15 : memref<88x128xf32, #tpu.memory_space<vmem>>) target(%dma_start3A_335 : memref<10016x128xf32, #tpu.memory_space<vmem_shared>>) offsets(%arg11 : memref<88xi32, #tpu.memory_space<vmem>>) semaphore(%run_scoped3A : memref<!tpu.dma_semaphore, #tpu.memory_space<semaphore_mem>>) {add = true}
        %dma_wait3A_336 = arith.constant 0 : i32
        %dma_wait3A_337 = arith.constant 0 : i32
        %dma_wait3A_338 = tpu.memref_slice %arg19[%dma_wait3A_336, %dma_wait3A_337] : memref<10016x128xf32, #tpu.memory_space<vmem_shared>> -> memref<10016x128xf32, #tpu.memory_space<vmem_shared>>
        tpu.wait_indirect_dma semaphore(%run_scoped3A : memref<!tpu.dma_semaphore, #tpu.memory_space<semaphore_mem>>) src(%arg15 : memref<88x128xf32, #tpu.memory_space<vmem>>) dst(%dma_wait3A_338 : memref<10016x128xf32, #tpu.memory_space<vmem_shared>>)
        tpu.yield
      }) : () -> ()
      %add3A_273 = arith.constant 4 : i32
      %add3A_274 = arith.addi %add3A_255, %add3A_273 : i32
      %lt3A_275 = arith.constant 116 : i32
      %lt3A_276 = arith.cmpi slt, %add3A_274, %lt3A_275 : i32
      %convert_element_type3A_277 = arith.extui %lt3A_276 : i1 to i32
      %cond3A_278 = arith.constant 0 : i32
      %cond3A_279 = arith.cmpi ne, %convert_element_type3A_277, %cond3A_278 : i32
      scf.if %cond3A_279 {
        %add3A_333 = arith.constant 4 : i32
        %add3A_334 = arith.addi %add3A_255, %add3A_333 : i32
        %dma_start3A_335 = arith.constant 0 : i32
        %dma_start3A_336 = tpu.memref_slice %arg4[%add3A, %add3A_334, %dma_start3A_335] : memref<32x116x88xi32, #tpu.memory_space<hbm>> -> memref<1x1x88xi32, #tpu.memory_space<hbm>>
        %dma_start3A_337 = tpu.memref_squeeze %dma_start3A_336 : memref<1x1x88xi32, #tpu.memory_space<hbm>> -> memref<88xi32, #tpu.memory_space<hbm>>
        %dma_start3A_338 = arith.constant 0 : i32
        %dma_start3A_339 = tpu.memref_slice %arg4[%add3A, %add3A_334, %dma_start3A_338] : memref<32x116x88xi32, #tpu.memory_space<hbm>> -> memref<1x1x88xi32, #tpu.memory_space<hbm>>
        %dma_start3A_340 = tpu.memref_squeeze %dma_start3A_339 : memref<1x1x88xi32, #tpu.memory_space<hbm>> -> memref<88xi32, #tpu.memory_space<hbm>>
        tpu.enqueue_dma source(%dma_start3A_340 : memref<88xi32, #tpu.memory_space<hbm>>) target(%arg11 : memref<88xi32, #tpu.memory_space<vmem>>) target_semaphore(%arg29 : memref<!tpu.dma_semaphore, #tpu.memory_space<semaphore_mem>>)
        %dma_wait3A_341 = arith.constant 0 : i32
        %dma_wait3A_342 = arith.constant 0 : i32
        %dma_wait3A_343 = tpu.memref_slice %arg3[%add3A, %dma_wait3A_341, %dma_wait3A_342] : memref<32x116x88xi32, #tpu.memory_space<hbm>> -> memref<1x1x88xi32, #tpu.memory_space<hbm>>
        %dma_wait3A_344 = tpu.memref_squeeze %dma_wait3A_343 : memref<1x1x88xi32, #tpu.memory_space<hbm>> -> memref<88xi32, #tpu.memory_space<hbm>>
        %dma_wait3A_345 = arith.constant 0 : i32
        %dma_wait3A_346 = tpu.memref_slice %arg3[%add3A, %dma_wait3A_341, %dma_wait3A_345] : memref<32x116x88xi32, #tpu.memory_space<hbm>> -> memref<1x1x88xi32, #tpu.memory_space<hbm>>
        %dma_wait3A_347 = tpu.memref_squeeze %dma_wait3A_346 : memref<1x1x88xi32, #tpu.memory_space<hbm>> -> memref<88xi32, #tpu.memory_space<hbm>>
        tpu.wait_dma2 semaphore(%arg25 : memref<!tpu.dma_semaphore, #tpu.memory_space<semaphore_mem>>) src(%dma_wait3A_347 : memref<88xi32, #tpu.memory_space<hbm>>) dst(%arg7 : memref<88xi32, #tpu.memory_space<vmem>>)
        %dma_start3A_348 = arith.constant 0 : i32
        %dma_start3A_349 = arith.constant 0 : i32
        %dma_start3A_350 = tpu.memref_slice %arg2[%dma_start3A_348, %dma_start3A_349] : memref<10000x128xf32, #tpu.memory_space<hbm>> -> memref<10000x128xf32, #tpu.memory_space<hbm>>
        tpu.enqueue_indirect_dma source(%dma_start3A_350 : memref<10000x128xf32, #tpu.memory_space<hbm>>) target(%arg15 : memref<88x128xf32, #tpu.memory_space<vmem>>) offsets(%arg7 : memref<88xi32, #tpu.memory_space<vmem>>) semaphore(%arg21 : memref<!tpu.dma_semaphore, #tpu.memory_space<semaphore_mem>>)
      } else {
      }
      %add3A_280 = arith.constant 2 : i32
      %add3A_281 = arith.addi %mul3A_228, %add3A_280 : i32
      %dma_wait3A_282 = arith.constant 0 : i32
      %dma_wait3A_283 = arith.constant 0 : i32
      %dma_wait3A_284 = tpu.memref_slice %arg2[%dma_wait3A_282, %dma_wait3A_283] : memref<10000x128xf32, #tpu.memory_space<hbm>> -> memref<10000x128xf32, #tpu.memory_space<hbm>>
      tpu.wait_indirect_dma semaphore(%arg22 : memref<!tpu.dma_semaphore, #tpu.memory_space<semaphore_mem>>) src(%dma_wait3A_284 : memref<10000x128xf32, #tpu.memory_space<hbm>>) dst(%arg16 : memref<88x128xf32, #tpu.memory_space<vmem>>)
      %add3A_285 = arith.constant 4 : i32
      %add3A_286 = arith.addi %add3A_281, %add3A_285 : i32
      %lt3A_287 = arith.constant 116 : i32
      %lt3A_288 = arith.cmpi slt, %add3A_286, %lt3A_287 : i32
      %convert_element_type3A_289 = arith.extui %lt3A_288 : i1 to i32
      %cond3A_290 = arith.constant 0 : i32
      %cond3A_291 = arith.cmpi ne, %convert_element_type3A_289, %cond3A_290 : i32
      scf.if %cond3A_291 {
        %add3A_333 = arith.constant 4 : i32
        %add3A_334 = arith.addi %add3A_281, %add3A_333 : i32
        %dma_start3A_335 = arith.constant 0 : i32
        %dma_start3A_336 = tpu.memref_slice %arg3[%add3A, %add3A_334, %dma_start3A_335] : memref<32x116x88xi32, #tpu.memory_space<hbm>> -> memref<1x1x88xi32, #tpu.memory_space<hbm>>
        %dma_start3A_337 = tpu.memref_squeeze %dma_start3A_336 : memref<1x1x88xi32, #tpu.memory_space<hbm>> -> memref<88xi32, #tpu.memory_space<hbm>>
        %dma_start3A_338 = arith.constant 0 : i32
        %dma_start3A_339 = tpu.memref_slice %arg3[%add3A, %add3A_334, %dma_start3A_338] : memref<32x116x88xi32, #tpu.memory_space<hbm>> -> memref<1x1x88xi32, #tpu.memory_space<hbm>>
        %dma_start3A_340 = tpu.memref_squeeze %dma_start3A_339 : memref<1x1x88xi32, #tpu.memory_space<hbm>> -> memref<88xi32, #tpu.memory_space<hbm>>
        tpu.enqueue_dma source(%dma_start3A_340 : memref<88xi32, #tpu.memory_space<hbm>>) target(%arg8 : memref<88xi32, #tpu.memory_space<vmem>>) target_semaphore(%arg26 : memref<!tpu.dma_semaphore, #tpu.memory_space<semaphore_mem>>)
      } else {
      }
      %dma_wait3A_292 = arith.constant 0 : i32
      %dma_wait3A_293 = arith.constant 0 : i32
      %dma_wait3A_294 = tpu.memref_slice %arg4[%add3A, %dma_wait3A_292, %dma_wait3A_293] : memref<32x116x88xi32, #tpu.memory_space<hbm>> -> memref<1x1x88xi32, #tpu.memory_space<hbm>>
      %dma_wait3A_295 = tpu.memref_squeeze %dma_wait3A_294 : memref<1x1x88xi32, #tpu.memory_space<hbm>> -> memref<88xi32, #tpu.memory_space<hbm>>
      %dma_wait3A_296 = arith.constant 0 : i32
      %dma_wait3A_297 = tpu.memref_slice %arg4[%add3A, %dma_wait3A_292, %dma_wait3A_296] : memref<32x116x88xi32, #tpu.memory_space<hbm>> -> memref<1x1x88xi32, #tpu.memory_space<hbm>>
      %dma_wait3A_298 = tpu.memref_squeeze %dma_wait3A_297 : memref<1x1x88xi32, #tpu.memory_space<hbm>> -> memref<88xi32, #tpu.memory_space<hbm>>
      tpu.wait_dma2 semaphore(%arg30 : memref<!tpu.dma_semaphore, #tpu.memory_space<semaphore_mem>>) src(%dma_wait3A_298 : memref<88xi32, #tpu.memory_space<hbm>>) dst(%arg12 : memref<88xi32, #tpu.memory_space<vmem>>)
      "tpu.region"() ({
        %run_scoped3A = tpu.sem_alloc : memref<!tpu.dma_semaphore, #tpu.memory_space<semaphore_mem>>
        %dma_start3A_333 = arith.constant 0 : i32
        %dma_start3A_334 = arith.constant 0 : i32
        %dma_start3A_335 = tpu.memref_slice %arg19[%dma_start3A_333, %dma_start3A_334] : memref<10016x128xf32, #tpu.memory_space<vmem_shared>> -> memref<10016x128xf32, #tpu.memory_space<vmem_shared>>
        tpu.enqueue_indirect_dma source(%arg16 : memref<88x128xf32, #tpu.memory_space<vmem>>) target(%dma_start3A_335 : memref<10016x128xf32, #tpu.memory_space<vmem_shared>>) offsets(%arg12 : memref<88xi32, #tpu.memory_space<vmem>>) semaphore(%run_scoped3A : memref<!tpu.dma_semaphore, #tpu.memory_space<semaphore_mem>>) {add = true}
        %dma_wait3A_336 = arith.constant 0 : i32
        %dma_wait3A_337 = arith.constant 0 : i32
        %dma_wait3A_338 = tpu.memref_slice %arg19[%dma_wait3A_336, %dma_wait3A_337] : memref<10016x128xf32, #tpu.memory_space<vmem_shared>> -> memref<10016x128xf32, #tpu.memory_space<vmem_shared>>
        tpu.wait_indirect_dma semaphore(%run_scoped3A : memref<!tpu.dma_semaphore, #tpu.memory_space<semaphore_mem>>) src(%arg16 : memref<88x128xf32, #tpu.memory_space<vmem>>) dst(%dma_wait3A_338 : memref<10016x128xf32, #tpu.memory_space<vmem_shared>>)
        tpu.yield
      }) : () -> ()
      %add3A_299 = arith.constant 4 : i32
      %add3A_300 = arith.addi %add3A_281, %add3A_299 : i32
      %lt3A_301 = arith.constant 116 : i32
      %lt3A_302 = arith.cmpi slt, %add3A_300, %lt3A_301 : i32
      %convert_element_type3A_303 = arith.extui %lt3A_302 : i1 to i32
      %cond3A_304 = arith.constant 0 : i32
      %cond3A_305 = arith.cmpi ne, %convert_element_type3A_303, %cond3A_304 : i32
      scf.if %cond3A_305 {
        %add3A_333 = arith.constant 4 : i32
        %add3A_334 = arith.addi %add3A_281, %add3A_333 : i32
        %dma_start3A_335 = arith.constant 0 : i32
        %dma_start3A_336 = tpu.memref_slice %arg4[%add3A, %add3A_334, %dma_start3A_335] : memref<32x116x88xi32, #tpu.memory_space<hbm>> -> memref<1x1x88xi32, #tpu.memory_space<hbm>>
        %dma_start3A_337 = tpu.memref_squeeze %dma_start3A_336 : memref<1x1x88xi32, #tpu.memory_space<hbm>> -> memref<88xi32, #tpu.memory_space<hbm>>
        %dma_start3A_338 = arith.constant 0 : i32
        %dma_start3A_339 = tpu.memref_slice %arg4[%add3A, %add3A_334, %dma_start3A_338] : memref<32x116x88xi32, #tpu.memory_space<hbm>> -> memref<1x1x88xi32, #tpu.memory_space<hbm>>
        %dma_start3A_340 = tpu.memref_squeeze %dma_start3A_339 : memref<1x1x88xi32, #tpu.memory_space<hbm>> -> memref<88xi32, #tpu.memory_space<hbm>>
        tpu.enqueue_dma source(%dma_start3A_340 : memref<88xi32, #tpu.memory_space<hbm>>) target(%arg12 : memref<88xi32, #tpu.memory_space<vmem>>) target_semaphore(%arg30 : memref<!tpu.dma_semaphore, #tpu.memory_space<semaphore_mem>>)
        %dma_wait3A_341 = arith.constant 0 : i32
        %dma_wait3A_342 = arith.constant 0 : i32
        %dma_wait3A_343 = tpu.memref_slice %arg3[%add3A, %dma_wait3A_341, %dma_wait3A_342] : memref<32x116x88xi32, #tpu.memory_space<hbm>> -> memref<1x1x88xi32, #tpu.memory_space<hbm>>
        %dma_wait3A_344 = tpu.memref_squeeze %dma_wait3A_343 : memref<1x1x88xi32, #tpu.memory_space<hbm>> -> memref<88xi32, #tpu.memory_space<hbm>>
        %dma_wait3A_345 = arith.constant 0 : i32
        %dma_wait3A_346 = tpu.memref_slice %arg3[%add3A, %dma_wait3A_341, %dma_wait3A_345] : memref<32x116x88xi32, #tpu.memory_space<hbm>> -> memref<1x1x88xi32, #tpu.memory_space<hbm>>
        %dma_wait3A_347 = tpu.memref_squeeze %dma_wait3A_346 : memref<1x1x88xi32, #tpu.memory_space<hbm>> -> memref<88xi32, #tpu.memory_space<hbm>>
        tpu.wait_dma2 semaphore(%arg26 : memref<!tpu.dma_semaphore, #tpu.memory_space<semaphore_mem>>) src(%dma_wait3A_347 : memref<88xi32, #tpu.memory_space<hbm>>) dst(%arg8 : memref<88xi32, #tpu.memory_space<vmem>>)
        %dma_start3A_348 = arith.constant 0 : i32
        %dma_start3A_349 = arith.constant 0 : i32
        %dma_start3A_350 = tpu.memref_slice %arg2[%dma_start3A_348, %dma_start3A_349] : memref<10000x128xf32, #tpu.memory_space<hbm>> -> memref<10000x128xf32, #tpu.memory_space<hbm>>
        tpu.enqueue_indirect_dma source(%dma_start3A_350 : memref<10000x128xf32, #tpu.memory_space<hbm>>) target(%arg16 : memref<88x128xf32, #tpu.memory_space<vmem>>) offsets(%arg8 : memref<88xi32, #tpu.memory_space<vmem>>) semaphore(%arg22 : memref<!tpu.dma_semaphore, #tpu.memory_space<semaphore_mem>>)
      } else {
      }
      %add3A_306 = arith.constant 3 : i32
      %add3A_307 = arith.addi %mul3A_228, %add3A_306 : i32
      %dma_wait3A_308 = arith.constant 0 : i32
      %dma_wait3A_309 = arith.constant 0 : i32
      %dma_wait3A_310 = tpu.memref_slice %arg2[%dma_wait3A_308, %dma_wait3A_309] : memref<10000x128xf32, #tpu.memory_space<hbm>> -> memref<10000x128xf32, #tpu.memory_space<hbm>>
      tpu.wait_indirect_dma semaphore(%arg23 : memref<!tpu.dma_semaphore, #tpu.memory_space<semaphore_mem>>) src(%dma_wait3A_310 : memref<10000x128xf32, #tpu.memory_space<hbm>>) dst(%arg17 : memref<88x128xf32, #tpu.memory_space<vmem>>)
      %add3A_311 = arith.constant 4 : i32
      %add3A_312 = arith.addi %add3A_307, %add3A_311 : i32
      %lt3A_313 = arith.constant 116 : i32
      %lt3A_314 = arith.cmpi slt, %add3A_312, %lt3A_313 : i32
      %convert_element_type3A_315 = arith.extui %lt3A_314 : i1 to i32
      %cond3A_316 = arith.constant 0 : i32
      %cond3A_317 = arith.cmpi ne, %convert_element_type3A_315, %cond3A_316 : i32
      scf.if %cond3A_317 {
        %add3A_333 = arith.constant 4 : i32
        %add3A_334 = arith.addi %add3A_307, %add3A_333 : i32
        %dma_start3A_335 = arith.constant 0 : i32
        %dma_start3A_336 = tpu.memref_slice %arg3[%add3A, %add3A_334, %dma_start3A_335] : memref<32x116x88xi32, #tpu.memory_space<hbm>> -> memref<1x1x88xi32, #tpu.memory_space<hbm>>
        %dma_start3A_337 = tpu.memref_squeeze %dma_start3A_336 : memref<1x1x88xi32, #tpu.memory_space<hbm>> -> memref<88xi32, #tpu.memory_space<hbm>>
        %dma_start3A_338 = arith.constant 0 : i32
        %dma_start3A_339 = tpu.memref_slice %arg3[%add3A, %add3A_334, %dma_start3A_338] : memref<32x116x88xi32, #tpu.memory_space<hbm>> -> memref<1x1x88xi32, #tpu.memory_space<hbm>>
        %dma_start3A_340 = tpu.memref_squeeze %dma_start3A_339 : memref<1x1x88xi32, #tpu.memory_space<hbm>> -> memref<88xi32, #tpu.memory_space<hbm>>
        tpu.enqueue_dma source(%dma_start3A_340 : memref<88xi32, #tpu.memory_space<hbm>>) target(%arg9 : memref<88xi32, #tpu.memory_space<vmem>>) target_semaphore(%arg27 : memref<!tpu.dma_semaphore, #tpu.memory_space<semaphore_mem>>)
      } else {
      }
      %dma_wait3A_318 = arith.constant 0 : i32
      %dma_wait3A_319 = arith.constant 0 : i32
      %dma_wait3A_320 = tpu.memref_slice %arg4[%add3A, %dma_wait3A_318, %dma_wait3A_319] : memref<32x116x88xi32, #tpu.memory_space<hbm>> -> memref<1x1x88xi32, #tpu.memory_space<hbm>>
      %dma_wait3A_321 = tpu.memref_squeeze %dma_wait3A_320 : memref<1x1x88xi32, #tpu.memory_space<hbm>> -> memref<88xi32, #tpu.memory_space<hbm>>
      %dma_wait3A_322 = arith.constant 0 : i32
      %dma_wait3A_323 = tpu.memref_slice %arg4[%add3A, %dma_wait3A_318, %dma_wait3A_322] : memref<32x116x88xi32, #tpu.memory_space<hbm>> -> memref<1x1x88xi32, #tpu.memory_space<hbm>>
      %dma_wait3A_324 = tpu.memref_squeeze %dma_wait3A_323 : memref<1x1x88xi32, #tpu.memory_space<hbm>> -> memref<88xi32, #tpu.memory_space<hbm>>
      tpu.wait_dma2 semaphore(%arg31 : memref<!tpu.dma_semaphore, #tpu.memory_space<semaphore_mem>>) src(%dma_wait3A_324 : memref<88xi32, #tpu.memory_space<hbm>>) dst(%arg13 : memref<88xi32, #tpu.memory_space<vmem>>)
      "tpu.region"() ({
        %run_scoped3A = tpu.sem_alloc : memref<!tpu.dma_semaphore, #tpu.memory_space<semaphore_mem>>
        %dma_start3A_333 = arith.constant 0 : i32
        %dma_start3A_334 = arith.constant 0 : i32
        %dma_start3A_335 = tpu.memref_slice %arg19[%dma_start3A_333, %dma_start3A_334] : memref<10016x128xf32, #tpu.memory_space<vmem_shared>> -> memref<10016x128xf32, #tpu.memory_space<vmem_shared>>
        tpu.enqueue_indirect_dma source(%arg17 : memref<88x128xf32, #tpu.memory_space<vmem>>) target(%dma_start3A_335 : memref<10016x128xf32, #tpu.memory_space<vmem_shared>>) offsets(%arg13 : memref<88xi32, #tpu.memory_space<vmem>>) semaphore(%run_scoped3A : memref<!tpu.dma_semaphore, #tpu.memory_space<semaphore_mem>>) {add = true}
        %dma_wait3A_336 = arith.constant 0 : i32
        %dma_wait3A_337 = arith.constant 0 : i32
        %dma_wait3A_338 = tpu.memref_slice %arg19[%dma_wait3A_336, %dma_wait3A_337] : memref<10016x128xf32, #tpu.memory_space<vmem_shared>> -> memref<10016x128xf32, #tpu.memory_space<vmem_shared>>
        tpu.wait_indirect_dma semaphore(%run_scoped3A : memref<!tpu.dma_semaphore, #tpu.memory_space<semaphore_mem>>) src(%arg17 : memref<88x128xf32, #tpu.memory_space<vmem>>) dst(%dma_wait3A_338 : memref<10016x128xf32, #tpu.memory_space<vmem_shared>>)
        tpu.yield
      }) : () -> ()
      %add3A_325 = arith.constant 4 : i32
      %add3A_326 = arith.addi %add3A_307, %add3A_325 : i32
      %lt3A_327 = arith.constant 116 : i32
      %lt3A_328 = arith.cmpi slt, %add3A_326, %lt3A_327 : i32
      %convert_element_type3A_329 = arith.extui %lt3A_328 : i1 to i32
      %cond3A_330 = arith.constant 0 : i32
      %cond3A_331 = arith.cmpi ne, %convert_element_type3A_329, %cond3A_330 : i32
      scf.if %cond3A_331 {
        %add3A_333 = arith.constant 4 : i32
        %add3A_334 = arith.addi %add3A_307, %add3A_333 : i32
        %dma_start3A_335 = arith.constant 0 : i32
        %dma_start3A_336 = tpu.memref_slice %arg4[%add3A, %add3A_334, %dma_start3A_335] : memref<32x116x88xi32, #tpu.memory_space<hbm>> -> memref<1x1x88xi32, #tpu.memory_space<hbm>>
        %dma_start3A_337 = tpu.memref_squeeze %dma_start3A_336 : memref<1x1x88xi32, #tpu.memory_space<hbm>> -> memref<88xi32, #tpu.memory_space<hbm>>
        %dma_start3A_338 = arith.constant 0 : i32
        %dma_start3A_339 = tpu.memref_slice %arg4[%add3A, %add3A_334, %dma_start3A_338] : memref<32x116x88xi32, #tpu.memory_space<hbm>> -> memref<1x1x88xi32, #tpu.memory_space<hbm>>
        %dma_start3A_340 = tpu.memref_squeeze %dma_start3A_339 : memref<1x1x88xi32, #tpu.memory_space<hbm>> -> memref<88xi32, #tpu.memory_space<hbm>>
        tpu.enqueue_dma source(%dma_start3A_340 : memref<88xi32, #tpu.memory_space<hbm>>) target(%arg13 : memref<88xi32, #tpu.memory_space<vmem>>) target_semaphore(%arg31 : memref<!tpu.dma_semaphore, #tpu.memory_space<semaphore_mem>>)
        %dma_wait3A_341 = arith.constant 0 : i32
        %dma_wait3A_342 = arith.constant 0 : i32
        %dma_wait3A_343 = tpu.memref_slice %arg3[%add3A, %dma_wait3A_341, %dma_wait3A_342] : memref<32x116x88xi32, #tpu.memory_space<hbm>> -> memref<1x1x88xi32, #tpu.memory_space<hbm>>
        %dma_wait3A_344 = tpu.memref_squeeze %dma_wait3A_343 : memref<1x1x88xi32, #tpu.memory_space<hbm>> -> memref<88xi32, #tpu.memory_space<hbm>>
        %dma_wait3A_345 = arith.constant 0 : i32
        %dma_wait3A_346 = tpu.memref_slice %arg3[%add3A, %dma_wait3A_341, %dma_wait3A_345] : memref<32x116x88xi32, #tpu.memory_space<hbm>> -> memref<1x1x88xi32, #tpu.memory_space<hbm>>
        %dma_wait3A_347 = tpu.memref_squeeze %dma_wait3A_346 : memref<1x1x88xi32, #tpu.memory_space<hbm>> -> memref<88xi32, #tpu.memory_space<hbm>>
        tpu.wait_dma2 semaphore(%arg27 : memref<!tpu.dma_semaphore, #tpu.memory_space<semaphore_mem>>) src(%dma_wait3A_347 : memref<88xi32, #tpu.memory_space<hbm>>) dst(%arg9 : memref<88xi32, #tpu.memory_space<vmem>>)
        %dma_start3A_348 = arith.constant 0 : i32
        %dma_start3A_349 = arith.constant 0 : i32
        %dma_start3A_350 = tpu.memref_slice %arg2[%dma_start3A_348, %dma_start3A_349] : memref<10000x128xf32, #tpu.memory_space<hbm>> -> memref<10000x128xf32, #tpu.memory_space<hbm>>
        tpu.enqueue_indirect_dma source(%dma_start3A_350 : memref<10000x128xf32, #tpu.memory_space<hbm>>) target(%arg17 : memref<88x128xf32, #tpu.memory_space<vmem>>) offsets(%arg9 : memref<88xi32, #tpu.memory_space<vmem>>) semaphore(%arg23 : memref<!tpu.dma_semaphore, #tpu.memory_space<semaphore_mem>>)
      } else {
      }
      %scan3A_332 = arith.constant 0 : i32
      scf.yield %scan3A_332 : i32
    }
    %scan3A_214 = arith.constant 29 : i32
    %barrier3A_215 = arith.constant 0 : index
    tpu.barrier barrier_id(%barrier3A_215)
    %mul3A_216 = arith.constant 624 : i32
    %mul3A_217 = arith.muli %arg1, %mul3A_216 : i32
    %mul3A_218 = arith.constant 624 : i32
    %mul3A_219 = arith.muli %arg1, %mul3A_218 : i32
    "tpu.region"() ({
      %run_scoped3A = tpu.sem_alloc : memref<!tpu.dma_semaphore, #tpu.memory_space<semaphore_mem>>
      %dma_start3A_225 = arith.constant 0 : i32
      %dma_start3A_226 = tpu.memref_slice %arg5[%arg0, %mul3A_219, %dma_start3A_225] : memref<2x10000x128xf32, #tpu.memory_space<hbm>> -> memref<1x624x128xf32, #tpu.memory_space<hbm>>
      %dma_start3A_227 = tpu.memref_squeeze %dma_start3A_226 : memref<1x624x128xf32, #tpu.memory_space<hbm>> -> memref<624x128xf32, #tpu.memory_space<hbm>>
      %dma_start3A_228 = arith.constant 0 : i32
      %dma_start3A_229 = tpu.memref_slice %arg19[%mul3A_217, %dma_start3A_228] : memref<10016x128xf32, #tpu.memory_space<vmem_shared>> -> memref<624x128xf32, #tpu.memory_space<vmem_shared>>
      tpu.enqueue_dma source(%dma_start3A_229 : memref<624x128xf32, #tpu.memory_space<vmem_shared>>) target(%dma_start3A_227 : memref<624x128xf32, #tpu.memory_space<hbm>>) target_semaphore(%run_scoped3A : memref<!tpu.dma_semaphore, #tpu.memory_space<semaphore_mem>>)
      %dma_wait3A_230 = arith.constant 0 : i32
      %dma_wait3A_231 = tpu.memref_slice %arg5[%arg0, %mul3A_219, %dma_wait3A_230] : memref<2x10000x128xf32, #tpu.memory_space<hbm>> -> memref<1x624x128xf32, #tpu.memory_space<hbm>>
      %dma_wait3A_232 = tpu.memref_squeeze %dma_wait3A_231 : memref<1x624x128xf32, #tpu.memory_space<hbm>> -> memref<624x128xf32, #tpu.memory_space<hbm>>
      %dma_wait3A_233 = arith.constant 0 : i32
      %dma_wait3A_234 = tpu.memref_slice %arg19[%mul3A_217, %dma_wait3A_233] : memref<10016x128xf32, #tpu.memory_space<vmem_shared>> -> memref<624x128xf32, #tpu.memory_space<vmem_shared>>
      tpu.wait_dma2 semaphore(%run_scoped3A : memref<!tpu.dma_semaphore, #tpu.memory_space<semaphore_mem>>) src(%dma_wait3A_234 : memref<624x128xf32, #tpu.memory_space<vmem_shared>>) dst(%dma_wait3A_232 : memref<624x128xf32, #tpu.memory_space<hbm>>)
      tpu.yield
    }) : () -> ()
    %eq3A_220 = arith.constant 0 : i32
    %eq3A_221 = arith.cmpi eq, %arg1, %eq3A_220 : i32
    %convert_element_type3A_222 = arith.extui %eq3A_221 : i1 to i32
    %cond3A_223 = arith.constant 0 : i32
    %cond3A_224 = arith.cmpi ne, %convert_element_type3A_222, %cond3A_223 : i32
    scf.if %cond3A_224 {
      "tpu.region"() ({
        %run_scoped3A = tpu.sem_alloc : memref<!tpu.dma_semaphore, #tpu.memory_space<semaphore_mem>>
        %dma_start3A_225 = arith.constant 9984 : i32
        %dma_start3A_226 = arith.constant 0 : i32
        %dma_start3A_227 = tpu.memref_slice %arg5[%arg0, %dma_start3A_225, %dma_start3A_226] : memref<2x10000x128xf32, #tpu.memory_space<hbm>> -> memref<1x16x128xf32, #tpu.memory_space<hbm>>
        %dma_start3A_228 = tpu.memref_squeeze %dma_start3A_227 : memref<1x16x128xf32, #tpu.memory_space<hbm>> -> memref<16x128xf32, #tpu.memory_space<hbm>>
        %dma_start3A_229 = arith.constant 9984 : i32
        %dma_start3A_230 = arith.constant 0 : i32
        %dma_start3A_231 = tpu.memref_slice %arg19[%dma_start3A_229, %dma_start3A_230] : memref<10016x128xf32, #tpu.memory_space<vmem_shared>> -> memref<16x128xf32, #tpu.memory_space<vmem_shared>>
        tpu.enqueue_dma source(%dma_start3A_231 : memref<16x128xf32, #tpu.memory_space<vmem_shared>>) target(%dma_start3A_228 : memref<16x128xf32, #tpu.memory_space<hbm>>) target_semaphore(%run_scoped3A : memref<!tpu.dma_semaphore, #tpu.memory_space<semaphore_mem>>)
        %dma_wait3A_232 = arith.constant 9984 : i32
        %dma_wait3A_233 = arith.constant 0 : i32
        %dma_wait3A_234 = tpu.memref_slice %arg5[%arg0, %dma_wait3A_232, %dma_wait3A_233] : memref<2x10000x128xf32, #tpu.memory_space<hbm>> -> memref<1x16x128xf32, #tpu.memory_space<hbm>>
        %dma_wait3A_235 = tpu.memref_squeeze %dma_wait3A_234 : memref<1x16x128xf32, #tpu.memory_space<hbm>> -> memref<16x128xf32, #tpu.memory_space<hbm>>
        %dma_wait3A_236 = arith.constant 9984 : i32
        %dma_wait3A_237 = arith.constant 0 : i32
        %dma_wait3A_238 = tpu.memref_slice %arg19[%dma_wait3A_236, %dma_wait3A_237] : memref<10016x128xf32, #tpu.memory_space<vmem_shared>> -> memref<16x128xf32, #tpu.memory_space<vmem_shared>>
        tpu.wait_dma2 semaphore(%run_scoped3A : memref<!tpu.dma_semaphore, #tpu.memory_space<semaphore_mem>>) src(%dma_wait3A_238 : memref<16x128xf32, #tpu.memory_space<vmem_shared>>) dst(%dma_wait3A_235 : memref<16x128xf32, #tpu.memory_space<hbm>>)
        tpu.yield
      }) : () -> ()
    } else {
    }
    return
  }
}

#map = affine_map<(d0, d1) -> (0, 0)>
#map1 = affine_map<(d0, d1) -> (0, 0, 0)>
module attributes {stable_mosaic.version = 14 : i64} {
  func.func @agg_kernel(%arg0: i32, %arg1: i32, %arg2: memref<10000x128xf32, #tpu.memory_space<hbm>>, %arg3: memref<32x116x88xi32, #tpu.memory_space<hbm>>, %arg4: memref<32x116x88xi32, #tpu.memory_space<hbm>>, %arg5: memref<2x10000x128xf32, #tpu.memory_space<hbm>>, %arg6: memref<88xi32, #tpu.memory_space<vmem>>, %arg7: memref<88xi32, #tpu.memory_space<vmem>>, %arg8: memref<88xi32, #tpu.memory_space<vmem>>, %arg9: memref<88xi32, #tpu.memory_space<vmem>>, %arg10: memref<88xi32, #tpu.memory_space<vmem>>, %arg11: memref<88xi32, #tpu.memory_space<vmem>>, %arg12: memref<88xi32, #tpu.memory_space<vmem>>, %arg13: memref<88xi32, #tpu.memory_space<vmem>>, %arg14: memref<88x128xf32, #tpu.memory_space<vmem>>, %arg15: memref<88x128xf32, #tpu.memory_space<vmem>>, %arg16: memref<88x128xf32, #tpu.memory_space<vmem>>, %arg17: memref<88x128xf32, #tpu.memory_space<vmem>>, %arg18: memref<24x128xf32, #tpu.memory_space<vmem>>, %arg19: memref<10016x128xf32, #tpu.memory_space<vmem_shared>>, %arg20: memref<!tpu.dma_semaphore, #tpu.memory_space<semaphore_mem>>, %arg21: memref<!tpu.dma_semaphore, #tpu.memory_space<semaphore_mem>>, %arg22: memref<!tpu.dma_semaphore, #tpu.memory_space<semaphore_mem>>, %arg23: memref<!tpu.dma_semaphore, #tpu.memory_space<semaphore_mem>>, %arg24: memref<!tpu.dma_semaphore, #tpu.memory_space<semaphore_mem>>, %arg25: memref<!tpu.dma_semaphore, #tpu.memory_space<semaphore_mem>>, %arg26: memref<!tpu.dma_semaphore, #tpu.memory_space<semaphore_mem>>, %arg27: memref<!tpu.dma_semaphore, #tpu.memory_space<semaphore_mem>>, %arg28: memref<!tpu.dma_semaphore, #tpu.memory_space<semaphore_mem>>, %arg29: memref<!tpu.dma_semaphore, #tpu.memory_space<semaphore_mem>>, %arg30: memref<!tpu.dma_semaphore, #tpu.memory_space<semaphore_mem>>, %arg31: memref<!tpu.dma_semaphore, #tpu.memory_space<semaphore_mem>>) attributes {dimension_semantics = [#tpu.dimension_semantics<core_parallel>, #tpu.dimension_semantics<subcore_parallel>], iteration_bounds = array<i64: 2, 16>, scalar_prefetch = 0 : i64, scratch_operands = 26 : i64, tpu.core_type = #tpu.core_type<sc_vector_subcore>, window_params = [{transform_indices = #map}, {transform_indices = #map1}, {transform_indices = #map1}, {transform_indices = #map1}]} {
    %mul3A = arith.constant 2 : i32
    %mul3A_0 = arith.muli %arg1, %mul3A : i32
    %add3A = arith.addi %mul3A_0, %arg0 : i32
    %dma_start3A = arith.constant 0 : i32
    %dma_start3A_1 = arith.constant 0 : i32
    %dma_start3A_2 = tpu.memref_slice %arg3[%add3A, %dma_start3A, %dma_start3A_1] : memref<32x116x88xi32, #tpu.memory_space<hbm>> -> memref<1x1x88xi32, #tpu.memory_space<hbm>>
    %dma_start3A_3 = tpu.memref_squeeze %dma_start3A_2 : memref<1x1x88xi32, #tpu.memory_space<hbm>> -> memref<88xi32, #tpu.memory_space<hbm>>
    %dma_start3A_4 = arith.constant 0 : i32
    %dma_start3A_5 = tpu.memref_slice %arg3[%add3A, %dma_start3A, %dma_start3A_4] : memref<32x116x88xi32, #tpu.memory_space<hbm>> -> memref<1x1x88xi32, #tpu.memory_space<hbm>>
    %dma_start3A_6 = tpu.memref_squeeze %dma_start3A_5 : memref<1x1x88xi32, #tpu.memory_space<hbm>> -> memref<88xi32, #tpu.memory_space<hbm>>
    tpu.enqueue_dma source(%dma_start3A_6 : memref<88xi32, #tpu.memory_space<hbm>>) target(%arg6 : memref<88xi32, #tpu.memory_space<vmem>>) target_semaphore(%arg24 : memref<!tpu.dma_semaphore, #tpu.memory_space<semaphore_mem>>)
    %dma_start3A_7 = arith.constant 0 : i32
    %dma_start3A_8 = arith.constant 0 : i32
    %dma_start3A_9 = tpu.memref_slice %arg4[%add3A, %dma_start3A_7, %dma_start3A_8] : memref<32x116x88xi32, #tpu.memory_space<hbm>> -> memref<1x1x88xi32, #tpu.memory_space<hbm>>
    %dma_start3A_10 = tpu.memref_squeeze %dma_start3A_9 : memref<1x1x88xi32, #tpu.memory_space<hbm>> -> memref<88xi32, #tpu.memory_space<hbm>>
    %dma_start3A_11 = arith.constant 0 : i32
    %dma_start3A_12 = tpu.memref_slice %arg4[%add3A, %dma_start3A_7, %dma_start3A_11] : memref<32x116x88xi32, #tpu.memory_space<hbm>> -> memref<1x1x88xi32, #tpu.memory_space<hbm>>
    %dma_start3A_13 = tpu.memref_squeeze %dma_start3A_12 : memref<1x1x88xi32, #tpu.memory_space<hbm>> -> memref<88xi32, #tpu.memory_space<hbm>>
    tpu.enqueue_dma source(%dma_start3A_13 : memref<88xi32, #tpu.memory_space<hbm>>) target(%arg10 : memref<88xi32, #tpu.memory_space<vmem>>) target_semaphore(%arg28 : memref<!tpu.dma_semaphore, #tpu.memory_space<semaphore_mem>>)
    %dma_start3A_14 = arith.constant 1 : i32
    %dma_start3A_15 = arith.constant 0 : i32
    %dma_start3A_16 = tpu.memref_slice %arg3[%add3A, %dma_start3A_14, %dma_start3A_15] : memref<32x116x88xi32, #tpu.memory_space<hbm>> -> memref<1x1x88xi32, #tpu.memory_space<hbm>>
    %dma_start3A_17 = tpu.memref_squeeze %dma_start3A_16 : memref<1x1x88xi32, #tpu.memory_space<hbm>> -> memref<88xi32, #tpu.memory_space<hbm>>
    %dma_start3A_18 = arith.constant 0 : i32
    %dma_start3A_19 = tpu.memref_slice %arg3[%add3A, %dma_start3A_14, %dma_start3A_18] : memref<32x116x88xi32, #tpu.memory_space<hbm>> -> memref<1x1x88xi32, #tpu.memory_space<hbm>>
    %dma_start3A_20 = tpu.memref_squeeze %dma_start3A_19 : memref<1x1x88xi32, #tpu.memory_space<hbm>> -> memref<88xi32, #tpu.memory_space<hbm>>
    tpu.enqueue_dma source(%dma_start3A_20 : memref<88xi32, #tpu.memory_space<hbm>>) target(%arg7 : memref<88xi32, #tpu.memory_space<vmem>>) target_semaphore(%arg25 : memref<!tpu.dma_semaphore, #tpu.memory_space<semaphore_mem>>)
    %dma_start3A_21 = arith.constant 1 : i32
    %dma_start3A_22 = arith.constant 0 : i32
    %dma_start3A_23 = tpu.memref_slice %arg4[%add3A, %dma_start3A_21, %dma_start3A_22] : memref<32x116x88xi32, #tpu.memory_space<hbm>> -> memref<1x1x88xi32, #tpu.memory_space<hbm>>
    %dma_start3A_24 = tpu.memref_squeeze %dma_start3A_23 : memref<1x1x88xi32, #tpu.memory_space<hbm>> -> memref<88xi32, #tpu.memory_space<hbm>>
    %dma_start3A_25 = arith.constant 0 : i32
    %dma_start3A_26 = tpu.memref_slice %arg4[%add3A, %dma_start3A_21, %dma_start3A_25] : memref<32x116x88xi32, #tpu.memory_space<hbm>> -> memref<1x1x88xi32, #tpu.memory_space<hbm>>
    %dma_start3A_27 = tpu.memref_squeeze %dma_start3A_26 : memref<1x1x88xi32, #tpu.memory_space<hbm>> -> memref<88xi32, #tpu.memory_space<hbm>>
    tpu.enqueue_dma source(%dma_start3A_27 : memref<88xi32, #tpu.memory_space<hbm>>) target(%arg11 : memref<88xi32, #tpu.memory_space<vmem>>) target_semaphore(%arg29 : memref<!tpu.dma_semaphore, #tpu.memory_space<semaphore_mem>>)
    %dma_start3A_28 = arith.constant 2 : i32
    %dma_start3A_29 = arith.constant 0 : i32
    %dma_start3A_30 = tpu.memref_slice %arg3[%add3A, %dma_start3A_28, %dma_start3A_29] : memref<32x116x88xi32, #tpu.memory_space<hbm>> -> memref<1x1x88xi32, #tpu.memory_space<hbm>>
    %dma_start3A_31 = tpu.memref_squeeze %dma_start3A_30 : memref<1x1x88xi32, #tpu.memory_space<hbm>> -> memref<88xi32, #tpu.memory_space<hbm>>
    %dma_start3A_32 = arith.constant 0 : i32
    %dma_start3A_33 = tpu.memref_slice %arg3[%add3A, %dma_start3A_28, %dma_start3A_32] : memref<32x116x88xi32, #tpu.memory_space<hbm>> -> memref<1x1x88xi32, #tpu.memory_space<hbm>>
    %dma_start3A_34 = tpu.memref_squeeze %dma_start3A_33 : memref<1x1x88xi32, #tpu.memory_space<hbm>> -> memref<88xi32, #tpu.memory_space<hbm>>
    tpu.enqueue_dma source(%dma_start3A_34 : memref<88xi32, #tpu.memory_space<hbm>>) target(%arg8 : memref<88xi32, #tpu.memory_space<vmem>>) target_semaphore(%arg26 : memref<!tpu.dma_semaphore, #tpu.memory_space<semaphore_mem>>)
    %dma_start3A_35 = arith.constant 2 : i32
    %dma_start3A_36 = arith.constant 0 : i32
    %dma_start3A_37 = tpu.memref_slice %arg4[%add3A, %dma_start3A_35, %dma_start3A_36] : memref<32x116x88xi32, #tpu.memory_space<hbm>> -> memref<1x1x88xi32, #tpu.memory_space<hbm>>
    %dma_start3A_38 = tpu.memref_squeeze %dma_start3A_37 : memref<1x1x88xi32, #tpu.memory_space<hbm>> -> memref<88xi32, #tpu.memory_space<hbm>>
    %dma_start3A_39 = arith.constant 0 : i32
    %dma_start3A_40 = tpu.memref_slice %arg4[%add3A, %dma_start3A_35, %dma_start3A_39] : memref<32x116x88xi32, #tpu.memory_space<hbm>> -> memref<1x1x88xi32, #tpu.memory_space<hbm>>
    %dma_start3A_41 = tpu.memref_squeeze %dma_start3A_40 : memref<1x1x88xi32, #tpu.memory_space<hbm>> -> memref<88xi32, #tpu.memory_space<hbm>>
    tpu.enqueue_dma source(%dma_start3A_41 : memref<88xi32, #tpu.memory_space<hbm>>) target(%arg12 : memref<88xi32, #tpu.memory_space<vmem>>) target_semaphore(%arg30 : memref<!tpu.dma_semaphore, #tpu.memory_space<semaphore_mem>>)
    %dma_start3A_42 = arith.constant 3 : i32
    %dma_start3A_43 = arith.constant 0 : i32
    %dma_start3A_44 = tpu.memref_slice %arg3[%add3A, %dma_start3A_42, %dma_start3A_43] : memref<32x116x88xi32, #tpu.memory_space<hbm>> -> memref<1x1x88xi32, #tpu.memory_space<hbm>>
    %dma_start3A_45 = tpu.memref_squeeze %dma_start3A_44 : memref<1x1x88xi32, #tpu.memory_space<hbm>> -> memref<88xi32, #tpu.memory_space<hbm>>
    %dma_start3A_46 = arith.constant 0 : i32
    %dma_start3A_47 = tpu.memref_slice %arg3[%add3A, %dma_start3A_42, %dma_start3A_46] : memref<32x116x88xi32, #tpu.memory_space<hbm>> -> memref<1x1x88xi32, #tpu.memory_space<hbm>>
    %dma_start3A_48 = tpu.memref_squeeze %dma_start3A_47 : memref<1x1x88xi32, #tpu.memory_space<hbm>> -> memref<88xi32, #tpu.memory_space<hbm>>
    tpu.enqueue_dma source(%dma_start3A_48 : memref<88xi32, #tpu.memory_space<hbm>>) target(%arg9 : memref<88xi32, #tpu.memory_space<vmem>>) target_semaphore(%arg27 : memref<!tpu.dma_semaphore, #tpu.memory_space<semaphore_mem>>)
    %dma_start3A_49 = arith.constant 3 : i32
    %dma_start3A_50 = arith.constant 0 : i32
    %dma_start3A_51 = tpu.memref_slice %arg4[%add3A, %dma_start3A_49, %dma_start3A_50] : memref<32x116x88xi32, #tpu.memory_space<hbm>> -> memref<1x1x88xi32, #tpu.memory_space<hbm>>
    %dma_start3A_52 = tpu.memref_squeeze %dma_start3A_51 : memref<1x1x88xi32, #tpu.memory_space<hbm>> -> memref<88xi32, #tpu.memory_space<hbm>>
    %dma_start3A_53 = arith.constant 0 : i32
    %dma_start3A_54 = tpu.memref_slice %arg4[%add3A, %dma_start3A_49, %dma_start3A_53] : memref<32x116x88xi32, #tpu.memory_space<hbm>> -> memref<1x1x88xi32, #tpu.memory_space<hbm>>
    %dma_start3A_55 = tpu.memref_squeeze %dma_start3A_54 : memref<1x1x88xi32, #tpu.memory_space<hbm>> -> memref<88xi32, #tpu.memory_space<hbm>>
    tpu.enqueue_dma source(%dma_start3A_55 : memref<88xi32, #tpu.memory_space<hbm>>) target(%arg13 : memref<88xi32, #tpu.memory_space<vmem>>) target_semaphore(%arg31 : memref<!tpu.dma_semaphore, #tpu.memory_space<semaphore_mem>>)
    %dma_wait3A = arith.constant 0 : i32
    %dma_wait3A_56 = arith.constant 0 : i32
    %dma_wait3A_57 = tpu.memref_slice %arg3[%add3A, %dma_wait3A, %dma_wait3A_56] : memref<32x116x88xi32, #tpu.memory_space<hbm>> -> memref<1x1x88xi32, #tpu.memory_space<hbm>>
    %dma_wait3A_58 = tpu.memref_squeeze %dma_wait3A_57 : memref<1x1x88xi32, #tpu.memory_space<hbm>> -> memref<88xi32, #tpu.memory_space<hbm>>
    %dma_wait3A_59 = arith.constant 0 : i32
    %dma_wait3A_60 = tpu.memref_slice %arg3[%add3A, %dma_wait3A, %dma_wait3A_59] : memref<32x116x88xi32, #tpu.memory_space<hbm>> -> memref<1x1x88xi32, #tpu.memory_space<hbm>>
    %dma_wait3A_61 = tpu.memref_squeeze %dma_wait3A_60 : memref<1x1x88xi32, #tpu.memory_space<hbm>> -> memref<88xi32, #tpu.memory_space<hbm>>
    tpu.wait_dma2 semaphore(%arg24 : memref<!tpu.dma_semaphore, #tpu.memory_space<semaphore_mem>>) src(%dma_wait3A_61 : memref<88xi32, #tpu.memory_space<hbm>>) dst(%arg6 : memref<88xi32, #tpu.memory_space<vmem>>)
    %dma_start3A_62 = arith.constant 0 : i32
    %dma_start3A_63 = arith.constant 0 : i32
    %dma_start3A_64 = tpu.memref_slice %arg2[%dma_start3A_62, %dma_start3A_63] : memref<10000x128xf32, #tpu.memory_space<hbm>> -> memref<10000x128xf32, #tpu.memory_space<hbm>>
    tpu.enqueue_indirect_dma source(%dma_start3A_64 : memref<10000x128xf32, #tpu.memory_space<hbm>>) target(%arg14 : memref<88x128xf32, #tpu.memory_space<vmem>>) offsets(%arg6 : memref<88xi32, #tpu.memory_space<vmem>>) semaphore(%arg20 : memref<!tpu.dma_semaphore, #tpu.memory_space<semaphore_mem>>)
    %dma_wait3A_65 = arith.constant 0 : i32
    %dma_wait3A_66 = arith.constant 0 : i32
    %dma_wait3A_67 = tpu.memref_slice %arg3[%add3A, %dma_wait3A_65, %dma_wait3A_66] : memref<32x116x88xi32, #tpu.memory_space<hbm>> -> memref<1x1x88xi32, #tpu.memory_space<hbm>>
    %dma_wait3A_68 = tpu.memref_squeeze %dma_wait3A_67 : memref<1x1x88xi32, #tpu.memory_space<hbm>> -> memref<88xi32, #tpu.memory_space<hbm>>
    %dma_wait3A_69 = arith.constant 0 : i32
    %dma_wait3A_70 = tpu.memref_slice %arg3[%add3A, %dma_wait3A_65, %dma_wait3A_69] : memref<32x116x88xi32, #tpu.memory_space<hbm>> -> memref<1x1x88xi32, #tpu.memory_space<hbm>>
    %dma_wait3A_71 = tpu.memref_squeeze %dma_wait3A_70 : memref<1x1x88xi32, #tpu.memory_space<hbm>> -> memref<88xi32, #tpu.memory_space<hbm>>
    tpu.wait_dma2 semaphore(%arg25 : memref<!tpu.dma_semaphore, #tpu.memory_space<semaphore_mem>>) src(%dma_wait3A_71 : memref<88xi32, #tpu.memory_space<hbm>>) dst(%arg7 : memref<88xi32, #tpu.memory_space<vmem>>)
    %dma_start3A_72 = arith.constant 0 : i32
    %dma_start3A_73 = arith.constant 0 : i32
    %dma_start3A_74 = tpu.memref_slice %arg2[%dma_start3A_72, %dma_start3A_73] : memref<10000x128xf32, #tpu.memory_space<hbm>> -> memref<10000x128xf32, #tpu.memory_space<hbm>>
    tpu.enqueue_indirect_dma source(%dma_start3A_74 : memref<10000x128xf32, #tpu.memory_space<hbm>>) target(%arg15 : memref<88x128xf32, #tpu.memory_space<vmem>>) offsets(%arg7 : memref<88xi32, #tpu.memory_space<vmem>>) semaphore(%arg21 : memref<!tpu.dma_semaphore, #tpu.memory_space<semaphore_mem>>)
    %dma_wait3A_75 = arith.constant 0 : i32
    %dma_wait3A_76 = arith.constant 0 : i32
    %dma_wait3A_77 = tpu.memref_slice %arg3[%add3A, %dma_wait3A_75, %dma_wait3A_76] : memref<32x116x88xi32, #tpu.memory_space<hbm>> -> memref<1x1x88xi32, #tpu.memory_space<hbm>>
    %dma_wait3A_78 = tpu.memref_squeeze %dma_wait3A_77 : memref<1x1x88xi32, #tpu.memory_space<hbm>> -> memref<88xi32, #tpu.memory_space<hbm>>
    %dma_wait3A_79 = arith.constant 0 : i32
    %dma_wait3A_80 = tpu.memref_slice %arg3[%add3A, %dma_wait3A_75, %dma_wait3A_79] : memref<32x116x88xi32, #tpu.memory_space<hbm>> -> memref<1x1x88xi32, #tpu.memory_space<hbm>>
    %dma_wait3A_81 = tpu.memref_squeeze %dma_wait3A_80 : memref<1x1x88xi32, #tpu.memory_space<hbm>> -> memref<88xi32, #tpu.memory_space<hbm>>
    tpu.wait_dma2 semaphore(%arg26 : memref<!tpu.dma_semaphore, #tpu.memory_space<semaphore_mem>>) src(%dma_wait3A_81 : memref<88xi32, #tpu.memory_space<hbm>>) dst(%arg8 : memref<88xi32, #tpu.memory_space<vmem>>)
    %dma_start3A_82 = arith.constant 0 : i32
    %dma_start3A_83 = arith.constant 0 : i32
    %dma_start3A_84 = tpu.memref_slice %arg2[%dma_start3A_82, %dma_start3A_83] : memref<10000x128xf32, #tpu.memory_space<hbm>> -> memref<10000x128xf32, #tpu.memory_space<hbm>>
    tpu.enqueue_indirect_dma source(%dma_start3A_84 : memref<10000x128xf32, #tpu.memory_space<hbm>>) target(%arg16 : memref<88x128xf32, #tpu.memory_space<vmem>>) offsets(%arg8 : memref<88xi32, #tpu.memory_space<vmem>>) semaphore(%arg22 : memref<!tpu.dma_semaphore, #tpu.memory_space<semaphore_mem>>)
    %dma_wait3A_85 = arith.constant 0 : i32
    %dma_wait3A_86 = arith.constant 0 : i32
    %dma_wait3A_87 = tpu.memref_slice %arg3[%add3A, %dma_wait3A_85, %dma_wait3A_86] : memref<32x116x88xi32, #tpu.memory_space<hbm>> -> memref<1x1x88xi32, #tpu.memory_space<hbm>>
    %dma_wait3A_88 = tpu.memref_squeeze %dma_wait3A_87 : memref<1x1x88xi32, #tpu.memory_space<hbm>> -> memref<88xi32, #tpu.memory_space<hbm>>
    %dma_wait3A_89 = arith.constant 0 : i32
    %dma_wait3A_90 = tpu.memref_slice %arg3[%add3A, %dma_wait3A_85, %dma_wait3A_89] : memref<32x116x88xi32, #tpu.memory_space<hbm>> -> memref<1x1x88xi32, #tpu.memory_space<hbm>>
    %dma_wait3A_91 = tpu.memref_squeeze %dma_wait3A_90 : memref<1x1x88xi32, #tpu.memory_space<hbm>> -> memref<88xi32, #tpu.memory_space<hbm>>
    tpu.wait_dma2 semaphore(%arg27 : memref<!tpu.dma_semaphore, #tpu.memory_space<semaphore_mem>>) src(%dma_wait3A_91 : memref<88xi32, #tpu.memory_space<hbm>>) dst(%arg9 : memref<88xi32, #tpu.memory_space<vmem>>)
    %dma_start3A_92 = arith.constant 0 : i32
    %dma_start3A_93 = arith.constant 0 : i32
    %dma_start3A_94 = tpu.memref_slice %arg2[%dma_start3A_92, %dma_start3A_93] : memref<10000x128xf32, #tpu.memory_space<hbm>> -> memref<10000x128xf32, #tpu.memory_space<hbm>>
    tpu.enqueue_indirect_dma source(%dma_start3A_94 : memref<10000x128xf32, #tpu.memory_space<hbm>>) target(%arg17 : memref<88x128xf32, #tpu.memory_space<vmem>>) offsets(%arg9 : memref<88xi32, #tpu.memory_space<vmem>>) semaphore(%arg23 : memref<!tpu.dma_semaphore, #tpu.memory_space<semaphore_mem>>)
    %broadcast_in_dim3A = arith.constant 0.000000e+00 : f32
    %broadcast_in_dim3A_95 = vector.broadcast %broadcast_in_dim3A : f32 to vector<16xf32>
    %scan3A = arith.constant 0 : i32
    %scan3A_96 = arith.constant 0 : i32
    %scan3A_97 = arith.constant 192 : i32
    %scan3A_98 = arith.addi %scan3A_96, %scan3A_97 : i32
    %scan3A_99 = arith.constant 1 : i32
    %scan3A_100 = scf.for %scan3A_225 = %scan3A_96 to %scan3A_98 step %scan3A_99 iter_args(%scan3A_226 = %scan3A) -> (i32)  : i32 {
      %jit3A = arith.constant 8 : i32
      %div3A = arith.divsi %scan3A_225, %jit3A : i32
      %sign3A = arith.constant 0 : i32
      %sign3A_227 = arith.cmpi sgt, %scan3A_225, %sign3A : i32
      %sign3A_228 = arith.extui %sign3A_227 : i1 to i32
      %sign3A_229 = arith.constant 0 : i32
      %sign3A_230 = arith.cmpi slt, %scan3A_225, %sign3A_229 : i32
      %sign3A_231 = arith.extui %sign3A_230 : i1 to i32
      %sign3A_232 = arith.subi %sign3A_228, %sign3A_231 : i32
      %sign3A_233 = arith.constant 0 : i32
      %sign3A_234 = arith.cmpi sgt, %jit3A, %sign3A_233 : i32
      %sign3A_235 = arith.extui %sign3A_234 : i1 to i32
      %sign3A_236 = arith.constant 0 : i32
      %sign3A_237 = arith.cmpi slt, %jit3A, %sign3A_236 : i32
      %sign3A_238 = arith.extui %sign3A_237 : i1 to i32
      %sign3A_239 = arith.subi %sign3A_235, %sign3A_238 : i32
      %ne3A = arith.cmpi ne, %sign3A_232, %sign3A_239 : i32
      %rem3A = arith.remsi %scan3A_225, %jit3A : i32
      %ne3A_240 = arith.constant 0 : i32
      %ne3A_241 = arith.cmpi ne, %rem3A, %ne3A_240 : i32
      %and3A = arith.andi %ne3A, %ne3A_241 : i1
      %sub3A = arith.constant 1 : i32
      %sub3A_242 = arith.subi %div3A, %sub3A : i32
      %select_n3A = arith.select %and3A, %sub3A_242, %div3A : i32
      %jit3A_243 = arith.constant 8 : i32
      %eq3A_244 = arith.constant 0 : i32
      %eq3A_245 = arith.cmpi eq, %jit3A_243, %eq3A_244 : i32
      %jit3A_246 = arith.constant 1 : i32
      %select_n3A_247 = arith.select %eq3A_245, %jit3A_246, %jit3A_243 : i32
      %rem3A_248 = arith.remsi %scan3A_225, %select_n3A_247 : i32
      %ne3A_249 = arith.constant 0 : i32
      %ne3A_250 = arith.cmpi ne, %rem3A_248, %ne3A_249 : i32
      %lt3A = arith.constant 0 : i32
      %lt3A_251 = arith.cmpi slt, %rem3A_248, %lt3A : i32
      %lt3A_252 = arith.constant 0 : i32
      %lt3A_253 = arith.cmpi slt, %select_n3A_247, %lt3A_252 : i32
      %ne3A_254 = arith.xori %lt3A_251, %lt3A_253 : i1
      %and3A_255 = arith.andi %ne3A_254, %ne3A_250 : i1
      %add3A_256 = arith.addi %rem3A_248, %select_n3A_247 : i32
      %select_n3A_257 = arith.select %and3A_255, %add3A_256, %rem3A_248 : i32
      %mul3A_258 = arith.constant 16 : i32
      %mul3A_259 = arith.muli %select_n3A_257, %mul3A_258 : i32
      %swap3A = arith.index_cast %select_n3A : i32 to index
      %swap3A_260 = arith.index_cast %mul3A_259 : i32 to index
      %swap3A_261 = tpu.vector_load %arg18[%swap3A, %swap3A_260] {strides = array<i32>} : memref<24x128xf32, #tpu.memory_space<vmem>>, vector<1x16xf32>,
      %swap3A_262 = vector.shape_cast %swap3A_261 : vector<1x16xf32> to vector<16xf32>
      %swap3A_263 = vector.shape_cast %broadcast_in_dim3A_95 : vector<16xf32> to vector<1x16xf32>
      tpu.vector_store %arg18[%swap3A, %swap3A_260], %swap3A_263 {strides = array<i32>} : memref<24x128xf32, #tpu.memory_space<vmem>>, vector<1x16xf32>,
      %scan3A_264 = arith.constant 0 : i32
      scf.yield %scan3A_264 : i32
    }
    %scan3A_101 = arith.constant 192 : i32
    %mul3A_102 = arith.constant 624 : i32
    %mul3A_103 = arith.muli %arg1, %mul3A_102 : i32
    %add3A_104 = arith.constant 0 : i32
    %add3A_105 = arith.addi %mul3A_103, %add3A_104 : i32
    "tpu.region"() ({
      %run_scoped3A = tpu.sem_alloc : memref<!tpu.dma_semaphore, #tpu.memory_space<semaphore_mem>>
      %dma_start3A_225 = arith.constant 0 : i32
      %dma_start3A_226 = tpu.memref_slice %arg19[%add3A_105, %dma_start3A_225] : memref<10016x128xf32, #tpu.memory_space<vmem_shared>> -> memref<24x128xf32, #tpu.memory_space<vmem_shared>>
      %dma_start3A_227 = arith.constant 0 : i32
      %dma_start3A_228 = tpu.memref_slice %arg19[%add3A_105, %dma_start3A_227] : memref<10016x128xf32, #tpu.memory_space<vmem_shared>> -> memref<24x128xf32, #tpu.memory_space<vmem_shared>>
      tpu.enqueue_dma source(%arg18 : memref<24x128xf32, #tpu.memory_space<vmem>>) target(%dma_start3A_228 : memref<24x128xf32, #tpu.memory_space<vmem_shared>>) target_semaphore(%run_scoped3A : memref<!tpu.dma_semaphore, #tpu.memory_space<semaphore_mem>>)
      %dma_wait3A_229 = arith.constant 0 : i32
      %dma_wait3A_230 = tpu.memref_slice %arg19[%add3A_105, %dma_wait3A_229] : memref<10016x128xf32, #tpu.memory_space<vmem_shared>> -> memref<24x128xf32, #tpu.memory_space<vmem_shared>>
      %dma_wait3A_231 = arith.constant 0 : i32
      %dma_wait3A_232 = tpu.memref_slice %arg19[%add3A_105, %dma_wait3A_231] : memref<10016x128xf32, #tpu.memory_space<vmem_shared>> -> memref<24x128xf32, #tpu.memory_space<vmem_shared>>
      tpu.wait_dma2 semaphore(%run_scoped3A : memref<!tpu.dma_semaphore, #tpu.memory_space<semaphore_mem>>) src(%arg18 : memref<24x128xf32, #tpu.memory_space<vmem>>) dst(%dma_wait3A_232 : memref<24x128xf32, #tpu.memory_space<vmem_shared>>)
      tpu.yield
    }) : () -> ()
    %mul3A_106 = arith.constant 624 : i32
    %mul3A_107 = arith.muli %arg1, %mul3A_106 : i32
    %add3A_108 = arith.constant 24 : i32
    %add3A_109 = arith.addi %mul3A_107, %add3A_108 : i32
    "tpu.region"() ({
      %run_scoped3A = tpu.sem_alloc : memref<!tpu.dma_semaphore, #tpu.memory_space<semaphore_mem>>
      %dma_start3A_225 = arith.constant 0 : i32
      %dma_start3A_226 = tpu.memref_slice %arg19[%add3A_109, %dma_start3A_225] : memref<10016x128xf32, #tpu.memory_space<vmem_shared>> -> memref<24x128xf32, #tpu.memory_space<vmem_shared>>
      %dma_start3A_227 = arith.constant 0 : i32
      %dma_start3A_228 = tpu.memref_slice %arg19[%add3A_109, %dma_start3A_227] : memref<10016x128xf32, #tpu.memory_space<vmem_shared>> -> memref<24x128xf32, #tpu.memory_space<vmem_shared>>
      tpu.enqueue_dma source(%arg18 : memref<24x128xf32, #tpu.memory_space<vmem>>) target(%dma_start3A_228 : memref<24x128xf32, #tpu.memory_space<vmem_shared>>) target_semaphore(%run_scoped3A : memref<!tpu.dma_semaphore, #tpu.memory_space<semaphore_mem>>)
      %dma_wait3A_229 = arith.constant 0 : i32
      %dma_wait3A_230 = tpu.memref_slice %arg19[%add3A_109, %dma_wait3A_229] : memref<10016x128xf32, #tpu.memory_space<vmem_shared>> -> memref<24x128xf32, #tpu.memory_space<vmem_shared>>
      %dma_wait3A_231 = arith.constant 0 : i32
      %dma_wait3A_232 = tpu.memref_slice %arg19[%add3A_109, %dma_wait3A_231] : memref<10016x128xf32, #tpu.memory_space<vmem_shared>> -> memref<24x128xf32, #tpu.memory_space<vmem_shared>>
      tpu.wait_dma2 semaphore(%run_scoped3A : memref<!tpu.dma_semaphore, #tpu.memory_space<semaphore_mem>>) src(%arg18 : memref<24x128xf32, #tpu.memory_space<vmem>>) dst(%dma_wait3A_232 : memref<24x128xf32, #tpu.memory_space<vmem_shared>>)
      tpu.yield
    }) : () -> ()
    %mul3A_110 = arith.constant 624 : i32
    %mul3A_111 = arith.muli %arg1, %mul3A_110 : i32
    %add3A_112 = arith.constant 48 : i32
    %add3A_113 = arith.addi %mul3A_111, %add3A_112 : i32
    "tpu.region"() ({
      %run_scoped3A = tpu.sem_alloc : memref<!tpu.dma_semaphore, #tpu.memory_space<semaphore_mem>>
      %dma_start3A_225 = arith.constant 0 : i32
      %dma_start3A_226 = tpu.memref_slice %arg19[%add3A_113, %dma_start3A_225] : memref<10016x128xf32, #tpu.memory_space<vmem_shared>> -> memref<24x128xf32, #tpu.memory_space<vmem_shared>>
      %dma_start3A_227 = arith.constant 0 : i32
      %dma_start3A_228 = tpu.memref_slice %arg19[%add3A_113, %dma_start3A_227] : memref<10016x128xf32, #tpu.memory_space<vmem_shared>> -> memref<24x128xf32, #tpu.memory_space<vmem_shared>>
      tpu.enqueue_dma source(%arg18 : memref<24x128xf32, #tpu.memory_space<vmem>>) target(%dma_start3A_228 : memref<24x128xf32, #tpu.memory_space<vmem_shared>>) target_semaphore(%run_scoped3A : memref<!tpu.dma_semaphore, #tpu.memory_space<semaphore_mem>>)
      %dma_wait3A_229 = arith.constant 0 : i32
      %dma_wait3A_230 = tpu.memref_slice %arg19[%add3A_113, %dma_wait3A_229] : memref<10016x128xf32, #tpu.memory_space<vmem_shared>> -> memref<24x128xf32, #tpu.memory_space<vmem_shared>>
      %dma_wait3A_231 = arith.constant 0 : i32
      %dma_wait3A_232 = tpu.memref_slice %arg19[%add3A_113, %dma_wait3A_231] : memref<10016x128xf32, #tpu.memory_space<vmem_shared>> -> memref<24x128xf32, #tpu.memory_space<vmem_shared>>
      tpu.wait_dma2 semaphore(%run_scoped3A : memref<!tpu.dma_semaphore, #tpu.memory_space<semaphore_mem>>) src(%arg18 : memref<24x128xf32, #tpu.memory_space<vmem>>) dst(%dma_wait3A_232 : memref<24x128xf32, #tpu.memory_space<vmem_shared>>)
      tpu.yield
    }) : () -> ()
    %mul3A_114 = arith.constant 624 : i32
    %mul3A_115 = arith.muli %arg1, %mul3A_114 : i32
    %add3A_116 = arith.constant 72 : i32
    %add3A_117 = arith.addi %mul3A_115, %add3A_116 : i32
    "tpu.region"() ({
      %run_scoped3A = tpu.sem_alloc : memref<!tpu.dma_semaphore, #tpu.memory_space<semaphore_mem>>
      %dma_start3A_225 = arith.constant 0 : i32
      %dma_start3A_226 = tpu.memref_slice %arg19[%add3A_117, %dma_start3A_225] : memref<10016x128xf32, #tpu.memory_space<vmem_shared>> -> memref<24x128xf32, #tpu.memory_space<vmem_shared>>
      %dma_start3A_227 = arith.constant 0 : i32
      %dma_start3A_228 = tpu.memref_slice %arg19[%add3A_117, %dma_start3A_227] : memref<10016x128xf32, #tpu.memory_space<vmem_shared>> -> memref<24x128xf32, #tpu.memory_space<vmem_shared>>
      tpu.enqueue_dma source(%arg18 : memref<24x128xf32, #tpu.memory_space<vmem>>) target(%dma_start3A_228 : memref<24x128xf32, #tpu.memory_space<vmem_shared>>) target_semaphore(%run_scoped3A : memref<!tpu.dma_semaphore, #tpu.memory_space<semaphore_mem>>)
      %dma_wait3A_229 = arith.constant 0 : i32
      %dma_wait3A_230 = tpu.memref_slice %arg19[%add3A_117, %dma_wait3A_229] : memref<10016x128xf32, #tpu.memory_space<vmem_shared>> -> memref<24x128xf32, #tpu.memory_space<vmem_shared>>
      %dma_wait3A_231 = arith.constant 0 : i32
      %dma_wait3A_232 = tpu.memref_slice %arg19[%add3A_117, %dma_wait3A_231] : memref<10016x128xf32, #tpu.memory_space<vmem_shared>> -> memref<24x128xf32, #tpu.memory_space<vmem_shared>>
      tpu.wait_dma2 semaphore(%run_scoped3A : memref<!tpu.dma_semaphore, #tpu.memory_space<semaphore_mem>>) src(%arg18 : memref<24x128xf32, #tpu.memory_space<vmem>>) dst(%dma_wait3A_232 : memref<24x128xf32, #tpu.memory_space<vmem_shared>>)
      tpu.yield
    }) : () -> ()
    %mul3A_118 = arith.constant 624 : i32
    %mul3A_119 = arith.muli %arg1, %mul3A_118 : i32
    %add3A_120 = arith.constant 96 : i32
    %add3A_121 = arith.addi %mul3A_119, %add3A_120 : i32
    "tpu.region"() ({
      %run_scoped3A = tpu.sem_alloc : memref<!tpu.dma_semaphore, #tpu.memory_space<semaphore_mem>>
      %dma_start3A_225 = arith.constant 0 : i32
      %dma_start3A_226 = tpu.memref_slice %arg19[%add3A_121, %dma_start3A_225] : memref<10016x128xf32, #tpu.memory_space<vmem_shared>> -> memref<24x128xf32, #tpu.memory_space<vmem_shared>>
      %dma_start3A_227 = arith.constant 0 : i32
      %dma_start3A_228 = tpu.memref_slice %arg19[%add3A_121, %dma_start3A_227] : memref<10016x128xf32, #tpu.memory_space<vmem_shared>> -> memref<24x128xf32, #tpu.memory_space<vmem_shared>>
      tpu.enqueue_dma source(%arg18 : memref<24x128xf32, #tpu.memory_space<vmem>>) target(%dma_start3A_228 : memref<24x128xf32, #tpu.memory_space<vmem_shared>>) target_semaphore(%run_scoped3A : memref<!tpu.dma_semaphore, #tpu.memory_space<semaphore_mem>>)
      %dma_wait3A_229 = arith.constant 0 : i32
      %dma_wait3A_230 = tpu.memref_slice %arg19[%add3A_121, %dma_wait3A_229] : memref<10016x128xf32, #tpu.memory_space<vmem_shared>> -> memref<24x128xf32, #tpu.memory_space<vmem_shared>>
      %dma_wait3A_231 = arith.constant 0 : i32
      %dma_wait3A_232 = tpu.memref_slice %arg19[%add3A_121, %dma_wait3A_231] : memref<10016x128xf32, #tpu.memory_space<vmem_shared>> -> memref<24x128xf32, #tpu.memory_space<vmem_shared>>
      tpu.wait_dma2 semaphore(%run_scoped3A : memref<!tpu.dma_semaphore, #tpu.memory_space<semaphore_mem>>) src(%arg18 : memref<24x128xf32, #tpu.memory_space<vmem>>) dst(%dma_wait3A_232 : memref<24x128xf32, #tpu.memory_space<vmem_shared>>)
      tpu.yield
    }) : () -> ()
    %mul3A_122 = arith.constant 624 : i32
    %mul3A_123 = arith.muli %arg1, %mul3A_122 : i32
    %add3A_124 = arith.constant 120 : i32
    %add3A_125 = arith.addi %mul3A_123, %add3A_124 : i32
    "tpu.region"() ({
      %run_scoped3A = tpu.sem_alloc : memref<!tpu.dma_semaphore, #tpu.memory_space<semaphore_mem>>
      %dma_start3A_225 = arith.constant 0 : i32
      %dma_start3A_226 = tpu.memref_slice %arg19[%add3A_125, %dma_start3A_225] : memref<10016x128xf32, #tpu.memory_space<vmem_shared>> -> memref<24x128xf32, #tpu.memory_space<vmem_shared>>
      %dma_start3A_227 = arith.constant 0 : i32
      %dma_start3A_228 = tpu.memref_slice %arg19[%add3A_125, %dma_start3A_227] : memref<10016x128xf32, #tpu.memory_space<vmem_shared>> -> memref<24x128xf32, #tpu.memory_space<vmem_shared>>
      tpu.enqueue_dma source(%arg18 : memref<24x128xf32, #tpu.memory_space<vmem>>) target(%dma_start3A_228 : memref<24x128xf32, #tpu.memory_space<vmem_shared>>) target_semaphore(%run_scoped3A : memref<!tpu.dma_semaphore, #tpu.memory_space<semaphore_mem>>)
      %dma_wait3A_229 = arith.constant 0 : i32
      %dma_wait3A_230 = tpu.memref_slice %arg19[%add3A_125, %dma_wait3A_229] : memref<10016x128xf32, #tpu.memory_space<vmem_shared>> -> memref<24x128xf32, #tpu.memory_space<vmem_shared>>
      %dma_wait3A_231 = arith.constant 0 : i32
      %dma_wait3A_232 = tpu.memref_slice %arg19[%add3A_125, %dma_wait3A_231] : memref<10016x128xf32, #tpu.memory_space<vmem_shared>> -> memref<24x128xf32, #tpu.memory_space<vmem_shared>>
      tpu.wait_dma2 semaphore(%run_scoped3A : memref<!tpu.dma_semaphore, #tpu.memory_space<semaphore_mem>>) src(%arg18 : memref<24x128xf32, #tpu.memory_space<vmem>>) dst(%dma_wait3A_232 : memref<24x128xf32, #tpu.memory_space<vmem_shared>>)
      tpu.yield
    }) : () -> ()
    %mul3A_126 = arith.constant 624 : i32
    %mul3A_127 = arith.muli %arg1, %mul3A_126 : i32
    %add3A_128 = arith.constant 144 : i32
    %add3A_129 = arith.addi %mul3A_127, %add3A_128 : i32
    "tpu.region"() ({
      %run_scoped3A = tpu.sem_alloc : memref<!tpu.dma_semaphore, #tpu.memory_space<semaphore_mem>>
      %dma_start3A_225 = arith.constant 0 : i32
      %dma_start3A_226 = tpu.memref_slice %arg19[%add3A_129, %dma_start3A_225] : memref<10016x128xf32, #tpu.memory_space<vmem_shared>> -> memref<24x128xf32, #tpu.memory_space<vmem_shared>>
      %dma_start3A_227 = arith.constant 0 : i32
      %dma_start3A_228 = tpu.memref_slice %arg19[%add3A_129, %dma_start3A_227] : memref<10016x128xf32, #tpu.memory_space<vmem_shared>> -> memref<24x128xf32, #tpu.memory_space<vmem_shared>>
      tpu.enqueue_dma source(%arg18 : memref<24x128xf32, #tpu.memory_space<vmem>>) target(%dma_start3A_228 : memref<24x128xf32, #tpu.memory_space<vmem_shared>>) target_semaphore(%run_scoped3A : memref<!tpu.dma_semaphore, #tpu.memory_space<semaphore_mem>>)
      %dma_wait3A_229 = arith.constant 0 : i32
      %dma_wait3A_230 = tpu.memref_slice %arg19[%add3A_129, %dma_wait3A_229] : memref<10016x128xf32, #tpu.memory_space<vmem_shared>> -> memref<24x128xf32, #tpu.memory_space<vmem_shared>>
      %dma_wait3A_231 = arith.constant 0 : i32
      %dma_wait3A_232 = tpu.memref_slice %arg19[%add3A_129, %dma_wait3A_231] : memref<10016x128xf32, #tpu.memory_space<vmem_shared>> -> memref<24x128xf32, #tpu.memory_space<vmem_shared>>
      tpu.wait_dma2 semaphore(%run_scoped3A : memref<!tpu.dma_semaphore, #tpu.memory_space<semaphore_mem>>) src(%arg18 : memref<24x128xf32, #tpu.memory_space<vmem>>) dst(%dma_wait3A_232 : memref<24x128xf32, #tpu.memory_space<vmem_shared>>)
      tpu.yield
    }) : () -> ()
    %mul3A_130 = arith.constant 624 : i32
    %mul3A_131 = arith.muli %arg1, %mul3A_130 : i32
    %add3A_132 = arith.constant 168 : i32
    %add3A_133 = arith.addi %mul3A_131, %add3A_132 : i32
    "tpu.region"() ({
      %run_scoped3A = tpu.sem_alloc : memref<!tpu.dma_semaphore, #tpu.memory_space<semaphore_mem>>
      %dma_start3A_225 = arith.constant 0 : i32
      %dma_start3A_226 = tpu.memref_slice %arg19[%add3A_133, %dma_start3A_225] : memref<10016x128xf32, #tpu.memory_space<vmem_shared>> -> memref<24x128xf32, #tpu.memory_space<vmem_shared>>
      %dma_start3A_227 = arith.constant 0 : i32
      %dma_start3A_228 = tpu.memref_slice %arg19[%add3A_133, %dma_start3A_227] : memref<10016x128xf32, #tpu.memory_space<vmem_shared>> -> memref<24x128xf32, #tpu.memory_space<vmem_shared>>
      tpu.enqueue_dma source(%arg18 : memref<24x128xf32, #tpu.memory_space<vmem>>) target(%dma_start3A_228 : memref<24x128xf32, #tpu.memory_space<vmem_shared>>) target_semaphore(%run_scoped3A : memref<!tpu.dma_semaphore, #tpu.memory_space<semaphore_mem>>)
      %dma_wait3A_229 = arith.constant 0 : i32
      %dma_wait3A_230 = tpu.memref_slice %arg19[%add3A_133, %dma_wait3A_229] : memref<10016x128xf32, #tpu.memory_space<vmem_shared>> -> memref<24x128xf32, #tpu.memory_space<vmem_shared>>
      %dma_wait3A_231 = arith.constant 0 : i32
      %dma_wait3A_232 = tpu.memref_slice %arg19[%add3A_133, %dma_wait3A_231] : memref<10016x128xf32, #tpu.memory_space<vmem_shared>> -> memref<24x128xf32, #tpu.memory_space<vmem_shared>>
      tpu.wait_dma2 semaphore(%run_scoped3A : memref<!tpu.dma_semaphore, #tpu.memory_space<semaphore_mem>>) src(%arg18 : memref<24x128xf32, #tpu.memory_space<vmem>>) dst(%dma_wait3A_232 : memref<24x128xf32, #tpu.memory_space<vmem_shared>>)
      tpu.yield
    }) : () -> ()
    %mul3A_134 = arith.constant 624 : i32
    %mul3A_135 = arith.muli %arg1, %mul3A_134 : i32
    %add3A_136 = arith.constant 192 : i32
    %add3A_137 = arith.addi %mul3A_135, %add3A_136 : i32
    "tpu.region"() ({
      %run_scoped3A = tpu.sem_alloc : memref<!tpu.dma_semaphore, #tpu.memory_space<semaphore_mem>>
      %dma_start3A_225 = arith.constant 0 : i32
      %dma_start3A_226 = tpu.memref_slice %arg19[%add3A_137, %dma_start3A_225] : memref<10016x128xf32, #tpu.memory_space<vmem_shared>> -> memref<24x128xf32, #tpu.memory_space<vmem_shared>>
      %dma_start3A_227 = arith.constant 0 : i32
      %dma_start3A_228 = tpu.memref_slice %arg19[%add3A_137, %dma_start3A_227] : memref<10016x128xf32, #tpu.memory_space<vmem_shared>> -> memref<24x128xf32, #tpu.memory_space<vmem_shared>>
      tpu.enqueue_dma source(%arg18 : memref<24x128xf32, #tpu.memory_space<vmem>>) target(%dma_start3A_228 : memref<24x128xf32, #tpu.memory_space<vmem_shared>>) target_semaphore(%run_scoped3A : memref<!tpu.dma_semaphore, #tpu.memory_space<semaphore_mem>>)
      %dma_wait3A_229 = arith.constant 0 : i32
      %dma_wait3A_230 = tpu.memref_slice %arg19[%add3A_137, %dma_wait3A_229] : memref<10016x128xf32, #tpu.memory_space<vmem_shared>> -> memref<24x128xf32, #tpu.memory_space<vmem_shared>>
      %dma_wait3A_231 = arith.constant 0 : i32
      %dma_wait3A_232 = tpu.memref_slice %arg19[%add3A_137, %dma_wait3A_231] : memref<10016x128xf32, #tpu.memory_space<vmem_shared>> -> memref<24x128xf32, #tpu.memory_space<vmem_shared>>
      tpu.wait_dma2 semaphore(%run_scoped3A : memref<!tpu.dma_semaphore, #tpu.memory_space<semaphore_mem>>) src(%arg18 : memref<24x128xf32, #tpu.memory_space<vmem>>) dst(%dma_wait3A_232 : memref<24x128xf32, #tpu.memory_space<vmem_shared>>)
      tpu.yield
    }) : () -> ()
    %mul3A_138 = arith.constant 624 : i32
    %mul3A_139 = arith.muli %arg1, %mul3A_138 : i32
    %add3A_140 = arith.constant 216 : i32
    %add3A_141 = arith.addi %mul3A_139, %add3A_140 : i32
    "tpu.region"() ({
      %run_scoped3A = tpu.sem_alloc : memref<!tpu.dma_semaphore, #tpu.memory_space<semaphore_mem>>
      %dma_start3A_225 = arith.constant 0 : i32
      %dma_start3A_226 = tpu.memref_slice %arg19[%add3A_141, %dma_start3A_225] : memref<10016x128xf32, #tpu.memory_space<vmem_shared>> -> memref<24x128xf32, #tpu.memory_space<vmem_shared>>
      %dma_start3A_227 = arith.constant 0 : i32
      %dma_start3A_228 = tpu.memref_slice %arg19[%add3A_141, %dma_start3A_227] : memref<10016x128xf32, #tpu.memory_space<vmem_shared>> -> memref<24x128xf32, #tpu.memory_space<vmem_shared>>
      tpu.enqueue_dma source(%arg18 : memref<24x128xf32, #tpu.memory_space<vmem>>) target(%dma_start3A_228 : memref<24x128xf32, #tpu.memory_space<vmem_shared>>) target_semaphore(%run_scoped3A : memref<!tpu.dma_semaphore, #tpu.memory_space<semaphore_mem>>)
      %dma_wait3A_229 = arith.constant 0 : i32
      %dma_wait3A_230 = tpu.memref_slice %arg19[%add3A_141, %dma_wait3A_229] : memref<10016x128xf32, #tpu.memory_space<vmem_shared>> -> memref<24x128xf32, #tpu.memory_space<vmem_shared>>
      %dma_wait3A_231 = arith.constant 0 : i32
      %dma_wait3A_232 = tpu.memref_slice %arg19[%add3A_141, %dma_wait3A_231] : memref<10016x128xf32, #tpu.memory_space<vmem_shared>> -> memref<24x128xf32, #tpu.memory_space<vmem_shared>>
      tpu.wait_dma2 semaphore(%run_scoped3A : memref<!tpu.dma_semaphore, #tpu.memory_space<semaphore_mem>>) src(%arg18 : memref<24x128xf32, #tpu.memory_space<vmem>>) dst(%dma_wait3A_232 : memref<24x128xf32, #tpu.memory_space<vmem_shared>>)
      tpu.yield
    }) : () -> ()
    %mul3A_142 = arith.constant 624 : i32
    %mul3A_143 = arith.muli %arg1, %mul3A_142 : i32
    %add3A_144 = arith.constant 240 : i32
    %add3A_145 = arith.addi %mul3A_143, %add3A_144 : i32
    "tpu.region"() ({
      %run_scoped3A = tpu.sem_alloc : memref<!tpu.dma_semaphore, #tpu.memory_space<semaphore_mem>>
      %dma_start3A_225 = arith.constant 0 : i32
      %dma_start3A_226 = tpu.memref_slice %arg19[%add3A_145, %dma_start3A_225] : memref<10016x128xf32, #tpu.memory_space<vmem_shared>> -> memref<24x128xf32, #tpu.memory_space<vmem_shared>>
      %dma_start3A_227 = arith.constant 0 : i32
      %dma_start3A_228 = tpu.memref_slice %arg19[%add3A_145, %dma_start3A_227] : memref<10016x128xf32, #tpu.memory_space<vmem_shared>> -> memref<24x128xf32, #tpu.memory_space<vmem_shared>>
      tpu.enqueue_dma source(%arg18 : memref<24x128xf32, #tpu.memory_space<vmem>>) target(%dma_start3A_228 : memref<24x128xf32, #tpu.memory_space<vmem_shared>>) target_semaphore(%run_scoped3A : memref<!tpu.dma_semaphore, #tpu.memory_space<semaphore_mem>>)
      %dma_wait3A_229 = arith.constant 0 : i32
      %dma_wait3A_230 = tpu.memref_slice %arg19[%add3A_145, %dma_wait3A_229] : memref<10016x128xf32, #tpu.memory_space<vmem_shared>> -> memref<24x128xf32, #tpu.memory_space<vmem_shared>>
      %dma_wait3A_231 = arith.constant 0 : i32
      %dma_wait3A_232 = tpu.memref_slice %arg19[%add3A_145, %dma_wait3A_231] : memref<10016x128xf32, #tpu.memory_space<vmem_shared>> -> memref<24x128xf32, #tpu.memory_space<vmem_shared>>
      tpu.wait_dma2 semaphore(%run_scoped3A : memref<!tpu.dma_semaphore, #tpu.memory_space<semaphore_mem>>) src(%arg18 : memref<24x128xf32, #tpu.memory_space<vmem>>) dst(%dma_wait3A_232 : memref<24x128xf32, #tpu.memory_space<vmem_shared>>)
      tpu.yield
    }) : () -> ()
    %mul3A_146 = arith.constant 624 : i32
    %mul3A_147 = arith.muli %arg1, %mul3A_146 : i32
    %add3A_148 = arith.constant 264 : i32
    %add3A_149 = arith.addi %mul3A_147, %add3A_148 : i32
    "tpu.region"() ({
      %run_scoped3A = tpu.sem_alloc : memref<!tpu.dma_semaphore, #tpu.memory_space<semaphore_mem>>
      %dma_start3A_225 = arith.constant 0 : i32
      %dma_start3A_226 = tpu.memref_slice %arg19[%add3A_149, %dma_start3A_225] : memref<10016x128xf32, #tpu.memory_space<vmem_shared>> -> memref<24x128xf32, #tpu.memory_space<vmem_shared>>
      %dma_start3A_227 = arith.constant 0 : i32
      %dma_start3A_228 = tpu.memref_slice %arg19[%add3A_149, %dma_start3A_227] : memref<10016x128xf32, #tpu.memory_space<vmem_shared>> -> memref<24x128xf32, #tpu.memory_space<vmem_shared>>
      tpu.enqueue_dma source(%arg18 : memref<24x128xf32, #tpu.memory_space<vmem>>) target(%dma_start3A_228 : memref<24x128xf32, #tpu.memory_space<vmem_shared>>) target_semaphore(%run_scoped3A : memref<!tpu.dma_semaphore, #tpu.memory_space<semaphore_mem>>)
      %dma_wait3A_229 = arith.constant 0 : i32
      %dma_wait3A_230 = tpu.memref_slice %arg19[%add3A_149, %dma_wait3A_229] : memref<10016x128xf32, #tpu.memory_space<vmem_shared>> -> memref<24x128xf32, #tpu.memory_space<vmem_shared>>
      %dma_wait3A_231 = arith.constant 0 : i32
      %dma_wait3A_232 = tpu.memref_slice %arg19[%add3A_149, %dma_wait3A_231] : memref<10016x128xf32, #tpu.memory_space<vmem_shared>> -> memref<24x128xf32, #tpu.memory_space<vmem_shared>>
      tpu.wait_dma2 semaphore(%run_scoped3A : memref<!tpu.dma_semaphore, #tpu.memory_space<semaphore_mem>>) src(%arg18 : memref<24x128xf32, #tpu.memory_space<vmem>>) dst(%dma_wait3A_232 : memref<24x128xf32, #tpu.memory_space<vmem_shared>>)
      tpu.yield
    }) : () -> ()
    %mul3A_150 = arith.constant 624 : i32
    %mul3A_151 = arith.muli %arg1, %mul3A_150 : i32
    %add3A_152 = arith.constant 288 : i32
    %add3A_153 = arith.addi %mul3A_151, %add3A_152 : i32
    "tpu.region"() ({
      %run_scoped3A = tpu.sem_alloc : memref<!tpu.dma_semaphore, #tpu.memory_space<semaphore_mem>>
      %dma_start3A_225 = arith.constant 0 : i32
      %dma_start3A_226 = tpu.memref_slice %arg19[%add3A_153, %dma_start3A_225] : memref<10016x128xf32, #tpu.memory_space<vmem_shared>> -> memref<24x128xf32, #tpu.memory_space<vmem_shared>>
      %dma_start3A_227 = arith.constant 0 : i32
      %dma_start3A_228 = tpu.memref_slice %arg19[%add3A_153, %dma_start3A_227] : memref<10016x128xf32, #tpu.memory_space<vmem_shared>> -> memref<24x128xf32, #tpu.memory_space<vmem_shared>>
      tpu.enqueue_dma source(%arg18 : memref<24x128xf32, #tpu.memory_space<vmem>>) target(%dma_start3A_228 : memref<24x128xf32, #tpu.memory_space<vmem_shared>>) target_semaphore(%run_scoped3A : memref<!tpu.dma_semaphore, #tpu.memory_space<semaphore_mem>>)
      %dma_wait3A_229 = arith.constant 0 : i32
      %dma_wait3A_230 = tpu.memref_slice %arg19[%add3A_153, %dma_wait3A_229] : memref<10016x128xf32, #tpu.memory_space<vmem_shared>> -> memref<24x128xf32, #tpu.memory_space<vmem_shared>>
      %dma_wait3A_231 = arith.constant 0 : i32
      %dma_wait3A_232 = tpu.memref_slice %arg19[%add3A_153, %dma_wait3A_231] : memref<10016x128xf32, #tpu.memory_space<vmem_shared>> -> memref<24x128xf32, #tpu.memory_space<vmem_shared>>
      tpu.wait_dma2 semaphore(%run_scoped3A : memref<!tpu.dma_semaphore, #tpu.memory_space<semaphore_mem>>) src(%arg18 : memref<24x128xf32, #tpu.memory_space<vmem>>) dst(%dma_wait3A_232 : memref<24x128xf32, #tpu.memory_space<vmem_shared>>)
      tpu.yield
    }) : () -> ()
    %mul3A_154 = arith.constant 624 : i32
    %mul3A_155 = arith.muli %arg1, %mul3A_154 : i32
    %add3A_156 = arith.constant 312 : i32
    %add3A_157 = arith.addi %mul3A_155, %add3A_156 : i32
    "tpu.region"() ({
      %run_scoped3A = tpu.sem_alloc : memref<!tpu.dma_semaphore, #tpu.memory_space<semaphore_mem>>
      %dma_start3A_225 = arith.constant 0 : i32
      %dma_start3A_226 = tpu.memref_slice %arg19[%add3A_157, %dma_start3A_225] : memref<10016x128xf32, #tpu.memory_space<vmem_shared>> -> memref<24x128xf32, #tpu.memory_space<vmem_shared>>
      %dma_start3A_227 = arith.constant 0 : i32
      %dma_start3A_228 = tpu.memref_slice %arg19[%add3A_157, %dma_start3A_227] : memref<10016x128xf32, #tpu.memory_space<vmem_shared>> -> memref<24x128xf32, #tpu.memory_space<vmem_shared>>
      tpu.enqueue_dma source(%arg18 : memref<24x128xf32, #tpu.memory_space<vmem>>) target(%dma_start3A_228 : memref<24x128xf32, #tpu.memory_space<vmem_shared>>) target_semaphore(%run_scoped3A : memref<!tpu.dma_semaphore, #tpu.memory_space<semaphore_mem>>)
      %dma_wait3A_229 = arith.constant 0 : i32
      %dma_wait3A_230 = tpu.memref_slice %arg19[%add3A_157, %dma_wait3A_229] : memref<10016x128xf32, #tpu.memory_space<vmem_shared>> -> memref<24x128xf32, #tpu.memory_space<vmem_shared>>
      %dma_wait3A_231 = arith.constant 0 : i32
      %dma_wait3A_232 = tpu.memref_slice %arg19[%add3A_157, %dma_wait3A_231] : memref<10016x128xf32, #tpu.memory_space<vmem_shared>> -> memref<24x128xf32, #tpu.memory_space<vmem_shared>>
      tpu.wait_dma2 semaphore(%run_scoped3A : memref<!tpu.dma_semaphore, #tpu.memory_space<semaphore_mem>>) src(%arg18 : memref<24x128xf32, #tpu.memory_space<vmem>>) dst(%dma_wait3A_232 : memref<24x128xf32, #tpu.memory_space<vmem_shared>>)
      tpu.yield
    }) : () -> ()
    %mul3A_158 = arith.constant 624 : i32
    %mul3A_159 = arith.muli %arg1, %mul3A_158 : i32
    %add3A_160 = arith.constant 336 : i32
    %add3A_161 = arith.addi %mul3A_159, %add3A_160 : i32
    "tpu.region"() ({
      %run_scoped3A = tpu.sem_alloc : memref<!tpu.dma_semaphore, #tpu.memory_space<semaphore_mem>>
      %dma_start3A_225 = arith.constant 0 : i32
      %dma_start3A_226 = tpu.memref_slice %arg19[%add3A_161, %dma_start3A_225] : memref<10016x128xf32, #tpu.memory_space<vmem_shared>> -> memref<24x128xf32, #tpu.memory_space<vmem_shared>>
      %dma_start3A_227 = arith.constant 0 : i32
      %dma_start3A_228 = tpu.memref_slice %arg19[%add3A_161, %dma_start3A_227] : memref<10016x128xf32, #tpu.memory_space<vmem_shared>> -> memref<24x128xf32, #tpu.memory_space<vmem_shared>>
      tpu.enqueue_dma source(%arg18 : memref<24x128xf32, #tpu.memory_space<vmem>>) target(%dma_start3A_228 : memref<24x128xf32, #tpu.memory_space<vmem_shared>>) target_semaphore(%run_scoped3A : memref<!tpu.dma_semaphore, #tpu.memory_space<semaphore_mem>>)
      %dma_wait3A_229 = arith.constant 0 : i32
      %dma_wait3A_230 = tpu.memref_slice %arg19[%add3A_161, %dma_wait3A_229] : memref<10016x128xf32, #tpu.memory_space<vmem_shared>> -> memref<24x128xf32, #tpu.memory_space<vmem_shared>>
      %dma_wait3A_231 = arith.constant 0 : i32
      %dma_wait3A_232 = tpu.memref_slice %arg19[%add3A_161, %dma_wait3A_231] : memref<10016x128xf32, #tpu.memory_space<vmem_shared>> -> memref<24x128xf32, #tpu.memory_space<vmem_shared>>
      tpu.wait_dma2 semaphore(%run_scoped3A : memref<!tpu.dma_semaphore, #tpu.memory_space<semaphore_mem>>) src(%arg18 : memref<24x128xf32, #tpu.memory_space<vmem>>) dst(%dma_wait3A_232 : memref<24x128xf32, #tpu.memory_space<vmem_shared>>)
      tpu.yield
    }) : () -> ()
    %mul3A_162 = arith.constant 624 : i32
    %mul3A_163 = arith.muli %arg1, %mul3A_162 : i32
    %add3A_164 = arith.constant 360 : i32
    %add3A_165 = arith.addi %mul3A_163, %add3A_164 : i32
    "tpu.region"() ({
      %run_scoped3A = tpu.sem_alloc : memref<!tpu.dma_semaphore, #tpu.memory_space<semaphore_mem>>
      %dma_start3A_225 = arith.constant 0 : i32
      %dma_start3A_226 = tpu.memref_slice %arg19[%add3A_165, %dma_start3A_225] : memref<10016x128xf32, #tpu.memory_space<vmem_shared>> -> memref<24x128xf32, #tpu.memory_space<vmem_shared>>
      %dma_start3A_227 = arith.constant 0 : i32
      %dma_start3A_228 = tpu.memref_slice %arg19[%add3A_165, %dma_start3A_227] : memref<10016x128xf32, #tpu.memory_space<vmem_shared>> -> memref<24x128xf32, #tpu.memory_space<vmem_shared>>
      tpu.enqueue_dma source(%arg18 : memref<24x128xf32, #tpu.memory_space<vmem>>) target(%dma_start3A_228 : memref<24x128xf32, #tpu.memory_space<vmem_shared>>) target_semaphore(%run_scoped3A : memref<!tpu.dma_semaphore, #tpu.memory_space<semaphore_mem>>)
      %dma_wait3A_229 = arith.constant 0 : i32
      %dma_wait3A_230 = tpu.memref_slice %arg19[%add3A_165, %dma_wait3A_229] : memref<10016x128xf32, #tpu.memory_space<vmem_shared>> -> memref<24x128xf32, #tpu.memory_space<vmem_shared>>
      %dma_wait3A_231 = arith.constant 0 : i32
      %dma_wait3A_232 = tpu.memref_slice %arg19[%add3A_165, %dma_wait3A_231] : memref<10016x128xf32, #tpu.memory_space<vmem_shared>> -> memref<24x128xf32, #tpu.memory_space<vmem_shared>>
      tpu.wait_dma2 semaphore(%run_scoped3A : memref<!tpu.dma_semaphore, #tpu.memory_space<semaphore_mem>>) src(%arg18 : memref<24x128xf32, #tpu.memory_space<vmem>>) dst(%dma_wait3A_232 : memref<24x128xf32, #tpu.memory_space<vmem_shared>>)
      tpu.yield
    }) : () -> ()
    %mul3A_166 = arith.constant 624 : i32
    %mul3A_167 = arith.muli %arg1, %mul3A_166 : i32
    %add3A_168 = arith.constant 384 : i32
    %add3A_169 = arith.addi %mul3A_167, %add3A_168 : i32
    "tpu.region"() ({
      %run_scoped3A = tpu.sem_alloc : memref<!tpu.dma_semaphore, #tpu.memory_space<semaphore_mem>>
      %dma_start3A_225 = arith.constant 0 : i32
      %dma_start3A_226 = tpu.memref_slice %arg19[%add3A_169, %dma_start3A_225] : memref<10016x128xf32, #tpu.memory_space<vmem_shared>> -> memref<24x128xf32, #tpu.memory_space<vmem_shared>>
      %dma_start3A_227 = arith.constant 0 : i32
      %dma_start3A_228 = tpu.memref_slice %arg19[%add3A_169, %dma_start3A_227] : memref<10016x128xf32, #tpu.memory_space<vmem_shared>> -> memref<24x128xf32, #tpu.memory_space<vmem_shared>>
      tpu.enqueue_dma source(%arg18 : memref<24x128xf32, #tpu.memory_space<vmem>>) target(%dma_start3A_228 : memref<24x128xf32, #tpu.memory_space<vmem_shared>>) target_semaphore(%run_scoped3A : memref<!tpu.dma_semaphore, #tpu.memory_space<semaphore_mem>>)
      %dma_wait3A_229 = arith.constant 0 : i32
      %dma_wait3A_230 = tpu.memref_slice %arg19[%add3A_169, %dma_wait3A_229] : memref<10016x128xf32, #tpu.memory_space<vmem_shared>> -> memref<24x128xf32, #tpu.memory_space<vmem_shared>>
      %dma_wait3A_231 = arith.constant 0 : i32
      %dma_wait3A_232 = tpu.memref_slice %arg19[%add3A_169, %dma_wait3A_231] : memref<10016x128xf32, #tpu.memory_space<vmem_shared>> -> memref<24x128xf32, #tpu.memory_space<vmem_shared>>
      tpu.wait_dma2 semaphore(%run_scoped3A : memref<!tpu.dma_semaphore, #tpu.memory_space<semaphore_mem>>) src(%arg18 : memref<24x128xf32, #tpu.memory_space<vmem>>) dst(%dma_wait3A_232 : memref<24x128xf32, #tpu.memory_space<vmem_shared>>)
      tpu.yield
    }) : () -> ()
    %mul3A_170 = arith.constant 624 : i32
    %mul3A_171 = arith.muli %arg1, %mul3A_170 : i32
    %add3A_172 = arith.constant 408 : i32
    %add3A_173 = arith.addi %mul3A_171, %add3A_172 : i32
    "tpu.region"() ({
      %run_scoped3A = tpu.sem_alloc : memref<!tpu.dma_semaphore, #tpu.memory_space<semaphore_mem>>
      %dma_start3A_225 = arith.constant 0 : i32
      %dma_start3A_226 = tpu.memref_slice %arg19[%add3A_173, %dma_start3A_225] : memref<10016x128xf32, #tpu.memory_space<vmem_shared>> -> memref<24x128xf32, #tpu.memory_space<vmem_shared>>
      %dma_start3A_227 = arith.constant 0 : i32
      %dma_start3A_228 = tpu.memref_slice %arg19[%add3A_173, %dma_start3A_227] : memref<10016x128xf32, #tpu.memory_space<vmem_shared>> -> memref<24x128xf32, #tpu.memory_space<vmem_shared>>
      tpu.enqueue_dma source(%arg18 : memref<24x128xf32, #tpu.memory_space<vmem>>) target(%dma_start3A_228 : memref<24x128xf32, #tpu.memory_space<vmem_shared>>) target_semaphore(%run_scoped3A : memref<!tpu.dma_semaphore, #tpu.memory_space<semaphore_mem>>)
      %dma_wait3A_229 = arith.constant 0 : i32
      %dma_wait3A_230 = tpu.memref_slice %arg19[%add3A_173, %dma_wait3A_229] : memref<10016x128xf32, #tpu.memory_space<vmem_shared>> -> memref<24x128xf32, #tpu.memory_space<vmem_shared>>
      %dma_wait3A_231 = arith.constant 0 : i32
      %dma_wait3A_232 = tpu.memref_slice %arg19[%add3A_173, %dma_wait3A_231] : memref<10016x128xf32, #tpu.memory_space<vmem_shared>> -> memref<24x128xf32, #tpu.memory_space<vmem_shared>>
      tpu.wait_dma2 semaphore(%run_scoped3A : memref<!tpu.dma_semaphore, #tpu.memory_space<semaphore_mem>>) src(%arg18 : memref<24x128xf32, #tpu.memory_space<vmem>>) dst(%dma_wait3A_232 : memref<24x128xf32, #tpu.memory_space<vmem_shared>>)
      tpu.yield
    }) : () -> ()
    %mul3A_174 = arith.constant 624 : i32
    %mul3A_175 = arith.muli %arg1, %mul3A_174 : i32
    %add3A_176 = arith.constant 432 : i32
    %add3A_177 = arith.addi %mul3A_175, %add3A_176 : i32
    "tpu.region"() ({
      %run_scoped3A = tpu.sem_alloc : memref<!tpu.dma_semaphore, #tpu.memory_space<semaphore_mem>>
      %dma_start3A_225 = arith.constant 0 : i32
      %dma_start3A_226 = tpu.memref_slice %arg19[%add3A_177, %dma_start3A_225] : memref<10016x128xf32, #tpu.memory_space<vmem_shared>> -> memref<24x128xf32, #tpu.memory_space<vmem_shared>>
      %dma_start3A_227 = arith.constant 0 : i32
      %dma_start3A_228 = tpu.memref_slice %arg19[%add3A_177, %dma_start3A_227] : memref<10016x128xf32, #tpu.memory_space<vmem_shared>> -> memref<24x128xf32, #tpu.memory_space<vmem_shared>>
      tpu.enqueue_dma source(%arg18 : memref<24x128xf32, #tpu.memory_space<vmem>>) target(%dma_start3A_228 : memref<24x128xf32, #tpu.memory_space<vmem_shared>>) target_semaphore(%run_scoped3A : memref<!tpu.dma_semaphore, #tpu.memory_space<semaphore_mem>>)
      %dma_wait3A_229 = arith.constant 0 : i32
      %dma_wait3A_230 = tpu.memref_slice %arg19[%add3A_177, %dma_wait3A_229] : memref<10016x128xf32, #tpu.memory_space<vmem_shared>> -> memref<24x128xf32, #tpu.memory_space<vmem_shared>>
      %dma_wait3A_231 = arith.constant 0 : i32
      %dma_wait3A_232 = tpu.memref_slice %arg19[%add3A_177, %dma_wait3A_231] : memref<10016x128xf32, #tpu.memory_space<vmem_shared>> -> memref<24x128xf32, #tpu.memory_space<vmem_shared>>
      tpu.wait_dma2 semaphore(%run_scoped3A : memref<!tpu.dma_semaphore, #tpu.memory_space<semaphore_mem>>) src(%arg18 : memref<24x128xf32, #tpu.memory_space<vmem>>) dst(%dma_wait3A_232 : memref<24x128xf32, #tpu.memory_space<vmem_shared>>)
      tpu.yield
    }) : () -> ()
    %mul3A_178 = arith.constant 624 : i32
    %mul3A_179 = arith.muli %arg1, %mul3A_178 : i32
    %add3A_180 = arith.constant 456 : i32
    %add3A_181 = arith.addi %mul3A_179, %add3A_180 : i32
    "tpu.region"() ({
      %run_scoped3A = tpu.sem_alloc : memref<!tpu.dma_semaphore, #tpu.memory_space<semaphore_mem>>
      %dma_start3A_225 = arith.constant 0 : i32
      %dma_start3A_226 = tpu.memref_slice %arg19[%add3A_181, %dma_start3A_225] : memref<10016x128xf32, #tpu.memory_space<vmem_shared>> -> memref<24x128xf32, #tpu.memory_space<vmem_shared>>
      %dma_start3A_227 = arith.constant 0 : i32
      %dma_start3A_228 = tpu.memref_slice %arg19[%add3A_181, %dma_start3A_227] : memref<10016x128xf32, #tpu.memory_space<vmem_shared>> -> memref<24x128xf32, #tpu.memory_space<vmem_shared>>
      tpu.enqueue_dma source(%arg18 : memref<24x128xf32, #tpu.memory_space<vmem>>) target(%dma_start3A_228 : memref<24x128xf32, #tpu.memory_space<vmem_shared>>) target_semaphore(%run_scoped3A : memref<!tpu.dma_semaphore, #tpu.memory_space<semaphore_mem>>)
      %dma_wait3A_229 = arith.constant 0 : i32
      %dma_wait3A_230 = tpu.memref_slice %arg19[%add3A_181, %dma_wait3A_229] : memref<10016x128xf32, #tpu.memory_space<vmem_shared>> -> memref<24x128xf32, #tpu.memory_space<vmem_shared>>
      %dma_wait3A_231 = arith.constant 0 : i32
      %dma_wait3A_232 = tpu.memref_slice %arg19[%add3A_181, %dma_wait3A_231] : memref<10016x128xf32, #tpu.memory_space<vmem_shared>> -> memref<24x128xf32, #tpu.memory_space<vmem_shared>>
      tpu.wait_dma2 semaphore(%run_scoped3A : memref<!tpu.dma_semaphore, #tpu.memory_space<semaphore_mem>>) src(%arg18 : memref<24x128xf32, #tpu.memory_space<vmem>>) dst(%dma_wait3A_232 : memref<24x128xf32, #tpu.memory_space<vmem_shared>>)
      tpu.yield
    }) : () -> ()
    %mul3A_182 = arith.constant 624 : i32
    %mul3A_183 = arith.muli %arg1, %mul3A_182 : i32
    %add3A_184 = arith.constant 480 : i32
    %add3A_185 = arith.addi %mul3A_183, %add3A_184 : i32
    "tpu.region"() ({
      %run_scoped3A = tpu.sem_alloc : memref<!tpu.dma_semaphore, #tpu.memory_space<semaphore_mem>>
      %dma_start3A_225 = arith.constant 0 : i32
      %dma_start3A_226 = tpu.memref_slice %arg19[%add3A_185, %dma_start3A_225] : memref<10016x128xf32, #tpu.memory_space<vmem_shared>> -> memref<24x128xf32, #tpu.memory_space<vmem_shared>>
      %dma_start3A_227 = arith.constant 0 : i32
      %dma_start3A_228 = tpu.memref_slice %arg19[%add3A_185, %dma_start3A_227] : memref<10016x128xf32, #tpu.memory_space<vmem_shared>> -> memref<24x128xf32, #tpu.memory_space<vmem_shared>>
      tpu.enqueue_dma source(%arg18 : memref<24x128xf32, #tpu.memory_space<vmem>>) target(%dma_start3A_228 : memref<24x128xf32, #tpu.memory_space<vmem_shared>>) target_semaphore(%run_scoped3A : memref<!tpu.dma_semaphore, #tpu.memory_space<semaphore_mem>>)
      %dma_wait3A_229 = arith.constant 0 : i32
      %dma_wait3A_230 = tpu.memref_slice %arg19[%add3A_185, %dma_wait3A_229] : memref<10016x128xf32, #tpu.memory_space<vmem_shared>> -> memref<24x128xf32, #tpu.memory_space<vmem_shared>>
      %dma_wait3A_231 = arith.constant 0 : i32
      %dma_wait3A_232 = tpu.memref_slice %arg19[%add3A_185, %dma_wait3A_231] : memref<10016x128xf32, #tpu.memory_space<vmem_shared>> -> memref<24x128xf32, #tpu.memory_space<vmem_shared>>
      tpu.wait_dma2 semaphore(%run_scoped3A : memref<!tpu.dma_semaphore, #tpu.memory_space<semaphore_mem>>) src(%arg18 : memref<24x128xf32, #tpu.memory_space<vmem>>) dst(%dma_wait3A_232 : memref<24x128xf32, #tpu.memory_space<vmem_shared>>)
      tpu.yield
    }) : () -> ()
    %mul3A_186 = arith.constant 624 : i32
    %mul3A_187 = arith.muli %arg1, %mul3A_186 : i32
    %add3A_188 = arith.constant 504 : i32
    %add3A_189 = arith.addi %mul3A_187, %add3A_188 : i32
    "tpu.region"() ({
      %run_scoped3A = tpu.sem_alloc : memref<!tpu.dma_semaphore, #tpu.memory_space<semaphore_mem>>
      %dma_start3A_225 = arith.constant 0 : i32
      %dma_start3A_226 = tpu.memref_slice %arg19[%add3A_189, %dma_start3A_225] : memref<10016x128xf32, #tpu.memory_space<vmem_shared>> -> memref<24x128xf32, #tpu.memory_space<vmem_shared>>
      %dma_start3A_227 = arith.constant 0 : i32
      %dma_start3A_228 = tpu.memref_slice %arg19[%add3A_189, %dma_start3A_227] : memref<10016x128xf32, #tpu.memory_space<vmem_shared>> -> memref<24x128xf32, #tpu.memory_space<vmem_shared>>
      tpu.enqueue_dma source(%arg18 : memref<24x128xf32, #tpu.memory_space<vmem>>) target(%dma_start3A_228 : memref<24x128xf32, #tpu.memory_space<vmem_shared>>) target_semaphore(%run_scoped3A : memref<!tpu.dma_semaphore, #tpu.memory_space<semaphore_mem>>)
      %dma_wait3A_229 = arith.constant 0 : i32
      %dma_wait3A_230 = tpu.memref_slice %arg19[%add3A_189, %dma_wait3A_229] : memref<10016x128xf32, #tpu.memory_space<vmem_shared>> -> memref<24x128xf32, #tpu.memory_space<vmem_shared>>
      %dma_wait3A_231 = arith.constant 0 : i32
      %dma_wait3A_232 = tpu.memref_slice %arg19[%add3A_189, %dma_wait3A_231] : memref<10016x128xf32, #tpu.memory_space<vmem_shared>> -> memref<24x128xf32, #tpu.memory_space<vmem_shared>>
      tpu.wait_dma2 semaphore(%run_scoped3A : memref<!tpu.dma_semaphore, #tpu.memory_space<semaphore_mem>>) src(%arg18 : memref<24x128xf32, #tpu.memory_space<vmem>>) dst(%dma_wait3A_232 : memref<24x128xf32, #tpu.memory_space<vmem_shared>>)
      tpu.yield
    }) : () -> ()
    %mul3A_190 = arith.constant 624 : i32
    %mul3A_191 = arith.muli %arg1, %mul3A_190 : i32
    %add3A_192 = arith.constant 528 : i32
    %add3A_193 = arith.addi %mul3A_191, %add3A_192 : i32
    "tpu.region"() ({
      %run_scoped3A = tpu.sem_alloc : memref<!tpu.dma_semaphore, #tpu.memory_space<semaphore_mem>>
      %dma_start3A_225 = arith.constant 0 : i32
      %dma_start3A_226 = tpu.memref_slice %arg19[%add3A_193, %dma_start3A_225] : memref<10016x128xf32, #tpu.memory_space<vmem_shared>> -> memref<24x128xf32, #tpu.memory_space<vmem_shared>>
      %dma_start3A_227 = arith.constant 0 : i32
      %dma_start3A_228 = tpu.memref_slice %arg19[%add3A_193, %dma_start3A_227] : memref<10016x128xf32, #tpu.memory_space<vmem_shared>> -> memref<24x128xf32, #tpu.memory_space<vmem_shared>>
      tpu.enqueue_dma source(%arg18 : memref<24x128xf32, #tpu.memory_space<vmem>>) target(%dma_start3A_228 : memref<24x128xf32, #tpu.memory_space<vmem_shared>>) target_semaphore(%run_scoped3A : memref<!tpu.dma_semaphore, #tpu.memory_space<semaphore_mem>>)
      %dma_wait3A_229 = arith.constant 0 : i32
      %dma_wait3A_230 = tpu.memref_slice %arg19[%add3A_193, %dma_wait3A_229] : memref<10016x128xf32, #tpu.memory_space<vmem_shared>> -> memref<24x128xf32, #tpu.memory_space<vmem_shared>>
      %dma_wait3A_231 = arith.constant 0 : i32
      %dma_wait3A_232 = tpu.memref_slice %arg19[%add3A_193, %dma_wait3A_231] : memref<10016x128xf32, #tpu.memory_space<vmem_shared>> -> memref<24x128xf32, #tpu.memory_space<vmem_shared>>
      tpu.wait_dma2 semaphore(%run_scoped3A : memref<!tpu.dma_semaphore, #tpu.memory_space<semaphore_mem>>) src(%arg18 : memref<24x128xf32, #tpu.memory_space<vmem>>) dst(%dma_wait3A_232 : memref<24x128xf32, #tpu.memory_space<vmem_shared>>)
      tpu.yield
    }) : () -> ()
    %mul3A_194 = arith.constant 624 : i32
    %mul3A_195 = arith.muli %arg1, %mul3A_194 : i32
    %add3A_196 = arith.constant 552 : i32
    %add3A_197 = arith.addi %mul3A_195, %add3A_196 : i32
    "tpu.region"() ({
      %run_scoped3A = tpu.sem_alloc : memref<!tpu.dma_semaphore, #tpu.memory_space<semaphore_mem>>
      %dma_start3A_225 = arith.constant 0 : i32
      %dma_start3A_226 = tpu.memref_slice %arg19[%add3A_197, %dma_start3A_225] : memref<10016x128xf32, #tpu.memory_space<vmem_shared>> -> memref<24x128xf32, #tpu.memory_space<vmem_shared>>
      %dma_start3A_227 = arith.constant 0 : i32
      %dma_start3A_228 = tpu.memref_slice %arg19[%add3A_197, %dma_start3A_227] : memref<10016x128xf32, #tpu.memory_space<vmem_shared>> -> memref<24x128xf32, #tpu.memory_space<vmem_shared>>
      tpu.enqueue_dma source(%arg18 : memref<24x128xf32, #tpu.memory_space<vmem>>) target(%dma_start3A_228 : memref<24x128xf32, #tpu.memory_space<vmem_shared>>) target_semaphore(%run_scoped3A : memref<!tpu.dma_semaphore, #tpu.memory_space<semaphore_mem>>)
      %dma_wait3A_229 = arith.constant 0 : i32
      %dma_wait3A_230 = tpu.memref_slice %arg19[%add3A_197, %dma_wait3A_229] : memref<10016x128xf32, #tpu.memory_space<vmem_shared>> -> memref<24x128xf32, #tpu.memory_space<vmem_shared>>
      %dma_wait3A_231 = arith.constant 0 : i32
      %dma_wait3A_232 = tpu.memref_slice %arg19[%add3A_197, %dma_wait3A_231] : memref<10016x128xf32, #tpu.memory_space<vmem_shared>> -> memref<24x128xf32, #tpu.memory_space<vmem_shared>>
      tpu.wait_dma2 semaphore(%run_scoped3A : memref<!tpu.dma_semaphore, #tpu.memory_space<semaphore_mem>>) src(%arg18 : memref<24x128xf32, #tpu.memory_space<vmem>>) dst(%dma_wait3A_232 : memref<24x128xf32, #tpu.memory_space<vmem_shared>>)
      tpu.yield
    }) : () -> ()
    %mul3A_198 = arith.constant 624 : i32
    %mul3A_199 = arith.muli %arg1, %mul3A_198 : i32
    %add3A_200 = arith.constant 576 : i32
    %add3A_201 = arith.addi %mul3A_199, %add3A_200 : i32
    "tpu.region"() ({
      %run_scoped3A = tpu.sem_alloc : memref<!tpu.dma_semaphore, #tpu.memory_space<semaphore_mem>>
      %dma_start3A_225 = arith.constant 0 : i32
      %dma_start3A_226 = tpu.memref_slice %arg19[%add3A_201, %dma_start3A_225] : memref<10016x128xf32, #tpu.memory_space<vmem_shared>> -> memref<24x128xf32, #tpu.memory_space<vmem_shared>>
      %dma_start3A_227 = arith.constant 0 : i32
      %dma_start3A_228 = tpu.memref_slice %arg19[%add3A_201, %dma_start3A_227] : memref<10016x128xf32, #tpu.memory_space<vmem_shared>> -> memref<24x128xf32, #tpu.memory_space<vmem_shared>>
      tpu.enqueue_dma source(%arg18 : memref<24x128xf32, #tpu.memory_space<vmem>>) target(%dma_start3A_228 : memref<24x128xf32, #tpu.memory_space<vmem_shared>>) target_semaphore(%run_scoped3A : memref<!tpu.dma_semaphore, #tpu.memory_space<semaphore_mem>>)
      %dma_wait3A_229 = arith.constant 0 : i32
      %dma_wait3A_230 = tpu.memref_slice %arg19[%add3A_201, %dma_wait3A_229] : memref<10016x128xf32, #tpu.memory_space<vmem_shared>> -> memref<24x128xf32, #tpu.memory_space<vmem_shared>>
      %dma_wait3A_231 = arith.constant 0 : i32
      %dma_wait3A_232 = tpu.memref_slice %arg19[%add3A_201, %dma_wait3A_231] : memref<10016x128xf32, #tpu.memory_space<vmem_shared>> -> memref<24x128xf32, #tpu.memory_space<vmem_shared>>
      tpu.wait_dma2 semaphore(%run_scoped3A : memref<!tpu.dma_semaphore, #tpu.memory_space<semaphore_mem>>) src(%arg18 : memref<24x128xf32, #tpu.memory_space<vmem>>) dst(%dma_wait3A_232 : memref<24x128xf32, #tpu.memory_space<vmem_shared>>)
      tpu.yield
    }) : () -> ()
    %mul3A_202 = arith.constant 624 : i32
    %mul3A_203 = arith.muli %arg1, %mul3A_202 : i32
    %add3A_204 = arith.constant 600 : i32
    %add3A_205 = arith.addi %mul3A_203, %add3A_204 : i32
    "tpu.region"() ({
      %run_scoped3A = tpu.sem_alloc : memref<!tpu.dma_semaphore, #tpu.memory_space<semaphore_mem>>
      %dma_start3A_225 = arith.constant 0 : i32
      %dma_start3A_226 = tpu.memref_slice %arg19[%add3A_205, %dma_start3A_225] : memref<10016x128xf32, #tpu.memory_space<vmem_shared>> -> memref<24x128xf32, #tpu.memory_space<vmem_shared>>
      %dma_start3A_227 = arith.constant 0 : i32
      %dma_start3A_228 = tpu.memref_slice %arg19[%add3A_205, %dma_start3A_227] : memref<10016x128xf32, #tpu.memory_space<vmem_shared>> -> memref<24x128xf32, #tpu.memory_space<vmem_shared>>
      tpu.enqueue_dma source(%arg18 : memref<24x128xf32, #tpu.memory_space<vmem>>) target(%dma_start3A_228 : memref<24x128xf32, #tpu.memory_space<vmem_shared>>) target_semaphore(%run_scoped3A : memref<!tpu.dma_semaphore, #tpu.memory_space<semaphore_mem>>)
      %dma_wait3A_229 = arith.constant 0 : i32
      %dma_wait3A_230 = tpu.memref_slice %arg19[%add3A_205, %dma_wait3A_229] : memref<10016x128xf32, #tpu.memory_space<vmem_shared>> -> memref<24x128xf32, #tpu.memory_space<vmem_shared>>
      %dma_wait3A_231 = arith.constant 0 : i32
      %dma_wait3A_232 = tpu.memref_slice %arg19[%add3A_205, %dma_wait3A_231] : memref<10016x128xf32, #tpu.memory_space<vmem_shared>> -> memref<24x128xf32, #tpu.memory_space<vmem_shared>>
      tpu.wait_dma2 semaphore(%run_scoped3A : memref<!tpu.dma_semaphore, #tpu.memory_space<semaphore_mem>>) src(%arg18 : memref<24x128xf32, #tpu.memory_space<vmem>>) dst(%dma_wait3A_232 : memref<24x128xf32, #tpu.memory_space<vmem_shared>>)
      tpu.yield
    }) : () -> ()
    %eq3A = arith.constant 0 : i32
    %eq3A_206 = arith.cmpi eq, %arg1, %eq3A : i32
    %convert_element_type3A = arith.extui %eq3A_206 : i1 to i32
    %cond3A = arith.constant 0 : i32
    %cond3A_207 = arith.cmpi ne, %convert_element_type3A, %cond3A : i32
    scf.if %cond3A_207 {
      "tpu.region"() ({
        %run_scoped3A = tpu.sem_alloc : memref<!tpu.dma_semaphore, #tpu.memory_space<semaphore_mem>>
        %dma_start3A_225 = arith.constant 0 : i32
        %dma_start3A_226 = arith.constant 0 : i32
        %dma_start3A_227 = tpu.memref_slice %arg18[%dma_start3A_225, %dma_start3A_226] : memref<24x128xf32, #tpu.memory_space<vmem>> -> memref<16x128xf32, #tpu.memory_space<vmem>>
        %dma_start3A_228 = arith.constant 9984 : i32
        %dma_start3A_229 = arith.constant 0 : i32
        %dma_start3A_230 = tpu.memref_slice %arg19[%dma_start3A_228, %dma_start3A_229] : memref<10016x128xf32, #tpu.memory_space<vmem_shared>> -> memref<16x128xf32, #tpu.memory_space<vmem_shared>>
        %dma_start3A_231 = arith.constant 9984 : i32
        %dma_start3A_232 = arith.constant 0 : i32
        %dma_start3A_233 = tpu.memref_slice %arg19[%dma_start3A_231, %dma_start3A_232] : memref<10016x128xf32, #tpu.memory_space<vmem_shared>> -> memref<16x128xf32, #tpu.memory_space<vmem_shared>>
        %dma_start3A_234 = arith.constant 0 : i32
        %dma_start3A_235 = arith.constant 0 : i32
        %dma_start3A_236 = tpu.memref_slice %arg18[%dma_start3A_234, %dma_start3A_235] : memref<24x128xf32, #tpu.memory_space<vmem>> -> memref<16x128xf32, #tpu.memory_space<vmem>>
        tpu.enqueue_dma source(%dma_start3A_236 : memref<16x128xf32, #tpu.memory_space<vmem>>) target(%dma_start3A_233 : memref<16x128xf32, #tpu.memory_space<vmem_shared>>) target_semaphore(%run_scoped3A : memref<!tpu.dma_semaphore, #tpu.memory_space<semaphore_mem>>)
        %dma_wait3A_237 = arith.constant 0 : i32
        %dma_wait3A_238 = arith.constant 0 : i32
        %dma_wait3A_239 = tpu.memref_slice %arg18[%dma_wait3A_237, %dma_wait3A_238] : memref<24x128xf32, #tpu.memory_space<vmem>> -> memref<16x128xf32, #tpu.memory_space<vmem>>
        %dma_wait3A_240 = arith.constant 9984 : i32
        %dma_wait3A_241 = arith.constant 0 : i32
        %dma_wait3A_242 = tpu.memref_slice %arg19[%dma_wait3A_240, %dma_wait3A_241] : memref<10016x128xf32, #tpu.memory_space<vmem_shared>> -> memref<16x128xf32, #tpu.memory_space<vmem_shared>>
        %dma_wait3A_243 = arith.constant 9984 : i32
        %dma_wait3A_244 = arith.constant 0 : i32
        %dma_wait3A_245 = tpu.memref_slice %arg19[%dma_wait3A_243, %dma_wait3A_244] : memref<10016x128xf32, #tpu.memory_space<vmem_shared>> -> memref<16x128xf32, #tpu.memory_space<vmem_shared>>
        %dma_wait3A_246 = arith.constant 0 : i32
        %dma_wait3A_247 = arith.constant 0 : i32
        %dma_wait3A_248 = tpu.memref_slice %arg18[%dma_wait3A_246, %dma_wait3A_247] : memref<24x128xf32, #tpu.memory_space<vmem>> -> memref<16x128xf32, #tpu.memory_space<vmem>>
        tpu.wait_dma2 semaphore(%run_scoped3A : memref<!tpu.dma_semaphore, #tpu.memory_space<semaphore_mem>>) src(%dma_wait3A_248 : memref<16x128xf32, #tpu.memory_space<vmem>>) dst(%dma_wait3A_245 : memref<16x128xf32, #tpu.memory_space<vmem_shared>>)
        tpu.yield
      }) : () -> ()
    } else {
    }
    %barrier3A = arith.constant 0 : index
    tpu.barrier barrier_id(%barrier3A)
    %scan3A_208 = arith.constant 0 : i32
    %scan3A_209 = arith.constant 0 : i32
    %scan3A_210 = arith.constant 29 : i32
    %scan3A_211 = arith.addi %scan3A_209, %scan3A_210 : i32
    %scan3A_212 = arith.constant 1 : i32
    %scan3A_213 = scf.for %scan3A_225 = %scan3A_209 to %scan3A_211 step %scan3A_212 iter_args(%scan3A_226 = %scan3A_208) -> (i32)  : i32 {
      %mul3A_227 = arith.constant 4 : i32
      %mul3A_228 = arith.muli %scan3A_225, %mul3A_227 : i32
      %add3A_229 = arith.constant 0 : i32
      %add3A_230 = arith.addi %mul3A_228, %add3A_229 : i32
      %dma_wait3A_231 = arith.constant 0 : i32
      %dma_wait3A_232 = arith.constant 0 : i32
      %dma_wait3A_233 = tpu.memref_slice %arg2[%dma_wait3A_231, %dma_wait3A_232] : memref<10000x128xf32, #tpu.memory_space<hbm>> -> memref<10000x128xf32, #tpu.memory_space<hbm>>
      tpu.wait_indirect_dma semaphore(%arg20 : memref<!tpu.dma_semaphore, #tpu.memory_space<semaphore_mem>>) src(%dma_wait3A_233 : memref<10000x128xf32, #tpu.memory_space<hbm>>) dst(%arg14 : memref<88x128xf32, #tpu.memory_space<vmem>>)
      %add3A_234 = arith.constant 4 : i32
      %add3A_235 = arith.addi %add3A_230, %add3A_234 : i32
      %lt3A = arith.constant 116 : i32
      %lt3A_236 = arith.cmpi slt, %add3A_235, %lt3A : i32
      %convert_element_type3A_237 = arith.extui %lt3A_236 : i1 to i32
      %cond3A_238 = arith.constant 0 : i32
      %cond3A_239 = arith.cmpi ne, %convert_element_type3A_237, %cond3A_238 : i32
      scf.if %cond3A_239 {
        %add3A_333 = arith.constant 4 : i32
        %add3A_334 = arith.addi %add3A_230, %add3A_333 : i32
        %dma_start3A_335 = arith.constant 0 : i32
        %dma_start3A_336 = tpu.memref_slice %arg3[%add3A, %add3A_334, %dma_start3A_335] : memref<32x116x88xi32, #tpu.memory_space<hbm>> -> memref<1x1x88xi32, #tpu.memory_space<hbm>>
        %dma_start3A_337 = tpu.memref_squeeze %dma_start3A_336 : memref<1x1x88xi32, #tpu.memory_space<hbm>> -> memref<88xi32, #tpu.memory_space<hbm>>
        %dma_start3A_338 = arith.constant 0 : i32
        %dma_start3A_339 = tpu.memref_slice %arg3[%add3A, %add3A_334, %dma_start3A_338] : memref<32x116x88xi32, #tpu.memory_space<hbm>> -> memref<1x1x88xi32, #tpu.memory_space<hbm>>
        %dma_start3A_340 = tpu.memref_squeeze %dma_start3A_339 : memref<1x1x88xi32, #tpu.memory_space<hbm>> -> memref<88xi32, #tpu.memory_space<hbm>>
        tpu.enqueue_dma source(%dma_start3A_340 : memref<88xi32, #tpu.memory_space<hbm>>) target(%arg6 : memref<88xi32, #tpu.memory_space<vmem>>) target_semaphore(%arg24 : memref<!tpu.dma_semaphore, #tpu.memory_space<semaphore_mem>>)
      } else {
      }
      %dma_wait3A_240 = arith.constant 0 : i32
      %dma_wait3A_241 = arith.constant 0 : i32
      %dma_wait3A_242 = tpu.memref_slice %arg4[%add3A, %dma_wait3A_240, %dma_wait3A_241] : memref<32x116x88xi32, #tpu.memory_space<hbm>> -> memref<1x1x88xi32, #tpu.memory_space<hbm>>
      %dma_wait3A_243 = tpu.memref_squeeze %dma_wait3A_242 : memref<1x1x88xi32, #tpu.memory_space<hbm>> -> memref<88xi32, #tpu.memory_space<hbm>>
      %dma_wait3A_244 = arith.constant 0 : i32
      %dma_wait3A_245 = tpu.memref_slice %arg4[%add3A, %dma_wait3A_240, %dma_wait3A_244] : memref<32x116x88xi32, #tpu.memory_space<hbm>> -> memref<1x1x88xi32, #tpu.memory_space<hbm>>
      %dma_wait3A_246 = tpu.memref_squeeze %dma_wait3A_245 : memref<1x1x88xi32, #tpu.memory_space<hbm>> -> memref<88xi32, #tpu.memory_space<hbm>>
      tpu.wait_dma2 semaphore(%arg28 : memref<!tpu.dma_semaphore, #tpu.memory_space<semaphore_mem>>) src(%dma_wait3A_246 : memref<88xi32, #tpu.memory_space<hbm>>) dst(%arg10 : memref<88xi32, #tpu.memory_space<vmem>>)
      "tpu.region"() ({
        %run_scoped3A = tpu.sem_alloc : memref<!tpu.dma_semaphore, #tpu.memory_space<semaphore_mem>>
        %dma_start3A_333 = arith.constant 0 : i32
        %dma_start3A_334 = arith.constant 0 : i32
        %dma_start3A_335 = tpu.memref_slice %arg19[%dma_start3A_333, %dma_start3A_334] : memref<10016x128xf32, #tpu.memory_space<vmem_shared>> -> memref<10016x128xf32, #tpu.memory_space<vmem_shared>>
        tpu.enqueue_indirect_dma source(%arg14 : memref<88x128xf32, #tpu.memory_space<vmem>>) target(%dma_start3A_335 : memref<10016x128xf32, #tpu.memory_space<vmem_shared>>) offsets(%arg10 : memref<88xi32, #tpu.memory_space<vmem>>) semaphore(%run_scoped3A : memref<!tpu.dma_semaphore, #tpu.memory_space<semaphore_mem>>) {add = true}
        %dma_wait3A_336 = arith.constant 0 : i32
        %dma_wait3A_337 = arith.constant 0 : i32
        %dma_wait3A_338 = tpu.memref_slice %arg19[%dma_wait3A_336, %dma_wait3A_337] : memref<10016x128xf32, #tpu.memory_space<vmem_shared>> -> memref<10016x128xf32, #tpu.memory_space<vmem_shared>>
        tpu.wait_indirect_dma semaphore(%run_scoped3A : memref<!tpu.dma_semaphore, #tpu.memory_space<semaphore_mem>>) src(%arg14 : memref<88x128xf32, #tpu.memory_space<vmem>>) dst(%dma_wait3A_338 : memref<10016x128xf32, #tpu.memory_space<vmem_shared>>)
        tpu.yield
      }) : () -> ()
      %add3A_247 = arith.constant 4 : i32
      %add3A_248 = arith.addi %add3A_230, %add3A_247 : i32
      %lt3A_249 = arith.constant 116 : i32
      %lt3A_250 = arith.cmpi slt, %add3A_248, %lt3A_249 : i32
      %convert_element_type3A_251 = arith.extui %lt3A_250 : i1 to i32
      %cond3A_252 = arith.constant 0 : i32
      %cond3A_253 = arith.cmpi ne, %convert_element_type3A_251, %cond3A_252 : i32
      scf.if %cond3A_253 {
        %add3A_333 = arith.constant 4 : i32
        %add3A_334 = arith.addi %add3A_230, %add3A_333 : i32
        %dma_start3A_335 = arith.constant 0 : i32
        %dma_start3A_336 = tpu.memref_slice %arg4[%add3A, %add3A_334, %dma_start3A_335] : memref<32x116x88xi32, #tpu.memory_space<hbm>> -> memref<1x1x88xi32, #tpu.memory_space<hbm>>
        %dma_start3A_337 = tpu.memref_squeeze %dma_start3A_336 : memref<1x1x88xi32, #tpu.memory_space<hbm>> -> memref<88xi32, #tpu.memory_space<hbm>>
        %dma_start3A_338 = arith.constant 0 : i32
        %dma_start3A_339 = tpu.memref_slice %arg4[%add3A, %add3A_334, %dma_start3A_338] : memref<32x116x88xi32, #tpu.memory_space<hbm>> -> memref<1x1x88xi32, #tpu.memory_space<hbm>>
        %dma_start3A_340 = tpu.memref_squeeze %dma_start3A_339 : memref<1x1x88xi32, #tpu.memory_space<hbm>> -> memref<88xi32, #tpu.memory_space<hbm>>
        tpu.enqueue_dma source(%dma_start3A_340 : memref<88xi32, #tpu.memory_space<hbm>>) target(%arg10 : memref<88xi32, #tpu.memory_space<vmem>>) target_semaphore(%arg28 : memref<!tpu.dma_semaphore, #tpu.memory_space<semaphore_mem>>)
        %dma_wait3A_341 = arith.constant 0 : i32
        %dma_wait3A_342 = arith.constant 0 : i32
        %dma_wait3A_343 = tpu.memref_slice %arg3[%add3A, %dma_wait3A_341, %dma_wait3A_342] : memref<32x116x88xi32, #tpu.memory_space<hbm>> -> memref<1x1x88xi32, #tpu.memory_space<hbm>>
        %dma_wait3A_344 = tpu.memref_squeeze %dma_wait3A_343 : memref<1x1x88xi32, #tpu.memory_space<hbm>> -> memref<88xi32, #tpu.memory_space<hbm>>
        %dma_wait3A_345 = arith.constant 0 : i32
        %dma_wait3A_346 = tpu.memref_slice %arg3[%add3A, %dma_wait3A_341, %dma_wait3A_345] : memref<32x116x88xi32, #tpu.memory_space<hbm>> -> memref<1x1x88xi32, #tpu.memory_space<hbm>>
        %dma_wait3A_347 = tpu.memref_squeeze %dma_wait3A_346 : memref<1x1x88xi32, #tpu.memory_space<hbm>> -> memref<88xi32, #tpu.memory_space<hbm>>
        tpu.wait_dma2 semaphore(%arg24 : memref<!tpu.dma_semaphore, #tpu.memory_space<semaphore_mem>>) src(%dma_wait3A_347 : memref<88xi32, #tpu.memory_space<hbm>>) dst(%arg6 : memref<88xi32, #tpu.memory_space<vmem>>)
        %dma_start3A_348 = arith.constant 0 : i32
        %dma_start3A_349 = arith.constant 0 : i32
        %dma_start3A_350 = tpu.memref_slice %arg2[%dma_start3A_348, %dma_start3A_349] : memref<10000x128xf32, #tpu.memory_space<hbm>> -> memref<10000x128xf32, #tpu.memory_space<hbm>>
        tpu.enqueue_indirect_dma source(%dma_start3A_350 : memref<10000x128xf32, #tpu.memory_space<hbm>>) target(%arg14 : memref<88x128xf32, #tpu.memory_space<vmem>>) offsets(%arg6 : memref<88xi32, #tpu.memory_space<vmem>>) semaphore(%arg20 : memref<!tpu.dma_semaphore, #tpu.memory_space<semaphore_mem>>)
      } else {
      }
      %add3A_254 = arith.constant 1 : i32
      %add3A_255 = arith.addi %mul3A_228, %add3A_254 : i32
      %dma_wait3A_256 = arith.constant 0 : i32
      %dma_wait3A_257 = arith.constant 0 : i32
      %dma_wait3A_258 = tpu.memref_slice %arg2[%dma_wait3A_256, %dma_wait3A_257] : memref<10000x128xf32, #tpu.memory_space<hbm>> -> memref<10000x128xf32, #tpu.memory_space<hbm>>
      tpu.wait_indirect_dma semaphore(%arg21 : memref<!tpu.dma_semaphore, #tpu.memory_space<semaphore_mem>>) src(%dma_wait3A_258 : memref<10000x128xf32, #tpu.memory_space<hbm>>) dst(%arg15 : memref<88x128xf32, #tpu.memory_space<vmem>>)
      %add3A_259 = arith.constant 4 : i32
      %add3A_260 = arith.addi %add3A_255, %add3A_259 : i32
      %lt3A_261 = arith.constant 116 : i32
      %lt3A_262 = arith.cmpi slt, %add3A_260, %lt3A_261 : i32
      %convert_element_type3A_263 = arith.extui %lt3A_262 : i1 to i32
      %cond3A_264 = arith.constant 0 : i32
      %cond3A_265 = arith.cmpi ne, %convert_element_type3A_263, %cond3A_264 : i32
      scf.if %cond3A_265 {
        %add3A_333 = arith.constant 4 : i32
        %add3A_334 = arith.addi %add3A_255, %add3A_333 : i32
        %dma_start3A_335 = arith.constant 0 : i32
        %dma_start3A_336 = tpu.memref_slice %arg3[%add3A, %add3A_334, %dma_start3A_335] : memref<32x116x88xi32, #tpu.memory_space<hbm>> -> memref<1x1x88xi32, #tpu.memory_space<hbm>>
        %dma_start3A_337 = tpu.memref_squeeze %dma_start3A_336 : memref<1x1x88xi32, #tpu.memory_space<hbm>> -> memref<88xi32, #tpu.memory_space<hbm>>
        %dma_start3A_338 = arith.constant 0 : i32
        %dma_start3A_339 = tpu.memref_slice %arg3[%add3A, %add3A_334, %dma_start3A_338] : memref<32x116x88xi32, #tpu.memory_space<hbm>> -> memref<1x1x88xi32, #tpu.memory_space<hbm>>
        %dma_start3A_340 = tpu.memref_squeeze %dma_start3A_339 : memref<1x1x88xi32, #tpu.memory_space<hbm>> -> memref<88xi32, #tpu.memory_space<hbm>>
        tpu.enqueue_dma source(%dma_start3A_340 : memref<88xi32, #tpu.memory_space<hbm>>) target(%arg7 : memref<88xi32, #tpu.memory_space<vmem>>) target_semaphore(%arg25 : memref<!tpu.dma_semaphore, #tpu.memory_space<semaphore_mem>>)
      } else {
      }
      %dma_wait3A_266 = arith.constant 0 : i32
      %dma_wait3A_267 = arith.constant 0 : i32
      %dma_wait3A_268 = tpu.memref_slice %arg4[%add3A, %dma_wait3A_266, %dma_wait3A_267] : memref<32x116x88xi32, #tpu.memory_space<hbm>> -> memref<1x1x88xi32, #tpu.memory_space<hbm>>
      %dma_wait3A_269 = tpu.memref_squeeze %dma_wait3A_268 : memref<1x1x88xi32, #tpu.memory_space<hbm>> -> memref<88xi32, #tpu.memory_space<hbm>>
      %dma_wait3A_270 = arith.constant 0 : i32
      %dma_wait3A_271 = tpu.memref_slice %arg4[%add3A, %dma_wait3A_266, %dma_wait3A_270] : memref<32x116x88xi32, #tpu.memory_space<hbm>> -> memref<1x1x88xi32, #tpu.memory_space<hbm>>
      %dma_wait3A_272 = tpu.memref_squeeze %dma_wait3A_271 : memref<1x1x88xi32, #tpu.memory_space<hbm>> -> memref<88xi32, #tpu.memory_space<hbm>>
      tpu.wait_dma2 semaphore(%arg29 : memref<!tpu.dma_semaphore, #tpu.memory_space<semaphore_mem>>) src(%dma_wait3A_272 : memref<88xi32, #tpu.memory_space<hbm>>) dst(%arg11 : memref<88xi32, #tpu.memory_space<vmem>>)
      "tpu.region"() ({
        %run_scoped3A = tpu.sem_alloc : memref<!tpu.dma_semaphore, #tpu.memory_space<semaphore_mem>>
        %dma_start3A_333 = arith.constant 0 : i32
        %dma_start3A_334 = arith.constant 0 : i32
        %dma_start3A_335 = tpu.memref_slice %arg19[%dma_start3A_333, %dma_start3A_334] : memref<10016x128xf32, #tpu.memory_space<vmem_shared>> -> memref<10016x128xf32, #tpu.memory_space<vmem_shared>>
        tpu.enqueue_indirect_dma source(%arg15 : memref<88x128xf32, #tpu.memory_space<vmem>>) target(%dma_start3A_335 : memref<10016x128xf32, #tpu.memory_space<vmem_shared>>) offsets(%arg11 : memref<88xi32, #tpu.memory_space<vmem>>) semaphore(%run_scoped3A : memref<!tpu.dma_semaphore, #tpu.memory_space<semaphore_mem>>) {add = true}
        %dma_wait3A_336 = arith.constant 0 : i32
        %dma_wait3A_337 = arith.constant 0 : i32
        %dma_wait3A_338 = tpu.memref_slice %arg19[%dma_wait3A_336, %dma_wait3A_337] : memref<10016x128xf32, #tpu.memory_space<vmem_shared>> -> memref<10016x128xf32, #tpu.memory_space<vmem_shared>>
        tpu.wait_indirect_dma semaphore(%run_scoped3A : memref<!tpu.dma_semaphore, #tpu.memory_space<semaphore_mem>>) src(%arg15 : memref<88x128xf32, #tpu.memory_space<vmem>>) dst(%dma_wait3A_338 : memref<10016x128xf32, #tpu.memory_space<vmem_shared>>)
        tpu.yield
      }) : () -> ()
      %add3A_273 = arith.constant 4 : i32
      %add3A_274 = arith.addi %add3A_255, %add3A_273 : i32
      %lt3A_275 = arith.constant 116 : i32
      %lt3A_276 = arith.cmpi slt, %add3A_274, %lt3A_275 : i32
      %convert_element_type3A_277 = arith.extui %lt3A_276 : i1 to i32
      %cond3A_278 = arith.constant 0 : i32
      %cond3A_279 = arith.cmpi ne, %convert_element_type3A_277, %cond3A_278 : i32
      scf.if %cond3A_279 {
        %add3A_333 = arith.constant 4 : i32
        %add3A_334 = arith.addi %add3A_255, %add3A_333 : i32
        %dma_start3A_335 = arith.constant 0 : i32
        %dma_start3A_336 = tpu.memref_slice %arg4[%add3A, %add3A_334, %dma_start3A_335] : memref<32x116x88xi32, #tpu.memory_space<hbm>> -> memref<1x1x88xi32, #tpu.memory_space<hbm>>
        %dma_start3A_337 = tpu.memref_squeeze %dma_start3A_336 : memref<1x1x88xi32, #tpu.memory_space<hbm>> -> memref<88xi32, #tpu.memory_space<hbm>>
        %dma_start3A_338 = arith.constant 0 : i32
        %dma_start3A_339 = tpu.memref_slice %arg4[%add3A, %add3A_334, %dma_start3A_338] : memref<32x116x88xi32, #tpu.memory_space<hbm>> -> memref<1x1x88xi32, #tpu.memory_space<hbm>>
        %dma_start3A_340 = tpu.memref_squeeze %dma_start3A_339 : memref<1x1x88xi32, #tpu.memory_space<hbm>> -> memref<88xi32, #tpu.memory_space<hbm>>
        tpu.enqueue_dma source(%dma_start3A_340 : memref<88xi32, #tpu.memory_space<hbm>>) target(%arg11 : memref<88xi32, #tpu.memory_space<vmem>>) target_semaphore(%arg29 : memref<!tpu.dma_semaphore, #tpu.memory_space<semaphore_mem>>)
        %dma_wait3A_341 = arith.constant 0 : i32
        %dma_wait3A_342 = arith.constant 0 : i32
        %dma_wait3A_343 = tpu.memref_slice %arg3[%add3A, %dma_wait3A_341, %dma_wait3A_342] : memref<32x116x88xi32, #tpu.memory_space<hbm>> -> memref<1x1x88xi32, #tpu.memory_space<hbm>>
        %dma_wait3A_344 = tpu.memref_squeeze %dma_wait3A_343 : memref<1x1x88xi32, #tpu.memory_space<hbm>> -> memref<88xi32, #tpu.memory_space<hbm>>
        %dma_wait3A_345 = arith.constant 0 : i32
        %dma_wait3A_346 = tpu.memref_slice %arg3[%add3A, %dma_wait3A_341, %dma_wait3A_345] : memref<32x116x88xi32, #tpu.memory_space<hbm>> -> memref<1x1x88xi32, #tpu.memory_space<hbm>>
        %dma_wait3A_347 = tpu.memref_squeeze %dma_wait3A_346 : memref<1x1x88xi32, #tpu.memory_space<hbm>> -> memref<88xi32, #tpu.memory_space<hbm>>
        tpu.wait_dma2 semaphore(%arg25 : memref<!tpu.dma_semaphore, #tpu.memory_space<semaphore_mem>>) src(%dma_wait3A_347 : memref<88xi32, #tpu.memory_space<hbm>>) dst(%arg7 : memref<88xi32, #tpu.memory_space<vmem>>)
        %dma_start3A_348 = arith.constant 0 : i32
        %dma_start3A_349 = arith.constant 0 : i32
        %dma_start3A_350 = tpu.memref_slice %arg2[%dma_start3A_348, %dma_start3A_349] : memref<10000x128xf32, #tpu.memory_space<hbm>> -> memref<10000x128xf32, #tpu.memory_space<hbm>>
        tpu.enqueue_indirect_dma source(%dma_start3A_350 : memref<10000x128xf32, #tpu.memory_space<hbm>>) target(%arg15 : memref<88x128xf32, #tpu.memory_space<vmem>>) offsets(%arg7 : memref<88xi32, #tpu.memory_space<vmem>>) semaphore(%arg21 : memref<!tpu.dma_semaphore, #tpu.memory_space<semaphore_mem>>)
      } else {
      }
      %add3A_280 = arith.constant 2 : i32
      %add3A_281 = arith.addi %mul3A_228, %add3A_280 : i32
      %dma_wait3A_282 = arith.constant 0 : i32
      %dma_wait3A_283 = arith.constant 0 : i32
      %dma_wait3A_284 = tpu.memref_slice %arg2[%dma_wait3A_282, %dma_wait3A_283] : memref<10000x128xf32, #tpu.memory_space<hbm>> -> memref<10000x128xf32, #tpu.memory_space<hbm>>
      tpu.wait_indirect_dma semaphore(%arg22 : memref<!tpu.dma_semaphore, #tpu.memory_space<semaphore_mem>>) src(%dma_wait3A_284 : memref<10000x128xf32, #tpu.memory_space<hbm>>) dst(%arg16 : memref<88x128xf32, #tpu.memory_space<vmem>>)
      %add3A_285 = arith.constant 4 : i32
      %add3A_286 = arith.addi %add3A_281, %add3A_285 : i32
      %lt3A_287 = arith.constant 116 : i32
      %lt3A_288 = arith.cmpi slt, %add3A_286, %lt3A_287 : i32
      %convert_element_type3A_289 = arith.extui %lt3A_288 : i1 to i32
      %cond3A_290 = arith.constant 0 : i32
      %cond3A_291 = arith.cmpi ne, %convert_element_type3A_289, %cond3A_290 : i32
      scf.if %cond3A_291 {
        %add3A_333 = arith.constant 4 : i32
        %add3A_334 = arith.addi %add3A_281, %add3A_333 : i32
        %dma_start3A_335 = arith.constant 0 : i32
        %dma_start3A_336 = tpu.memref_slice %arg3[%add3A, %add3A_334, %dma_start3A_335] : memref<32x116x88xi32, #tpu.memory_space<hbm>> -> memref<1x1x88xi32, #tpu.memory_space<hbm>>
        %dma_start3A_337 = tpu.memref_squeeze %dma_start3A_336 : memref<1x1x88xi32, #tpu.memory_space<hbm>> -> memref<88xi32, #tpu.memory_space<hbm>>
        %dma_start3A_338 = arith.constant 0 : i32
        %dma_start3A_339 = tpu.memref_slice %arg3[%add3A, %add3A_334, %dma_start3A_338] : memref<32x116x88xi32, #tpu.memory_space<hbm>> -> memref<1x1x88xi32, #tpu.memory_space<hbm>>
        %dma_start3A_340 = tpu.memref_squeeze %dma_start3A_339 : memref<1x1x88xi32, #tpu.memory_space<hbm>> -> memref<88xi32, #tpu.memory_space<hbm>>
        tpu.enqueue_dma source(%dma_start3A_340 : memref<88xi32, #tpu.memory_space<hbm>>) target(%arg8 : memref<88xi32, #tpu.memory_space<vmem>>) target_semaphore(%arg26 : memref<!tpu.dma_semaphore, #tpu.memory_space<semaphore_mem>>)
      } else {
      }
      %dma_wait3A_292 = arith.constant 0 : i32
      %dma_wait3A_293 = arith.constant 0 : i32
      %dma_wait3A_294 = tpu.memref_slice %arg4[%add3A, %dma_wait3A_292, %dma_wait3A_293] : memref<32x116x88xi32, #tpu.memory_space<hbm>> -> memref<1x1x88xi32, #tpu.memory_space<hbm>>
      %dma_wait3A_295 = tpu.memref_squeeze %dma_wait3A_294 : memref<1x1x88xi32, #tpu.memory_space<hbm>> -> memref<88xi32, #tpu.memory_space<hbm>>
      %dma_wait3A_296 = arith.constant 0 : i32
      %dma_wait3A_297 = tpu.memref_slice %arg4[%add3A, %dma_wait3A_292, %dma_wait3A_296] : memref<32x116x88xi32, #tpu.memory_space<hbm>> -> memref<1x1x88xi32, #tpu.memory_space<hbm>>
      %dma_wait3A_298 = tpu.memref_squeeze %dma_wait3A_297 : memref<1x1x88xi32, #tpu.memory_space<hbm>> -> memref<88xi32, #tpu.memory_space<hbm>>
      tpu.wait_dma2 semaphore(%arg30 : memref<!tpu.dma_semaphore, #tpu.memory_space<semaphore_mem>>) src(%dma_wait3A_298 : memref<88xi32, #tpu.memory_space<hbm>>) dst(%arg12 : memref<88xi32, #tpu.memory_space<vmem>>)
      "tpu.region"() ({
        %run_scoped3A = tpu.sem_alloc : memref<!tpu.dma_semaphore, #tpu.memory_space<semaphore_mem>>
        %dma_start3A_333 = arith.constant 0 : i32
        %dma_start3A_334 = arith.constant 0 : i32
        %dma_start3A_335 = tpu.memref_slice %arg19[%dma_start3A_333, %dma_start3A_334] : memref<10016x128xf32, #tpu.memory_space<vmem_shared>> -> memref<10016x128xf32, #tpu.memory_space<vmem_shared>>
        tpu.enqueue_indirect_dma source(%arg16 : memref<88x128xf32, #tpu.memory_space<vmem>>) target(%dma_start3A_335 : memref<10016x128xf32, #tpu.memory_space<vmem_shared>>) offsets(%arg12 : memref<88xi32, #tpu.memory_space<vmem>>) semaphore(%run_scoped3A : memref<!tpu.dma_semaphore, #tpu.memory_space<semaphore_mem>>) {add = true}
        %dma_wait3A_336 = arith.constant 0 : i32
        %dma_wait3A_337 = arith.constant 0 : i32
        %dma_wait3A_338 = tpu.memref_slice %arg19[%dma_wait3A_336, %dma_wait3A_337] : memref<10016x128xf32, #tpu.memory_space<vmem_shared>> -> memref<10016x128xf32, #tpu.memory_space<vmem_shared>>
        tpu.wait_indirect_dma semaphore(%run_scoped3A : memref<!tpu.dma_semaphore, #tpu.memory_space<semaphore_mem>>) src(%arg16 : memref<88x128xf32, #tpu.memory_space<vmem>>) dst(%dma_wait3A_338 : memref<10016x128xf32, #tpu.memory_space<vmem_shared>>)
        tpu.yield
      }) : () -> ()
      %add3A_299 = arith.constant 4 : i32
      %add3A_300 = arith.addi %add3A_281, %add3A_299 : i32
      %lt3A_301 = arith.constant 116 : i32
      %lt3A_302 = arith.cmpi slt, %add3A_300, %lt3A_301 : i32
      %convert_element_type3A_303 = arith.extui %lt3A_302 : i1 to i32
      %cond3A_304 = arith.constant 0 : i32
      %cond3A_305 = arith.cmpi ne, %convert_element_type3A_303, %cond3A_304 : i32
      scf.if %cond3A_305 {
        %add3A_333 = arith.constant 4 : i32
        %add3A_334 = arith.addi %add3A_281, %add3A_333 : i32
        %dma_start3A_335 = arith.constant 0 : i32
        %dma_start3A_336 = tpu.memref_slice %arg4[%add3A, %add3A_334, %dma_start3A_335] : memref<32x116x88xi32, #tpu.memory_space<hbm>> -> memref<1x1x88xi32, #tpu.memory_space<hbm>>
        %dma_start3A_337 = tpu.memref_squeeze %dma_start3A_336 : memref<1x1x88xi32, #tpu.memory_space<hbm>> -> memref<88xi32, #tpu.memory_space<hbm>>
        %dma_start3A_338 = arith.constant 0 : i32
        %dma_start3A_339 = tpu.memref_slice %arg4[%add3A, %add3A_334, %dma_start3A_338] : memref<32x116x88xi32, #tpu.memory_space<hbm>> -> memref<1x1x88xi32, #tpu.memory_space<hbm>>
        %dma_start3A_340 = tpu.memref_squeeze %dma_start3A_339 : memref<1x1x88xi32, #tpu.memory_space<hbm>> -> memref<88xi32, #tpu.memory_space<hbm>>
        tpu.enqueue_dma source(%dma_start3A_340 : memref<88xi32, #tpu.memory_space<hbm>>) target(%arg12 : memref<88xi32, #tpu.memory_space<vmem>>) target_semaphore(%arg30 : memref<!tpu.dma_semaphore, #tpu.memory_space<semaphore_mem>>)
        %dma_wait3A_341 = arith.constant 0 : i32
        %dma_wait3A_342 = arith.constant 0 : i32
        %dma_wait3A_343 = tpu.memref_slice %arg3[%add3A, %dma_wait3A_341, %dma_wait3A_342] : memref<32x116x88xi32, #tpu.memory_space<hbm>> -> memref<1x1x88xi32, #tpu.memory_space<hbm>>
        %dma_wait3A_344 = tpu.memref_squeeze %dma_wait3A_343 : memref<1x1x88xi32, #tpu.memory_space<hbm>> -> memref<88xi32, #tpu.memory_space<hbm>>
        %dma_wait3A_345 = arith.constant 0 : i32
        %dma_wait3A_346 = tpu.memref_slice %arg3[%add3A, %dma_wait3A_341, %dma_wait3A_345] : memref<32x116x88xi32, #tpu.memory_space<hbm>> -> memref<1x1x88xi32, #tpu.memory_space<hbm>>
        %dma_wait3A_347 = tpu.memref_squeeze %dma_wait3A_346 : memref<1x1x88xi32, #tpu.memory_space<hbm>> -> memref<88xi32, #tpu.memory_space<hbm>>
        tpu.wait_dma2 semaphore(%arg26 : memref<!tpu.dma_semaphore, #tpu.memory_space<semaphore_mem>>) src(%dma_wait3A_347 : memref<88xi32, #tpu.memory_space<hbm>>) dst(%arg8 : memref<88xi32, #tpu.memory_space<vmem>>)
        %dma_start3A_348 = arith.constant 0 : i32
        %dma_start3A_349 = arith.constant 0 : i32
        %dma_start3A_350 = tpu.memref_slice %arg2[%dma_start3A_348, %dma_start3A_349] : memref<10000x128xf32, #tpu.memory_space<hbm>> -> memref<10000x128xf32, #tpu.memory_space<hbm>>
        tpu.enqueue_indirect_dma source(%dma_start3A_350 : memref<10000x128xf32, #tpu.memory_space<hbm>>) target(%arg16 : memref<88x128xf32, #tpu.memory_space<vmem>>) offsets(%arg8 : memref<88xi32, #tpu.memory_space<vmem>>) semaphore(%arg22 : memref<!tpu.dma_semaphore, #tpu.memory_space<semaphore_mem>>)
      } else {
      }
      %add3A_306 = arith.constant 3 : i32
      %add3A_307 = arith.addi %mul3A_228, %add3A_306 : i32
      %dma_wait3A_308 = arith.constant 0 : i32
      %dma_wait3A_309 = arith.constant 0 : i32
      %dma_wait3A_310 = tpu.memref_slice %arg2[%dma_wait3A_308, %dma_wait3A_309] : memref<10000x128xf32, #tpu.memory_space<hbm>> -> memref<10000x128xf32, #tpu.memory_space<hbm>>
      tpu.wait_indirect_dma semaphore(%arg23 : memref<!tpu.dma_semaphore, #tpu.memory_space<semaphore_mem>>) src(%dma_wait3A_310 : memref<10000x128xf32, #tpu.memory_space<hbm>>) dst(%arg17 : memref<88x128xf32, #tpu.memory_space<vmem>>)
      %add3A_311 = arith.constant 4 : i32
      %add3A_312 = arith.addi %add3A_307, %add3A_311 : i32
      %lt3A_313 = arith.constant 116 : i32
      %lt3A_314 = arith.cmpi slt, %add3A_312, %lt3A_313 : i32
      %convert_element_type3A_315 = arith.extui %lt3A_314 : i1 to i32
      %cond3A_316 = arith.constant 0 : i32
      %cond3A_317 = arith.cmpi ne, %convert_element_type3A_315, %cond3A_316 : i32
      scf.if %cond3A_317 {
        %add3A_333 = arith.constant 4 : i32
        %add3A_334 = arith.addi %add3A_307, %add3A_333 : i32
        %dma_start3A_335 = arith.constant 0 : i32
        %dma_start3A_336 = tpu.memref_slice %arg3[%add3A, %add3A_334, %dma_start3A_335] : memref<32x116x88xi32, #tpu.memory_space<hbm>> -> memref<1x1x88xi32, #tpu.memory_space<hbm>>
        %dma_start3A_337 = tpu.memref_squeeze %dma_start3A_336 : memref<1x1x88xi32, #tpu.memory_space<hbm>> -> memref<88xi32, #tpu.memory_space<hbm>>
        %dma_start3A_338 = arith.constant 0 : i32
        %dma_start3A_339 = tpu.memref_slice %arg3[%add3A, %add3A_334, %dma_start3A_338] : memref<32x116x88xi32, #tpu.memory_space<hbm>> -> memref<1x1x88xi32, #tpu.memory_space<hbm>>
        %dma_start3A_340 = tpu.memref_squeeze %dma_start3A_339 : memref<1x1x88xi32, #tpu.memory_space<hbm>> -> memref<88xi32, #tpu.memory_space<hbm>>
        tpu.enqueue_dma source(%dma_start3A_340 : memref<88xi32, #tpu.memory_space<hbm>>) target(%arg9 : memref<88xi32, #tpu.memory_space<vmem>>) target_semaphore(%arg27 : memref<!tpu.dma_semaphore, #tpu.memory_space<semaphore_mem>>)
      } else {
      }
      %dma_wait3A_318 = arith.constant 0 : i32
      %dma_wait3A_319 = arith.constant 0 : i32
      %dma_wait3A_320 = tpu.memref_slice %arg4[%add3A, %dma_wait3A_318, %dma_wait3A_319] : memref<32x116x88xi32, #tpu.memory_space<hbm>> -> memref<1x1x88xi32, #tpu.memory_space<hbm>>
      %dma_wait3A_321 = tpu.memref_squeeze %dma_wait3A_320 : memref<1x1x88xi32, #tpu.memory_space<hbm>> -> memref<88xi32, #tpu.memory_space<hbm>>
      %dma_wait3A_322 = arith.constant 0 : i32
      %dma_wait3A_323 = tpu.memref_slice %arg4[%add3A, %dma_wait3A_318, %dma_wait3A_322] : memref<32x116x88xi32, #tpu.memory_space<hbm>> -> memref<1x1x88xi32, #tpu.memory_space<hbm>>
      %dma_wait3A_324 = tpu.memref_squeeze %dma_wait3A_323 : memref<1x1x88xi32, #tpu.memory_space<hbm>> -> memref<88xi32, #tpu.memory_space<hbm>>
      tpu.wait_dma2 semaphore(%arg31 : memref<!tpu.dma_semaphore, #tpu.memory_space<semaphore_mem>>) src(%dma_wait3A_324 : memref<88xi32, #tpu.memory_space<hbm>>) dst(%arg13 : memref<88xi32, #tpu.memory_space<vmem>>)
      "tpu.region"() ({
        %run_scoped3A = tpu.sem_alloc : memref<!tpu.dma_semaphore, #tpu.memory_space<semaphore_mem>>
        %dma_start3A_333 = arith.constant 0 : i32
        %dma_start3A_334 = arith.constant 0 : i32
        %dma_start3A_335 = tpu.memref_slice %arg19[%dma_start3A_333, %dma_start3A_334] : memref<10016x128xf32, #tpu.memory_space<vmem_shared>> -> memref<10016x128xf32, #tpu.memory_space<vmem_shared>>
        tpu.enqueue_indirect_dma source(%arg17 : memref<88x128xf32, #tpu.memory_space<vmem>>) target(%dma_start3A_335 : memref<10016x128xf32, #tpu.memory_space<vmem_shared>>) offsets(%arg13 : memref<88xi32, #tpu.memory_space<vmem>>) semaphore(%run_scoped3A : memref<!tpu.dma_semaphore, #tpu.memory_space<semaphore_mem>>) {add = true}
        %dma_wait3A_336 = arith.constant 0 : i32
        %dma_wait3A_337 = arith.constant 0 : i32
        %dma_wait3A_338 = tpu.memref_slice %arg19[%dma_wait3A_336, %dma_wait3A_337] : memref<10016x128xf32, #tpu.memory_space<vmem_shared>> -> memref<10016x128xf32, #tpu.memory_space<vmem_shared>>
        tpu.wait_indirect_dma semaphore(%run_scoped3A : memref<!tpu.dma_semaphore, #tpu.memory_space<semaphore_mem>>) src(%arg17 : memref<88x128xf32, #tpu.memory_space<vmem>>) dst(%dma_wait3A_338 : memref<10016x128xf32, #tpu.memory_space<vmem_shared>>)
        tpu.yield
      }) : () -> ()
      %add3A_325 = arith.constant 4 : i32
      %add3A_326 = arith.addi %add3A_307, %add3A_325 : i32
      %lt3A_327 = arith.constant 116 : i32
      %lt3A_328 = arith.cmpi slt, %add3A_326, %lt3A_327 : i32
      %convert_element_type3A_329 = arith.extui %lt3A_328 : i1 to i32
      %cond3A_330 = arith.constant 0 : i32
      %cond3A_331 = arith.cmpi ne, %convert_element_type3A_329, %cond3A_330 : i32
      scf.if %cond3A_331 {
        %add3A_333 = arith.constant 4 : i32
        %add3A_334 = arith.addi %add3A_307, %add3A_333 : i32
        %dma_start3A_335 = arith.constant 0 : i32
        %dma_start3A_336 = tpu.memref_slice %arg4[%add3A, %add3A_334, %dma_start3A_335] : memref<32x116x88xi32, #tpu.memory_space<hbm>> -> memref<1x1x88xi32, #tpu.memory_space<hbm>>
        %dma_start3A_337 = tpu.memref_squeeze %dma_start3A_336 : memref<1x1x88xi32, #tpu.memory_space<hbm>> -> memref<88xi32, #tpu.memory_space<hbm>>
        %dma_start3A_338 = arith.constant 0 : i32
        %dma_start3A_339 = tpu.memref_slice %arg4[%add3A, %add3A_334, %dma_start3A_338] : memref<32x116x88xi32, #tpu.memory_space<hbm>> -> memref<1x1x88xi32, #tpu.memory_space<hbm>>
        %dma_start3A_340 = tpu.memref_squeeze %dma_start3A_339 : memref<1x1x88xi32, #tpu.memory_space<hbm>> -> memref<88xi32, #tpu.memory_space<hbm>>
        tpu.enqueue_dma source(%dma_start3A_340 : memref<88xi32, #tpu.memory_space<hbm>>) target(%arg13 : memref<88xi32, #tpu.memory_space<vmem>>) target_semaphore(%arg31 : memref<!tpu.dma_semaphore, #tpu.memory_space<semaphore_mem>>)
        %dma_wait3A_341 = arith.constant 0 : i32
        %dma_wait3A_342 = arith.constant 0 : i32
        %dma_wait3A_343 = tpu.memref_slice %arg3[%add3A, %dma_wait3A_341, %dma_wait3A_342] : memref<32x116x88xi32, #tpu.memory_space<hbm>> -> memref<1x1x88xi32, #tpu.memory_space<hbm>>
        %dma_wait3A_344 = tpu.memref_squeeze %dma_wait3A_343 : memref<1x1x88xi32, #tpu.memory_space<hbm>> -> memref<88xi32, #tpu.memory_space<hbm>>
        %dma_wait3A_345 = arith.constant 0 : i32
        %dma_wait3A_346 = tpu.memref_slice %arg3[%add3A, %dma_wait3A_341, %dma_wait3A_345] : memref<32x116x88xi32, #tpu.memory_space<hbm>> -> memref<1x1x88xi32, #tpu.memory_space<hbm>>
        %dma_wait3A_347 = tpu.memref_squeeze %dma_wait3A_346 : memref<1x1x88xi32, #tpu.memory_space<hbm>> -> memref<88xi32, #tpu.memory_space<hbm>>
        tpu.wait_dma2 semaphore(%arg27 : memref<!tpu.dma_semaphore, #tpu.memory_space<semaphore_mem>>) src(%dma_wait3A_347 : memref<88xi32, #tpu.memory_space<hbm>>) dst(%arg9 : memref<88xi32, #tpu.memory_space<vmem>>)
        %dma_start3A_348 = arith.constant 0 : i32
        %dma_start3A_349 = arith.constant 0 : i32
        %dma_start3A_350 = tpu.memref_slice %arg2[%dma_start3A_348, %dma_start3A_349] : memref<10000x128xf32, #tpu.memory_space<hbm>> -> memref<10000x128xf32, #tpu.memory_space<hbm>>
        tpu.enqueue_indirect_dma source(%dma_start3A_350 : memref<10000x128xf32, #tpu.memory_space<hbm>>) target(%arg17 : memref<88x128xf32, #tpu.memory_space<vmem>>) offsets(%arg9 : memref<88xi32, #tpu.memory_space<vmem>>) semaphore(%arg23 : memref<!tpu.dma_semaphore, #tpu.memory_space<semaphore_mem>>)
      } else {
      }
      %scan3A_332 = arith.constant 0 : i32
      scf.yield %scan3A_332 : i32
    }
    %scan3A_214 = arith.constant 29 : i32
    %barrier3A_215 = arith.constant 0 : index
    tpu.barrier barrier_id(%barrier3A_215)
    %mul3A_216 = arith.constant 624 : i32
    %mul3A_217 = arith.muli %arg1, %mul3A_216 : i32
    %mul3A_218 = arith.constant 624 : i32
    %mul3A_219 = arith.muli %arg1, %mul3A_218 : i32
    "tpu.region"() ({
      %run_scoped3A = tpu.sem_alloc : memref<!tpu.dma_semaphore, #tpu.memory_space<semaphore_mem>>
      %dma_start3A_225 = arith.constant 0 : i32
      %dma_start3A_226 = tpu.memref_slice %arg5[%arg0, %mul3A_219, %dma_start3A_225] : memref<2x10000x128xf32, #tpu.memory_space<hbm>> -> memref<1x624x128xf32, #tpu.memory_space<hbm>>
      %dma_start3A_227 = tpu.memref_squeeze %dma_start3A_226 : memref<1x624x128xf32, #tpu.memory_space<hbm>> -> memref<624x128xf32, #tpu.memory_space<hbm>>
      %dma_start3A_228 = arith.constant 0 : i32
      %dma_start3A_229 = tpu.memref_slice %arg19[%mul3A_217, %dma_start3A_228] : memref<10016x128xf32, #tpu.memory_space<vmem_shared>> -> memref<624x128xf32, #tpu.memory_space<vmem_shared>>
      tpu.enqueue_dma source(%dma_start3A_229 : memref<624x128xf32, #tpu.memory_space<vmem_shared>>) target(%dma_start3A_227 : memref<624x128xf32, #tpu.memory_space<hbm>>) target_semaphore(%run_scoped3A : memref<!tpu.dma_semaphore, #tpu.memory_space<semaphore_mem>>)
      %dma_wait3A_230 = arith.constant 0 : i32
      %dma_wait3A_231 = tpu.memref_slice %arg5[%arg0, %mul3A_219, %dma_wait3A_230] : memref<2x10000x128xf32, #tpu.memory_space<hbm>> -> memref<1x624x128xf32, #tpu.memory_space<hbm>>
      %dma_wait3A_232 = tpu.memref_squeeze %dma_wait3A_231 : memref<1x624x128xf32, #tpu.memory_space<hbm>> -> memref<624x128xf32, #tpu.memory_space<hbm>>
      %dma_wait3A_233 = arith.constant 0 : i32
      %dma_wait3A_234 = tpu.memref_slice %arg19[%mul3A_217, %dma_wait3A_233] : memref<10016x128xf32, #tpu.memory_space<vmem_shared>> -> memref<624x128xf32, #tpu.memory_space<vmem_shared>>
      tpu.wait_dma2 semaphore(%run_scoped3A : memref<!tpu.dma_semaphore, #tpu.memory_space<semaphore_mem>>) src(%dma_wait3A_234 : memref<624x128xf32, #tpu.memory_space<vmem_shared>>) dst(%dma_wait3A_232 : memref<624x128xf32, #tpu.memory_space<hbm>>)
      tpu.yield
    }) : () -> ()
    %eq3A_220 = arith.constant 0 : i32
    %eq3A_221 = arith.cmpi eq, %arg1, %eq3A_220 : i32
    %convert_element_type3A_222 = arith.extui %eq3A_221 : i1 to i32
    %cond3A_223 = arith.constant 0 : i32
    %cond3A_224 = arith.cmpi ne, %convert_element_type3A_222, %cond3A_223 : i32
    scf.if %cond3A_224 {
      "tpu.region"() ({
        %run_scoped3A = tpu.sem_alloc : memref<!tpu.dma_semaphore, #tpu.memory_space<semaphore_mem>>
        %dma_start3A_225 = arith.constant 9984 : i32
        %dma_start3A_226 = arith.constant 0 : i32
        %dma_start3A_227 = tpu.memref_slice %arg5[%arg0, %dma_start3A_225, %dma_start3A_226] : memref<2x10000x128xf32, #tpu.memory_space<hbm>> -> memref<1x16x128xf32, #tpu.memory_space<hbm>>
        %dma_start3A_228 = tpu.memref_squeeze %dma_start3A_227 : memref<1x16x128xf32, #tpu.memory_space<hbm>> -> memref<16x128xf32, #tpu.memory_space<hbm>>
        %dma_start3A_229 = arith.constant 9984 : i32
        %dma_start3A_230 = arith.constant 0 : i32
        %dma_start3A_231 = tpu.memref_slice %arg19[%dma_start3A_229, %dma_start3A_230] : memref<10016x128xf32, #tpu.memory_space<vmem_shared>> -> memref<16x128xf32, #tpu.memory_space<vmem_shared>>
        tpu.enqueue_dma source(%dma_start3A_231 : memref<16x128xf32, #tpu.memory_space<vmem_shared>>) target(%dma_start3A_228 : memref<16x128xf32, #tpu.memory_space<hbm>>) target_semaphore(%run_scoped3A : memref<!tpu.dma_semaphore, #tpu.memory_space<semaphore_mem>>)
        %dma_wait3A_232 = arith.constant 9984 : i32
        %dma_wait3A_233 = arith.constant 0 : i32
        %dma_wait3A_234 = tpu.memref_slice %arg5[%arg0, %dma_wait3A_232, %dma_wait3A_233] : memref<2x10000x128xf32, #tpu.memory_space<hbm>> -> memref<1x16x128xf32, #tpu.memory_space<hbm>>
        %dma_wait3A_235 = tpu.memref_squeeze %dma_wait3A_234 : memref<1x16x128xf32, #tpu.memory_space<hbm>> -> memref<16x128xf32, #tpu.memory_space<hbm>>
        %dma_wait3A_236 = arith.constant 9984 : i32
        %dma_wait3A_237 = arith.constant 0 : i32
        %dma_wait3A_238 = tpu.memref_slice %arg19[%dma_wait3A_236, %dma_wait3A_237] : memref<10016x128xf32, #tpu.memory_space<vmem_shared>> -> memref<16x128xf32, #tpu.memory_space<vmem_shared>>
        tpu.wait_dma2 semaphore(%run_scoped3A : memref<!tpu.dma_semaphore, #tpu.memory_space<semaphore_mem>>) src(%dma_wait3A_238 : memref<16x128xf32, #tpu.memory_space<vmem_shared>>) dst(%dma_wait3A_235 : memref<16x128xf32, #tpu.memory_space<hbm>>)
        tpu.yield
      }) : () -> ()
    } else {
    }
    return
  }
}

module attributes {stable_mosaic.version = 14 : i64} {
  func.func @body(%arg0: i32, %arg1: memref<2000x128xf32, #tpu.memory_space<vmem>>, %arg2: memref<2000x128xf32, #tpu.memory_space<vmem>>, %arg3: memref<2000x128xf32, #tpu.memory_space<vmem>>, %arg4: memref<128x128xf32, #tpu.memory_space<vmem>>, %arg5: memref<8x128xf32, #tpu.memory_space<vmem>>, %arg6: memref<8x128xf32, #tpu.memory_space<vmem>>, %arg7: memref<128x128xf32, #tpu.memory_space<vmem>>, %arg8: memref<8x128xf32, #tpu.memory_space<vmem>>, %arg9: memref<8x128xf32, #tpu.memory_space<vmem>>, %arg10: memref<8x128xf32, #tpu.memory_space<vmem>>, %arg11: memref<8x128xf32, #tpu.memory_space<vmem>>, %arg12: memref<1x8x2000xi32, #tpu.memory_space<vmem>>, %arg13: memref<2000x128xf32, #tpu.memory_space<vmem>>, %arg14: memref<64x128xf32, #tpu.memory_space<vmem>>) attributes {dimension_semantics = [#tpu.dimension_semantics<arbitrary>], iteration_bounds = array<i64: 5>, scalar_prefetch = 0 : i64, scratch_operands = 0 : i64, tpu.core_type = #tpu.core_type<tc>, window_params = [{transform_indices = @transform_0, window_bounds = array<i64: 2000, 128>}, {transform_indices = @transform_1, window_bounds = array<i64: 2000, 128>}, {transform_indices = @transform_2, window_bounds = array<i64: 2000, 128>}, {pipeline_mode = #tpu.pipeline_mode<synchronous>, transform_indices = @transform_3, window_bounds = array<i64: 128, 128>}, {pipeline_mode = #tpu.pipeline_mode<synchronous>, transform_indices = @transform_4, window_bounds = array<i64: 8, 128>}, {pipeline_mode = #tpu.pipeline_mode<synchronous>, transform_indices = @transform_5, window_bounds = array<i64: 8, 128>}, {pipeline_mode = #tpu.pipeline_mode<synchronous>, transform_indices = @transform_6, window_bounds = array<i64: 128, 128>}, {pipeline_mode = #tpu.pipeline_mode<synchronous>, transform_indices = @transform_7, window_bounds = array<i64: 8, 128>}, {pipeline_mode = #tpu.pipeline_mode<synchronous>, transform_indices = @transform_8, window_bounds = array<i64: 8, 128>}, {pipeline_mode = #tpu.pipeline_mode<synchronous>, transform_indices = @transform_9, window_bounds = array<i64: 8, 128>}, {pipeline_mode = #tpu.pipeline_mode<synchronous>, transform_indices = @transform_10, window_bounds = array<i64: 8, 128>}, {transform_indices = @transform_11, window_bounds = array<i64: 1, 8, 2000>}, {transform_indices = @transform_12, window_bounds = array<i64: 2000, 128>}, {pipeline_mode = #tpu.pipeline_mode<synchronous>, transform_indices = @transform_13, window_bounds = array<i64: 64, 128>}]} {
    %get3A = arith.constant 0 : index
    %get3A_0 = arith.constant 0 : index
    %get3A_1 = vector.load %arg1[%get3A, %get3A_0] : memref<2000x128xf32, #tpu.memory_space<vmem>>, vector<2000x128xf32>
    %get3A_2 = arith.constant 0 : index
    %get3A_3 = arith.constant 0 : index
    %get3A_4 = vector.load %arg2[%get3A_2, %get3A_3] : memref<2000x128xf32, #tpu.memory_space<vmem>>, vector<2000x128xf32>
    %add3A = arith.addf %get3A_1, %get3A_4 : vector<2000x128xf32>
    %get3A_5 = arith.constant 0 : index
    %get3A_6 = arith.constant 0 : index
    %get3A_7 = vector.load %arg3[%get3A_5, %get3A_6] : memref<2000x128xf32, #tpu.memory_space<vmem>>, vector<2000x128xf32>
    %add3A_8 = arith.addf %add3A, %get3A_7 : vector<2000x128xf32>
    %get3A_9 = arith.constant 0 : index
    %get3A_10 = arith.constant 0 : index
    %get3A_11 = vector.load %arg4[%get3A_9, %get3A_10] : memref<128x128xf32, #tpu.memory_space<vmem>>, vector<128x128xf32>
    %dot_general3A = arith.constant dense<0.000000e+00> : vector<2000x128xf32>
    %dot_general3A_12 = tpu.matmul %add3A_8, %get3A_11, %dot_general3A {dimension_numbers = #tpu.dot_dimension_numbers<[1], [0], [0], [1], [0, 0, 1, 1], [], []>, transpose_lhs_hint = false} : vector<2000x128xf32>, vector<128x128xf32>, vector<2000x128xf32> -> vector<2000x128xf32>
    %get3A_13 = arith.constant 0 : index
    %get3A_14 = arith.constant 0 : index
    %get3A_15 = vector.load %arg5[%get3A_13, %get3A_14] : memref<8x128xf32, #tpu.memory_space<vmem>>, vector<1x128xf32>
    %mul3A = vector.broadcast %get3A_15 : vector<1x128xf32> to vector<2000x128xf32>
    %mul3A_16 = arith.mulf %dot_general3A_12, %mul3A : vector<2000x128xf32>
    %get3A_17 = arith.constant 0 : index
    %get3A_18 = arith.constant 0 : index
    %get3A_19 = vector.load %arg6[%get3A_17, %get3A_18] : memref<8x128xf32, #tpu.memory_space<vmem>>, vector<1x128xf32>
    %add3A_20 = vector.broadcast %get3A_19 : vector<1x128xf32> to vector<2000x128xf32>
    %add3A_21 = arith.addf %mul3A_16, %add3A_20 : vector<2000x128xf32>
    %max3A = arith.constant 0.000000e+00 : f32
    %max3A_22 = vector.broadcast %max3A : f32 to vector<2000x128xf32>
    %max3A_23 = arith.maximumf %add3A_21, %max3A_22 : vector<2000x128xf32>
    %get3A_24 = arith.constant 0 : index
    %get3A_25 = arith.constant 0 : index
    %get3A_26 = vector.load %arg7[%get3A_24, %get3A_25] : memref<128x128xf32, #tpu.memory_space<vmem>>, vector<128x128xf32>
    %dot_general3A_27 = arith.constant dense<0.000000e+00> : vector<2000x128xf32>
    %dot_general3A_28 = tpu.matmul %max3A_23, %get3A_26, %dot_general3A_27 {dimension_numbers = #tpu.dot_dimension_numbers<[1], [0], [0], [1], [0, 0, 1, 1], [], []>, transpose_lhs_hint = false} : vector<2000x128xf32>, vector<128x128xf32>, vector<2000x128xf32> -> vector<2000x128xf32>
    %get3A_29 = arith.constant 0 : index
    %get3A_30 = arith.constant 0 : index
    %get3A_31 = vector.load %arg8[%get3A_29, %get3A_30] : memref<8x128xf32, #tpu.memory_space<vmem>>, vector<1x128xf32>
    %mul3A_32 = vector.broadcast %get3A_31 : vector<1x128xf32> to vector<2000x128xf32>
    %mul3A_33 = arith.mulf %dot_general3A_28, %mul3A_32 : vector<2000x128xf32>
    %get3A_34 = arith.constant 0 : index
    %get3A_35 = arith.constant 0 : index
    %get3A_36 = vector.load %arg9[%get3A_34, %get3A_35] : memref<8x128xf32, #tpu.memory_space<vmem>>, vector<1x128xf32>
    %add3A_37 = vector.broadcast %get3A_36 : vector<1x128xf32> to vector<2000x128xf32>
    %add3A_38 = arith.addf %mul3A_33, %add3A_37 : vector<2000x128xf32>
    %max3A_39 = arith.constant 0.000000e+00 : f32
    %max3A_40 = vector.broadcast %max3A_39 : f32 to vector<2000x128xf32>
    %max3A_41 = arith.maximumf %add3A_38, %max3A_40 : vector<2000x128xf32>
    %get3A_42 = arith.constant 0 : index
    %get3A_43 = arith.constant 0 : index
    %get3A_44 = vector.load %arg10[%get3A_42, %get3A_43] : memref<8x128xf32, #tpu.memory_space<vmem>>, vector<1x128xf32>
    %mul3A_45 = vector.broadcast %get3A_44 : vector<1x128xf32> to vector<2000x128xf32>
    %mul3A_46 = arith.mulf %max3A_41, %mul3A_45 : vector<2000x128xf32>
    %get3A_47 = arith.constant 0 : index
    %get3A_48 = arith.constant 0 : index
    %get3A_49 = vector.load %arg11[%get3A_47, %get3A_48] : memref<8x128xf32, #tpu.memory_space<vmem>>, vector<1x128xf32>
    %add3A_50 = vector.broadcast %get3A_49 : vector<1x128xf32> to vector<2000x128xf32>
    %add3A_51 = arith.addf %mul3A_46, %add3A_50 : vector<2000x128xf32>
    %max3A_52 = arith.constant 0.000000e+00 : f32
    %max3A_53 = vector.broadcast %max3A_52 : f32 to vector<2000x128xf32>
    %max3A_54 = arith.maximumf %add3A_51, %max3A_53 : vector<2000x128xf32>
    %swap3A = arith.constant 0 : index
    %swap3A_55 = arith.constant 0 : index
    %swap3A_56 = vector.load %arg13[%swap3A, %swap3A_55] : memref<2000x128xf32, #tpu.memory_space<vmem>>, vector<2000x128xf32>
    tpu.vector_store %arg13[%swap3A, %swap3A_55], %max3A_54 {strides = array<i32>} : memref<2000x128xf32, #tpu.memory_space<vmem>>, vector<2000x128xf32>,
    %get3A_57 = arith.constant 0 : index
    %get3A_58 = arith.constant 0 : index
    %get3A_59 = arith.constant 0 : index
    %get3A_60 = vector.load %arg12[%get3A_57, %get3A_58, %get3A_59] : memref<1x8x2000xi32, #tpu.memory_space<vmem>>, vector<1x1x2000xi32>
    %get3A_61 = vector.shape_cast %get3A_60 : vector<1x1x2000xi32> to vector<1x2000xi32>
    %iota3A = tpu.iota {dimensions = array<i32: 0>} : vector<64x2000xi32>
    %broadcast_in_dim3A = vector.shape_cast %get3A_61 : vector<1x2000xi32> to vector<1x2000xi32>
    %broadcast_in_dim3A_62 = vector.broadcast %broadcast_in_dim3A : vector<1x2000xi32> to vector<64x2000xi32>
    %eq3A = arith.cmpi eq, %iota3A, %broadcast_in_dim3A_62 : vector<64x2000xi32>
    %jit3A = arith.constant 1.000000e+00 : f32
    %jit3A_63 = arith.constant 0.000000e+00 : f32
    %broadcast_in_dim3A_64 = vector.broadcast %jit3A : f32 to vector<64x2000xf32>
    %broadcast_in_dim3A_65 = vector.broadcast %jit3A_63 : f32 to vector<64x2000xf32>
    %select_n3A = arith.select %eq3A, %broadcast_in_dim3A_64, %broadcast_in_dim3A_65 : vector<64x2000xi1>, vector<64x2000xf32>
    %get3A_66 = arith.constant 0 : index
    %get3A_67 = arith.constant 0 : index
    %get3A_68 = vector.load %arg1[%get3A_66, %get3A_67] : memref<2000x128xf32, #tpu.memory_space<vmem>>, vector<2000x128xf32>
    %dot_general3A_69 = arith.constant dense<0.000000e+00> : vector<64x128xf32>
    %dot_general3A_70 = tpu.matmul %select_n3A, %get3A_68, %dot_general3A_69 {dimension_numbers = #tpu.dot_dimension_numbers<[1], [0], [0], [1], [0, 0, 1, 1], [], []>, transpose_lhs_hint = false} : vector<64x2000xf32>, vector<2000x128xf32>, vector<64x128xf32> -> vector<64x128xf32>
    %eq3A_71 = arith.constant 0 : i32
    %eq3A_72 = arith.cmpi eq, %arg0, %eq3A_71 : i32
    %convert_element_type3A = arith.extui %eq3A_72 : i1 to i32
    %cond3A = arith.constant 0 : i32
    %cond3A_73 = arith.cmpi ne, %convert_element_type3A, %cond3A : i32
    scf.if %cond3A_73 {
      %swap3A_78 = arith.constant 0 : index
      %swap3A_79 = arith.constant 0 : index
      %swap3A_80 = vector.load %arg14[%swap3A_78, %swap3A_79] : memref<64x128xf32, #tpu.memory_space<vmem>>, vector<64x128xf32>
      tpu.vector_store %arg14[%swap3A_78, %swap3A_79], %dot_general3A_70 {strides = array<i32>} : memref<64x128xf32, #tpu.memory_space<vmem>>, vector<64x128xf32>,
    } else {
    }
    %gt3A = arith.constant 0 : i32
    %gt3A_74 = arith.cmpi sgt, %arg0, %gt3A : i32
    %convert_element_type3A_75 = arith.extui %gt3A_74 : i1 to i32
    %cond3A_76 = arith.constant 0 : i32
    %cond3A_77 = arith.cmpi ne, %convert_element_type3A_75, %cond3A_76 : i32
    scf.if %cond3A_77 {
      %get3A_78 = arith.constant 0 : index
      %get3A_79 = arith.constant 0 : index
      %get3A_80 = vector.load %arg14[%get3A_78, %get3A_79] : memref<64x128xf32, #tpu.memory_space<vmem>>, vector<64x128xf32>
      %add3A_81 = arith.addf %get3A_80, %dot_general3A_70 : vector<64x128xf32>
      %swap3A_82 = arith.constant 0 : index
      %swap3A_83 = arith.constant 0 : index
      %swap3A_84 = vector.load %arg14[%swap3A_82, %swap3A_83] : memref<64x128xf32, #tpu.memory_space<vmem>>, vector<64x128xf32>
      tpu.vector_store %arg14[%swap3A_82, %swap3A_83], %add3A_81 {strides = array<i32>} : memref<64x128xf32, #tpu.memory_space<vmem>>, vector<64x128xf32>,
    } else {
    }
    return
  }
  func.func @transform_0(%arg0: i32) -> (i32, i32) {
    %c0_i32 = arith.constant 0 : i32
    %c0_i32_0 = arith.constant 0 : i32
    return %arg0, %c0_i32 : i32, i32
  }
  func.func @transform_1(%arg0: i32) -> (i32, i32) {
    %c0_i32 = arith.constant 0 : i32
    %c0_i32_0 = arith.constant 0 : i32
    return %arg0, %c0_i32 : i32, i32
  }
  func.func @transform_2(%arg0: i32) -> (i32, i32) {
    %c0_i32 = arith.constant 0 : i32
    %c0_i32_0 = arith.constant 0 : i32
    return %arg0, %c0_i32 : i32, i32
  }
  func.func @transform_3(%arg0: i32) -> (i32, i32) {
    %c0_i32 = arith.constant 0 : i32
    %c0_i32_0 = arith.constant 0 : i32
    %c0_i32_1 = arith.constant 0 : i32
    return %c0_i32, %c0_i32_0 : i32, i32
  }
  func.func @transform_4(%arg0: i32) -> (i32, i32) {
    %c0_i32 = arith.constant 0 : i32
    %c0_i32_0 = arith.constant 0 : i32
    %c0_i32_1 = arith.constant 0 : i32
    return %c0_i32, %c0_i32_0 : i32, i32
  }
  func.func @transform_5(%arg0: i32) -> (i32, i32) {
    %c0_i32 = arith.constant 0 : i32
    %c0_i32_0 = arith.constant 0 : i32
    %c0_i32_1 = arith.constant 0 : i32
    return %c0_i32, %c0_i32_0 : i32, i32
  }
  func.func @transform_6(%arg0: i32) -> (i32, i32) {
    %c0_i32 = arith.constant 0 : i32
    %c0_i32_0 = arith.constant 0 : i32
    %c0_i32_1 = arith.constant 0 : i32
    return %c0_i32, %c0_i32_0 : i32, i32
  }
  func.func @transform_7(%arg0: i32) -> (i32, i32) {
    %c0_i32 = arith.constant 0 : i32
    %c0_i32_0 = arith.constant 0 : i32
    %c0_i32_1 = arith.constant 0 : i32
    return %c0_i32, %c0_i32_0 : i32, i32
  }
  func.func @transform_8(%arg0: i32) -> (i32, i32) {
    %c0_i32 = arith.constant 0 : i32
    %c0_i32_0 = arith.constant 0 : i32
    %c0_i32_1 = arith.constant 0 : i32
    return %c0_i32, %c0_i32_0 : i32, i32
  }
  func.func @transform_9(%arg0: i32) -> (i32, i32) {
    %c0_i32 = arith.constant 0 : i32
    %c0_i32_0 = arith.constant 0 : i32
    %c0_i32_1 = arith.constant 0 : i32
    return %c0_i32, %c0_i32_0 : i32, i32
  }
  func.func @transform_10(%arg0: i32) -> (i32, i32) {
    %c0_i32 = arith.constant 0 : i32
    %c0_i32_0 = arith.constant 0 : i32
    %c0_i32_1 = arith.constant 0 : i32
    return %c0_i32, %c0_i32_0 : i32, i32
  }
  func.func @transform_11(%arg0: i32) -> (i32, i32, i32) {
    %c0_i32 = arith.constant 0 : i32
    %c0_i32_0 = arith.constant 0 : i32
    %c0_i32_1 = arith.constant 0 : i32
    return %arg0, %c0_i32, %c0_i32_0 : i32, i32, i32
  }
  func.func @transform_12(%arg0: i32) -> (i32, i32) {
    %c0_i32 = arith.constant 0 : i32
    %c0_i32_0 = arith.constant 0 : i32
    return %arg0, %c0_i32 : i32, i32
  }
  func.func @transform_13(%arg0: i32) -> (i32, i32) {
    %c0_i32 = arith.constant 0 : i32
    %c0_i32_0 = arith.constant 0 : i32
    %c0_i32_1 = arith.constant 0 : i32
    return %c0_i32, %c0_i32_0 : i32, i32
  }
}

module attributes {stable_mosaic.version = 14 : i64} {
  func.func @body(%arg0: i32, %arg1: memref<2000x128xf32, #tpu.memory_space<vmem>>, %arg2: memref<2000x128xf32, #tpu.memory_space<vmem>>, %arg3: memref<2000x128xf32, #tpu.memory_space<vmem>>, %arg4: memref<128x128xf32, #tpu.memory_space<vmem>>, %arg5: memref<8x128xf32, #tpu.memory_space<vmem>>, %arg6: memref<8x128xf32, #tpu.memory_space<vmem>>, %arg7: memref<128x128xf32, #tpu.memory_space<vmem>>, %arg8: memref<8x128xf32, #tpu.memory_space<vmem>>, %arg9: memref<8x128xf32, #tpu.memory_space<vmem>>, %arg10: memref<8x128xf32, #tpu.memory_space<vmem>>, %arg11: memref<8x128xf32, #tpu.memory_space<vmem>>, %arg12: memref<1x8x2000xi32, #tpu.memory_space<vmem>>, %arg13: memref<64x128xf32, #tpu.memory_space<vmem>>, %arg14: memref<128x128xf32, #tpu.memory_space<vmem>>, %arg15: memref<128x128xf32, #tpu.memory_space<vmem>>, %arg16: memref<128x128xf32, #tpu.memory_space<vmem>>, %arg17: memref<8x128xf32, #tpu.memory_space<vmem>>, %arg18: memref<2000x128xf32, #tpu.memory_space<vmem>>, %arg19: memref<64x128xf32, #tpu.memory_space<vmem>>, %arg20: memref<64x128xf32, #tpu.memory_space<vmem>>, %arg21: memref<64x128xf32, #tpu.memory_space<vmem>>) attributes {dimension_semantics = [#tpu.dimension_semantics<arbitrary>], iteration_bounds = array<i64: 5>, scalar_prefetch = 0 : i64, scratch_operands = 0 : i64, tpu.core_type = #tpu.core_type<tc>, window_params = [{transform_indices = @transform_0, window_bounds = array<i64: 2000, 128>}, {transform_indices = @transform_1, window_bounds = array<i64: 2000, 128>}, {transform_indices = @transform_2, window_bounds = array<i64: 2000, 128>}, {pipeline_mode = #tpu.pipeline_mode<synchronous>, transform_indices = @transform_3, window_bounds = array<i64: 128, 128>}, {pipeline_mode = #tpu.pipeline_mode<synchronous>, transform_indices = @transform_4, window_bounds = array<i64: 8, 128>}, {pipeline_mode = #tpu.pipeline_mode<synchronous>, transform_indices = @transform_5, window_bounds = array<i64: 8, 128>}, {pipeline_mode = #tpu.pipeline_mode<synchronous>, transform_indices = @transform_6, window_bounds = array<i64: 128, 128>}, {pipeline_mode = #tpu.pipeline_mode<synchronous>, transform_indices = @transform_7, window_bounds = array<i64: 8, 128>}, {pipeline_mode = #tpu.pipeline_mode<synchronous>, transform_indices = @transform_8, window_bounds = array<i64: 8, 128>}, {pipeline_mode = #tpu.pipeline_mode<synchronous>, transform_indices = @transform_9, window_bounds = array<i64: 8, 128>}, {pipeline_mode = #tpu.pipeline_mode<synchronous>, transform_indices = @transform_10, window_bounds = array<i64: 8, 128>}, {transform_indices = @transform_11, window_bounds = array<i64: 1, 8, 2000>}, {pipeline_mode = #tpu.pipeline_mode<synchronous>, transform_indices = @transform_12, window_bounds = array<i64: 64, 128>}, {pipeline_mode = #tpu.pipeline_mode<synchronous>, transform_indices = @transform_13, window_bounds = array<i64: 128, 128>}, {pipeline_mode = #tpu.pipeline_mode<synchronous>, transform_indices = @transform_14, window_bounds = array<i64: 128, 128>}, {pipeline_mode = #tpu.pipeline_mode<synchronous>, transform_indices = @transform_15, window_bounds = array<i64: 128, 128>}, {pipeline_mode = #tpu.pipeline_mode<synchronous>, transform_indices = @transform_16, window_bounds = array<i64: 8, 128>}, {transform_indices = @transform_17, window_bounds = array<i64: 2000, 128>}, {pipeline_mode = #tpu.pipeline_mode<synchronous>, transform_indices = @transform_18, window_bounds = array<i64: 64, 128>}, {pipeline_mode = #tpu.pipeline_mode<synchronous>, transform_indices = @transform_19, window_bounds = array<i64: 64, 128>}, {pipeline_mode = #tpu.pipeline_mode<synchronous>, transform_indices = @transform_20, window_bounds = array<i64: 64, 128>}]} {
    %get3A = arith.constant 0 : index
    %get3A_0 = arith.constant 0 : index
    %get3A_1 = vector.load %arg1[%get3A, %get3A_0] : memref<2000x128xf32, #tpu.memory_space<vmem>>, vector<2000x128xf32>
    %get3A_2 = arith.constant 0 : index
    %get3A_3 = arith.constant 0 : index
    %get3A_4 = vector.load %arg2[%get3A_2, %get3A_3] : memref<2000x128xf32, #tpu.memory_space<vmem>>, vector<2000x128xf32>
    %add3A = arith.addf %get3A_1, %get3A_4 : vector<2000x128xf32>
    %get3A_5 = arith.constant 0 : index
    %get3A_6 = arith.constant 0 : index
    %get3A_7 = vector.load %arg3[%get3A_5, %get3A_6] : memref<2000x128xf32, #tpu.memory_space<vmem>>, vector<2000x128xf32>
    %add3A_8 = arith.addf %add3A, %get3A_7 : vector<2000x128xf32>
    %get3A_9 = arith.constant 0 : index
    %get3A_10 = arith.constant 0 : index
    %get3A_11 = vector.load %arg4[%get3A_9, %get3A_10] : memref<128x128xf32, #tpu.memory_space<vmem>>, vector<128x128xf32>
    %dot_general3A = arith.constant dense<0.000000e+00> : vector<2000x128xf32>
    %dot_general3A_12 = tpu.matmul %add3A_8, %get3A_11, %dot_general3A {dimension_numbers = #tpu.dot_dimension_numbers<[1], [0], [0], [1], [0, 0, 1, 1], [], []>, transpose_lhs_hint = false} : vector<2000x128xf32>, vector<128x128xf32>, vector<2000x128xf32> -> vector<2000x128xf32>
    %get3A_13 = arith.constant 0 : index
    %get3A_14 = arith.constant 0 : index
    %get3A_15 = vector.load %arg5[%get3A_13, %get3A_14] : memref<8x128xf32, #tpu.memory_space<vmem>>, vector<1x128xf32>
    %mul3A = vector.broadcast %get3A_15 : vector<1x128xf32> to vector<2000x128xf32>
    %mul3A_16 = arith.mulf %dot_general3A_12, %mul3A : vector<2000x128xf32>
    %get3A_17 = arith.constant 0 : index
    %get3A_18 = arith.constant 0 : index
    %get3A_19 = vector.load %arg6[%get3A_17, %get3A_18] : memref<8x128xf32, #tpu.memory_space<vmem>>, vector<1x128xf32>
    %add3A_20 = vector.broadcast %get3A_19 : vector<1x128xf32> to vector<2000x128xf32>
    %add3A_21 = arith.addf %mul3A_16, %add3A_20 : vector<2000x128xf32>
    %max3A = arith.constant 0.000000e+00 : f32
    %max3A_22 = vector.broadcast %max3A : f32 to vector<2000x128xf32>
    %max3A_23 = arith.maximumf %add3A_21, %max3A_22 : vector<2000x128xf32>
    %get3A_24 = arith.constant 0 : index
    %get3A_25 = arith.constant 0 : index
    %get3A_26 = vector.load %arg7[%get3A_24, %get3A_25] : memref<128x128xf32, #tpu.memory_space<vmem>>, vector<128x128xf32>
    %dot_general3A_27 = arith.constant dense<0.000000e+00> : vector<2000x128xf32>
    %dot_general3A_28 = tpu.matmul %max3A_23, %get3A_26, %dot_general3A_27 {dimension_numbers = #tpu.dot_dimension_numbers<[1], [0], [0], [1], [0, 0, 1, 1], [], []>, transpose_lhs_hint = false} : vector<2000x128xf32>, vector<128x128xf32>, vector<2000x128xf32> -> vector<2000x128xf32>
    %get3A_29 = arith.constant 0 : index
    %get3A_30 = arith.constant 0 : index
    %get3A_31 = vector.load %arg8[%get3A_29, %get3A_30] : memref<8x128xf32, #tpu.memory_space<vmem>>, vector<1x128xf32>
    %mul3A_32 = vector.broadcast %get3A_31 : vector<1x128xf32> to vector<2000x128xf32>
    %mul3A_33 = arith.mulf %dot_general3A_28, %mul3A_32 : vector<2000x128xf32>
    %get3A_34 = arith.constant 0 : index
    %get3A_35 = arith.constant 0 : index
    %get3A_36 = vector.load %arg9[%get3A_34, %get3A_35] : memref<8x128xf32, #tpu.memory_space<vmem>>, vector<1x128xf32>
    %add3A_37 = vector.broadcast %get3A_36 : vector<1x128xf32> to vector<2000x128xf32>
    %add3A_38 = arith.addf %mul3A_33, %add3A_37 : vector<2000x128xf32>
    %max3A_39 = arith.constant 0.000000e+00 : f32
    %max3A_40 = vector.broadcast %max3A_39 : f32 to vector<2000x128xf32>
    %max3A_41 = arith.maximumf %add3A_38, %max3A_40 : vector<2000x128xf32>
    %get3A_42 = arith.constant 0 : index
    %get3A_43 = arith.constant 0 : index
    %get3A_44 = vector.load %arg10[%get3A_42, %get3A_43] : memref<8x128xf32, #tpu.memory_space<vmem>>, vector<1x128xf32>
    %mul3A_45 = vector.broadcast %get3A_44 : vector<1x128xf32> to vector<2000x128xf32>
    %mul3A_46 = arith.mulf %max3A_41, %mul3A_45 : vector<2000x128xf32>
    %get3A_47 = arith.constant 0 : index
    %get3A_48 = arith.constant 0 : index
    %get3A_49 = vector.load %arg11[%get3A_47, %get3A_48] : memref<8x128xf32, #tpu.memory_space<vmem>>, vector<1x128xf32>
    %add3A_50 = vector.broadcast %get3A_49 : vector<1x128xf32> to vector<2000x128xf32>
    %add3A_51 = arith.addf %mul3A_46, %add3A_50 : vector<2000x128xf32>
    %max3A_52 = arith.constant 0.000000e+00 : f32
    %max3A_53 = vector.broadcast %max3A_52 : f32 to vector<2000x128xf32>
    %max3A_54 = arith.maximumf %add3A_51, %max3A_53 : vector<2000x128xf32>
    %swap3A = arith.constant 0 : index
    %swap3A_55 = arith.constant 0 : index
    %swap3A_56 = vector.load %arg18[%swap3A, %swap3A_55] : memref<2000x128xf32, #tpu.memory_space<vmem>>, vector<2000x128xf32>
    tpu.vector_store %arg18[%swap3A, %swap3A_55], %max3A_54 {strides = array<i32>} : memref<2000x128xf32, #tpu.memory_space<vmem>>, vector<2000x128xf32>,
    %get3A_57 = arith.constant 0 : index
    %get3A_58 = arith.constant 0 : index
    %get3A_59 = arith.constant 0 : index
    %get3A_60 = vector.load %arg12[%get3A_57, %get3A_58, %get3A_59] : memref<1x8x2000xi32, #tpu.memory_space<vmem>>, vector<1x1x2000xi32>
    %get3A_61 = vector.shape_cast %get3A_60 : vector<1x1x2000xi32> to vector<1x2000xi32>
    %iota3A = tpu.iota {dimensions = array<i32: 0>} : vector<64x2000xi32>
    %broadcast_in_dim3A = vector.shape_cast %get3A_61 : vector<1x2000xi32> to vector<1x2000xi32>
    %broadcast_in_dim3A_62 = vector.broadcast %broadcast_in_dim3A : vector<1x2000xi32> to vector<64x2000xi32>
    %eq3A = arith.cmpi eq, %iota3A, %broadcast_in_dim3A_62 : vector<64x2000xi32>
    %jit3A = arith.constant 1.000000e+00 : f32
    %jit3A_63 = arith.constant 0.000000e+00 : f32
    %broadcast_in_dim3A_64 = vector.broadcast %jit3A : f32 to vector<64x2000xf32>
    %broadcast_in_dim3A_65 = vector.broadcast %jit3A_63 : f32 to vector<64x2000xf32>
    %select_n3A = arith.select %eq3A, %broadcast_in_dim3A_64, %broadcast_in_dim3A_65 : vector<64x2000xi1>, vector<64x2000xf32>
    %get3A_66 = arith.constant 0 : index
    %get3A_67 = arith.constant 0 : index
    %get3A_68 = vector.load %arg1[%get3A_66, %get3A_67] : memref<2000x128xf32, #tpu.memory_space<vmem>>, vector<2000x128xf32>
    %dot_general3A_69 = arith.constant dense<0.000000e+00> : vector<64x128xf32>
    %dot_general3A_70 = tpu.matmul %select_n3A, %get3A_68, %dot_general3A_69 {dimension_numbers = #tpu.dot_dimension_numbers<[1], [0], [0], [1], [0, 0, 1, 1], [], []>, transpose_lhs_hint = false} : vector<64x2000xf32>, vector<2000x128xf32>, vector<64x128xf32> -> vector<64x128xf32>
    %dot_general3A_71 = arith.constant dense<0.000000e+00> : vector<64x128xf32>
    %dot_general3A_72 = tpu.matmul %select_n3A, %max3A_54, %dot_general3A_71 {dimension_numbers = #tpu.dot_dimension_numbers<[1], [0], [0], [1], [0, 0, 1, 1], [], []>, transpose_lhs_hint = false} : vector<64x2000xf32>, vector<2000x128xf32>, vector<64x128xf32> -> vector<64x128xf32>
    %eq3A_73 = arith.constant 0 : i32
    %eq3A_74 = arith.cmpi eq, %arg0, %eq3A_73 : i32
    %convert_element_type3A = arith.extui %eq3A_74 : i1 to i32
    %cond3A = arith.constant 0 : i32
    %cond3A_75 = arith.cmpi ne, %convert_element_type3A, %cond3A : i32
    scf.if %cond3A_75 {
      %swap3A_85 = arith.constant 0 : index
      %swap3A_86 = arith.constant 0 : index
      %swap3A_87 = vector.load %arg20[%swap3A_85, %swap3A_86] : memref<64x128xf32, #tpu.memory_space<vmem>>, vector<64x128xf32>
      tpu.vector_store %arg20[%swap3A_85, %swap3A_86], %dot_general3A_70 {strides = array<i32>} : memref<64x128xf32, #tpu.memory_space<vmem>>, vector<64x128xf32>,
      %swap3A_88 = arith.constant 0 : index
      %swap3A_89 = arith.constant 0 : index
      %swap3A_90 = vector.load %arg21[%swap3A_88, %swap3A_89] : memref<64x128xf32, #tpu.memory_space<vmem>>, vector<64x128xf32>
      tpu.vector_store %arg21[%swap3A_88, %swap3A_89], %dot_general3A_72 {strides = array<i32>} : memref<64x128xf32, #tpu.memory_space<vmem>>, vector<64x128xf32>,
    } else {
    }
    %gt3A = arith.constant 0 : i32
    %gt3A_76 = arith.cmpi sgt, %arg0, %gt3A : i32
    %convert_element_type3A_77 = arith.extui %gt3A_76 : i1 to i32
    %cond3A_78 = arith.constant 0 : i32
    %cond3A_79 = arith.cmpi ne, %convert_element_type3A_77, %cond3A_78 : i32
    scf.if %cond3A_79 {
      %get3A_85 = arith.constant 0 : index
      %get3A_86 = arith.constant 0 : index
      %get3A_87 = vector.load %arg20[%get3A_85, %get3A_86] : memref<64x128xf32, #tpu.memory_space<vmem>>, vector<64x128xf32>
      %add3A_88 = arith.addf %get3A_87, %dot_general3A_70 : vector<64x128xf32>
      %swap3A_89 = arith.constant 0 : index
      %swap3A_90 = arith.constant 0 : index
      %swap3A_91 = vector.load %arg20[%swap3A_89, %swap3A_90] : memref<64x128xf32, #tpu.memory_space<vmem>>, vector<64x128xf32>
      tpu.vector_store %arg20[%swap3A_89, %swap3A_90], %add3A_88 {strides = array<i32>} : memref<64x128xf32, #tpu.memory_space<vmem>>, vector<64x128xf32>,
      %get3A_92 = arith.constant 0 : index
      %get3A_93 = arith.constant 0 : index
      %get3A_94 = vector.load %arg21[%get3A_92, %get3A_93] : memref<64x128xf32, #tpu.memory_space<vmem>>, vector<64x128xf32>
      %add3A_95 = arith.addf %get3A_94, %dot_general3A_72 : vector<64x128xf32>
      %swap3A_96 = arith.constant 0 : index
      %swap3A_97 = arith.constant 0 : index
      %swap3A_98 = vector.load %arg21[%swap3A_96, %swap3A_97] : memref<64x128xf32, #tpu.memory_space<vmem>>, vector<64x128xf32>
      tpu.vector_store %arg21[%swap3A_96, %swap3A_97], %add3A_95 {strides = array<i32>} : memref<64x128xf32, #tpu.memory_space<vmem>>, vector<64x128xf32>,
    } else {
    }
    %eq3A_80 = arith.constant 4 : i32
    %eq3A_81 = arith.cmpi eq, %arg0, %eq3A_80 : i32
    %convert_element_type3A_82 = arith.extui %eq3A_81 : i1 to i32
    %cond3A_83 = arith.constant 0 : i32
    %cond3A_84 = arith.cmpi ne, %convert_element_type3A_82, %cond3A_83 : i32
    scf.if %cond3A_84 {
      %get3A_85 = arith.constant 0 : index
      %get3A_86 = arith.constant 0 : index
      %get3A_87 = vector.load %arg13[%get3A_85, %get3A_86] : memref<64x128xf32, #tpu.memory_space<vmem>>, vector<64x128xf32>
      %get3A_88 = arith.constant 0 : index
      %get3A_89 = arith.constant 0 : index
      %get3A_90 = vector.load %arg14[%get3A_88, %get3A_89] : memref<128x128xf32, #tpu.memory_space<vmem>>, vector<128x128xf32>
      %dot_general3A_91 = arith.constant dense<0.000000e+00> : vector<64x128xf32>
      %dot_general3A_92 = tpu.matmul %get3A_87, %get3A_90, %dot_general3A_91 {dimension_numbers = #tpu.dot_dimension_numbers<[1], [0], [0], [1], [0, 0, 1, 1], [], []>, transpose_lhs_hint = false} : vector<64x128xf32>, vector<128x128xf32>, vector<64x128xf32> -> vector<64x128xf32>
      %get3A_93 = arith.constant 0 : index
      %get3A_94 = arith.constant 0 : index
      %get3A_95 = vector.load %arg20[%get3A_93, %get3A_94] : memref<64x128xf32, #tpu.memory_space<vmem>>, vector<64x128xf32>
      %get3A_96 = arith.constant 0 : index
      %get3A_97 = arith.constant 0 : index
      %get3A_98 = vector.load %arg15[%get3A_96, %get3A_97] : memref<128x128xf32, #tpu.memory_space<vmem>>, vector<128x128xf32>
      %dot_general3A_99 = arith.constant dense<0.000000e+00> : vector<64x128xf32>
      %dot_general3A_100 = tpu.matmul %get3A_95, %get3A_98, %dot_general3A_99 {dimension_numbers = #tpu.dot_dimension_numbers<[1], [0], [0], [1], [0, 0, 1, 1], [], []>, transpose_lhs_hint = false} : vector<64x128xf32>, vector<128x128xf32>, vector<64x128xf32> -> vector<64x128xf32>
      %add3A_101 = arith.addf %dot_general3A_92, %dot_general3A_100 : vector<64x128xf32>
      %get3A_102 = arith.constant 0 : index
      %get3A_103 = arith.constant 0 : index
      %get3A_104 = vector.load %arg21[%get3A_102, %get3A_103] : memref<64x128xf32, #tpu.memory_space<vmem>>, vector<64x128xf32>
      %get3A_105 = arith.constant 0 : index
      %get3A_106 = arith.constant 0 : index
      %get3A_107 = vector.load %arg16[%get3A_105, %get3A_106] : memref<128x128xf32, #tpu.memory_space<vmem>>, vector<128x128xf32>
      %dot_general3A_108 = arith.constant dense<0.000000e+00> : vector<64x128xf32>
      %dot_general3A_109 = tpu.matmul %get3A_104, %get3A_107, %dot_general3A_108 {dimension_numbers = #tpu.dot_dimension_numbers<[1], [0], [0], [1], [0, 0, 1, 1], [], []>, transpose_lhs_hint = false} : vector<64x128xf32>, vector<128x128xf32>, vector<64x128xf32> -> vector<64x128xf32>
      %add3A_110 = arith.addf %add3A_101, %dot_general3A_109 : vector<64x128xf32>
      %get3A_111 = arith.constant 0 : index
      %get3A_112 = arith.constant 0 : index
      %get3A_113 = vector.load %arg17[%get3A_111, %get3A_112] : memref<8x128xf32, #tpu.memory_space<vmem>>, vector<1x128xf32>
      %add3A_114 = vector.broadcast %get3A_113 : vector<1x128xf32> to vector<64x128xf32>
      %add3A_115 = arith.addf %add3A_110, %add3A_114 : vector<64x128xf32>
      %swap3A_116 = arith.constant 0 : index
      %swap3A_117 = arith.constant 0 : index
      %swap3A_118 = vector.load %arg19[%swap3A_116, %swap3A_117] : memref<64x128xf32, #tpu.memory_space<vmem>>, vector<64x128xf32>
      tpu.vector_store %arg19[%swap3A_116, %swap3A_117], %add3A_115 {strides = array<i32>} : memref<64x128xf32, #tpu.memory_space<vmem>>, vector<64x128xf32>,
    } else {
    }
    return
  }
  func.func @transform_0(%arg0: i32) -> (i32, i32) {
    %c0_i32 = arith.constant 0 : i32
    %c0_i32_0 = arith.constant 0 : i32
    return %arg0, %c0_i32 : i32, i32
  }
  func.func @transform_1(%arg0: i32) -> (i32, i32) {
    %c0_i32 = arith.constant 0 : i32
    %c0_i32_0 = arith.constant 0 : i32
    return %arg0, %c0_i32 : i32, i32
  }
  func.func @transform_2(%arg0: i32) -> (i32, i32) {
    %c0_i32 = arith.constant 0 : i32
    %c0_i32_0 = arith.constant 0 : i32
    return %arg0, %c0_i32 : i32, i32
  }
  func.func @transform_3(%arg0: i32) -> (i32, i32) {
    %c0_i32 = arith.constant 0 : i32
    %c0_i32_0 = arith.constant 0 : i32
    %c0_i32_1 = arith.constant 0 : i32
    return %c0_i32, %c0_i32_0 : i32, i32
  }
  func.func @transform_4(%arg0: i32) -> (i32, i32) {
    %c0_i32 = arith.constant 0 : i32
    %c0_i32_0 = arith.constant 0 : i32
    %c0_i32_1 = arith.constant 0 : i32
    return %c0_i32, %c0_i32_0 : i32, i32
  }
  func.func @transform_5(%arg0: i32) -> (i32, i32) {
    %c0_i32 = arith.constant 0 : i32
    %c0_i32_0 = arith.constant 0 : i32
    %c0_i32_1 = arith.constant 0 : i32
    return %c0_i32, %c0_i32_0 : i32, i32
  }
  func.func @transform_6(%arg0: i32) -> (i32, i32) {
    %c0_i32 = arith.constant 0 : i32
    %c0_i32_0 = arith.constant 0 : i32
    %c0_i32_1 = arith.constant 0 : i32
    return %c0_i32, %c0_i32_0 : i32, i32
  }
  func.func @transform_7(%arg0: i32) -> (i32, i32) {
    %c0_i32 = arith.constant 0 : i32
    %c0_i32_0 = arith.constant 0 : i32
    %c0_i32_1 = arith.constant 0 : i32
    return %c0_i32, %c0_i32_0 : i32, i32
  }
  func.func @transform_8(%arg0: i32) -> (i32, i32) {
    %c0_i32 = arith.constant 0 : i32
    %c0_i32_0 = arith.constant 0 : i32
    %c0_i32_1 = arith.constant 0 : i32
    return %c0_i32, %c0_i32_0 : i32, i32
  }
  func.func @transform_9(%arg0: i32) -> (i32, i32) {
    %c0_i32 = arith.constant 0 : i32
    %c0_i32_0 = arith.constant 0 : i32
    %c0_i32_1 = arith.constant 0 : i32
    return %c0_i32, %c0_i32_0 : i32, i32
  }
  func.func @transform_10(%arg0: i32) -> (i32, i32) {
    %c0_i32 = arith.constant 0 : i32
    %c0_i32_0 = arith.constant 0 : i32
    %c0_i32_1 = arith.constant 0 : i32
    return %c0_i32, %c0_i32_0 : i32, i32
  }
  func.func @transform_11(%arg0: i32) -> (i32, i32, i32) {
    %c0_i32 = arith.constant 0 : i32
    %c0_i32_0 = arith.constant 0 : i32
    %c0_i32_1 = arith.constant 0 : i32
    return %arg0, %c0_i32, %c0_i32_0 : i32, i32, i32
  }
  func.func @transform_12(%arg0: i32) -> (i32, i32) {
    %c0_i32 = arith.constant 0 : i32
    %c0_i32_0 = arith.constant 0 : i32
    %c0_i32_1 = arith.constant 0 : i32
    return %c0_i32, %c0_i32_0 : i32, i32
  }
  func.func @transform_13(%arg0: i32) -> (i32, i32) {
    %c0_i32 = arith.constant 0 : i32
    %c0_i32_0 = arith.constant 0 : i32
    %c0_i32_1 = arith.constant 0 : i32
    return %c0_i32, %c0_i32_0 : i32, i32
  }
  func.func @transform_14(%arg0: i32) -> (i32, i32) {
    %c0_i32 = arith.constant 0 : i32
    %c0_i32_0 = arith.constant 0 : i32
    %c0_i32_1 = arith.constant 0 : i32
    return %c0_i32, %c0_i32_0 : i32, i32
  }
  func.func @transform_15(%arg0: i32) -> (i32, i32) {
    %c0_i32 = arith.constant 0 : i32
    %c0_i32_0 = arith.constant 0 : i32
    %c0_i32_1 = arith.constant 0 : i32
    return %c0_i32, %c0_i32_0 : i32, i32
  }
  func.func @transform_16(%arg0: i32) -> (i32, i32) {
    %c0_i32 = arith.constant 0 : i32
    %c0_i32_0 = arith.constant 0 : i32
    %c0_i32_1 = arith.constant 0 : i32
    return %c0_i32, %c0_i32_0 : i32, i32
  }
  func.func @transform_17(%arg0: i32) -> (i32, i32) {
    %c0_i32 = arith.constant 0 : i32
    %c0_i32_0 = arith.constant 0 : i32
    return %arg0, %c0_i32 : i32, i32
  }
  func.func @transform_18(%arg0: i32) -> (i32, i32) {
    %c0_i32 = arith.constant 0 : i32
    %c0_i32_0 = arith.constant 0 : i32
    %c0_i32_1 = arith.constant 0 : i32
    return %c0_i32, %c0_i32_0 : i32, i32
  }
  func.func @transform_19(%arg0: i32) -> (i32, i32) {
    %c0_i32 = arith.constant 0 : i32
    %c0_i32_0 = arith.constant 0 : i32
    %c0_i32_1 = arith.constant 0 : i32
    return %c0_i32, %c0_i32_0 : i32, i32
  }
  func.func @transform_20(%arg0: i32) -> (i32, i32) {
    %c0_i32 = arith.constant 0 : i32
    %c0_i32_0 = arith.constant 0 : i32
    %c0_i32_1 = arith.constant 0 : i32
    return %c0_i32, %c0_i32_0 : i32, i32
  }
}

</mosaic_0001>

<sc_bundles>
// kernel: kernel.6.cloned.1.call-start
scs
__scs_entry_jumppad:
0x0: {  	(pc) =	sbr.rel $0x88, $3  }
0x1: {  	(tag) =	ssettag $0x0;
	lr =	simm.s32 $0x1  }
0x2: {  	[smem:$0x3F84] =	sst lr;
	_ =	strace $0xD0000000  }
0x3: {  	_ = 	snop  }
0x4: {  	_ = 	snop  }
0x5: {  	_ = 	snop  }
0x6: {  	_ = 	snop  }
0x7: {  	_ = 	snop  }
__scs_overlays_trampoline_lowered:
0x8: {  	[smem:$0x3F93] =	sst s0  }
0x9: {  	[smem:$0x3F94] =	sst s1  }
0xa: {  	[smem:$0x3F95] =	sst s2  }
0xb: {  	[smem:$0x3F96] =	sst s3  }
0xc: {  	[smem:$0x3F97] =	sst s4  }
0xd: {  	[smem:$0x3F98] =	sst s5  }
0xe: {  	[smem:$0x3F99] =	sst s6  }
0xf: {  	[smem:$0x3F9A] =	sst s7  }
0x10: {  	[smem:$0x3F9B] =	sst s8  }
0x11: {  	[smem:$0x3F9C] =	sst s9;
	s0 =	simm.s32 @!p0 $0x0  }
0x12: {  	s1 =	sld [smem:$0x3F82];
	s0 =	simm.s32 @p0 $0x1  }
0x13: {  	[smem:$0x3F9D] =	sst s0;
	s0 =	simm.s32 @!p1 $0x0  }
0x14: {  	s2 =	sld [smem:$0x3F81];
	s0 =	simm.s32 @p1 $0x1  }
0x15: {  	[smem:$0x3F9E] =	sst s0;
	s0 =	simm.s32 @!p2 $0x0  }
0x16: {  	s3 =	sld [smem:$0x3FDB];
	s0 =	simm.s32 @p2 $0x1  }
0x17: {  	s4 =	simm.s32 $0x1BF5;
	[smem:$0x3FA0] =	sst s0  }
0x18: {  	s0 =	sld [smem:$0x3F83];
	_ =	swait.ge [sflag:s4], $0x0  }
0x19: {  	s7 =	sld [smem:$0x3F84]  }
0x1a: {  	s8 =	sadd.s32 $0xFFFFE003, lr  }
0x1b: {  	s9 =	sadd.s32 $0xFFFFFEF7, lr;
	s5 =	simm.s32 $0xFFFFFFFF;
	p2 =	slt.u32 s8, $0xFFFFF086  }
0x1c: {  	p1 =	slt.u32 s9, $0xF7A;
	s5 =	simm.s32 @!p2 $0x0  }
0x1d: {  	s5 =	simm.s32 @p1 $0x1;
	p0 =	seq.s32 s7, s2  }
0x1e: {  	s7 =	smul.u32 @!p0 $0xF7A, s2;
	p2 =	seq.s32 @!p0 s5, $0x0  }
0x1f: {  	s9 =	smul.u32 $0xF7A, s1;
	s8 =	simm.s32 @!p0 $0x1BF5;
	p2 =	por !p2, p0  }
0x20: {  	[sflag:s8] =	ssyncset.s32 @!p0 $0xFFFFF086;
	s6 =	sadd.s32 @!p0 s3, s7;
	s7 =	simm.s32 @!p0 $0x108  }
0x21: {  	s3 =	sadd.s32 s3, s9;
	s6 =	sadd.s32 @!p0 $0x88, s6;
	s7 =	simm.s32 @p2 $0x1082  }
0x22: {  	[simem:s7], [sflag:s8] =	dma.local @!p0 [hbm:s6], $0xF7A  }
0x23: {  	s9 =	sor.u32 $0xD0000000, s2;
	s6 =	simm.s32 $0x108;
	_ =	swait.ge @!p0 [sflag:s8], $0x0  }
0x24: {  	s3 =	sadd.s32 $0x88, s3;
	s6 =	simm.s32 @!p1 $0x1082;
	[sflag:s4] =	ssyncset.s32 $0xFFFFF086  }
0x25: {  	[simem:s6], [sflag:s4] =	dma.local [hbm:s3], $0xF7A  }
0x26: {  	[smem:$0x3F84] =	sst s1;
	(tag) =	ssettag s2;
	_ =	strace s9  }
0x27: {  	s1 =	sld [smem:$0x3F94]  }
0x28: {  	s2 =	sld [smem:$0x3F95]  }
0x29: {  	s4 =	sld [smem:$0x3F97]  }
0x2a: {  	p0 =	seq.s32 s5, $0x0;
	s5 =	sld [smem:$0x3F98]  }
0x2b: {  	s6 =	sld [smem:$0x3F99]  }
0x2c: {  	s7 =	sld [smem:$0x3F9A]  }
0x2d: {  	s3 =	simm.s32 $0x108;
	s8 =	sld [smem:$0x3F9B]  }
0x2e: {  	s3 =	simm.s32 @!p0 $0x1082;
	s9 =	sld [smem:$0x3F9C]  }
0x2f: {  	lr =	sadd.s32 s0, s3;
	s0 =	sld [smem:$0x3F93]  }
0x30: {  	s3 =	sld [smem:$0x3F96]  }
0x31: {  	[smem:$0x3F9F] =	sst s10  }
0x32: {  	s10 =	sld [smem:$0x3F9D];
	_ =	sdelay $0x3  }
0x33: {  	p0 =	seq.s32 s10, $0x1;
	s10 =	sld [smem:$0x3F9F];
	_ =	sdelay $0x3  }
0x34: {  	[smem:$0x3F9F] =	sst s10  }
0x35: {  	s10 =	sld [smem:$0x3F9E];
	_ =	sdelay $0x3  }
0x36: {  	p1 =	seq.s32 s10, $0x1;
	s10 =	sld [smem:$0x3F9F];
	_ =	sdelay $0x3  }
0x37: {  	[smem:$0x3F9F] =	sst s10  }
0x38: {  	s10 =	sld [smem:$0x3FA0]  }
0x39: {  	_ = 	snop;
	(pc) =	sbr.ind lr, $3  }
0x3a: {  	_ = 	snop  }
0x3b: {  	_ = 	snop  }
0x3c: {  	p2 =	seq.s32 s10, $0x1;
	s10 =	sld [smem:$0x3F9F]  }
0x3d: {  	_ =	shalt  }
0x3e: {  	_ =	shalt  }
0x3f: {  	_ =	shalt  }
0x40: {  	_ =	shalt  }
0x41: {  	_ =	shalt  }
0x42: {  	_ =	shalt  }
0x43: {  	_ =	shalt  }
0x44: {  	_ =	shalt  }
0x45: {  	_ =	shalt  }
0x46: {  	_ =	shalt  }
0x47: {  	_ =	shalt  }
0x48: {  	_ =	shalt  }
0x49: {  	_ =	shalt  }
0x4a: {  	_ =	shalt  }
0x4b: {  	_ =	shalt  }
0x4c: {  	_ =	shalt  }
0x4d: {  	_ =	shalt  }
0x4e: {  	_ =	shalt  }
0x4f: {  	_ =	shalt  }
0x50: {  	_ =	shalt  }
0x51: {  	_ =	shalt  }
0x52: {  	_ =	shalt  }
0x53: {  	_ =	shalt  }
0x54: {  	_ =	shalt  }
0x55: {  	_ =	shalt  }
0x56: {  	_ =	shalt  }
0x57: {  	_ =	shalt  }
0x58: {  	_ =	shalt  }
0x59: {  	_ =	shalt  }
0x5a: {  	_ =	shalt  }
0x5b: {  	_ =	shalt  }
0x5c: {  	_ =	shalt  }
0x5d: {  	_ =	shalt  }
0x5e: {  	_ =	shalt  }
0x5f: {  	_ =	shalt  }
0x60: {  	_ =	shalt  }
0x61: {  	_ =	shalt  }
0x62: {  	_ =	shalt  }
0x63: {  	_ =	shalt  }
0x64: {  	_ =	shalt  }
0x65: {  	_ =	shalt  }
0x66: {  	_ =	shalt  }
0x67: {  	_ =	shalt  }
0x68: {  	_ =	shalt  }
0x69: {  	_ =	shalt  }
0x6a: {  	_ =	shalt  }
0x6b: {  	_ =	shalt  }
0x6c: {  	_ =	shalt  }
0x6d: {  	_ =	shalt  }
0x6e: {  	_ =	shalt  }
0x6f: {  	_ =	shalt  }
0x70: {  	_ =	shalt  }
0x71: {  	_ =	shalt  }
0x72: {  	_ =	shalt  }
0x73: {  	_ =	shalt  }
0x74: {  	_ =	shalt  }
0x75: {  	_ =	shalt  }
0x76: {  	_ =	shalt  }
0x77: {  	_ =	shalt  }
0x78: {  	_ =	shalt  }
0x79: {  	_ =	shalt  }
0x7a: {  	_ =	shalt  }
0x7b: {  	_ =	shalt  }
0x7c: {  	_ =	shalt  }
0x7d: {  	_ =	shalt  }
0x7e: {  	_ =	shalt  }
0x7f: {  	_ =	shalt  }
0x80: {  	_ =	shalt  }
0x81: {  	_ =	shalt  }
0x82: {  	_ =	shalt  }
0x83: {  	_ =	shalt  }
0x84: {  	_ =	shalt  }
0x85: {  	_ =	shalt  }
0x86: {  	_ =	shalt  }
0x87: {  	_ =	shalt  }
.Lfunc_end0:
.L_simem_size_0:
called_computation_lowered:
.L_overlay_start_0:
0x88: {  	s2 =	sld [smem:$0x3FD9]  }
0x89: {  	s3 =	sld [smem:$0x3FFE];
	_ =	sdelay $0x1  }
0x8a: {  	s1 =	srdreg.scid  }
0x8b: {  	s0 =	sand.u32 $0x1, s1  }
0x8c: {  	s17 =	sshll.u32 s0, $0xA;
	s2 =	sadd.s32 s3, s2  }
0x8d: {  	s2 =	sadd.s32 s2, s17  }
0x8e: {  	[smem:$0x3FAB] =	sst s2  }
0x8f: {  	_ = 	snop  }
0x90: {  	s2 =	sld [smem:$0x3FC9];
	(tm) =	ssettm $0x1  }
0x91: {  	s18 =	sld [smem:$0x3FFB];
	_ =	sdelay $0x3  }
0x92: {  	_ =	strace s18  }
0x93: {  	s3 =	sld [smem:$0x3FFC];
	_ =	sdelay $0x3  }
0x94: {  	_ =	strace s3  }
0x95: {  	s3 =	sld [smem:$0x3FFD];
	_ =	sdelay $0x3  }
0x96: {  	_ =	strace s3  }
0x97: {  	_ =	strace $0x8FFFFFFF  }
0x98: {  	s19 =	sld [smem:$0x3FDB];
	_ =	sdelay $0x1  }
0x99: {  	s4 =	simm.s32 $_scs_section_size  }
0x9a: {  	s5 =	simm.s32 $_size__tile_overlayer_lowered;
	s6 =	simm.s32 $_tile_overlayer_lowered  }
0x9b: {  	s22 =	simm.s32 $0x1BFF;
	s21 =	sshll.u32 s6, $0x1;
	s3 =	sadd.s32 s4, s19  }
0x9c: {  	s7 =	simm.s32 $0x0;
	s20 =	sshll.u32 s5, $0x1;
	s5 =	sadd.s32 s21, s3  }
0x9d: {  	[timem:s7], [sflag:s22] =	dma.local [hbm:s5], s20  }
0x9e: {  	_ =	swait.ge [sflag:s22], s20  }
0x9f: {  	s4 =	ssub.s32 $0x0, s20;
	[sflag:s22] =	ssyncset.done $0x0  }
0xa0: {  	[sflag:s22] =	ssyncadd.s32 s4;
	_ =	sdelay $0x1  }
0xa1: {  	s23 =	simm.s32 $0x1B8B  }
0xa2: {  	_ =	swait.ge [sflag:s23], $0x1  }
0xa3: {  	[sflag:s23] =	ssyncset.done $0x0  }
0xa4: {  	s25 =	simm.s32 $0x1B8E;
	s24 =	sld [smem:$0x3FFE];
	[sflag:s23] =	ssyncadd.s32 $0xFFFFFFFF  }
0xa5: {  	s26 =	simm.s32 $execute0_lowered;
	[smem:$0x3FD2] =	sst s25  }
0xa6: {  	s5 =	sshll.u32 s26, $0x1;
	_ =	strace $0x80000046;
	[dreg:$0x1] =	wrdreg $0xFFFFFFFF  }
0xa7: {  	s28 =	simm.s32 $_size_execute0_lowered;
	s3 =	sadd.s32 s3, s5;
	[dreg:$0x0] =	wrdreg $0x0  }
0xa8: {  	s5 =	sshll.u32 s28, $0x1;
	[dreg:$0x2] =	wrdreg s3  }
0xa9: {  	[dreg:$0x3] =	wrdreg s5  }
0xaa: {  	[dreg:$0x4] =	wrdreg $0xC0  }
0xab: {  	_ =	task [dreg:s7], $0x5FFFF  }
0xac: {  	[dreg:$0x1] =	wrdreg $0xFFFFFFFF  }
0xad: {  	[dreg:$0x0] =	wrdreg $0x60  }
0xae: {  	[dreg:$0x2] =	wrdreg s2  }
0xaf: {  	[dreg:$0x3] =	wrdreg s24  }
0xb0: {  	[dreg:$0x4] =	wrdreg $0xC0000  }
0xb1: {  	[dreg:$0x5] =	wrdreg $0x9  }
0xb2: {  	_ =	task.clear_ibuf [dreg:s7], $0x6FFFF;
	_ =	strace $0x90000046  }
0xb3: {  	s29 =	simm.s32 $0x9;
	_ =	strace $0x80000048  }
0xb4: {  	_ =	swait.ge [sflag:s29], $0x1  }
0xb5: {  	[sflag:s29] =	ssyncadd.s32 $0xFFFFFFFF  }
0xb6: {  	_ =	strace $0x90000048  }
0xb7: {  	_ =	sfence  }
0xb8: {  	s30 =	sld [smem:$0x0];
	_ =	sdelay $0x2  }
0xb9: {  	s31 =	sshll.u32 s1, $0xD;
	s1 =	sshrl.u32 s1, $0x2  }
0xba: {  	s3 =	sand.u32 $0x4000, s31;
	s1 =	sadd.s32 s1, s30  }
0xbb: {  	s0 =	sor.u32 s3, s0;
	s1 =	sshll.u32 s1, $0x11  }
0xbc: {  	s0 =	sor.u32 s1, s0  }
0xbd: {  	s0 =	sadd.s32 $0x8F2B, s0  }
0xbe: {  	[sflag:s0] =	ssyncadd.remote.s32 $0x1  }
0xbf: {  	_ =	sfence.sel $0xFFFF  }
0xc0: {  	[dreg:$0x0] =	wrdreg $0xFFFFFFFF;
	(pc) =	sbr.abs _section_cstart, $3  }
0xc1: {  	[dreg:$0x1] =	wrdreg $0xFFFFFFFF  }
0xc2: {  	_ =	task.clear_ibuf [dreg:s7], $0x2FFFF;
	_ =	strace $0x9FFFFFFF  }
0xc3: {  	(tm) =	ssettm $0x7FFFFFFF  }
tec
execute0_lowered:
.L_overlay_start_1:
0x0: {  	(tag) =	ssettag $0x1  }
0x1: {  	s3 =	srdreg.scid;
	s13 =	stileid.u32  }
0x2: {  	s1 =	rddreg [dreg:$0x0];
	s3 =	sand.u32 $0x1, s3;
	s5 =	sshll.u32 s13, $0x1  }
0x3: {  	s0 =	rddreg [dreg:$0x1];
	s5 =	sor.u32 s3, s5  }
0x4: {  	s19 =	rddreg [dreg:$0x2];
	s4 =	simm.s32 $0x0;
	s5 =	smul.u32 $0x3C00, s5  }
0x5: {  	[smem:$0x7FF] =	sst s4;
	s6 =	sadd.s32 $0x5A00, s0  }
0x6: {  	s7 =	sadd.s32 $0x14A00, s0;
	s8 =	ssub.s32 $0x2, s3;
	s10 =	sshrl.u32 s5, $0x3  }
0x7: {  	_ =	strace $0x80000047;
	s9 =	sshrl.u32 s8, $0x1;
	s26 =	sadd.s32 s6, s10  }
0x8: {  	s30 =	sadd.s32 s7, s10;
	s2 =	sor.u32 $0x10, s10;
	[dreg:$0x4] =	wrdreg s26  }
0x9: {  	s8 =	ssub.s32 s8, s9;
	[dreg:$0x5] =	wrdreg s30;
	s14 =	sadd.s32 s6, s2  }
0xa: {  	s11 =	sor.u32 $0x20, s10;
	s9 =	sadd.s32 s7, s2;
	[dreg:$0x6] =	wrdreg s14  }
0xb: {  	s10 =	sor.u32 $0x30, s10;
	s15 =	sadd.s32 s7, s11;
	[dreg:$0x7] =	wrdreg s9  }
0xc: {  	s12 =	smul.u32 $0x4E000, s13;
	s18 =	sadd.s32 s6, s10;
	[dreg:$0x9] =	wrdreg s15  }
0xd: {  	s10 =	sadd.s32 s7, s10;
	[dreg:$0xb] =	wrdreg s18  }
0xe: {  	s16 =	sshrl.u32 s12, $0x2;
	s30 =	smax.u32 s8, $0x1;
	[dreg:$0xc] =	wrdreg s10  }
0xf: {  	s26 =	sadd.s32 s16, s19;
	[dreg:$0x15] =	wrdreg s30  }
0x10: {  	s14 =	sadd.s32 s6, s11;
	[dreg:$0xa] =	wrdreg s26  }
0x11: {  	s20 =	sadd.s32 $0xC00, s26;
	[dreg:$0x8] =	wrdreg s14  }
0x12: {  	s21 =	sadd.s32 $0x1800, s26;
	[dreg:$0xd] =	wrdreg s20  }
0x13: {  	s22 =	sadd.s32 $0x2400, s26;
	[dreg:$0xe] =	wrdreg s21  }
0x14: {  	s23 =	sadd.s32 $0x3000, s26;
	[dreg:$0xf] =	wrdreg s22  }
0x15: {  	s28 =	simm.s32 $0x300;
	s24 =	sadd.s32 $0x3C00, s26;
	[dreg:$0x10] =	wrdreg s23  }
0x16: {  	s31 =	simm.s32 $0x58;
	s25 =	sadd.s32 $0x4800, s26;
	[dreg:$0x11] =	wrdreg s24  }
0x17: {  	s29 =	simm.s32 $0x0;
	s2 =	sadd.s32 $0x5400, s26;
	[dreg:$0x13] =	wrdreg s25  }
0x18: {  	s0 =	sadd.s32 $0x23A00, s0;
	s8 =	sadd.s32 $0x6C00, s26;
	[dreg:$0x16] =	wrdreg s2  }
0x19: {  	s17 =	smul.u32 $0x13800, s13;
	s10 =	sadd.s32 $0x8400, s26;
	[dreg:$0x18] =	wrdreg s8  }
0x1a: {  	s3 =	smul.u32 $0x138800, s3;
	s11 =	sadd.s32 $0x9000, s26;
	[dreg:$0x1a] =	wrdreg s10  }
0x1b: {  	p0 =	sne.s32 s13, $0x0;
	s12 =	sadd.s32 $0x9C00, s26;
	[dreg:$0x1b] =	wrdreg s11  }
0x1c: {  	s9 =	sadd.s32 s17, s3;
	s13 =	sadd.s32 $0xA800, s26;
	[dreg:$0x1c] =	wrdreg s12  }
0x1d: {  	s3 =	sshrl.u32 s3, $0x3;
	s15 =	sadd.s32 $0xC000, s26;
	[dreg:$0x1d] =	wrdreg s13  }
0x1e: {  	s16 =	sadd.s32 $0xCC00, s26;
	s17 =	sadd.s32 $0xD800, s26;
	[dreg:$0x1f] =	wrdreg s15  }
0x1f: {  	s18 =	sadd.s32 $0xE400, s26;
	s30 =	sadd.s32 $0x138000, s19;
	[smem:$0x7F4] =	sst s16  }
0x20: {  	s9 =	sshrl.u32 s9, $0x3;
	s14 =	sadd.s32 $0xB400, s26;
	[smem:$0x7F5] =	sst s17  }
0x21: {  	[smem:$0x7F6] =	sst s18;
	s20 =	sadd.s32 $0xF000, s26;
	s21 =	sadd.s32 $0xFC00, s26  }
0x22: {  	s22 =	sadd.s32 $0x10800, s26;
	s23 =	sadd.s32 $0x11400, s26;
	[smem:$0x7FD] =	sst s30  }
0x23: {  	s24 =	sadd.s32 $0x12000, s26;
	s25 =	sadd.s32 $0x12C00, s26;
	[dreg:$0x1e] =	wrdreg s14  }
0x24: {  	s8 =	simm.s32 $0x100;
	s12 =	simm.s32 $0x180;
	[smem:$0x7F7] =	sst s20  }
0x25: {  	s11 =	simm.s32 $0x400;
	s17 =	simm.s32 $0x3000;
	[smem:$0x7F8] =	sst s21  }
0x26: {  	s16 =	simm.s32 $0x7;
	s2 =	simm.s32 $0x5C00;
	[smem:$0x7F9] =	sst s22  }
0x27: {  	s18 =	simm.s32 $0x8;
	s15 =	simm.s32 $0xD;
	[smem:$0x7FA] =	sst s23  }
0x28: {  	s13 =	simm.s32 $0x2;
	s9 =	sadd.s32 s0, s9;
	[smem:$0x7FB] =	sst s24  }
0x29: {  	s0 =	sadd.s32 s0, s3;
	s3 =	sadd.s32 $0x6000, s26;
	[smem:$0x7FC] =	sst s25  }
0x2a: {  	s23 =	simm.s32 $0x200;
	s24 =	simm.s32 $0x80;
	s25 =	simm.s32 $0x380  }
0x2b: {  	s20 =	simm.s32 $0x8800;
	s21 =	simm.s32 $0x1;
	[dreg:$0x12] =	wrdreg s9  }
0x2c: {  	s14 =	simm.s32 $0x9;
	s0 =	sadd.s32 $0x27000, s0;
	[dreg:$0x17] =	wrdreg s3  }
0x2d: {  	s9 =	sadd.s32 $0x7800, s26;
	s3 =	simm.s32 $0x5;
	[dreg:$0x14] =	wrdreg s0  }
0x2e: {  	v0 =	vimm.f32 $0.0e+00;
	[dreg:$0x19] =	wrdreg s9;
	s0 =	simm.s32 $0x280;
	s9 =	simm.s32 $0x6  }
.LBB2_1:
0x2f: {  	[smem:$0x7F3] =	sst s29  }
0x30: {  	s22 =	rddreg [dreg:$0x4]  }
0x31: {  	[tilespmem:s4], [sflag:$0x5] =	stream.linear.gather [hbm4b:s22+s4], $0x80, $0x38;
	[tilespmem:$0x1F900] =	vst v63  }
0x32: {  	s10 =	rddreg [dreg:$0x5]  }
0x33: {  	[tilespmem:s23], [sflag:$0x9] =	stream.linear.gather [hbm4b:s10+s4], $0x80, $0x38;
	[tilespmem:$0x1F900] =	vst v63  }
0x34: {  	s23 =	rddreg [dreg:$0x6]  }
0x35: {  	[tilespmem:s24], [sflag:$0x6] =	stream.linear.gather [hbm4b:s23+s4], $0x80, $0x38;
	[tilespmem:$0x1F900] =	vst v63  }
0x36: {  	s29 =	rddreg [dreg:$0x7]  }
0x37: {  	[tilespmem:s0], [sflag:$0xA] =	stream.linear.gather [hbm4b:s29+s4], $0x80, $0x38;
	[tilespmem:$0x1F900] =	vst v63  }
0x38: {  	s30 =	rddreg [dreg:$0x8]  }
0x39: {  	[tilespmem:s8], [sflag:$0x7] =	stream.linear.gather [hbm4b:s30+s4], $0x80, $0x38;
	[tilespmem:$0x1F900] =	vst v63  }
0x3a: {  	s0 =	rddreg [dreg:$0x9]  }
0x3b: {  	[tilespmem:s28], [sflag:$0xB] =	stream.linear.gather [hbm4b:s0+s4], $0x80, $0x38;
	[tilespmem:$0x1F900] =	vst v63  }
0x3c: {  	s10 =	rddreg [dreg:$0xb]  }
0x3d: {  	[tilespmem:s12], [sflag:$0x8] =	stream.linear.gather [hbm4b:s10+s4], $0x80, $0x38;
	[tilespmem:$0x1F900] =	vst v63  }
0x3e: {  	s23 =	rddreg [dreg:$0xc]  }
0x3f: {  	[tilespmem:s25], [sflag:$0xC] =	stream.linear.gather [hbm4b:s23+s4], $0x80, $0x38;
	[tilespmem:$0x1F900] =	vst v63  }
0x40: {  	_ =	swait.ge [sflag:s3], $0x80  }
0x41: {  	[sflag:s3] =	ssyncset.done $0x0  }
0x42: {  	[sflag:s3] =	ssyncadd.s32 $0xFFFFFF80  }
0x43: {  	[tilespmem:s11], [sflag:$0x1] =	stream.indirect.gather [hbm4b:s1+s31], $0x80, s4, s31, $0xb8;
	[tilespmem:$0x1F900] =	vst v63  }
0x44: {  	_ =	swait.ge [sflag:s9], $0x80  }
0x45: {  	[sflag:s9] =	ssyncset.done $0x0  }
0x46: {  	[sflag:s9] =	ssyncadd.s32 $0xFFFFFF80  }
0x47: {  	[tilespmem:s17], [sflag:$0x2] =	stream.indirect.gather [hbm4b:s1+s31], $0x80, s24, s31, $0xb8;
	[tilespmem:$0x1F900] =	vst v63  }
0x48: {  	_ =	swait.ge [sflag:s16], $0x80  }
0x49: {  	[sflag:s16] =	ssyncset.done $0x0  }
0x4a: {  	s22 =	simm.s32 $0x40;
	[sflag:s16] =	ssyncadd.s32 $0xFFFFFF80  }
0x4b: {  	[tilespmem:s2], [sflag:$0x3] =	stream.indirect.gather [hbm4b:s1+s31], $0x80, s8, s31, $0xb8;
	[tilespmem:$0x1F900] =	vst v63  }
0x4c: {  	s29 =	sand.u32 $0x70, s4;
	s28 =	sand.u32 $0x3E00, s4;
	_ =	swait.ge [sflag:s18], $0x80  }
0x4d: {  	s30 =	sshrl.u32 s28, $0x2;
	s23 =	simm.s32 $0x0;
	[sflag:s18] =	ssyncset.done $0x0  }
0x4e: {  	s24 =	sor.u32 s29, s30;
	[sflag:s18] =	ssyncadd.s32 $0xFFFFFF80;
	s18 =	simm.s32 $0x8800  }
0x4f: {  	[tilespmem:s20], [sflag:$0x4] =	stream.indirect.gather [hbm4b:s1+s31], $0x80, s12, s31, $0xb8;
	[tilespmem:$0x1F900] =	vst v63  }
.LBB2_2:
0x50: {  	p1 =	sne.s32 s22, $0x2FC0  }
0x51: {  	[tilespmem:s24+$0xB400] =	vst v0;
	s23 =	sadd.s32 $0x10, s23;
	s24 =	smov.u32 s22;
	s22 =	sadd.s32 $0x40, s22  }
.Ltmp0:
0x52: {  	(pc) =	sbr.rel @p1 .LBB2_2-.Ltmp0, $4  }
0x53: {  	_ = 	snop  }
0x54: {  	s24 =	sand.u32 $0x3E00, s24  }
0x55: {  	s25 =	sand.u32 $0x70, s23;
	s24 =	sshrl.u32 s24, $0x2  }
0x56: {  	s24 =	sor.u32 s25, s24  }
0x57: {  	[tilespmem:s24+$0xB400] =	vst v0;
	s0 =	simm.s32 $0xB400  }
0x58: {  	[spmem:s26] =	stream.linear.scatter [tilespmem:s0], [sflag:$0xD], $0xC00, $0x38;
	[tilespmem:$0x1F900] =	vst v63  }
0x59: {  	_ =	swait.ge [sflag:s15], $0xC00  }
0x5a: {  	[sflag:s15] =	ssyncset.done $0x0  }
0x5b: {  	s22 =	rddreg [dreg:$0xd];
	[sflag:s15] =	ssyncadd.s32 $0xFFFFF400  }
0x5c: {  	[spmem:s22] =	stream.linear.scatter [tilespmem:s0], [sflag:$0xD], $0xC00, $0x38;
	[tilespmem:$0x1F900] =	vst v63  }
0x5d: {  	_ =	swait.ge [sflag:s15], $0xC00  }
0x5e: {  	[sflag:s15] =	ssyncset.done $0x0  }
0x5f: {  	s10 =	rddreg [dreg:$0xe];
	[sflag:s15] =	ssyncadd.s32 $0xFFFFF400  }
0x60: {  	[spmem:s10] =	stream.linear.scatter [tilespmem:s0], [sflag:$0xD], $0xC00, $0x38;
	[tilespmem:$0x1F900] =	vst v63  }
0x61: {  	_ =	swait.ge [sflag:s15], $0xC00  }
0x62: {  	[sflag:s15] =	ssyncset.done $0x0  }
0x63: {  	s12 =	rddreg [dreg:$0xf];
	[sflag:s15] =	ssyncadd.s32 $0xFFFFF400  }
0x64: {  	[spmem:s12] =	stream.linear.scatter [tilespmem:s0], [sflag:$0xD], $0xC00, $0x38;
	[tilespmem:$0x1F900] =	vst v63  }
0x65: {  	_ =	swait.ge [sflag:s15], $0xC00  }
0x66: {  	[sflag:s15] =	ssyncset.done $0x0  }
0x67: {  	s16 =	rddreg [dreg:$0x10];
	[sflag:s15] =	ssyncadd.s32 $0xFFFFF400  }
0x68: {  	[spmem:s16] =	stream.linear.scatter [tilespmem:s0], [sflag:$0xD], $0xC00, $0x38;
	[tilespmem:$0x1F900] =	vst v63  }
0x69: {  	_ =	swait.ge [sflag:s15], $0xC00  }
0x6a: {  	[sflag:s15] =	ssyncset.done $0x0  }
0x6b: {  	s20 =	rddreg [dreg:$0x11];
	[sflag:s15] =	ssyncadd.s32 $0xFFFFF400  }
0x6c: {  	[spmem:s20] =	stream.linear.scatter [tilespmem:s0], [sflag:$0xD], $0xC00, $0x38;
	[tilespmem:$0x1F900] =	vst v63  }
0x6d: {  	_ =	swait.ge [sflag:s15], $0xC00  }
0x6e: {  	[sflag:s15] =	ssyncset.done $0x0  }
0x6f: {  	s23 =	rddreg [dreg:$0x13];
	[sflag:s15] =	ssyncadd.s32 $0xFFFFF400  }
0x70: {  	[spmem:s23] =	stream.linear.scatter [tilespmem:s0], [sflag:$0xD], $0xC00, $0x38;
	[tilespmem:$0x1F900] =	vst v63  }
0x71: {  	_ =	swait.ge [sflag:s15], $0xC00  }
0x72: {  	[sflag:s15] =	ssyncset.done $0x0  }
0x73: {  	s24 =	rddreg [dreg:$0x16];
	[sflag:s15] =	ssyncadd.s32 $0xFFFFF400  }
0x74: {  	[spmem:s24] =	stream.linear.scatter [tilespmem:s0], [sflag:$0xD], $0xC00, $0x38;
	[tilespmem:$0x1F900] =	vst v63  }
0x75: {  	_ =	swait.ge [sflag:s15], $0xC00  }
0x76: {  	[sflag:s15] =	ssyncset.done $0x0  }
0x77: {  	s25 =	rddreg [dreg:$0x17];
	[sflag:s15] =	ssyncadd.s32 $0xFFFFF400  }
0x78: {  	[spmem:s25] =	stream.linear.scatter [tilespmem:s0], [sflag:$0xD], $0xC00, $0x38;
	[tilespmem:$0x1F900] =	vst v63  }
0x79: {  	_ =	swait.ge [sflag:s15], $0xC00  }
0x7a: {  	[sflag:s15] =	ssyncset.done $0x0  }
0x7b: {  	s26 =	rddreg [dreg:$0x18];
	[sflag:s15] =	ssyncadd.s32 $0xFFFFF400  }
0x7c: {  	[spmem:s26] =	stream.linear.scatter [tilespmem:s0], [sflag:$0xD], $0xC00, $0x38;
	[tilespmem:$0x1F900] =	vst v63  }
0x7d: {  	_ =	swait.ge [sflag:s15], $0xC00  }
0x7e: {  	[sflag:s15] =	ssyncset.done $0x0  }
0x7f: {  	s30 =	rddreg [dreg:$0x19];
	[sflag:s15] =	ssyncadd.s32 $0xFFFFF400  }
0x80: {  	[spmem:s30] =	stream.linear.scatter [tilespmem:s0], [sflag:$0xD], $0xC00, $0x38;
	[tilespmem:$0x1F900] =	vst v63  }
0x81: {  	_ =	swait.ge [sflag:s15], $0xC00  }
0x82: {  	[sflag:s15] =	ssyncset.done $0x0  }
0x83: {  	s2 =	rddreg [dreg:$0x1a];
	[sflag:s15] =	ssyncadd.s32 $0xFFFFF400  }
0x84: {  	[spmem:s2] =	stream.linear.scatter [tilespmem:s0], [sflag:$0xD], $0xC00, $0x38;
	[tilespmem:$0x1F900] =	vst v63  }
0x85: {  	_ =	swait.ge [sflag:s15], $0xC00  }
0x86: {  	[sflag:s15] =	ssyncset.done $0x0  }
0x87: {  	s8 =	rddreg [dreg:$0x1b];
	[sflag:s15] =	ssyncadd.s32 $0xFFFFF400  }
0x88: {  	[spmem:s8] =	stream.linear.scatter [tilespmem:s0], [sflag:$0xD], $0xC00, $0x38;
	[tilespmem:$0x1F900] =	vst v63  }
0x89: {  	_ =	swait.ge [sflag:s15], $0xC00  }
0x8a: {  	[sflag:s15] =	ssyncset.done $0x0  }
0x8b: {  	s10 =	rddreg [dreg:$0x1c];
	[sflag:s15] =	ssyncadd.s32 $0xFFFFF400  }
0x8c: {  	[spmem:s10] =	stream.linear.scatter [tilespmem:s0], [sflag:$0xD], $0xC00, $0x38;
	[tilespmem:$0x1F900] =	vst v63  }
0x8d: {  	_ =	swait.ge [sflag:s15], $0xC00  }
0x8e: {  	[sflag:s15] =	ssyncset.done $0x0  }
0x8f: {  	s12 =	rddreg [dreg:$0x1d];
	[sflag:s15] =	ssyncadd.s32 $0xFFFFF400  }
0x90: {  	[spmem:s12] =	stream.linear.scatter [tilespmem:s0], [sflag:$0xD], $0xC00, $0x38;
	[tilespmem:$0x1F900] =	vst v63  }
0x91: {  	_ =	swait.ge [sflag:s15], $0xC00  }
0x92: {  	[sflag:s15] =	ssyncset.done $0x0  }
0x93: {  	s16 =	rddreg [dreg:$0x1e];
	[sflag:s15] =	ssyncadd.s32 $0xFFFFF400  }
0x94: {  	[spmem:s16] =	stream.linear.scatter [tilespmem:s0], [sflag:$0xD], $0xC00, $0x38;
	[tilespmem:$0x1F900] =	vst v63  }
0x95: {  	_ =	swait.ge [sflag:s15], $0xC00  }
0x96: {  	[sflag:s15] =	ssyncset.done $0x0  }
0x97: {  	s20 =	rddreg [dreg:$0x1f];
	[sflag:s15] =	ssyncadd.s32 $0xFFFFF400  }
0x98: {  	[spmem:s20] =	stream.linear.scatter [tilespmem:s0], [sflag:$0xD], $0xC00, $0x38;
	[tilespmem:$0x1F900] =	vst v63  }
0x99: {  	_ =	swait.ge [sflag:s15], $0xC00  }
0x9a: {  	s23 =	sld [smem:$0x7F4]  }
0x9b: {  	[sflag:s15] =	ssyncset.done $0x0  }
0x9c: {  	[sflag:s15] =	ssyncadd.s32 $0xFFFFF400  }
0x9d: {  	[spmem:s23] =	stream.linear.scatter [tilespmem:s0], [sflag:$0xD], $0xC00, $0x38;
	[tilespmem:$0x1F900] =	vst v63  }
0x9e: {  	_ =	swait.ge [sflag:s15], $0xC00  }
0x9f: {  	s24 =	sld [smem:$0x7F5]  }
0xa0: {  	[sflag:s15] =	ssyncset.done $0x0  }
0xa1: {  	[sflag:s15] =	ssyncadd.s32 $0xFFFFF400  }
0xa2: {  	[spmem:s24] =	stream.linear.scatter [tilespmem:s0], [sflag:$0xD], $0xC00, $0x38;
	[tilespmem:$0x1F900] =	vst v63  }
0xa3: {  	_ =	swait.ge [sflag:s15], $0xC00  }
0xa4: {  	s25 =	sld [smem:$0x7F6]  }
0xa5: {  	[sflag:s15] =	ssyncset.done $0x0  }
0xa6: {  	[sflag:s15] =	ssyncadd.s32 $0xFFFFF400  }
0xa7: {  	[spmem:s25] =	stream.linear.scatter [tilespmem:s0], [sflag:$0xD], $0xC00, $0x38;
	[tilespmem:$0x1F900] =	vst v63  }
0xa8: {  	_ =	swait.ge [sflag:s15], $0xC00  }
0xa9: {  	s26 =	sld [smem:$0x7F7]  }
0xaa: {  	[sflag:s15] =	ssyncset.done $0x0  }
0xab: {  	[sflag:s15] =	ssyncadd.s32 $0xFFFFF400  }
0xac: {  	[spmem:s26] =	stream.linear.scatter [tilespmem:s0], [sflag:$0xD], $0xC00, $0x38;
	[tilespmem:$0x1F900] =	vst v63  }
0xad: {  	_ =	swait.ge [sflag:s15], $0xC00  }
0xae: {  	s30 =	sld [smem:$0x7F8]  }
0xaf: {  	[sflag:s15] =	ssyncset.done $0x0  }
0xb0: {  	[sflag:s15] =	ssyncadd.s32 $0xFFFFF400  }
0xb1: {  	[spmem:s30] =	stream.linear.scatter [tilespmem:s0], [sflag:$0xD], $0xC00, $0x38;
	[tilespmem:$0x1F900] =	vst v63  }
0xb2: {  	_ =	swait.ge [sflag:s15], $0xC00  }
0xb3: {  	s2 =	sld [smem:$0x7F9]  }
0xb4: {  	[sflag:s15] =	ssyncset.done $0x0  }
0xb5: {  	[sflag:s15] =	ssyncadd.s32 $0xFFFFF400  }
0xb6: {  	[spmem:s2] =	stream.linear.scatter [tilespmem:s0], [sflag:$0xD], $0xC00, $0x38;
	[tilespmem:$0x1F900] =	vst v63  }
0xb7: {  	_ =	swait.ge [sflag:s15], $0xC00  }
0xb8: {  	s8 =	sld [smem:$0x7FA]  }
0xb9: {  	[sflag:s15] =	ssyncset.done $0x0  }
0xba: {  	[sflag:s15] =	ssyncadd.s32 $0xFFFFF400  }
0xbb: {  	[spmem:s8] =	stream.linear.scatter [tilespmem:s0], [sflag:$0xD], $0xC00, $0x38;
	[tilespmem:$0x1F900] =	vst v63  }
0xbc: {  	_ =	swait.ge [sflag:s15], $0xC00  }
0xbd: {  	s10 =	sld [smem:$0x7FB]  }
0xbe: {  	[sflag:s15] =	ssyncset.done $0x0  }
0xbf: {  	[sflag:s15] =	ssyncadd.s32 $0xFFFFF400  }
0xc0: {  	[spmem:s10] =	stream.linear.scatter [tilespmem:s0], [sflag:$0xD], $0xC00, $0x38;
	[tilespmem:$0x1F900] =	vst v63  }
0xc1: {  	_ =	swait.ge [sflag:s15], $0xC00  }
0xc2: {  	s12 =	sld [smem:$0x7FC]  }
0xc3: {  	[sflag:s15] =	ssyncset.done $0x0  }
0xc4: {  	[sflag:s15] =	ssyncadd.s32 $0xFFFFF400  }
0xc5: {  	[spmem:s12] =	stream.linear.scatter [tilespmem:s0], [sflag:$0xD], $0xC00, $0x38;
	[tilespmem:$0x1F900] =	vst v63  }
0xc6: {  	_ =	swait.ge [sflag:s15], $0xC00  }
0xc7: {  	s23 =	sld [smem:$0x7FD]  }
0xc8: {  	[sflag:s15] =	ssyncset.done $0x0  }
0xc9: {  	s22 =	simm.s32 @!p0 $0xB400;
	[sflag:s15] =	ssyncadd.s32 $0xFFFFF400  }
0xca: {  	[spmem:s23] =	stream.linear.scatter @!p0 [tilespmem:s22], [sflag:$0xD], $0x800, $0x38;
	[tilespmem:$0x1F900] =	vst v63  }
0xcb: {  	s22 =	simm.s32 @!p0 $0xD  }
0xcc: {  	_ =	swait.ge @!p0 [sflag:s22], $0x800  }
0xcd: {  	s16 =	simm.s32 $0x200;
	[sflag:s22] =	ssyncset.done @!p0 $0x0  }
0xce: {  	s20 =	sand.u32 $0x7C00, s16;
	[sflag:s22] =	ssyncadd.s32 @!p0 $0xFFFFF800  }
0xcf: {  	s23 =	sand.u32 $0x200, s16;
	s22 =	sadd.s32 s5, s20;
	[bflag:$0x0] =	sbarrier.arrive $0xFFFF  }
0xd0: {  	s22 =	sor.u32 s23, s22;
	_ =	swait.ge [sflag:s21], $0x2C00  }
0xd1: {  	s22 =	sshrl.u32 s22, $0x3;
	[sflag:s21] =	ssyncset.done $0x0  }
0xd2: {  	s24 =	sadd.s32 s6, s22;
	[sflag:s21] =	ssyncadd.s32 $0xFFFFD400  }
0xd3: {  	[tilespmem:s4], [sflag:$0x5] =	stream.linear.gather [hbm4b:s24+s4], $0x80, $0x38;
	[tilespmem:$0x1F900] =	vst v63  }
0xd4: {  	_ =	swait.ge [sflag:s14], $0x80  }
0xd5: {  	[sflag:s14] =	ssyncset.done $0x0  }
0xd6: {  	s25 =	simm.s32 $0x200;
	[sflag:s14] =	ssyncadd.s32 $0xFFFFFF80  }
0xd7: {  	[spmem:s19] =	stream.indirect.scatter.add.f32 [tilespmem:s11], [sflag:$0xD], $0x80, s25, s31, $0xb8;
	[tilespmem:$0x1F900] =	vst v63  }
0xd8: {  	_ =	swait.ge [sflag:s15], $0x2C00  }
0xd9: {  	[sflag:s15] =	ssyncset.done $0x0  }
0xda: {  	s22 =	sadd.s32 s7, s22;
	[sflag:s15] =	ssyncadd.s32 $0xFFFFD400  }
0xdb: {  	[tilespmem:s25], [sflag:$0x9] =	stream.linear.gather [hbm4b:s22+s4], $0x80, $0x38;
	[tilespmem:$0x1F900] =	vst v63  }
0xdc: {  	s26 =	simm.s32 $0x280;
	_ =	swait.ge [sflag:s3], $0x80  }
0xdd: {  	s30 =	sand.u32 $0x7C00, s26;
	[sflag:s3] =	ssyncset.done $0x0  }
0xde: {  	s23 =	sadd.s32 s5, s30;
	s22 =	sand.u32 $0x280, s26;
	[sflag:s3] =	ssyncadd.s32 $0xFFFFFF80  }
0xdf: {  	[tilespmem:s11], [sflag:$0x1] =	stream.indirect.gather [hbm4b:s1+s31], $0x80, s4, s31, $0xb8;
	[tilespmem:$0x1F900] =	vst v63  }
0xe0: {  	s22 =	sor.u32 s22, s23;
	_ =	swait.ge [sflag:s13], $0x2C00  }
0xe1: {  	s29 =	simm.s32 $0x80;
	s22 =	sshrl.u32 s22, $0x3;
	[sflag:s13] =	ssyncset.done $0x0  }
0xe2: {  	s28 =	simm.s32 $0xA;
	s0 =	sadd.s32 s6, s22;
	[sflag:s13] =	ssyncadd.s32 $0xFFFFD400  }
0xe3: {  	[tilespmem:s29], [sflag:$0x6] =	stream.linear.gather [hbm4b:s0+s4], $0x80, $0x38;
	[tilespmem:$0x1F900] =	vst v63  }
0xe4: {  	_ =	swait.ge [sflag:s28], $0x80  }
0xe5: {  	[sflag:s28] =	ssyncset.done $0x0  }
0xe6: {  	s2 =	simm.s32 $0x280;
	[sflag:s28] =	ssyncadd.s32 $0xFFFFFF80  }
0xe7: {  	[spmem:s19] =	stream.indirect.scatter.add.f32 [tilespmem:s17], [sflag:$0xD], $0x80, s2, s31, $0xb8;
	[tilespmem:$0x1F900] =	vst v63  }
0xe8: {  	_ =	swait.ge [sflag:s15], $0x2C00  }
0xe9: {  	[sflag:s15] =	ssyncset.done $0x0  }
0xea: {  	s8 =	simm.s32 $0x300;
	s22 =	sadd.s32 s7, s22;
	[sflag:s15] =	ssyncadd.s32 $0xFFFFD400  }
0xeb: {  	[tilespmem:s2], [sflag:$0xA] =	stream.linear.gather [hbm4b:s22+s4], $0x80, $0x38;
	[tilespmem:$0x1F900] =	vst v63  }
0xec: {  	s10 =	sand.u32 $0x7C00, s8;
	_ =	swait.ge [sflag:s9], $0x80  }
0xed: {  	s23 =	sadd.s32 s5, s10;
	[sflag:s9] =	ssyncset.done $0x0  }
0xee: {  	s0 =	simm.s32 $0x3;
	s22 =	sand.u32 $0x300, s8;
	[sflag:s9] =	ssyncadd.s32 $0xFFFFFF80  }
0xef: {  	[tilespmem:s17], [sflag:$0x2] =	stream.indirect.gather [hbm4b:s1+s31], $0x80, s29, s31, $0xb8;
	[tilespmem:$0x1F900] =	vst v63  }
0xf0: {  	s22 =	sor.u32 s22, s23;
	_ =	swait.ge [sflag:s0], $0x2C00  }
0xf1: {  	s22 =	sshrl.u32 s22, $0x3;
	[sflag:s0] =	ssyncset.done $0x0  }
0xf2: {  	s8 =	simm.s32 $0x100;
	s11 =	sadd.s32 s6, s22;
	[sflag:s0] =	ssyncadd.s32 $0xFFFFD400  }
0xf3: {  	[tilespmem:s8], [sflag:$0x7] =	stream.linear.gather [hbm4b:s11+s4], $0x80, $0x38;
	[tilespmem:$0x1F900] =	vst v63  }
0xf4: {  	s11 =	simm.s32 $0xB  }
0xf5: {  	_ =	swait.ge [sflag:s11], $0x80  }
0xf6: {  	[sflag:s11] =	ssyncset.done $0x0  }
0xf7: {  	s12 =	simm.s32 $0x5C00;
	s2 =	simm.s32 $0x300;
	[sflag:s11] =	ssyncadd.s32 $0xFFFFFF80  }
0xf8: {  	[spmem:s19] =	stream.indirect.scatter.add.f32 [tilespmem:s12], [sflag:$0xD], $0x80, s2, s31, $0xb8;
	[tilespmem:$0x1F900] =	vst v63  }
0xf9: {  	_ =	swait.ge [sflag:s15], $0x2C00  }
0xfa: {  	[sflag:s15] =	ssyncset.done $0x0  }
0xfb: {  	s16 =	simm.s32 $0x7;
	s22 =	sadd.s32 s7, s22;
	[sflag:s15] =	ssyncadd.s32 $0xFFFFD400  }
0xfc: {  	[tilespmem:s2], [sflag:$0xB] =	stream.linear.gather [hbm4b:s22+s4], $0x80, $0x38;
	[tilespmem:$0x1F900] =	vst v63  }
0xfd: {  	_ =	swait.ge [sflag:s16], $0x80  }
0xfe: {  	s21 =	simm.s32 $0x1;
	s17 =	simm.s32 $0x380;
	[sflag:s16] =	ssyncset.done $0x0  }
0xff: {  	s10 =	smov.u32 s1;
	s20 =	sand.u32 $0x7C00, s17;
	[sflag:s16] =	ssyncadd.s32 $0xFFFFFF80  }
0x100: {  	[tilespmem:s12], [sflag:$0x3] =	stream.indirect.gather [hbm4b:s1+s31], $0x80, s8, s31, $0xb8;
	[tilespmem:$0x1F900] =	vst v63  }
0x101: {  	s23 =	sadd.s32 s5, s20;
	s22 =	sand.u32 $0x380, s17;
	s1 =	simm.s32 $0x4  }
0x102: {  	s14 =	simm.s32 $0x9;
	s22 =	sor.u32 s22, s23;
	_ =	swait.ge [sflag:s1], $0x2C00  }
0x103: {  	s2 =	simm.s32 $0xC;
	s22 =	sshrl.u32 s22, $0x3;
	[sflag:s1] =	ssyncset.done $0x0  }
0x104: {  	s24 =	sadd.s32 s6, s22;
	s12 =	simm.s32 $0x180;
	[sflag:s1] =	ssyncadd.s32 $0xFFFFD400  }
0x105: {  	[tilespmem:s12], [sflag:$0x8] =	stream.linear.gather [hbm4b:s24+s4], $0x80, $0x38;
	[tilespmem:$0x1F900] =	vst v63  }
0x106: {  	s25 =	simm.s32 $0x380;
	s26 =	simm.s32 $0x400;
	_ =	swait.ge [sflag:s2], $0x80  }
0x107: {  	s30 =	sand.u32 $0x7C00, s26;
	s3 =	simm.s32 $0x5;
	[sflag:s2] =	ssyncset.done $0x0  }
0x108: {  	s13 =	simm.s32 $0x2;
	s9 =	simm.s32 $0x6;
	[sflag:s2] =	ssyncadd.s32 $0xFFFFFF80  }
0x109: {  	[spmem:s19] =	stream.indirect.scatter.add.f32 [tilespmem:s18], [sflag:$0xD], $0x80, s25, s31, $0xb8;
	[tilespmem:$0x1F900] =	vst v63  }
0x10a: {  	s20 =	simm.s32 $0x8800;
	s23 =	sand.u32 $0x200, s26;
	_ =	swait.ge [sflag:s15], $0x2C00  }
0x10b: {  	s22 =	sadd.s32 s7, s22;
	s24 =	sadd.s32 s5, s30;
	[sflag:s15] =	ssyncset.done $0x0  }
0x10c: {  	s24 =	sor.u32 s23, s24;
	s18 =	simm.s32 $0x8;
	[sflag:s15] =	ssyncadd.s32 $0xFFFFD400  }
0x10d: {  	[tilespmem:s25], [sflag:$0xC] =	stream.linear.gather [hbm4b:s22+s4], $0x80, $0x38;
	[tilespmem:$0x1F900] =	vst v63  }
0x10e: {  	s23 =	simm.s32 $0x780;
	s22 =	simm.s32 $0x580;
	_ =	swait.ge [sflag:s18], $0x80  }
.LBB2_4:
0x10f: {  	s26 =	sshrl.u32 s24, $0x3  }
0x110: {  	[sflag:s18] =	ssyncset.done $0x0;
	s24 =	smov.u32 s23;
	s25 =	sadd.s32 $0x200, s23  }
0x111: {  	p1 =	sne.s32 s23, $0x3980;
	[sflag:s18] =	ssyncadd.s32 $0xFFFFFF80  }
0x112: {  	[tilespmem:s20], [sflag:$0x4] =	stream.indirect.gather [hbm4b:s10+s31], $0x80, s12, s31, $0xb8;
	[tilespmem:$0x1F900] =	vst v63  }
0x113: {  	_ =	swait.ge [sflag:s21], $0x2C00  }
0x114: {  	s23 =	sadd.s32 s6, s26;
	[sflag:s21] =	ssyncset.done $0x0  }
0x115: {  	[sflag:s21] =	ssyncadd.s32 $0xFFFFD400  }
0x116: {  	[tilespmem:s4], [sflag:$0x5] =	stream.linear.gather [hbm4b:s23+s4], $0x80, $0x38;
	[tilespmem:$0x1F900] =	vst v63  }
0x117: {  	_ =	swait.ge [sflag:s14], $0x80  }
0x118: {  	[sflag:s14] =	ssyncset.done $0x0  }
0x119: {  	s30 =	simm.s32 $0x200;
	s17 =	simm.s32 $0x400;
	[sflag:s14] =	ssyncadd.s32 $0xFFFFFF80  }
0x11a: {  	[spmem:s19] =	stream.indirect.scatter.add.f32 [tilespmem:s17], [sflag:$0xD], $0x80, s30, s31, $0xb8;
	[tilespmem:$0x1F900] =	vst v63  }
0x11b: {  	_ =	swait.ge [sflag:s15], $0x2C00  }
0x11c: {  	s23 =	sadd.s32 s7, s26;
	[sflag:s15] =	ssyncset.done $0x0  }
0x11d: {  	[sflag:s15] =	ssyncadd.s32 $0xFFFFD400  }
0x11e: {  	[tilespmem:s30], [sflag:$0x9] =	stream.linear.gather [hbm4b:s23+s4], $0x80, $0x38;
	[tilespmem:$0x1F900] =	vst v63  }
0x11f: {  	s23 =	sadd.s32 $0xFFFFFF00, s22;
	_ =	swait.ge [sflag:s3], $0x80  }
0x120: {  	s26 =	sand.u32 $0x7C00, s23;
	[sflag:s3] =	ssyncset.done $0x0  }
0x121: {  	s23 =	sand.u32 $0x280, s23;
	s26 =	sadd.s32 s5, s26;
	[sflag:s3] =	ssyncadd.s32 $0xFFFFFF80  }
0x122: {  	[tilespmem:s17], [sflag:$0x1] =	stream.indirect.gather [hbm4b:s10+s31], $0x80, s4, s31, $0xb8;
	[tilespmem:$0x1F900] =	vst v63  }
0x123: {  	s23 =	sor.u32 s23, s26;
	_ =	swait.ge [sflag:s13], $0x2C00  }
0x124: {  	s23 =	sshrl.u32 s23, $0x3;
	[sflag:s13] =	ssyncset.done $0x0  }
0x125: {  	s26 =	sadd.s32 s6, s23;
	[sflag:s13] =	ssyncadd.s32 $0xFFFFD400  }
0x126: {  	[tilespmem:s29], [sflag:$0x6] =	stream.linear.gather [hbm4b:s26+s4], $0x80, $0x38;
	[tilespmem:$0x1F900] =	vst v63  }
0x127: {  	_ =	swait.ge [sflag:s28], $0x80  }
0x128: {  	[sflag:s28] =	ssyncset.done $0x0  }
0x129: {  	s17 =	simm.s32 $0x3000;
	s26 =	simm.s32 $0x280;
	[sflag:s28] =	ssyncadd.s32 $0xFFFFFF80  }
0x12a: {  	[spmem:s19] =	stream.indirect.scatter.add.f32 [tilespmem:s17], [sflag:$0xD], $0x80, s26, s31, $0xb8;
	[tilespmem:$0x1F900] =	vst v63  }
0x12b: {  	_ =	swait.ge [sflag:s15], $0x2C00  }
0x12c: {  	[sflag:s15] =	ssyncset.done $0x0  }
0x12d: {  	s23 =	sadd.s32 s7, s23;
	[sflag:s15] =	ssyncadd.s32 $0xFFFFD400  }
0x12e: {  	[tilespmem:s26], [sflag:$0xA] =	stream.linear.gather [hbm4b:s23+s4], $0x80, $0x38;
	[tilespmem:$0x1F900] =	vst v63  }
0x12f: {  	_ =	swait.ge [sflag:s9], $0x80  }
0x130: {  	s23 =	sadd.s32 $0xFFFFFF80, s22;
	[sflag:s9] =	ssyncset.done $0x0  }
0x131: {  	s26 =	sand.u32 $0x7C00, s23;
	s23 =	sand.u32 $0x300, s23;
	[sflag:s9] =	ssyncadd.s32 $0xFFFFFF80  }
0x132: {  	[tilespmem:s17], [sflag:$0x2] =	stream.indirect.gather [hbm4b:s10+s31], $0x80, s29, s31, $0xb8;
	[tilespmem:$0x1F900] =	vst v63  }
0x133: {  	s26 =	sadd.s32 s5, s26;
	_ =	swait.ge [sflag:s0], $0x2C00  }
0x134: {  	s23 =	sor.u32 s23, s26;
	[sflag:s0] =	ssyncset.done $0x0  }
0x135: {  	s23 =	sshrl.u32 s23, $0x3;
	[sflag:s0] =	ssyncadd.s32 $0xFFFFD400  }
0x136: {  	s26 =	sadd.s32 s6, s23  }
0x137: {  	[tilespmem:s8], [sflag:$0x7] =	stream.linear.gather [hbm4b:s26+s4], $0x80, $0x38;
	[tilespmem:$0x1F900] =	vst v63  }
0x138: {  	_ =	swait.ge [sflag:s11], $0x80  }
0x139: {  	[sflag:s11] =	ssyncset.done $0x0  }
0x13a: {  	s17 =	simm.s32 $0x300;
	s26 =	simm.s32 $0x5C00;
	[sflag:s11] =	ssyncadd.s32 $0xFFFFFF80  }
0x13b: {  	[spmem:s19] =	stream.indirect.scatter.add.f32 [tilespmem:s26], [sflag:$0xD], $0x80, s17, s31, $0xb8;
	[tilespmem:$0x1F900] =	vst v63  }
0x13c: {  	_ =	swait.ge [sflag:s15], $0x2C00  }
0x13d: {  	s23 =	sadd.s32 s7, s23;
	[sflag:s15] =	ssyncset.done $0x0  }
0x13e: {  	[sflag:s15] =	ssyncadd.s32 $0xFFFFD400  }
0x13f: {  	[tilespmem:s17], [sflag:$0xB] =	stream.linear.gather [hbm4b:s23+s4], $0x80, $0x38;
	[tilespmem:$0x1F900] =	vst v63  }
0x140: {  	_ =	swait.ge [sflag:s16], $0x80  }
0x141: {  	s23 =	sand.u32 $0x7C00, s22;
	[sflag:s16] =	ssyncset.done $0x0  }
0x142: {  	s22 =	sand.u32 $0x380, s22;
	s23 =	sadd.s32 s5, s23;
	[sflag:s16] =	ssyncadd.s32 $0xFFFFFF80  }
0x143: {  	[tilespmem:s26], [sflag:$0x3] =	stream.indirect.gather [hbm4b:s10+s31], $0x80, s8, s31, $0xb8;
	[tilespmem:$0x1F900] =	vst v63  }
0x144: {  	s23 =	sor.u32 s22, s23;
	s22 =	smov.u32 s24;
	_ =	swait.ge [sflag:s1], $0x2C00  }
0x145: {  	s23 =	sshrl.u32 s23, $0x3;
	[sflag:s1] =	ssyncset.done $0x0  }
0x146: {  	s24 =	sadd.s32 s6, s23;
	[sflag:s1] =	ssyncadd.s32 $0xFFFFD400  }
0x147: {  	[tilespmem:s12], [sflag:$0x8] =	stream.linear.gather [hbm4b:s24+s4], $0x80, $0x38;
	[tilespmem:$0x1F900] =	vst v63  }
0x148: {  	_ =	swait.ge [sflag:s2], $0x80  }
0x149: {  	[sflag:s2] =	ssyncset.done $0x0  }
0x14a: {  	s17 =	simm.s32 $0x380;
	[sflag:s2] =	ssyncadd.s32 $0xFFFFFF80  }
0x14b: {  	[spmem:s19] =	stream.indirect.scatter.add.f32 [tilespmem:s20], [sflag:$0xD], $0x80, s17, s31, $0xb8;
	[tilespmem:$0x1F900] =	vst v63  }
.Ltmp1:
0x14c: {  	s24 =	sadd.s32 $0xFFFFFE80, s22;
	_ =	swait.ge [sflag:s15], $0x2C00;
	(pc) =	sbr.rel @p1 .LBB2_4-.Ltmp1, $4  }
0x14d: {  	s23 =	sadd.s32 s7, s23;
	s26 =	sand.u32 $0x7C00, s24;
	[sflag:s15] =	ssyncset.done $0x0  }
0x14e: {  	s24 =	sand.u32 $0x200, s24;
	s26 =	sadd.s32 s5, s26;
	[sflag:s15] =	ssyncadd.s32 $0xFFFFD400  }
0x14f: {  	[tilespmem:s17], [sflag:$0xC] =	stream.linear.gather [hbm4b:s23+s4], $0x80, $0x38;
	[tilespmem:$0x1F900] =	vst v63  }
0x150: {  	s24 =	sor.u32 s24, s26;
	s23 =	smov.u32 s25;
	_ =	swait.ge [sflag:s18], $0x80  }
0x151: {  	[sflag:s18] =	ssyncset.done $0x0  }
0x152: {  	[sflag:s18] =	ssyncadd.s32 $0xFFFFFF80  }
0x153: {  	[tilespmem:s20], [sflag:$0x4] =	stream.indirect.gather [hbm4b:s10+s31], $0x80, s12, s31, $0xb8;
	[tilespmem:$0x1F900] =	vst v63  }
0x154: {  	_ =	swait.ge [sflag:s21], $0x2C00  }
0x155: {  	s23 =	sshrl.u32 s24, $0x3;
	[sflag:s21] =	ssyncset.done $0x0  }
0x156: {  	s24 =	sadd.s32 s6, s23;
	[sflag:s21] =	ssyncadd.s32 $0xFFFFD400  }
0x157: {  	[tilespmem:s4], [sflag:$0x5] =	stream.linear.gather [hbm4b:s24+s4], $0x80, $0x38;
	[tilespmem:$0x1F900] =	vst v63  }
0x158: {  	_ =	swait.ge [sflag:s14], $0x80  }
0x159: {  	[sflag:s14] =	ssyncset.done $0x0  }
0x15a: {  	s25 =	simm.s32 $0x200;
	s26 =	simm.s32 $0x400;
	[sflag:s14] =	ssyncadd.s32 $0xFFFFFF80  }
0x15b: {  	[spmem:s19] =	stream.indirect.scatter.add.f32 [tilespmem:s26], [sflag:$0xD], $0x80, s25, s31, $0xb8;
	[tilespmem:$0x1F900] =	vst v63  }
0x15c: {  	_ =	swait.ge [sflag:s15], $0x2C00  }
0x15d: {  	[sflag:s15] =	ssyncset.done $0x0  }
0x15e: {  	s23 =	sadd.s32 s7, s23;
	[sflag:s15] =	ssyncadd.s32 $0xFFFFD400  }
0x15f: {  	[tilespmem:s25], [sflag:$0x9] =	stream.linear.gather [hbm4b:s23+s4], $0x80, $0x38;
	[tilespmem:$0x1F900] =	vst v63  }
0x160: {  	s17 =	sadd.s32 $0xFFFFFF00, s22;
	_ =	swait.ge [sflag:s3], $0x80  }
0x161: {  	s30 =	sand.u32 $0x7C00, s17;
	[sflag:s3] =	ssyncset.done $0x0  }
0x162: {  	s24 =	sadd.s32 s5, s30;
	s23 =	sand.u32 $0x280, s17;
	[sflag:s3] =	ssyncadd.s32 $0xFFFFFF80  }
0x163: {  	[tilespmem:s26], [sflag:$0x1] =	stream.indirect.gather [hbm4b:s10+s31], $0x80, s4, s31, $0xb8;
	[tilespmem:$0x1F900] =	vst v63  }
0x164: {  	s23 =	sor.u32 s23, s24;
	_ =	swait.ge [sflag:s13], $0x2C00  }
0x165: {  	s23 =	sshrl.u32 s23, $0x3;
	[sflag:s13] =	ssyncset.done $0x0  }
0x166: {  	s17 =	sadd.s32 s6, s23;
	[sflag:s13] =	ssyncadd.s32 $0xFFFFD400  }
0x167: {  	[tilespmem:s29], [sflag:$0x6] =	stream.linear.gather [hbm4b:s17+s4], $0x80, $0x38;
	[tilespmem:$0x1F900] =	vst v63  }
0x168: {  	_ =	swait.ge [sflag:s28], $0x80  }
0x169: {  	[sflag:s28] =	ssyncset.done $0x0  }
0x16a: {  	s30 =	simm.s32 $0x3000;
	s3 =	simm.s32 $0x280;
	[sflag:s28] =	ssyncadd.s32 $0xFFFFFF80  }
0x16b: {  	[spmem:s19] =	stream.indirect.scatter.add.f32 [tilespmem:s30], [sflag:$0xD], $0x80, s3, s31, $0xb8;
	[tilespmem:$0x1F900] =	vst v63  }
0x16c: {  	_ =	swait.ge [sflag:s15], $0x2C00  }
0x16d: {  	[sflag:s15] =	ssyncset.done $0x0  }
0x16e: {  	s23 =	sadd.s32 s7, s23;
	[sflag:s15] =	ssyncadd.s32 $0xFFFFD400  }
0x16f: {  	[tilespmem:s3], [sflag:$0xA] =	stream.linear.gather [hbm4b:s23+s4], $0x80, $0x38;
	[tilespmem:$0x1F900] =	vst v63  }
0x170: {  	_ =	swait.ge [sflag:s9], $0x80  }
0x171: {  	s24 =	sadd.s32 $0xFFFFFF80, s22;
	[sflag:s9] =	ssyncset.done $0x0  }
0x172: {  	[sflag:s9] =	ssyncadd.s32 $0xFFFFFF80;
	s9 =	sand.u32 $0x7C00, s24  }
0x173: {  	[tilespmem:s30], [sflag:$0x2] =	stream.indirect.gather [hbm4b:s10+s31], $0x80, s29, s31, $0xb8;
	[tilespmem:$0x1F900] =	vst v63  }
0x174: {  	s23 =	sand.u32 $0x300, s24;
	s24 =	sadd.s32 s5, s9  }
0x175: {  	_ =	swait.ge [sflag:s0], $0x2C00;
	s23 =	sor.u32 s23, s24  }
0x176: {  	[sflag:s0] =	ssyncset.done $0x0;
	s23 =	sshrl.u32 s23, $0x3  }
0x177: {  	[sflag:s0] =	ssyncadd.s32 $0xFFFFD400;
	s17 =	sadd.s32 s6, s23  }
0x178: {  	[tilespmem:s8], [sflag:$0x7] =	stream.linear.gather [hbm4b:s17+s4], $0x80, $0x38;
	[tilespmem:$0x1F900] =	vst v63  }
0x179: {  	_ =	swait.ge [sflag:s11], $0x80  }
0x17a: {  	[sflag:s11] =	ssyncset.done $0x0  }
0x17b: {  	s9 =	simm.s32 $0x300;
	s17 =	simm.s32 $0x5C00;
	[sflag:s11] =	ssyncadd.s32 $0xFFFFFF80  }
0x17c: {  	[spmem:s19] =	stream.indirect.scatter.add.f32 [tilespmem:s17], [sflag:$0xD], $0x80, s9, s31, $0xb8;
	[tilespmem:$0x1F900] =	vst v63  }
0x17d: {  	_ =	swait.ge [sflag:s15], $0x2C00  }
0x17e: {  	[sflag:s15] =	ssyncset.done $0x0  }
0x17f: {  	s23 =	sadd.s32 s7, s23;
	[sflag:s15] =	ssyncadd.s32 $0xFFFFD400  }
0x180: {  	[tilespmem:s9], [sflag:$0xB] =	stream.linear.gather [hbm4b:s23+s4], $0x80, $0x38;
	[tilespmem:$0x1F900] =	vst v63  }
0x181: {  	_ =	swait.ge [sflag:s16], $0x80  }
0x182: {  	s24 =	sand.u32 $0x7C00, s22;
	[sflag:s16] =	ssyncset.done $0x0  }
0x183: {  	s23 =	sadd.s32 s5, s24;
	s24 =	sand.u32 $0x380, s22;
	[sflag:s16] =	ssyncadd.s32 $0xFFFFFF80  }
0x184: {  	[tilespmem:s17], [sflag:$0x3] =	stream.indirect.gather [hbm4b:s10+s31], $0x80, s8, s31, $0xb8;
	[tilespmem:$0x1F900] =	vst v63  }
0x185: {  	s22 =	sor.u32 s24, s23;
	_ =	swait.ge [sflag:s1], $0x2C00  }
0x186: {  	s22 =	sshrl.u32 s22, $0x3;
	[sflag:s1] =	ssyncset.done $0x0  }
0x187: {  	s8 =	sadd.s32 s6, s22;
	[sflag:s1] =	ssyncadd.s32 $0xFFFFD400  }
0x188: {  	[tilespmem:s12], [sflag:$0x8] =	stream.linear.gather [hbm4b:s8+s4], $0x80, $0x38;
	[tilespmem:$0x1F900] =	vst v63  }
0x189: {  	_ =	swait.ge [sflag:s2], $0x80  }
0x18a: {  	[sflag:s2] =	ssyncset.done $0x0  }
0x18b: {  	s16 =	simm.s32 $0x380;
	[sflag:s2] =	ssyncadd.s32 $0xFFFFFF80  }
0x18c: {  	[spmem:s19] =	stream.indirect.scatter.add.f32 [tilespmem:s20], [sflag:$0xD], $0x80, s16, s31, $0xb8;
	[tilespmem:$0x1F900] =	vst v63  }
0x18d: {  	_ =	swait.ge [sflag:s15], $0x2C00  }
0x18e: {  	[sflag:s15] =	ssyncset.done $0x0  }
0x18f: {  	s22 =	sadd.s32 s7, s22;
	[sflag:s15] =	ssyncadd.s32 $0xFFFFD400  }
0x190: {  	[tilespmem:s16], [sflag:$0xC] =	stream.linear.gather [hbm4b:s22+s4], $0x80, $0x38;
	[tilespmem:$0x1F900] =	vst v63  }
0x191: {  	_ =	swait.ge [sflag:s18], $0x80  }
0x192: {  	[sflag:s18] =	ssyncset.done $0x0  }
0x193: {  	[sflag:s18] =	ssyncadd.s32 $0xFFFFFF80  }
0x194: {  	[tilespmem:s20], [sflag:$0x4] =	stream.indirect.gather [hbm4b:s10+s31], $0x80, s12, s31, $0xb8;
	[tilespmem:$0x1F900] =	vst v63  }
0x195: {  	_ =	swait.ge [sflag:s21], $0x2C00  }
0x196: {  	[sflag:s21] =	ssyncset.done $0x0  }
0x197: {  	[sflag:s21] =	ssyncadd.s32 $0xFFFFD400  }
0x198: {  	_ =	swait.ge [sflag:s14], $0x80  }
0x199: {  	[sflag:s14] =	ssyncset.done $0x0  }
0x19a: {  	[sflag:s14] =	ssyncadd.s32 $0xFFFFFF80  }
0x19b: {  	[spmem:s19] =	stream.indirect.scatter.add.f32 [tilespmem:s26], [sflag:$0xD], $0x80, s25, s31, $0xb8;
	[tilespmem:$0x1F900] =	vst v63  }
0x19c: {  	_ =	swait.ge [sflag:s15], $0x2C00  }
0x19d: {  	[sflag:s15] =	ssyncset.done $0x0  }
0x19e: {  	[sflag:s15] =	ssyncadd.s32 $0xFFFFD400  }
0x19f: {  	_ =	swait.ge [sflag:s13], $0x2C00  }
0x1a0: {  	[sflag:s13] =	ssyncset.done $0x0  }
0x1a1: {  	[sflag:s13] =	ssyncadd.s32 $0xFFFFD400  }
0x1a2: {  	_ =	swait.ge [sflag:s28], $0x80  }
0x1a3: {  	[sflag:s28] =	ssyncset.done $0x0  }
0x1a4: {  	[sflag:s28] =	ssyncadd.s32 $0xFFFFFF80  }
0x1a5: {  	[spmem:s19] =	stream.indirect.scatter.add.f32 [tilespmem:s30], [sflag:$0xD], $0x80, s3, s31, $0xb8;
	[tilespmem:$0x1F900] =	vst v63  }
0x1a6: {  	_ =	swait.ge [sflag:s15], $0x2C00  }
0x1a7: {  	[sflag:s15] =	ssyncset.done $0x0  }
0x1a8: {  	[sflag:s15] =	ssyncadd.s32 $0xFFFFD400  }
0x1a9: {  	_ =	swait.ge [sflag:s0], $0x2C00  }
0x1aa: {  	[sflag:s0] =	ssyncset.done $0x0  }
0x1ab: {  	[sflag:s0] =	ssyncadd.s32 $0xFFFFD400  }
0x1ac: {  	_ =	swait.ge [sflag:s11], $0x80  }
0x1ad: {  	[sflag:s11] =	ssyncset.done $0x0  }
0x1ae: {  	[sflag:s11] =	ssyncadd.s32 $0xFFFFFF80  }
0x1af: {  	[spmem:s19] =	stream.indirect.scatter.add.f32 [tilespmem:s17], [sflag:$0xD], $0x80, s9, s31, $0xb8;
	[tilespmem:$0x1F900] =	vst v63  }
0x1b0: {  	_ =	swait.ge [sflag:s15], $0x2C00  }
0x1b1: {  	[sflag:s15] =	ssyncset.done $0x0  }
0x1b2: {  	[sflag:s15] =	ssyncadd.s32 $0xFFFFD400  }
0x1b3: {  	_ =	swait.ge [sflag:s1], $0x2C00  }
0x1b4: {  	[sflag:s1] =	ssyncset.done $0x0  }
0x1b5: {  	[sflag:s1] =	ssyncadd.s32 $0xFFFFD400  }
0x1b6: {  	_ =	swait.ge [sflag:s2], $0x80  }
0x1b7: {  	[sflag:s2] =	ssyncset.done $0x0  }
0x1b8: {  	[sflag:s2] =	ssyncadd.s32 $0xFFFFFF80  }
0x1b9: {  	[spmem:s19] =	stream.indirect.scatter.add.f32 [tilespmem:s20], [sflag:$0xD], $0x80, s16, s31, $0xb8;
	[tilespmem:$0x1F900] =	vst v63  }
0x1ba: {  	_ =	swait.ge [sflag:s15], $0x2C00  }
0x1bb: {  	[sflag:s15] =	ssyncset.done $0x0  }
0x1bc: {  	[sflag:s15] =	ssyncadd.s32 $0xFFFFD400  }
0x1bd: {  	s23 =	stileid.u32;
	[bflag:$0x0] =	sbarrier.arrive $0xFFFF  }
0x1be: {  	s22 =	sshll.u32 s23, $0x6;
	s26 =	rddreg [dreg:$0xa]  }
0x1bf: {  	s22 =	sor.u32 $0x1C0D, s22;
	s25 =	rddreg [dreg:$0x12];
	s24 =	sshrl.u32 s26, $0x3  }
0x1c0: {  	[hbm:s25], [sflag:s22] =	dma.local [spmem:s24], $0x2700  }
0x1c1: {  	_ =	swait.ge [sflag:s15], $0x2700  }
0x1c2: {  	s23 =	sld [smem:$0x7FD];
	_ =	sdelay $0x1  }
0x1c3: {  	[sflag:s15] =	ssyncset.done $0x0  }
0x1c4: {  	s24 =	rddreg [dreg:$0x14];
	[sflag:s15] =	ssyncadd.s32 $0xFFFFD900;
	s23 =	sshrl.u32 @!p0 s23, $0x3  }
0x1c5: {  	[hbm:s24], [sflag:s22] =	dma.local @!p0 [spmem:s23], $0x100  }
0x1c6: {  	s22 =	simm.s32 @!p0 $0xD  }
0x1c7: {  	_ =	swait.ge @!p0 [sflag:s22], $0x100  }
0x1c8: {  	s29 =	sld [smem:$0x7F3];
	_ =	sdelay $0x1  }
0x1c9: {  	s8 =	simm.s32 $0x100;
	s18 =	simm.s32 $0x8;
	s12 =	simm.s32 $0x180  }
0x1ca: {  	s21 =	simm.s32 $0x1;
	s30 =	rddreg [dreg:$0x15];
	s29 =	sadd.s32 $0x1, s29  }
0x1cb: {  	s14 =	simm.s32 $0x9;
	s13 =	simm.s32 $0x2;
	p1 =	sne.s32 s29, s30  }
.Ltmp2:
0x1cc: {  	s28 =	simm.s32 $0x300;
	s3 =	simm.s32 $0x5;
	(pc) =	sbr.rel @p1 .LBB2_1-.Ltmp2, $4  }
0x1cd: {  	s0 =	simm.s32 $0x280;
	s11 =	simm.s32 $0x400;
	s9 =	simm.s32 $0x6  }
0x1ce: {  	s17 =	simm.s32 $0x3000;
	s1 =	smov.u32 s10;
	s2 =	simm.s32 $0x5C00  }
0x1cf: {  	s16 =	simm.s32 $0x7;
	s25 =	simm.s32 $0x380;
	[sflag:s22] =	ssyncset.done @!p0 $0x0  }
0x1d0: {  	s23 =	simm.s32 $0x200;
	s24 =	simm.s32 $0x80;
	[sflag:s22] =	ssyncadd.s32 @!p0 $0xFFFFFF00  }
0x1d1: {  	_ =	sfence.sel $0x180000  }
0x1d2: {  	[bflag:$0x0] =	sbarrier.arrive $0xFFFF  }
0x1d3: {  	_ =	strace $0x90000047  }
0x1d4: {  	[bflag:$0x2] =	sbarrier.arrive $0xFFFF  }
0x1d5: {  	s0 =	rddreg [dreg:$0x3]  }
0x1d6: {  	s0 =	sadd.s32 @!p0 $0x100000, s0  }
0x1d7: {  	[sflag:s0] =	ssyncadd.tile.s32 @!p0 $0x1;
	_ =	shalt  }
.Lfunc_end2:
_tile_overlayer_lowered:
.L_overlay_start_2:
0x1d8: {  	(tag) =	ssettag $0x2  }
0x1d9: {  	s0 =	rddreg [dreg:$0x0];
	s2 =	stileid.u32  }
0x1da: {  	s1 =	rddreg [dreg:$0x1];
	p0 =	sne.s32 s2, $0x0  }
0x1db: {  	s3 =	rddreg [dreg:$0x2];
	[bflag:$0x3] =	sbarrier.arrive $0xFFFF;
	s2 =	simm.s32 @!p0 $0x1C0D  }
0x1dc: {  	[timem:s3], [sflag:s2] =	dma.local @!p0 [hbm:s0], s1  }
0x1dd: {  	s0 =	simm.s32 @!p0 $0xD  }
0x1de: {  	_ =	swait.ge @!p0 [sflag:s0], s1  }
0x1df: {  	s1 =	ssub.s32 @!p0 $0x0, s1;
	[sflag:s0] =	ssyncset.done @!p0 $0x0  }
0x1e0: {  	[sflag:s0] =	ssyncadd.s32 @!p0 s1  }
0x1e1: {  	[bflag:$0x3] =	sbarrier.arrive $0xFFFF  }
0x1e2: {  	_ =	shalt  }

// kernel: kernel.9.cloned.1.call-start
scs
__scs_entry_jumppad:
0x0: {  	(pc) =	sbr.rel $0x88, $3  }
0x1: {  	(tag) =	ssettag $0x0;
	lr =	simm.s32 $0x1  }
0x2: {  	[smem:$0x3F84] =	sst lr;
	_ =	strace $0xD0000000  }
0x3: {  	_ = 	snop  }
0x4: {  	_ = 	snop  }
0x5: {  	_ = 	snop  }
0x6: {  	_ = 	snop  }
0x7: {  	_ = 	snop  }
__scs_overlays_trampoline_lowered:
0x8: {  	[smem:$0x3F93] =	sst s0  }
0x9: {  	[smem:$0x3F94] =	sst s1  }
0xa: {  	[smem:$0x3F95] =	sst s2  }
0xb: {  	[smem:$0x3F96] =	sst s3  }
0xc: {  	[smem:$0x3F97] =	sst s4  }
0xd: {  	[smem:$0x3F98] =	sst s5  }
0xe: {  	[smem:$0x3F99] =	sst s6  }
0xf: {  	[smem:$0x3F9A] =	sst s7  }
0x10: {  	[smem:$0x3F9B] =	sst s8  }
0x11: {  	[smem:$0x3F9C] =	sst s9;
	s0 =	simm.s32 @!p0 $0x0  }
0x12: {  	s1 =	sld [smem:$0x3F82];
	s0 =	simm.s32 @p0 $0x1  }
0x13: {  	[smem:$0x3F9D] =	sst s0;
	s0 =	simm.s32 @!p1 $0x0  }
0x14: {  	s2 =	sld [smem:$0x3F81];
	s0 =	simm.s32 @p1 $0x1  }
0x15: {  	[smem:$0x3F9E] =	sst s0;
	s0 =	simm.s32 @!p2 $0x0  }
0x16: {  	s3 =	sld [smem:$0x3FDB];
	s0 =	simm.s32 @p2 $0x1  }
0x17: {  	s4 =	simm.s32 $0x1BF5;
	[smem:$0x3FA0] =	sst s0  }
0x18: {  	s0 =	sld [smem:$0x3F83];
	_ =	swait.ge [sflag:s4], $0x0  }
0x19: {  	s7 =	sld [smem:$0x3F84]  }
0x1a: {  	s8 =	sadd.s32 $0xFFFFE003, lr  }
0x1b: {  	s9 =	sadd.s32 $0xFFFFFEF7, lr;
	s5 =	simm.s32 $0xFFFFFFFF;
	p2 =	slt.u32 s8, $0xFFFFF086  }
0x1c: {  	p1 =	slt.u32 s9, $0xF7A;
	s5 =	simm.s32 @!p2 $0x0  }
0x1d: {  	s5 =	simm.s32 @p1 $0x1;
	p0 =	seq.s32 s7, s2  }
0x1e: {  	s7 =	smul.u32 @!p0 $0xF7A, s2;
	p2 =	seq.s32 @!p0 s5, $0x0  }
0x1f: {  	s9 =	smul.u32 $0xF7A, s1;
	s8 =	simm.s32 @!p0 $0x1BF5;
	p2 =	por !p2, p0  }
0x20: {  	[sflag:s8] =	ssyncset.s32 @!p0 $0xFFFFF086;
	s6 =	sadd.s32 @!p0 s3, s7;
	s7 =	simm.s32 @!p0 $0x108  }
0x21: {  	s3 =	sadd.s32 s3, s9;
	s6 =	sadd.s32 @!p0 $0x88, s6;
	s7 =	simm.s32 @p2 $0x1082  }
0x22: {  	[simem:s7], [sflag:s8] =	dma.local @!p0 [hbm:s6], $0xF7A  }
0x23: {  	s9 =	sor.u32 $0xD0000000, s2;
	s6 =	simm.s32 $0x108;
	_ =	swait.ge @!p0 [sflag:s8], $0x0  }
0x24: {  	s3 =	sadd.s32 $0x88, s3;
	s6 =	simm.s32 @!p1 $0x1082;
	[sflag:s4] =	ssyncset.s32 $0xFFFFF086  }
0x25: {  	[simem:s6], [sflag:s4] =	dma.local [hbm:s3], $0xF7A  }
0x26: {  	[smem:$0x3F84] =	sst s1;
	(tag) =	ssettag s2;
	_ =	strace s9  }
0x27: {  	s1 =	sld [smem:$0x3F94]  }
0x28: {  	s2 =	sld [smem:$0x3F95]  }
0x29: {  	s4 =	sld [smem:$0x3F97]  }
0x2a: {  	p0 =	seq.s32 s5, $0x0;
	s5 =	sld [smem:$0x3F98]  }
0x2b: {  	s6 =	sld [smem:$0x3F99]  }
0x2c: {  	s7 =	sld [smem:$0x3F9A]  }
0x2d: {  	s3 =	simm.s32 $0x108;
	s8 =	sld [smem:$0x3F9B]  }
0x2e: {  	s3 =	simm.s32 @!p0 $0x1082;
	s9 =	sld [smem:$0x3F9C]  }
0x2f: {  	lr =	sadd.s32 s0, s3;
	s0 =	sld [smem:$0x3F93]  }
0x30: {  	s3 =	sld [smem:$0x3F96]  }
0x31: {  	[smem:$0x3F9F] =	sst s10  }
0x32: {  	s10 =	sld [smem:$0x3F9D];
	_ =	sdelay $0x3  }
0x33: {  	p0 =	seq.s32 s10, $0x1;
	s10 =	sld [smem:$0x3F9F];
	_ =	sdelay $0x3  }
0x34: {  	[smem:$0x3F9F] =	sst s10  }
0x35: {  	s10 =	sld [smem:$0x3F9E];
	_ =	sdelay $0x3  }
0x36: {  	p1 =	seq.s32 s10, $0x1;
	s10 =	sld [smem:$0x3F9F];
	_ =	sdelay $0x3  }
0x37: {  	[smem:$0x3F9F] =	sst s10  }
0x38: {  	s10 =	sld [smem:$0x3FA0]  }
0x39: {  	_ = 	snop;
	(pc) =	sbr.ind lr, $3  }
0x3a: {  	_ = 	snop  }
0x3b: {  	_ = 	snop  }
0x3c: {  	p2 =	seq.s32 s10, $0x1;
	s10 =	sld [smem:$0x3F9F]  }
0x3d: {  	_ =	shalt  }
0x3e: {  	_ =	shalt  }
0x3f: {  	_ =	shalt  }
0x40: {  	_ =	shalt  }
0x41: {  	_ =	shalt  }
0x42: {  	_ =	shalt  }
0x43: {  	_ =	shalt  }
0x44: {  	_ =	shalt  }
0x45: {  	_ =	shalt  }
0x46: {  	_ =	shalt  }
0x47: {  	_ =	shalt  }
0x48: {  	_ =	shalt  }
0x49: {  	_ =	shalt  }
0x4a: {  	_ =	shalt  }
0x4b: {  	_ =	shalt  }
0x4c: {  	_ =	shalt  }
0x4d: {  	_ =	shalt  }
0x4e: {  	_ =	shalt  }
0x4f: {  	_ =	shalt  }
0x50: {  	_ =	shalt  }
0x51: {  	_ =	shalt  }
0x52: {  	_ =	shalt  }
0x53: {  	_ =	shalt  }
0x54: {  	_ =	shalt  }
0x55: {  	_ =	shalt  }
0x56: {  	_ =	shalt  }
0x57: {  	_ =	shalt  }
0x58: {  	_ =	shalt  }
0x59: {  	_ =	shalt  }
0x5a: {  	_ =	shalt  }
0x5b: {  	_ =	shalt  }
0x5c: {  	_ =	shalt  }
0x5d: {  	_ =	shalt  }
0x5e: {  	_ =	shalt  }
0x5f: {  	_ =	shalt  }
0x60: {  	_ =	shalt  }
0x61: {  	_ =	shalt  }
0x62: {  	_ =	shalt  }
0x63: {  	_ =	shalt  }
0x64: {  	_ =	shalt  }
0x65: {  	_ =	shalt  }
0x66: {  	_ =	shalt  }
0x67: {  	_ =	shalt  }
0x68: {  	_ =	shalt  }
0x69: {  	_ =	shalt  }
0x6a: {  	_ =	shalt  }
0x6b: {  	_ =	shalt  }
0x6c: {  	_ =	shalt  }
0x6d: {  	_ =	shalt  }
0x6e: {  	_ =	shalt  }
0x6f: {  	_ =	shalt  }
0x70: {  	_ =	shalt  }
0x71: {  	_ =	shalt  }
0x72: {  	_ =	shalt  }
0x73: {  	_ =	shalt  }
0x74: {  	_ =	shalt  }
0x75: {  	_ =	shalt  }
0x76: {  	_ =	shalt  }
0x77: {  	_ =	shalt  }
0x78: {  	_ =	shalt  }
0x79: {  	_ =	shalt  }
0x7a: {  	_ =	shalt  }
0x7b: {  	_ =	shalt  }
0x7c: {  	_ =	shalt  }
0x7d: {  	_ =	shalt  }
0x7e: {  	_ =	shalt  }
0x7f: {  	_ =	shalt  }
0x80: {  	_ =	shalt  }
0x81: {  	_ =	shalt  }
0x82: {  	_ =	shalt  }
0x83: {  	_ =	shalt  }
0x84: {  	_ =	shalt  }
0x85: {  	_ =	shalt  }
0x86: {  	_ =	shalt  }
0x87: {  	_ =	shalt  }
.Lfunc_end0:
.L_simem_size_0:
called_computation.1_lowered:
.L_overlay_start_0:
0x88: {  	s2 =	sld [smem:$0x3FD9]  }
0x89: {  	s3 =	sld [smem:$0x3FFE];
	_ =	sdelay $0x1  }
0x8a: {  	s1 =	srdreg.scid  }
0x8b: {  	s0 =	sand.u32 $0x1, s1  }
0x8c: {  	s16 =	sshll.u32 s0, $0xA;
	s2 =	sadd.s32 s3, s2  }
0x8d: {  	s2 =	sadd.s32 s2, s16  }
0x8e: {  	[smem:$0x3FAB] =	sst s2  }
0x8f: {  	_ = 	snop  }
0x90: {  	(tm) =	ssettm $0x1  }
0x91: {  	s17 =	sld [smem:$0x3FFB];
	_ =	sdelay $0x3  }
0x92: {  	_ =	strace s17  }
0x93: {  	s2 =	sld [smem:$0x3FFC];
	_ =	sdelay $0x3  }
0x94: {  	_ =	strace s2  }
0x95: {  	s2 =	sld [smem:$0x3FFD];
	_ =	sdelay $0x3  }
0x96: {  	_ =	strace s2  }
0x97: {  	_ =	strace $0x8FFFFFFF  }
0x98: {  	s18 =	sld [smem:$0x3FDB];
	_ =	sdelay $0x1  }
0x99: {  	s19 =	simm.s32 $_scs_section_size  }
0x9a: {  	s4 =	simm.s32 $_size__tile_overlayer_lowered;
	s5 =	simm.s32 $_tile_overlayer_lowered  }
0x9b: {  	s22 =	simm.s32 $0x1BFF;
	s21 =	sshll.u32 s5, $0x1;
	s2 =	sadd.s32 s19, s18  }
0x9c: {  	s6 =	simm.s32 $0x0;
	s20 =	sshll.u32 s4, $0x1;
	s4 =	sadd.s32 s21, s2  }
0x9d: {  	[timem:s6], [sflag:s22] =	dma.local [hbm:s4], s20  }
0x9e: {  	_ =	swait.ge [sflag:s22], s20  }
0x9f: {  	s3 =	ssub.s32 $0x0, s20;
	[sflag:s22] =	ssyncset.done $0x0  }
0xa0: {  	[sflag:s22] =	ssyncadd.s32 s3;
	_ =	sdelay $0x1  }
0xa1: {  	s23 =	simm.s32 $0x1B8B  }
0xa2: {  	_ =	swait.ge [sflag:s23], $0x1  }
0xa3: {  	[sflag:s23] =	ssyncset.done $0x0  }
0xa4: {  	s25 =	simm.s32 $0x1B8E;
	s24 =	sld [smem:$0x3FFE];
	[sflag:s23] =	ssyncadd.s32 $0xFFFFFFFF  }
0xa5: {  	s26 =	simm.s32 $execute0_lowered;
	[smem:$0x3FD2] =	sst s25  }
0xa6: {  	s4 =	sshll.u32 s26, $0x1;
	_ =	strace $0x80000049;
	[dreg:$0x1] =	wrdreg $0xFFFFFFFF  }
0xa7: {  	s28 =	simm.s32 $_size_execute0_lowered;
	s2 =	sadd.s32 s2, s4;
	[dreg:$0x0] =	wrdreg $0x0  }
0xa8: {  	s4 =	sshll.u32 s28, $0x1;
	[dreg:$0x2] =	wrdreg s2  }
0xa9: {  	[dreg:$0x3] =	wrdreg s4  }
0xaa: {  	[dreg:$0x4] =	wrdreg $0xC0  }
0xab: {  	_ =	task [dreg:s6], $0x5FFFF  }
0xac: {  	[dreg:$0x1] =	wrdreg $0xFFFFFFFF  }
0xad: {  	[dreg:$0x0] =	wrdreg $0x60  }
0xae: {  	[dreg:$0x2] =	wrdreg s24  }
0xaf: {  	[dreg:$0x3] =	wrdreg $0xC0000  }
0xb0: {  	[dreg:$0x4] =	wrdreg $0x9  }
0xb1: {  	_ =	task.clear_ibuf [dreg:s6], $0x5FFFF;
	_ =	strace $0x90000049  }
0xb2: {  	s29 =	simm.s32 $0x9;
	_ =	strace $0x8000004B  }
0xb3: {  	_ =	swait.ge [sflag:s29], $0x1  }
0xb4: {  	[sflag:s29] =	ssyncadd.s32 $0xFFFFFFFF  }
0xb5: {  	_ =	strace $0x9000004B  }
0xb6: {  	_ =	sfence  }
0xb7: {  	s30 =	sld [smem:$0x0];
	_ =	sdelay $0x2  }
0xb8: {  	s31 =	sshll.u32 s1, $0xD;
	s1 =	sshrl.u32 s1, $0x2  }
0xb9: {  	s3 =	sand.u32 $0x4000, s31;
	s1 =	sadd.s32 s1, s30  }
0xba: {  	s0 =	sor.u32 s3, s0;
	s1 =	sshll.u32 s1, $0x11  }
0xbb: {  	s0 =	sor.u32 s1, s0  }
0xbc: {  	s0 =	sadd.s32 $0x8F2B, s0  }
0xbd: {  	[sflag:s0] =	ssyncadd.remote.s32 $0x1  }
0xbe: {  	_ =	sfence.sel $0xFFFF  }
0xbf: {  	[dreg:$0x0] =	wrdreg $0xFFFFFFFF;
	(pc) =	sbr.abs _section_cstart, $3  }
0xc0: {  	[dreg:$0x1] =	wrdreg $0xFFFFFFFF  }
0xc1: {  	_ =	task.clear_ibuf [dreg:s6], $0x2FFFF;
	_ =	strace $0x9FFFFFFF  }
0xc2: {  	(tm) =	ssettm $0x7FFFFFFF  }
0xc3: {  	_ =	shalt  }
tec
execute0_lowered:
.L_overlay_start_1:
0x0: {  	(tag) =	ssettag $0x1  }
0x1: {  	s2 =	srdreg.scid;
	s13 =	stileid.u32  }
0x2: {  	s2 =	sand.u32 $0x1, s2;
	s4 =	sshll.u32 s13, $0x1  }
0x3: {  	s0 =	rddreg [dreg:$0x0];
	s5 =	sor.u32 s2, s4  }
0x4: {  	s1 =	rddreg [dreg:$0x1];
	s3 =	simm.s32 $0x0;
	s5 =	smul.u32 $0x3C00, s5  }
0x5: {  	[smem:$0x7FF] =	sst s3;
	s6 =	sadd.s32 $0x5A00, s0  }
0x6: {  	s7 =	sadd.s32 $0x14A00, s0;
	s8 =	ssub.s32 $0x2, s2;
	s10 =	sshrl.u32 s5, $0x3  }
0x7: {  	_ =	strace $0x8000004A;
	s9 =	sshrl.u32 s8, $0x1;
	s25 =	sadd.s32 s6, s10  }
0x8: {  	s26 =	sadd.s32 s7, s10;
	s30 =	sor.u32 $0x10, s10;
	[dreg:$0x3] =	wrdreg s25  }
0x9: {  	s8 =	ssub.s32 s8, s9;
	[dreg:$0x4] =	wrdreg s26;
	s14 =	sadd.s32 s6, s30  }
0xa: {  	s11 =	sor.u32 $0x20, s10;
	s9 =	sadd.s32 s7, s30;
	[dreg:$0x5] =	wrdreg s14  }
0xb: {  	s15 =	sadd.s32 s6, s11;
	[dreg:$0x6] =	wrdreg s9  }
0xc: {  	s10 =	sor.u32 $0x30, s10;
	s16 =	sadd.s32 s7, s11;
	[dreg:$0x7] =	wrdreg s15  }
0xd: {  	s12 =	smul.u32 $0x4E000, s13;
	s19 =	sadd.s32 s6, s10;
	[dreg:$0x8] =	wrdreg s16  }
0xe: {  	s10 =	sadd.s32 s7, s10;
	[dreg:$0xa] =	wrdreg s19  }
0xf: {  	s17 =	sshrl.u32 s12, $0x2;
	s30 =	smax.u32 s8, $0x1;
	[dreg:$0xb] =	wrdreg s10  }
0x10: {  	s26 =	sadd.s32 s17, s1;
	[dreg:$0x14] =	wrdreg s30  }
0x11: {  	s20 =	sadd.s32 $0xC00, s26;
	[dreg:$0x9] =	wrdreg s26  }
0x12: {  	s21 =	sadd.s32 $0x1800, s26;
	[dreg:$0xc] =	wrdreg s20  }
0x13: {  	s22 =	sadd.s32 $0x2400, s26;
	[dreg:$0xd] =	wrdreg s21  }
0x14: {  	s23 =	sadd.s32 $0x3000, s26;
	[dreg:$0xe] =	wrdreg s22  }
0x15: {  	s24 =	sadd.s32 $0x3C00, s26;
	[dreg:$0xf] =	wrdreg s23  }
0x16: {  	s25 =	sadd.s32 $0x4800, s26;
	[dreg:$0x10] =	wrdreg s24  }
0x17: {  	s28 =	simm.s32 $0x300;
	s8 =	sadd.s32 $0x6000, s26;
	[dreg:$0x12] =	wrdreg s25  }
0x18: {  	s31 =	simm.s32 $0x58;
	s10 =	sadd.s32 $0x7800, s26;
	[dreg:$0x16] =	wrdreg s8  }
0x19: {  	s29 =	simm.s32 $0x0;
	s11 =	sadd.s32 $0x8400, s26;
	[dreg:$0x18] =	wrdreg s10  }
0x1a: {  	s18 =	smul.u32 $0x13800, s13;
	s12 =	sadd.s32 $0x9000, s26;
	[dreg:$0x19] =	wrdreg s11  }
0x1b: {  	p0 =	sne.s32 s13, $0x0;
	s13 =	sadd.s32 $0x9C00, s26;
	[dreg:$0x1a] =	wrdreg s12  }
0x1c: {  	s4 =	sadd.s32 $0x23A00, s0;
	s14 =	sadd.s32 $0xA800, s26;
	[dreg:$0x1b] =	wrdreg s13  }
0x1d: {  	s2 =	smul.u32 $0x138800, s2;
	s15 =	sadd.s32 $0xB400, s26;
	[dreg:$0x1c] =	wrdreg s14  }
0x1e: {  	s0 =	sadd.s32 $0x4AC00, s0;
	s16 =	sadd.s32 $0xC000, s26;
	[dreg:$0x1d] =	wrdreg s15  }
0x1f: {  	s9 =	sadd.s32 s18, s2;
	s17 =	sadd.s32 $0xCC00, s26;
	[dreg:$0x1e] =	wrdreg s16  }
0x20: {  	s2 =	sshrl.u32 s2, $0x3;
	s18 =	sadd.s32 $0xD800, s26;
	[dreg:$0x1f] =	wrdreg s17  }
0x21: {  	s19 =	sadd.s32 $0xE400, s26;
	s30 =	sadd.s32 $0x138000, s1;
	[smem:$0x7F5] =	sst s18  }
0x22: {  	s9 =	sshrl.u32 s9, $0x3;
	[smem:$0x7F6] =	sst s19;
	s20 =	sadd.s32 $0xF000, s26  }
0x23: {  	s21 =	sadd.s32 $0xFC00, s26;
	s22 =	sadd.s32 $0x10800, s26;
	s23 =	sadd.s32 $0x11400, s26  }
0x24: {  	s24 =	sadd.s32 $0x12000, s26;
	s25 =	sadd.s32 $0x12C00, s26;
	[smem:$0x7FD] =	sst s30  }
0x25: {  	s8 =	simm.s32 $0x100;
	s12 =	simm.s32 $0x180;
	s11 =	simm.s32 $0x400  }
0x26: {  	s17 =	simm.s32 $0x3000;
	s16 =	simm.s32 $0x7;
	[smem:$0x7F7] =	sst s20  }
0x27: {  	s19 =	simm.s32 $0x5C00;
	s18 =	simm.s32 $0x8;
	[smem:$0x7F8] =	sst s21  }
0x28: {  	s15 =	simm.s32 $0xD;
	s14 =	simm.s32 $0x9;
	[smem:$0x7F9] =	sst s22  }
0x29: {  	s13 =	simm.s32 $0x2;
	s9 =	sadd.s32 s0, s9;
	[smem:$0x7FA] =	sst s23  }
0x2a: {  	s0 =	sadd.s32 s0, s2;
	s2 =	sadd.s32 $0x5400, s26;
	[smem:$0x7FB] =	sst s24  }
0x2b: {  	[smem:$0x7FC] =	sst s25;
	s23 =	simm.s32 $0x200;
	s24 =	simm.s32 $0x80  }
0x2c: {  	s25 =	simm.s32 $0x380;
	s20 =	simm.s32 $0x8800;
	[dreg:$0x11] =	wrdreg s9  }
0x2d: {  	s21 =	simm.s32 $0x1;
	s0 =	sadd.s32 $0x27000, s0;
	[dreg:$0x15] =	wrdreg s2  }
0x2e: {  	s9 =	sadd.s32 $0x6C00, s26;
	s2 =	simm.s32 $0x5;
	[dreg:$0x13] =	wrdreg s0  }
0x2f: {  	v0 =	vimm.f32 $0.0e+00;
	[dreg:$0x17] =	wrdreg s9;
	s0 =	simm.s32 $0x280;
	s9 =	simm.s32 $0x6  }
.LBB2_1:
0x30: {  	[smem:$0x7F4] =	sst s29  }
0x31: {  	s22 =	rddreg [dreg:$0x3]  }
0x32: {  	[tilespmem:s3], [sflag:$0x5] =	stream.linear.gather [hbm4b:s22+s3], $0x80, $0x38;
	[tilespmem:$0x1F900] =	vst v63  }
0x33: {  	s10 =	rddreg [dreg:$0x4]  }
0x34: {  	[tilespmem:s23], [sflag:$0x9] =	stream.linear.gather [hbm4b:s10+s3], $0x80, $0x38;
	[tilespmem:$0x1F900] =	vst v63  }
0x35: {  	s23 =	rddreg [dreg:$0x5]  }
0x36: {  	[tilespmem:s24], [sflag:$0x6] =	stream.linear.gather [hbm4b:s23+s3], $0x80, $0x38;
	[tilespmem:$0x1F900] =	vst v63  }
0x37: {  	s29 =	rddreg [dreg:$0x6]  }
0x38: {  	[tilespmem:s0], [sflag:$0xA] =	stream.linear.gather [hbm4b:s29+s3], $0x80, $0x38;
	[tilespmem:$0x1F900] =	vst v63  }
0x39: {  	s30 =	rddreg [dreg:$0x7]  }
0x3a: {  	[tilespmem:s8], [sflag:$0x7] =	stream.linear.gather [hbm4b:s30+s3], $0x80, $0x38;
	[tilespmem:$0x1F900] =	vst v63  }
0x3b: {  	s0 =	rddreg [dreg:$0x8]  }
0x3c: {  	[tilespmem:s28], [sflag:$0xB] =	stream.linear.gather [hbm4b:s0+s3], $0x80, $0x38;
	[tilespmem:$0x1F900] =	vst v63  }
0x3d: {  	s10 =	rddreg [dreg:$0xa]  }
0x3e: {  	[tilespmem:s12], [sflag:$0x8] =	stream.linear.gather [hbm4b:s10+s3], $0x80, $0x38;
	[tilespmem:$0x1F900] =	vst v63  }
0x3f: {  	s23 =	rddreg [dreg:$0xb]  }
0x40: {  	[tilespmem:s25], [sflag:$0xC] =	stream.linear.gather [hbm4b:s23+s3], $0x80, $0x38;
	[tilespmem:$0x1F900] =	vst v63  }
0x41: {  	_ =	swait.ge [sflag:s2], $0x80  }
0x42: {  	[sflag:s2] =	ssyncset.done $0x0  }
0x43: {  	[sflag:s2] =	ssyncadd.s32 $0xFFFFFF80  }
0x44: {  	[tilespmem:s11], [sflag:$0x1] =	stream.indirect.gather [hbm4b:s4+s31], $0x80, s3, s31, $0xb8;
	[tilespmem:$0x1F900] =	vst v63  }
0x45: {  	_ =	swait.ge [sflag:s9], $0x80  }
0x46: {  	[sflag:s9] =	ssyncset.done $0x0  }
0x47: {  	[sflag:s9] =	ssyncadd.s32 $0xFFFFFF80  }
0x48: {  	[tilespmem:s17], [sflag:$0x2] =	stream.indirect.gather [hbm4b:s4+s31], $0x80, s24, s31, $0xb8;
	[tilespmem:$0x1F900] =	vst v63  }
0x49: {  	_ =	swait.ge [sflag:s16], $0x80  }
0x4a: {  	[sflag:s16] =	ssyncset.done $0x0  }
0x4b: {  	s22 =	simm.s32 $0x40;
	[sflag:s16] =	ssyncadd.s32 $0xFFFFFF80  }
0x4c: {  	[tilespmem:s19], [sflag:$0x3] =	stream.indirect.gather [hbm4b:s4+s31], $0x80, s8, s31, $0xb8;
	[tilespmem:$0x1F900] =	vst v63  }
0x4d: {  	s29 =	sand.u32 $0x70, s3;
	s28 =	sand.u32 $0x3E00, s3;
	_ =	swait.ge [sflag:s18], $0x80  }
0x4e: {  	s30 =	sshrl.u32 s28, $0x2;
	s23 =	simm.s32 $0x0;
	[sflag:s18] =	ssyncset.done $0x0  }
0x4f: {  	s24 =	sor.u32 s29, s30;
	[sflag:s18] =	ssyncadd.s32 $0xFFFFFF80;
	s18 =	simm.s32 $0x8800  }
0x50: {  	[tilespmem:s20], [sflag:$0x4] =	stream.indirect.gather [hbm4b:s4+s31], $0x80, s12, s31, $0xb8;
	[tilespmem:$0x1F900] =	vst v63  }
.LBB2_2:
0x51: {  	p1 =	sne.s32 s22, $0x2FC0  }
0x52: {  	[tilespmem:s24+$0xB400] =	vst v0;
	s23 =	sadd.s32 $0x10, s23;
	s24 =	smov.u32 s22;
	s22 =	sadd.s32 $0x40, s22  }
.Ltmp0:
0x53: {  	(pc) =	sbr.rel @p1 .LBB2_2-.Ltmp0, $4  }
0x54: {  	_ = 	snop  }
0x55: {  	s24 =	sand.u32 $0x3E00, s24  }
0x56: {  	s25 =	sand.u32 $0x70, s23;
	s24 =	sshrl.u32 s24, $0x2  }
0x57: {  	s24 =	sor.u32 s25, s24  }
0x58: {  	[tilespmem:s24+$0xB400] =	vst v0;
	s0 =	simm.s32 $0xB400  }
0x59: {  	[spmem:s26] =	stream.linear.scatter [tilespmem:s0], [sflag:$0xD], $0xC00, $0x38;
	[tilespmem:$0x1F900] =	vst v63  }
0x5a: {  	_ =	swait.ge [sflag:s15], $0xC00  }
0x5b: {  	[sflag:s15] =	ssyncset.done $0x0  }
0x5c: {  	s22 =	rddreg [dreg:$0xc];
	[sflag:s15] =	ssyncadd.s32 $0xFFFFF400  }
0x5d: {  	[spmem:s22] =	stream.linear.scatter [tilespmem:s0], [sflag:$0xD], $0xC00, $0x38;
	[tilespmem:$0x1F900] =	vst v63  }
0x5e: {  	_ =	swait.ge [sflag:s15], $0xC00  }
0x5f: {  	[sflag:s15] =	ssyncset.done $0x0  }
0x60: {  	s16 =	rddreg [dreg:$0xd];
	[sflag:s15] =	ssyncadd.s32 $0xFFFFF400  }
0x61: {  	[spmem:s16] =	stream.linear.scatter [tilespmem:s0], [sflag:$0xD], $0xC00, $0x38;
	[tilespmem:$0x1F900] =	vst v63  }
0x62: {  	_ =	swait.ge [sflag:s15], $0xC00  }
0x63: {  	[sflag:s15] =	ssyncset.done $0x0  }
0x64: {  	s19 =	rddreg [dreg:$0xe];
	[sflag:s15] =	ssyncadd.s32 $0xFFFFF400  }
0x65: {  	[spmem:s19] =	stream.linear.scatter [tilespmem:s0], [sflag:$0xD], $0xC00, $0x38;
	[tilespmem:$0x1F900] =	vst v63  }
0x66: {  	_ =	swait.ge [sflag:s15], $0xC00  }
0x67: {  	[sflag:s15] =	ssyncset.done $0x0  }
0x68: {  	s20 =	rddreg [dreg:$0xf];
	[sflag:s15] =	ssyncadd.s32 $0xFFFFF400  }
0x69: {  	[spmem:s20] =	stream.linear.scatter [tilespmem:s0], [sflag:$0xD], $0xC00, $0x38;
	[tilespmem:$0x1F900] =	vst v63  }
0x6a: {  	_ =	swait.ge [sflag:s15], $0xC00  }
0x6b: {  	[sflag:s15] =	ssyncset.done $0x0  }
0x6c: {  	s23 =	rddreg [dreg:$0x10];
	[sflag:s15] =	ssyncadd.s32 $0xFFFFF400  }
0x6d: {  	[spmem:s23] =	stream.linear.scatter [tilespmem:s0], [sflag:$0xD], $0xC00, $0x38;
	[tilespmem:$0x1F900] =	vst v63  }
0x6e: {  	_ =	swait.ge [sflag:s15], $0xC00  }
0x6f: {  	[sflag:s15] =	ssyncset.done $0x0  }
0x70: {  	s24 =	rddreg [dreg:$0x12];
	[sflag:s15] =	ssyncadd.s32 $0xFFFFF400  }
0x71: {  	[spmem:s24] =	stream.linear.scatter [tilespmem:s0], [sflag:$0xD], $0xC00, $0x38;
	[tilespmem:$0x1F900] =	vst v63  }
0x72: {  	_ =	swait.ge [sflag:s15], $0xC00  }
0x73: {  	[sflag:s15] =	ssyncset.done $0x0  }
0x74: {  	s25 =	rddreg [dreg:$0x15];
	[sflag:s15] =	ssyncadd.s32 $0xFFFFF400  }
0x75: {  	[spmem:s25] =	stream.linear.scatter [tilespmem:s0], [sflag:$0xD], $0xC00, $0x38;
	[tilespmem:$0x1F900] =	vst v63  }
0x76: {  	_ =	swait.ge [sflag:s15], $0xC00  }
0x77: {  	[sflag:s15] =	ssyncset.done $0x0  }
0x78: {  	s26 =	rddreg [dreg:$0x16];
	[sflag:s15] =	ssyncadd.s32 $0xFFFFF400  }
0x79: {  	[spmem:s26] =	stream.linear.scatter [tilespmem:s0], [sflag:$0xD], $0xC00, $0x38;
	[tilespmem:$0x1F900] =	vst v63  }
0x7a: {  	_ =	swait.ge [sflag:s15], $0xC00  }
0x7b: {  	[sflag:s15] =	ssyncset.done $0x0  }
0x7c: {  	s30 =	rddreg [dreg:$0x17];
	[sflag:s15] =	ssyncadd.s32 $0xFFFFF400  }
0x7d: {  	[spmem:s30] =	stream.linear.scatter [tilespmem:s0], [sflag:$0xD], $0xC00, $0x38;
	[tilespmem:$0x1F900] =	vst v63  }
0x7e: {  	_ =	swait.ge [sflag:s15], $0xC00  }
0x7f: {  	[sflag:s15] =	ssyncset.done $0x0  }
0x80: {  	s8 =	rddreg [dreg:$0x18];
	[sflag:s15] =	ssyncadd.s32 $0xFFFFF400  }
0x81: {  	[spmem:s8] =	stream.linear.scatter [tilespmem:s0], [sflag:$0xD], $0xC00, $0x38;
	[tilespmem:$0x1F900] =	vst v63  }
0x82: {  	_ =	swait.ge [sflag:s15], $0xC00  }
0x83: {  	[sflag:s15] =	ssyncset.done $0x0  }
0x84: {  	s10 =	rddreg [dreg:$0x19];
	[sflag:s15] =	ssyncadd.s32 $0xFFFFF400  }
0x85: {  	[spmem:s10] =	stream.linear.scatter [tilespmem:s0], [sflag:$0xD], $0xC00, $0x38;
	[tilespmem:$0x1F900] =	vst v63  }
0x86: {  	_ =	swait.ge [sflag:s15], $0xC00  }
0x87: {  	[sflag:s15] =	ssyncset.done $0x0  }
0x88: {  	s12 =	rddreg [dreg:$0x1a];
	[sflag:s15] =	ssyncadd.s32 $0xFFFFF400  }
0x89: {  	[spmem:s12] =	stream.linear.scatter [tilespmem:s0], [sflag:$0xD], $0xC00, $0x38;
	[tilespmem:$0x1F900] =	vst v63  }
0x8a: {  	_ =	swait.ge [sflag:s15], $0xC00  }
0x8b: {  	[sflag:s15] =	ssyncset.done $0x0  }
0x8c: {  	s16 =	rddreg [dreg:$0x1b];
	[sflag:s15] =	ssyncadd.s32 $0xFFFFF400  }
0x8d: {  	[spmem:s16] =	stream.linear.scatter [tilespmem:s0], [sflag:$0xD], $0xC00, $0x38;
	[tilespmem:$0x1F900] =	vst v63  }
0x8e: {  	_ =	swait.ge [sflag:s15], $0xC00  }
0x8f: {  	[sflag:s15] =	ssyncset.done $0x0  }
0x90: {  	s19 =	rddreg [dreg:$0x1c];
	[sflag:s15] =	ssyncadd.s32 $0xFFFFF400  }
0x91: {  	[spmem:s19] =	stream.linear.scatter [tilespmem:s0], [sflag:$0xD], $0xC00, $0x38;
	[tilespmem:$0x1F900] =	vst v63  }
0x92: {  	_ =	swait.ge [sflag:s15], $0xC00  }
0x93: {  	[sflag:s15] =	ssyncset.done $0x0  }
0x94: {  	s20 =	rddreg [dreg:$0x1d];
	[sflag:s15] =	ssyncadd.s32 $0xFFFFF400  }
0x95: {  	[spmem:s20] =	stream.linear.scatter [tilespmem:s0], [sflag:$0xD], $0xC00, $0x38;
	[tilespmem:$0x1F900] =	vst v63  }
0x96: {  	_ =	swait.ge [sflag:s15], $0xC00  }
0x97: {  	[sflag:s15] =	ssyncset.done $0x0  }
0x98: {  	s23 =	rddreg [dreg:$0x1e];
	[sflag:s15] =	ssyncadd.s32 $0xFFFFF400  }
0x99: {  	[spmem:s23] =	stream.linear.scatter [tilespmem:s0], [sflag:$0xD], $0xC00, $0x38;
	[tilespmem:$0x1F900] =	vst v63  }
0x9a: {  	_ =	swait.ge [sflag:s15], $0xC00  }
0x9b: {  	[sflag:s15] =	ssyncset.done $0x0  }
0x9c: {  	s24 =	rddreg [dreg:$0x1f];
	[sflag:s15] =	ssyncadd.s32 $0xFFFFF400  }
0x9d: {  	[spmem:s24] =	stream.linear.scatter [tilespmem:s0], [sflag:$0xD], $0xC00, $0x38;
	[tilespmem:$0x1F900] =	vst v63  }
0x9e: {  	_ =	swait.ge [sflag:s15], $0xC00  }
0x9f: {  	s25 =	sld [smem:$0x7F5]  }
0xa0: {  	[sflag:s15] =	ssyncset.done $0x0  }
0xa1: {  	[sflag:s15] =	ssyncadd.s32 $0xFFFFF400  }
0xa2: {  	[spmem:s25] =	stream.linear.scatter [tilespmem:s0], [sflag:$0xD], $0xC00, $0x38;
	[tilespmem:$0x1F900] =	vst v63  }
0xa3: {  	_ =	swait.ge [sflag:s15], $0xC00  }
0xa4: {  	s26 =	sld [smem:$0x7F6]  }
0xa5: {  	[sflag:s15] =	ssyncset.done $0x0  }
0xa6: {  	[sflag:s15] =	ssyncadd.s32 $0xFFFFF400  }
0xa7: {  	[spmem:s26] =	stream.linear.scatter [tilespmem:s0], [sflag:$0xD], $0xC00, $0x38;
	[tilespmem:$0x1F900] =	vst v63  }
0xa8: {  	_ =	swait.ge [sflag:s15], $0xC00  }
0xa9: {  	s30 =	sld [smem:$0x7F7]  }
0xaa: {  	[sflag:s15] =	ssyncset.done $0x0  }
0xab: {  	[sflag:s15] =	ssyncadd.s32 $0xFFFFF400  }
0xac: {  	[spmem:s30] =	stream.linear.scatter [tilespmem:s0], [sflag:$0xD], $0xC00, $0x38;
	[tilespmem:$0x1F900] =	vst v63  }
0xad: {  	_ =	swait.ge [sflag:s15], $0xC00  }
0xae: {  	s8 =	sld [smem:$0x7F8]  }
0xaf: {  	[sflag:s15] =	ssyncset.done $0x0  }
0xb0: {  	[sflag:s15] =	ssyncadd.s32 $0xFFFFF400  }
0xb1: {  	[spmem:s8] =	stream.linear.scatter [tilespmem:s0], [sflag:$0xD], $0xC00, $0x38;
	[tilespmem:$0x1F900] =	vst v63  }
0xb2: {  	_ =	swait.ge [sflag:s15], $0xC00  }
0xb3: {  	s10 =	sld [smem:$0x7F9]  }
0xb4: {  	[sflag:s15] =	ssyncset.done $0x0  }
0xb5: {  	[sflag:s15] =	ssyncadd.s32 $0xFFFFF400  }
0xb6: {  	[spmem:s10] =	stream.linear.scatter [tilespmem:s0], [sflag:$0xD], $0xC00, $0x38;
	[tilespmem:$0x1F900] =	vst v63  }
0xb7: {  	_ =	swait.ge [sflag:s15], $0xC00  }
0xb8: {  	s12 =	sld [smem:$0x7FA]  }
0xb9: {  	[sflag:s15] =	ssyncset.done $0x0  }
0xba: {  	[sflag:s15] =	ssyncadd.s32 $0xFFFFF400  }
0xbb: {  	[spmem:s12] =	stream.linear.scatter [tilespmem:s0], [sflag:$0xD], $0xC00, $0x38;
	[tilespmem:$0x1F900] =	vst v63  }
0xbc: {  	_ =	swait.ge [sflag:s15], $0xC00  }
0xbd: {  	s16 =	sld [smem:$0x7FB]  }
0xbe: {  	[sflag:s15] =	ssyncset.done $0x0  }
0xbf: {  	[sflag:s15] =	ssyncadd.s32 $0xFFFFF400  }
0xc0: {  	[spmem:s16] =	stream.linear.scatter [tilespmem:s0], [sflag:$0xD], $0xC00, $0x38;
	[tilespmem:$0x1F900] =	vst v63  }
0xc1: {  	_ =	swait.ge [sflag:s15], $0xC00  }
0xc2: {  	s19 =	sld [smem:$0x7FC]  }
0xc3: {  	[sflag:s15] =	ssyncset.done $0x0  }
0xc4: {  	[sflag:s15] =	ssyncadd.s32 $0xFFFFF400  }
0xc5: {  	[spmem:s19] =	stream.linear.scatter [tilespmem:s0], [sflag:$0xD], $0xC00, $0x38;
	[tilespmem:$0x1F900] =	vst v63  }
0xc6: {  	_ =	swait.ge [sflag:s15], $0xC00  }
0xc7: {  	s23 =	sld [smem:$0x7FD]  }
0xc8: {  	[sflag:s15] =	ssyncset.done $0x0  }
0xc9: {  	s22 =	simm.s32 @!p0 $0xB400;
	[sflag:s15] =	ssyncadd.s32 $0xFFFFF400  }
0xca: {  	[spmem:s23] =	stream.linear.scatter @!p0 [tilespmem:s22], [sflag:$0xD], $0x800, $0x38;
	[tilespmem:$0x1F900] =	vst v63  }
0xcb: {  	s22 =	simm.s32 @!p0 $0xD  }
0xcc: {  	_ =	swait.ge @!p0 [sflag:s22], $0x800  }
0xcd: {  	s20 =	simm.s32 $0x200;
	[sflag:s22] =	ssyncset.done @!p0 $0x0  }
0xce: {  	s24 =	sand.u32 $0x7C00, s20;
	[sflag:s22] =	ssyncadd.s32 @!p0 $0xFFFFF800  }
0xcf: {  	s23 =	sand.u32 $0x200, s20;
	s22 =	sadd.s32 s5, s24;
	[bflag:$0x0] =	sbarrier.arrive $0xFFFF  }
0xd0: {  	s22 =	sor.u32 s23, s22;
	_ =	swait.ge [sflag:s21], $0x2C00  }
0xd1: {  	s22 =	sshrl.u32 s22, $0x3;
	[sflag:s21] =	ssyncset.done $0x0  }
0xd2: {  	s25 =	sadd.s32 s6, s22;
	[sflag:s21] =	ssyncadd.s32 $0xFFFFD400  }
0xd3: {  	[tilespmem:s3], [sflag:$0x5] =	stream.linear.gather [hbm4b:s25+s3], $0x80, $0x38;
	[tilespmem:$0x1F900] =	vst v63  }
0xd4: {  	_ =	swait.ge [sflag:s14], $0x80  }
0xd5: {  	[sflag:s14] =	ssyncset.done $0x0  }
0xd6: {  	s26 =	simm.s32 $0x200;
	[sflag:s14] =	ssyncadd.s32 $0xFFFFFF80  }
0xd7: {  	[spmem:s1] =	stream.indirect.scatter.add.f32 [tilespmem:s11], [sflag:$0xD], $0x80, s26, s31, $0xb8;
	[tilespmem:$0x1F900] =	vst v63  }
0xd8: {  	_ =	swait.ge [sflag:s15], $0x2C00  }
0xd9: {  	[sflag:s15] =	ssyncset.done $0x0  }
0xda: {  	s22 =	sadd.s32 s7, s22;
	[sflag:s15] =	ssyncadd.s32 $0xFFFFD400  }
0xdb: {  	[tilespmem:s26], [sflag:$0x9] =	stream.linear.gather [hbm4b:s22+s3], $0x80, $0x38;
	[tilespmem:$0x1F900] =	vst v63  }
0xdc: {  	s30 =	simm.s32 $0x280;
	_ =	swait.ge [sflag:s2], $0x80  }
0xdd: {  	s0 =	sand.u32 $0x7C00, s30;
	[sflag:s2] =	ssyncset.done $0x0  }
0xde: {  	s23 =	sadd.s32 s5, s0;
	s22 =	sand.u32 $0x280, s30;
	[sflag:s2] =	ssyncadd.s32 $0xFFFFFF80  }
0xdf: {  	[tilespmem:s11], [sflag:$0x1] =	stream.indirect.gather [hbm4b:s4+s31], $0x80, s3, s31, $0xb8;
	[tilespmem:$0x1F900] =	vst v63  }
0xe0: {  	s22 =	sor.u32 s22, s23;
	_ =	swait.ge [sflag:s13], $0x2C00  }
0xe1: {  	s29 =	simm.s32 $0x80;
	s22 =	sshrl.u32 s22, $0x3;
	[sflag:s13] =	ssyncset.done $0x0  }
0xe2: {  	s28 =	simm.s32 $0xA;
	s8 =	sadd.s32 s6, s22;
	[sflag:s13] =	ssyncadd.s32 $0xFFFFD400  }
0xe3: {  	[tilespmem:s29], [sflag:$0x6] =	stream.linear.gather [hbm4b:s8+s3], $0x80, $0x38;
	[tilespmem:$0x1F900] =	vst v63  }
0xe4: {  	_ =	swait.ge [sflag:s28], $0x80  }
0xe5: {  	[sflag:s28] =	ssyncset.done $0x0  }
0xe6: {  	s10 =	simm.s32 $0x280;
	[sflag:s28] =	ssyncadd.s32 $0xFFFFFF80  }
0xe7: {  	[spmem:s1] =	stream.indirect.scatter.add.f32 [tilespmem:s17], [sflag:$0xD], $0x80, s10, s31, $0xb8;
	[tilespmem:$0x1F900] =	vst v63  }
0xe8: {  	_ =	swait.ge [sflag:s15], $0x2C00  }
0xe9: {  	[sflag:s15] =	ssyncset.done $0x0  }
0xea: {  	s22 =	sadd.s32 s7, s22;
	[sflag:s15] =	ssyncadd.s32 $0xFFFFD400  }
0xeb: {  	[tilespmem:s10], [sflag:$0xA] =	stream.linear.gather [hbm4b:s22+s3], $0x80, $0x38;
	[tilespmem:$0x1F900] =	vst v63  }
0xec: {  	s11 =	simm.s32 $0x300;
	_ =	swait.ge [sflag:s9], $0x80  }
0xed: {  	s0 =	simm.s32 $0x3;
	s12 =	sand.u32 $0x7C00, s11;
	[sflag:s9] =	ssyncset.done $0x0  }
0xee: {  	s23 =	sadd.s32 s5, s12;
	s22 =	sand.u32 $0x300, s11;
	[sflag:s9] =	ssyncadd.s32 $0xFFFFFF80  }
0xef: {  	[tilespmem:s17], [sflag:$0x2] =	stream.indirect.gather [hbm4b:s4+s31], $0x80, s29, s31, $0xb8;
	[tilespmem:$0x1F900] =	vst v63  }
0xf0: {  	s22 =	sor.u32 s22, s23;
	_ =	swait.ge [sflag:s0], $0x2C00  }
0xf1: {  	s8 =	simm.s32 $0x100;
	s22 =	sshrl.u32 s22, $0x3;
	[sflag:s0] =	ssyncset.done $0x0  }
0xf2: {  	s11 =	simm.s32 $0xB;
	s16 =	sadd.s32 s6, s22;
	[sflag:s0] =	ssyncadd.s32 $0xFFFFD400  }
0xf3: {  	[tilespmem:s8], [sflag:$0x7] =	stream.linear.gather [hbm4b:s16+s3], $0x80, $0x38;
	[tilespmem:$0x1F900] =	vst v63  }
0xf4: {  	_ =	swait.ge [sflag:s11], $0x80  }
0xf5: {  	[sflag:s11] =	ssyncset.done $0x0  }
0xf6: {  	s10 =	simm.s32 $0x5C00;
	s17 =	simm.s32 $0x300;
	[sflag:s11] =	ssyncadd.s32 $0xFFFFFF80  }
0xf7: {  	[spmem:s1] =	stream.indirect.scatter.add.f32 [tilespmem:s10], [sflag:$0xD], $0x80, s17, s31, $0xb8;
	[tilespmem:$0x1F900] =	vst v63  }
0xf8: {  	_ =	swait.ge [sflag:s15], $0x2C00  }
0xf9: {  	[sflag:s15] =	ssyncset.done $0x0  }
0xfa: {  	s22 =	sadd.s32 s7, s22;
	s16 =	simm.s32 $0x7;
	[sflag:s15] =	ssyncadd.s32 $0xFFFFD400  }
0xfb: {  	[tilespmem:s17], [sflag:$0xB] =	stream.linear.gather [hbm4b:s22+s3], $0x80, $0x38;
	[tilespmem:$0x1F900] =	vst v63  }
0xfc: {  	s19 =	simm.s32 $0x380;
	_ =	swait.ge [sflag:s16], $0x80  }
0xfd: {  	s20 =	sand.u32 $0x7C00, s19;
	[sflag:s16] =	ssyncset.done $0x0  }
0xfe: {  	s21 =	simm.s32 $0x1;
	s23 =	sadd.s32 s5, s20;
	[sflag:s16] =	ssyncadd.s32 $0xFFFFFF80  }
0xff: {  	[tilespmem:s10], [sflag:$0x3] =	stream.indirect.gather [hbm4b:s4+s31], $0x80, s8, s31, $0xb8;
	[tilespmem:$0x1F900] =	vst v63  }
0x100: {  	s22 =	sand.u32 $0x380, s19;
	s10 =	smov.u32 s1;
	s1 =	simm.s32 $0x4  }
0x101: {  	s25 =	simm.s32 $0x380;
	s22 =	sor.u32 s22, s23;
	_ =	swait.ge [sflag:s1], $0x2C00  }
0x102: {  	s12 =	simm.s32 $0x180;
	s22 =	sshrl.u32 s22, $0x3;
	[sflag:s1] =	ssyncset.done $0x0  }
0x103: {  	s19 =	simm.s32 $0xC;
	s24 =	sadd.s32 s6, s22;
	[sflag:s1] =	ssyncadd.s32 $0xFFFFD400  }
0x104: {  	[tilespmem:s12], [sflag:$0x8] =	stream.linear.gather [hbm4b:s24+s3], $0x80, $0x38;
	[tilespmem:$0x1F900] =	vst v63  }
0x105: {  	s14 =	simm.s32 $0x9;
	s26 =	simm.s32 $0x400;
	_ =	swait.ge [sflag:s19], $0x80  }
0x106: {  	s30 =	sand.u32 $0x7C00, s26;
	s2 =	simm.s32 $0x5;
	[sflag:s19] =	ssyncset.done $0x0  }
0x107: {  	s13 =	simm.s32 $0x2;
	s20 =	simm.s32 $0x8800;
	[sflag:s19] =	ssyncadd.s32 $0xFFFFFF80  }
0x108: {  	[spmem:s10] =	stream.indirect.scatter.add.f32 [tilespmem:s18], [sflag:$0xD], $0x80, s25, s31, $0xb8;
	[tilespmem:$0x1F900] =	vst v63  }
0x109: {  	s9 =	simm.s32 $0x6;
	s23 =	sand.u32 $0x200, s26;
	_ =	swait.ge [sflag:s15], $0x2C00  }
0x10a: {  	s22 =	sadd.s32 s7, s22;
	s24 =	sadd.s32 s5, s30;
	[sflag:s15] =	ssyncset.done $0x0  }
0x10b: {  	s24 =	sor.u32 s23, s24;
	s18 =	simm.s32 $0x8;
	[sflag:s15] =	ssyncadd.s32 $0xFFFFD400  }
0x10c: {  	[tilespmem:s25], [sflag:$0xC] =	stream.linear.gather [hbm4b:s22+s3], $0x80, $0x38;
	[tilespmem:$0x1F900] =	vst v63  }
0x10d: {  	s23 =	simm.s32 $0x780;
	s22 =	simm.s32 $0x580;
	_ =	swait.ge [sflag:s18], $0x80  }
.LBB2_4:
0x10e: {  	s26 =	sshrl.u32 s24, $0x3  }
0x10f: {  	[sflag:s18] =	ssyncset.done $0x0;
	s24 =	smov.u32 s23;
	s25 =	sadd.s32 $0x200, s23  }
0x110: {  	p1 =	sne.s32 s23, $0x3980;
	[sflag:s18] =	ssyncadd.s32 $0xFFFFFF80  }
0x111: {  	[tilespmem:s20], [sflag:$0x4] =	stream.indirect.gather [hbm4b:s4+s31], $0x80, s12, s31, $0xb8;
	[tilespmem:$0x1F900] =	vst v63  }
0x112: {  	_ =	swait.ge [sflag:s21], $0x2C00  }
0x113: {  	s23 =	sadd.s32 s6, s26;
	[sflag:s21] =	ssyncset.done $0x0  }
0x114: {  	[sflag:s21] =	ssyncadd.s32 $0xFFFFD400  }
0x115: {  	[tilespmem:s3], [sflag:$0x5] =	stream.linear.gather [hbm4b:s23+s3], $0x80, $0x38;
	[tilespmem:$0x1F900] =	vst v63  }
0x116: {  	_ =	swait.ge [sflag:s14], $0x80  }
0x117: {  	[sflag:s14] =	ssyncset.done $0x0  }
0x118: {  	s30 =	simm.s32 $0x200;
	s17 =	simm.s32 $0x400;
	[sflag:s14] =	ssyncadd.s32 $0xFFFFFF80  }
0x119: {  	[spmem:s10] =	stream.indirect.scatter.add.f32 [tilespmem:s17], [sflag:$0xD], $0x80, s30, s31, $0xb8;
	[tilespmem:$0x1F900] =	vst v63  }
0x11a: {  	_ =	swait.ge [sflag:s15], $0x2C00  }
0x11b: {  	s23 =	sadd.s32 s7, s26;
	[sflag:s15] =	ssyncset.done $0x0  }
0x11c: {  	[sflag:s15] =	ssyncadd.s32 $0xFFFFD400  }
0x11d: {  	[tilespmem:s30], [sflag:$0x9] =	stream.linear.gather [hbm4b:s23+s3], $0x80, $0x38;
	[tilespmem:$0x1F900] =	vst v63  }
0x11e: {  	s23 =	sadd.s32 $0xFFFFFF00, s22;
	_ =	swait.ge [sflag:s2], $0x80  }
0x11f: {  	s26 =	sand.u32 $0x7C00, s23;
	[sflag:s2] =	ssyncset.done $0x0  }
0x120: {  	s23 =	sand.u32 $0x280, s23;
	s26 =	sadd.s32 s5, s26;
	[sflag:s2] =	ssyncadd.s32 $0xFFFFFF80  }
0x121: {  	[tilespmem:s17], [sflag:$0x1] =	stream.indirect.gather [hbm4b:s4+s31], $0x80, s3, s31, $0xb8;
	[tilespmem:$0x1F900] =	vst v63  }
0x122: {  	s23 =	sor.u32 s23, s26;
	_ =	swait.ge [sflag:s13], $0x2C00  }
0x123: {  	s23 =	sshrl.u32 s23, $0x3;
	[sflag:s13] =	ssyncset.done $0x0  }
0x124: {  	s26 =	sadd.s32 s6, s23;
	[sflag:s13] =	ssyncadd.s32 $0xFFFFD400  }
0x125: {  	[tilespmem:s29], [sflag:$0x6] =	stream.linear.gather [hbm4b:s26+s3], $0x80, $0x38;
	[tilespmem:$0x1F900] =	vst v63  }
0x126: {  	_ =	swait.ge [sflag:s28], $0x80  }
0x127: {  	[sflag:s28] =	ssyncset.done $0x0  }
0x128: {  	s17 =	simm.s32 $0x3000;
	s26 =	simm.s32 $0x280;
	[sflag:s28] =	ssyncadd.s32 $0xFFFFFF80  }
0x129: {  	[spmem:s10] =	stream.indirect.scatter.add.f32 [tilespmem:s17], [sflag:$0xD], $0x80, s26, s31, $0xb8;
	[tilespmem:$0x1F900] =	vst v63  }
0x12a: {  	_ =	swait.ge [sflag:s15], $0x2C00  }
0x12b: {  	[sflag:s15] =	ssyncset.done $0x0  }
0x12c: {  	s23 =	sadd.s32 s7, s23;
	[sflag:s15] =	ssyncadd.s32 $0xFFFFD400  }
0x12d: {  	[tilespmem:s26], [sflag:$0xA] =	stream.linear.gather [hbm4b:s23+s3], $0x80, $0x38;
	[tilespmem:$0x1F900] =	vst v63  }
0x12e: {  	_ =	swait.ge [sflag:s9], $0x80  }
0x12f: {  	s23 =	sadd.s32 $0xFFFFFF80, s22;
	[sflag:s9] =	ssyncset.done $0x0  }
0x130: {  	s26 =	sand.u32 $0x7C00, s23;
	s23 =	sand.u32 $0x300, s23;
	[sflag:s9] =	ssyncadd.s32 $0xFFFFFF80  }
0x131: {  	[tilespmem:s17], [sflag:$0x2] =	stream.indirect.gather [hbm4b:s4+s31], $0x80, s29, s31, $0xb8;
	[tilespmem:$0x1F900] =	vst v63  }
0x132: {  	s26 =	sadd.s32 s5, s26;
	_ =	swait.ge [sflag:s0], $0x2C00  }
0x133: {  	s23 =	sor.u32 s23, s26;
	[sflag:s0] =	ssyncset.done $0x0  }
0x134: {  	s23 =	sshrl.u32 s23, $0x3;
	[sflag:s0] =	ssyncadd.s32 $0xFFFFD400  }
0x135: {  	s26 =	sadd.s32 s6, s23  }
0x136: {  	[tilespmem:s8], [sflag:$0x7] =	stream.linear.gather [hbm4b:s26+s3], $0x80, $0x38;
	[tilespmem:$0x1F900] =	vst v63  }
0x137: {  	_ =	swait.ge [sflag:s11], $0x80  }
0x138: {  	[sflag:s11] =	ssyncset.done $0x0  }
0x139: {  	s17 =	simm.s32 $0x300;
	s26 =	simm.s32 $0x5C00;
	[sflag:s11] =	ssyncadd.s32 $0xFFFFFF80  }
0x13a: {  	[spmem:s10] =	stream.indirect.scatter.add.f32 [tilespmem:s26], [sflag:$0xD], $0x80, s17, s31, $0xb8;
	[tilespmem:$0x1F900] =	vst v63  }
0x13b: {  	_ =	swait.ge [sflag:s15], $0x2C00  }
0x13c: {  	s23 =	sadd.s32 s7, s23;
	[sflag:s15] =	ssyncset.done $0x0  }
0x13d: {  	[sflag:s15] =	ssyncadd.s32 $0xFFFFD400  }
0x13e: {  	[tilespmem:s17], [sflag:$0xB] =	stream.linear.gather [hbm4b:s23+s3], $0x80, $0x38;
	[tilespmem:$0x1F900] =	vst v63  }
0x13f: {  	_ =	swait.ge [sflag:s16], $0x80  }
0x140: {  	s23 =	sand.u32 $0x7C00, s22;
	[sflag:s16] =	ssyncset.done $0x0  }
0x141: {  	s22 =	sand.u32 $0x380, s22;
	s23 =	sadd.s32 s5, s23;
	[sflag:s16] =	ssyncadd.s32 $0xFFFFFF80  }
0x142: {  	[tilespmem:s26], [sflag:$0x3] =	stream.indirect.gather [hbm4b:s4+s31], $0x80, s8, s31, $0xb8;
	[tilespmem:$0x1F900] =	vst v63  }
0x143: {  	s23 =	sor.u32 s22, s23;
	s22 =	smov.u32 s24;
	_ =	swait.ge [sflag:s1], $0x2C00  }
0x144: {  	s23 =	sshrl.u32 s23, $0x3;
	[sflag:s1] =	ssyncset.done $0x0  }
0x145: {  	s24 =	sadd.s32 s6, s23;
	[sflag:s1] =	ssyncadd.s32 $0xFFFFD400  }
0x146: {  	[tilespmem:s12], [sflag:$0x8] =	stream.linear.gather [hbm4b:s24+s3], $0x80, $0x38;
	[tilespmem:$0x1F900] =	vst v63  }
0x147: {  	_ =	swait.ge [sflag:s19], $0x80  }
0x148: {  	[sflag:s19] =	ssyncset.done $0x0  }
0x149: {  	s17 =	simm.s32 $0x380;
	[sflag:s19] =	ssyncadd.s32 $0xFFFFFF80  }
0x14a: {  	[spmem:s10] =	stream.indirect.scatter.add.f32 [tilespmem:s20], [sflag:$0xD], $0x80, s17, s31, $0xb8;
	[tilespmem:$0x1F900] =	vst v63  }
.Ltmp1:
0x14b: {  	s24 =	sadd.s32 $0xFFFFFE80, s22;
	_ =	swait.ge [sflag:s15], $0x2C00;
	(pc) =	sbr.rel @p1 .LBB2_4-.Ltmp1, $4  }
0x14c: {  	s23 =	sadd.s32 s7, s23;
	s26 =	sand.u32 $0x7C00, s24;
	[sflag:s15] =	ssyncset.done $0x0  }
0x14d: {  	s24 =	sand.u32 $0x200, s24;
	s26 =	sadd.s32 s5, s26;
	[sflag:s15] =	ssyncadd.s32 $0xFFFFD400  }
0x14e: {  	[tilespmem:s17], [sflag:$0xC] =	stream.linear.gather [hbm4b:s23+s3], $0x80, $0x38;
	[tilespmem:$0x1F900] =	vst v63  }
0x14f: {  	s24 =	sor.u32 s24, s26;
	s23 =	smov.u32 s25;
	_ =	swait.ge [sflag:s18], $0x80  }
0x150: {  	[sflag:s18] =	ssyncset.done $0x0  }
0x151: {  	[sflag:s18] =	ssyncadd.s32 $0xFFFFFF80  }
0x152: {  	[tilespmem:s20], [sflag:$0x4] =	stream.indirect.gather [hbm4b:s4+s31], $0x80, s12, s31, $0xb8;
	[tilespmem:$0x1F900] =	vst v63  }
0x153: {  	_ =	swait.ge [sflag:s21], $0x2C00  }
0x154: {  	s23 =	sshrl.u32 s24, $0x3;
	[sflag:s21] =	ssyncset.done $0x0  }
0x155: {  	s24 =	sadd.s32 s6, s23;
	[sflag:s21] =	ssyncadd.s32 $0xFFFFD400  }
0x156: {  	[tilespmem:s3], [sflag:$0x5] =	stream.linear.gather [hbm4b:s24+s3], $0x80, $0x38;
	[tilespmem:$0x1F900] =	vst v63  }
0x157: {  	_ =	swait.ge [sflag:s14], $0x80  }
0x158: {  	[sflag:s14] =	ssyncset.done $0x0  }
0x159: {  	s25 =	simm.s32 $0x200;
	s26 =	simm.s32 $0x400;
	[sflag:s14] =	ssyncadd.s32 $0xFFFFFF80  }
0x15a: {  	[spmem:s10] =	stream.indirect.scatter.add.f32 [tilespmem:s26], [sflag:$0xD], $0x80, s25, s31, $0xb8;
	[tilespmem:$0x1F900] =	vst v63  }
0x15b: {  	_ =	swait.ge [sflag:s15], $0x2C00  }
0x15c: {  	[sflag:s15] =	ssyncset.done $0x0  }
0x15d: {  	s23 =	sadd.s32 s7, s23;
	[sflag:s15] =	ssyncadd.s32 $0xFFFFD400  }
0x15e: {  	[tilespmem:s25], [sflag:$0x9] =	stream.linear.gather [hbm4b:s23+s3], $0x80, $0x38;
	[tilespmem:$0x1F900] =	vst v63  }
0x15f: {  	s17 =	sadd.s32 $0xFFFFFF00, s22;
	_ =	swait.ge [sflag:s2], $0x80  }
0x160: {  	s30 =	sand.u32 $0x7C00, s17;
	[sflag:s2] =	ssyncset.done $0x0  }
0x161: {  	s24 =	sadd.s32 s5, s30;
	s23 =	sand.u32 $0x280, s17;
	[sflag:s2] =	ssyncadd.s32 $0xFFFFFF80  }
0x162: {  	[tilespmem:s26], [sflag:$0x1] =	stream.indirect.gather [hbm4b:s4+s31], $0x80, s3, s31, $0xb8;
	[tilespmem:$0x1F900] =	vst v63  }
0x163: {  	s23 =	sor.u32 s23, s24;
	_ =	swait.ge [sflag:s13], $0x2C00  }
0x164: {  	s23 =	sshrl.u32 s23, $0x3;
	[sflag:s13] =	ssyncset.done $0x0  }
0x165: {  	s17 =	sadd.s32 s6, s23;
	[sflag:s13] =	ssyncadd.s32 $0xFFFFD400  }
0x166: {  	[tilespmem:s29], [sflag:$0x6] =	stream.linear.gather [hbm4b:s17+s3], $0x80, $0x38;
	[tilespmem:$0x1F900] =	vst v63  }
0x167: {  	_ =	swait.ge [sflag:s28], $0x80  }
0x168: {  	[sflag:s28] =	ssyncset.done $0x0  }
0x169: {  	s30 =	simm.s32 $0x3000;
	s2 =	simm.s32 $0x280;
	[sflag:s28] =	ssyncadd.s32 $0xFFFFFF80  }
0x16a: {  	[spmem:s10] =	stream.indirect.scatter.add.f32 [tilespmem:s30], [sflag:$0xD], $0x80, s2, s31, $0xb8;
	[tilespmem:$0x1F900] =	vst v63  }
0x16b: {  	_ =	swait.ge [sflag:s15], $0x2C00  }
0x16c: {  	[sflag:s15] =	ssyncset.done $0x0  }
0x16d: {  	s23 =	sadd.s32 s7, s23;
	[sflag:s15] =	ssyncadd.s32 $0xFFFFD400  }
0x16e: {  	[tilespmem:s2], [sflag:$0xA] =	stream.linear.gather [hbm4b:s23+s3], $0x80, $0x38;
	[tilespmem:$0x1F900] =	vst v63  }
0x16f: {  	_ =	swait.ge [sflag:s9], $0x80  }
0x170: {  	s24 =	sadd.s32 $0xFFFFFF80, s22;
	[sflag:s9] =	ssyncset.done $0x0  }
0x171: {  	[sflag:s9] =	ssyncadd.s32 $0xFFFFFF80;
	s9 =	sand.u32 $0x7C00, s24  }
0x172: {  	[tilespmem:s30], [sflag:$0x2] =	stream.indirect.gather [hbm4b:s4+s31], $0x80, s29, s31, $0xb8;
	[tilespmem:$0x1F900] =	vst v63  }
0x173: {  	s23 =	sand.u32 $0x300, s24;
	s24 =	sadd.s32 s5, s9  }
0x174: {  	_ =	swait.ge [sflag:s0], $0x2C00;
	s23 =	sor.u32 s23, s24  }
0x175: {  	[sflag:s0] =	ssyncset.done $0x0;
	s23 =	sshrl.u32 s23, $0x3  }
0x176: {  	[sflag:s0] =	ssyncadd.s32 $0xFFFFD400;
	s17 =	sadd.s32 s6, s23  }
0x177: {  	[tilespmem:s8], [sflag:$0x7] =	stream.linear.gather [hbm4b:s17+s3], $0x80, $0x38;
	[tilespmem:$0x1F900] =	vst v63  }
0x178: {  	_ =	swait.ge [sflag:s11], $0x80  }
0x179: {  	[sflag:s11] =	ssyncset.done $0x0  }
0x17a: {  	s9 =	simm.s32 $0x300;
	s17 =	simm.s32 $0x5C00;
	[sflag:s11] =	ssyncadd.s32 $0xFFFFFF80  }
0x17b: {  	[spmem:s10] =	stream.indirect.scatter.add.f32 [tilespmem:s17], [sflag:$0xD], $0x80, s9, s31, $0xb8;
	[tilespmem:$0x1F900] =	vst v63  }
0x17c: {  	_ =	swait.ge [sflag:s15], $0x2C00  }
0x17d: {  	[sflag:s15] =	ssyncset.done $0x0  }
0x17e: {  	s23 =	sadd.s32 s7, s23;
	[sflag:s15] =	ssyncadd.s32 $0xFFFFD400  }
0x17f: {  	[tilespmem:s9], [sflag:$0xB] =	stream.linear.gather [hbm4b:s23+s3], $0x80, $0x38;
	[tilespmem:$0x1F900] =	vst v63  }
0x180: {  	_ =	swait.ge [sflag:s16], $0x80  }
0x181: {  	s24 =	sand.u32 $0x7C00, s22;
	[sflag:s16] =	ssyncset.done $0x0  }
0x182: {  	s23 =	sadd.s32 s5, s24;
	s24 =	sand.u32 $0x380, s22;
	[sflag:s16] =	ssyncadd.s32 $0xFFFFFF80  }
0x183: {  	[tilespmem:s17], [sflag:$0x3] =	stream.indirect.gather [hbm4b:s4+s31], $0x80, s8, s31, $0xb8;
	[tilespmem:$0x1F900] =	vst v63  }
0x184: {  	s22 =	sor.u32 s24, s23;
	_ =	swait.ge [sflag:s1], $0x2C00  }
0x185: {  	s22 =	sshrl.u32 s22, $0x3;
	[sflag:s1] =	ssyncset.done $0x0  }
0x186: {  	s8 =	sadd.s32 s6, s22;
	[sflag:s1] =	ssyncadd.s32 $0xFFFFD400  }
0x187: {  	[tilespmem:s12], [sflag:$0x8] =	stream.linear.gather [hbm4b:s8+s3], $0x80, $0x38;
	[tilespmem:$0x1F900] =	vst v63  }
0x188: {  	_ =	swait.ge [sflag:s19], $0x80  }
0x189: {  	[sflag:s19] =	ssyncset.done $0x0  }
0x18a: {  	s16 =	simm.s32 $0x380;
	[sflag:s19] =	ssyncadd.s32 $0xFFFFFF80  }
0x18b: {  	[spmem:s10] =	stream.indirect.scatter.add.f32 [tilespmem:s20], [sflag:$0xD], $0x80, s16, s31, $0xb8;
	[tilespmem:$0x1F900] =	vst v63  }
0x18c: {  	_ =	swait.ge [sflag:s15], $0x2C00  }
0x18d: {  	[sflag:s15] =	ssyncset.done $0x0  }
0x18e: {  	s22 =	sadd.s32 s7, s22;
	[sflag:s15] =	ssyncadd.s32 $0xFFFFD400  }
0x18f: {  	[tilespmem:s16], [sflag:$0xC] =	stream.linear.gather [hbm4b:s22+s3], $0x80, $0x38;
	[tilespmem:$0x1F900] =	vst v63  }
0x190: {  	_ =	swait.ge [sflag:s18], $0x80  }
0x191: {  	[sflag:s18] =	ssyncset.done $0x0  }
0x192: {  	[sflag:s18] =	ssyncadd.s32 $0xFFFFFF80  }
0x193: {  	[tilespmem:s20], [sflag:$0x4] =	stream.indirect.gather [hbm4b:s4+s31], $0x80, s12, s31, $0xb8;
	[tilespmem:$0x1F900] =	vst v63  }
0x194: {  	_ =	swait.ge [sflag:s21], $0x2C00  }
0x195: {  	[sflag:s21] =	ssyncset.done $0x0  }
0x196: {  	[sflag:s21] =	ssyncadd.s32 $0xFFFFD400  }
0x197: {  	_ =	swait.ge [sflag:s14], $0x80  }
0x198: {  	[sflag:s14] =	ssyncset.done $0x0  }
0x199: {  	[sflag:s14] =	ssyncadd.s32 $0xFFFFFF80  }
0x19a: {  	[spmem:s10] =	stream.indirect.scatter.add.f32 [tilespmem:s26], [sflag:$0xD], $0x80, s25, s31, $0xb8;
	[tilespmem:$0x1F900] =	vst v63  }
0x19b: {  	_ =	swait.ge [sflag:s15], $0x2C00  }
0x19c: {  	[sflag:s15] =	ssyncset.done $0x0  }
0x19d: {  	[sflag:s15] =	ssyncadd.s32 $0xFFFFD400  }
0x19e: {  	_ =	swait.ge [sflag:s13], $0x2C00  }
0x19f: {  	[sflag:s13] =	ssyncset.done $0x0  }
0x1a0: {  	[sflag:s13] =	ssyncadd.s32 $0xFFFFD400  }
0x1a1: {  	_ =	swait.ge [sflag:s28], $0x80  }
0x1a2: {  	[sflag:s28] =	ssyncset.done $0x0  }
0x1a3: {  	[sflag:s28] =	ssyncadd.s32 $0xFFFFFF80  }
0x1a4: {  	[spmem:s10] =	stream.indirect.scatter.add.f32 [tilespmem:s30], [sflag:$0xD], $0x80, s2, s31, $0xb8;
	[tilespmem:$0x1F900] =	vst v63  }
0x1a5: {  	_ =	swait.ge [sflag:s15], $0x2C00  }
0x1a6: {  	[sflag:s15] =	ssyncset.done $0x0  }
0x1a7: {  	[sflag:s15] =	ssyncadd.s32 $0xFFFFD400  }
0x1a8: {  	_ =	swait.ge [sflag:s0], $0x2C00  }
0x1a9: {  	[sflag:s0] =	ssyncset.done $0x0  }
0x1aa: {  	[sflag:s0] =	ssyncadd.s32 $0xFFFFD400  }
0x1ab: {  	_ =	swait.ge [sflag:s11], $0x80  }
0x1ac: {  	[sflag:s11] =	ssyncset.done $0x0  }
0x1ad: {  	[sflag:s11] =	ssyncadd.s32 $0xFFFFFF80  }
0x1ae: {  	[spmem:s10] =	stream.indirect.scatter.add.f32 [tilespmem:s17], [sflag:$0xD], $0x80, s9, s31, $0xb8;
	[tilespmem:$0x1F900] =	vst v63  }
0x1af: {  	_ =	swait.ge [sflag:s15], $0x2C00  }
0x1b0: {  	[sflag:s15] =	ssyncset.done $0x0  }
0x1b1: {  	[sflag:s15] =	ssyncadd.s32 $0xFFFFD400  }
0x1b2: {  	_ =	swait.ge [sflag:s1], $0x2C00  }
0x1b3: {  	[sflag:s1] =	ssyncset.done $0x0  }
0x1b4: {  	[sflag:s1] =	ssyncadd.s32 $0xFFFFD400  }
0x1b5: {  	_ =	swait.ge [sflag:s19], $0x80  }
0x1b6: {  	[sflag:s19] =	ssyncset.done $0x0  }
0x1b7: {  	[sflag:s19] =	ssyncadd.s32 $0xFFFFFF80  }
0x1b8: {  	[spmem:s10] =	stream.indirect.scatter.add.f32 [tilespmem:s20], [sflag:$0xD], $0x80, s16, s31, $0xb8;
	[tilespmem:$0x1F900] =	vst v63  }
0x1b9: {  	_ =	swait.ge [sflag:s15], $0x2C00  }
0x1ba: {  	[sflag:s15] =	ssyncset.done $0x0  }
0x1bb: {  	[sflag:s15] =	ssyncadd.s32 $0xFFFFD400  }
0x1bc: {  	s23 =	stileid.u32;
	[bflag:$0x0] =	sbarrier.arrive $0xFFFF  }
0x1bd: {  	s22 =	sshll.u32 s23, $0x6;
	s26 =	rddreg [dreg:$0x9]  }
0x1be: {  	s22 =	sor.u32 $0x1C0D, s22;
	s25 =	rddreg [dreg:$0x11];
	s24 =	sshrl.u32 s26, $0x3  }
0x1bf: {  	[hbm:s25], [sflag:s22] =	dma.local [spmem:s24], $0x2700  }
0x1c0: {  	_ =	swait.ge [sflag:s15], $0x2700  }
0x1c1: {  	s23 =	sld [smem:$0x7FD];
	_ =	sdelay $0x1  }
0x1c2: {  	[sflag:s15] =	ssyncset.done $0x0  }
0x1c3: {  	s24 =	rddreg [dreg:$0x13];
	[sflag:s15] =	ssyncadd.s32 $0xFFFFD900;
	s23 =	sshrl.u32 @!p0 s23, $0x3  }
0x1c4: {  	[hbm:s24], [sflag:s22] =	dma.local @!p0 [spmem:s23], $0x100  }
0x1c5: {  	s22 =	simm.s32 @!p0 $0xD  }
0x1c6: {  	_ =	swait.ge @!p0 [sflag:s22], $0x100  }
0x1c7: {  	s29 =	sld [smem:$0x7F4];
	_ =	sdelay $0x1  }
0x1c8: {  	s8 =	simm.s32 $0x100;
	s18 =	simm.s32 $0x8;
	s12 =	simm.s32 $0x180  }
0x1c9: {  	s21 =	simm.s32 $0x1;
	s30 =	rddreg [dreg:$0x14];
	s29 =	sadd.s32 $0x1, s29  }
0x1ca: {  	s14 =	simm.s32 $0x9;
	s13 =	simm.s32 $0x2;
	p1 =	sne.s32 s29, s30  }
.Ltmp2:
0x1cb: {  	s28 =	simm.s32 $0x300;
	s2 =	simm.s32 $0x5;
	(pc) =	sbr.rel @p1 .LBB2_1-.Ltmp2, $4  }
0x1cc: {  	s0 =	simm.s32 $0x280;
	s11 =	simm.s32 $0x400;
	s9 =	simm.s32 $0x6  }
0x1cd: {  	s17 =	simm.s32 $0x3000;
	s1 =	smov.u32 s10;
	s19 =	simm.s32 $0x5C00  }
0x1ce: {  	s16 =	simm.s32 $0x7;
	s25 =	simm.s32 $0x380;
	[sflag:s22] =	ssyncset.done @!p0 $0x0  }
0x1cf: {  	s23 =	simm.s32 $0x200;
	s24 =	simm.s32 $0x80;
	[sflag:s22] =	ssyncadd.s32 @!p0 $0xFFFFFF00  }
0x1d0: {  	_ =	sfence.sel $0x180000  }
0x1d1: {  	[bflag:$0x0] =	sbarrier.arrive $0xFFFF  }
0x1d2: {  	_ =	strace $0x9000004A  }
0x1d3: {  	[bflag:$0x2] =	sbarrier.arrive $0xFFFF  }
0x1d4: {  	s0 =	rddreg [dreg:$0x2]  }
0x1d5: {  	s0 =	sadd.s32 @!p0 $0x100000, s0  }
0x1d6: {  	[sflag:s0] =	ssyncadd.tile.s32 @!p0 $0x1;
	_ =	shalt  }
.Lfunc_end2:
_tile_overlayer_lowered:
.L_overlay_start_2:
0x1d7: {  	(tag) =	ssettag $0x2  }
0x1d8: {  	s0 =	rddreg [dreg:$0x0];
	s2 =	stileid.u32  }
0x1d9: {  	s1 =	rddreg [dreg:$0x1];
	p0 =	sne.s32 s2, $0x0  }
0x1da: {  	s3 =	rddreg [dreg:$0x2];
	[bflag:$0x3] =	sbarrier.arrive $0xFFFF;
	s2 =	simm.s32 @!p0 $0x1C0D  }
0x1db: {  	[timem:s3], [sflag:s2] =	dma.local @!p0 [hbm:s0], s1  }
0x1dc: {  	s0 =	simm.s32 @!p0 $0xD  }
0x1dd: {  	_ =	swait.ge @!p0 [sflag:s0], s1  }
0x1de: {  	s1 =	ssub.s32 @!p0 $0x0, s1;
	[sflag:s0] =	ssyncset.done @!p0 $0x0  }
0x1df: {  	[sflag:s0] =	ssyncadd.s32 @!p0 s1  }
0x1e0: {  	[bflag:$0x3] =	sbarrier.arrive $0xFFFF  }
0x1e1: {  	_ =	shalt  }

</sc_bundles>
